<compile_context>
chip_gen: v7x
topology: tpu7x:2x2x1
jax: 0.10.2.dev20260603
libtpu: 0.0.44.dev20260713+nightly
codegen_flags: <defaults>
</compile_context>

<pallas_src>
import functools
import jax
import jax.numpy as jnp
from jax import lax
from jax.experimental import pallas as pl
from jax.experimental.pallas import tpu as pltpu
from jax.experimental.pallas import tpu_sc as plsc

_N, _E, _D, _G = 10000, 320000, 128, 64
_NP = 10240
_NC, _NS = 2, 16
_NW = _NC * _NS
_EPW = 10240
_EP = _EPW * _NW
_C = 128
_NCHUNK = _EPW // _C
_RPT = _NP // _NS
_DGRP = 40


def _deg_body(dst_hbm, zeros_hbm, ones_hbm, out_hbm, didx, ones_v, acc, sem):
    c = lax.axis_index("c")
    s = lax.axis_index("s")
    w = s * _NC + c
    pltpu.sync_copy(zeros_hbm.at[pl.ds(s * _RPT, _RPT)], acc.at[pl.ds(s * _RPT, _RPT)])
    pltpu.sync_copy(ones_hbm, ones_v)
    pltpu.sync_copy(dst_hbm.at[pl.ds(w * _NCHUNK, _NCHUNK)], didx)
    plsc.subcore_barrier()

    def body(g, carry):
        for b in range(_DGRP):
            pltpu.async_copy(ones_v, acc.at[didx.at[g * _DGRP + b]], sem, add=True)
        for b in range(_DGRP):
            pltpu.make_async_copy(ones_v, acc.at[didx.at[g * _DGRP + b]], sem).wait()
        return carry

    lax.fori_loop(0, _NCHUNK // _DGRP, body, 0)
    plsc.subcore_barrier()
    pltpu.sync_copy(acc.at[pl.ds(s * _RPT, _RPT)], out_hbm.at[c, pl.ds(s * _RPT, _RPT)])


@functools.cache
def _build_deg_call():
    return pl.kernel(
        _deg_body,
        out_type=jax.ShapeDtypeStruct((_NC, _NP), jnp.float32),
        mesh=plsc.VectorSubcoreMesh(core_axis_name="c", subcore_axis_name="s",
                                    num_cores=_NC, num_subcores=_NS),
        scratch_types=[
            pltpu.VMEM((_NCHUNK, _C), jnp.int32),
            pltpu.VMEM((_C,), jnp.float32),
            pltpu.VMEM_SHARED((_NP,), jnp.float32),
            pltpu.SemaphoreType.DMA,
        ],
    )


_K = 5
_HW = _D // _NC
_NCH2 = _EP // (_NS * _C)


def _agg_pipeline(table, sidx, didx, rows, acc, gsem, ssem):
    for b in range(_K - 1):
        pltpu.async_copy(table.at[sidx.at[b]], rows.at[b], gsem.at[b])

    def body(g, carry):
        j0 = g * _K
        for b in range(_K):
            j = j0 + b
            pltpu.make_async_copy(table.at[sidx.at[j]], rows.at[b],
                                  gsem.at[b]).wait()
            pltpu.async_copy(rows.at[b], acc.at[didx.at[j]], ssem.at[b], add=True)
            jn = j + _K - 1
            bn = (b - 1) % _K

            @pl.when(jn < _NCH2)
            def _():
                @pl.when(jn >= _K)
                def _():
                    pltpu.make_async_copy(rows.at[bn], acc.at[didx.at[jn - _K]],
                                          ssem.at[bn]).wait()
                pltpu.async_copy(table.at[sidx.at[jn]], rows.at[bn],
                                 gsem.at[bn])
        return carry

    lax.fori_loop(0, _NCH2 // _K, body, 0)
    for b in range(_K):
        j = _NCH2 - _K + b
        pltpu.make_async_copy(rows.at[b], acc.at[didx.at[j]], ssem.at[b]).wait()


def _edge_body(h_hbm, src_hbm, dst_hbm, out_hbm, sidx, didx, rows, acc,
               gsem, ssem):
    c = lax.axis_index("c")
    s = lax.axis_index("s")
    pltpu.sync_copy(h_hbm.at[c, pl.ds(s * _RPT, _RPT)], acc.at[pl.ds(s * _RPT, _RPT)])
    pltpu.sync_copy(src_hbm.at[pl.ds(s * _NCH2, _NCH2)], sidx)
    pltpu.sync_copy(dst_hbm.at[pl.ds(s * _NCH2, _NCH2)], didx)
    plsc.subcore_barrier()
    _agg_pipeline(h_hbm.at[c], sidx, didx, rows, acc, gsem, ssem)
    plsc.subcore_barrier()
    pltpu.sync_copy(acc.at[pl.ds(s * _RPT, _RPT)], out_hbm.at[c, pl.ds(s * _RPT, _RPT)])


@functools.cache
def _build_edge_call():
    return pl.kernel(
        _edge_body,
        out_type=jax.ShapeDtypeStruct((_NC, _NP, _HW), jnp.float32),
        mesh=plsc.VectorSubcoreMesh(core_axis_name="c", subcore_axis_name="s",
                                    num_cores=_NC, num_subcores=_NS),
        scratch_types=[
            pltpu.VMEM((_NCH2, _C), jnp.int32),
            pltpu.VMEM((_NCH2, _C), jnp.int32),
            pltpu.VMEM((_K, _C, _HW), jnp.float32),
            pltpu.VMEM_SHARED((_NP, _HW), jnp.float32),
            pltpu.SemaphoreType.DMA((_K,)),
            pltpu.SemaphoreType.DMA((_K,)),
        ],
        compiler_params=pltpu.CompilerParams(use_tc_tiling_on_sc=False),
    )


def _dinv(degp_ref):
    deg = degp_ref[0] + degp_ref[1] + 1.0
    return lax.rsqrt(deg)[:, None]


def _k1_body(x_ref, w_ref, b_ref, degp_ref, o_ref):
    h = jnp.dot(x_ref[...], w_ref[...], preferred_element_type=jnp.float32)
    h = (h + b_ref[...]) * _dinv(degp_ref)
    o_ref[0] = h[:, :_HW]
    o_ref[1] = h[:, _HW:]


def _k2_body(p_ref, degp_ref, bn_ref, w_ref, b_ref, o_ref):
    dinv = _dinv(degp_ref)
    agg = jnp.concatenate([p_ref[0], p_ref[1]], axis=1) * dinv
    g, be, m, v = bn_ref[0], bn_ref[1], bn_ref[2], bn_ref[3]
    z = (agg - m) * lax.rsqrt(v + 1e-5) * g + be
    z = jnp.maximum(z, 0.0)
    h2 = (jnp.dot(z, w_ref[...], preferred_element_type=jnp.float32)
          + b_ref[...]) * dinv
    o_ref[0] = h2[:, :_HW]
    o_ref[1] = h2[:, _HW:]


def _k3_body(p_ref, degp_ref, bn_ref, batch_ref, wc1_ref, bc1_ref,
             wc2_ref, bc2_ref, o_ref):
    dinv = _dinv(degp_ref)
    agg = jnp.concatenate([p_ref[0], p_ref[1]], axis=1) * dinv
    g, be, m, v = bn_ref[0], bn_ref[1], bn_ref[2], bn_ref[3]
    z = (agg - m) * lax.rsqrt(v + 1e-5) * g + be
    z = jnp.maximum(z, 0.0)
    seg = batch_ref[0]
    onehot = (seg[:, None] == lax.broadcasted_iota(jnp.int32, (1, _G), 1)
              ).astype(jnp.float32)
    sums = lax.dot_general(onehot, z, (((0,), (0,)), ((), ())),
                           preferred_element_type=jnp.float32)
    cnt = jnp.sum(onehot, axis=0)
    pool = sums / jnp.maximum(cnt, 1.0)[:, None]
    r = jnp.dot(pool, wc1_ref[...], preferred_element_type=jnp.float32)
    r = jnp.maximum(r + bc1_ref[...], 0.0)
    o_ref[...] = jnp.dot(r, wc2_ref[...], preferred_element_type=jnp.float32) + bc2_ref[...]


def kernel(x, edge_index, batch, W1, b1, g1, be1, m1, v1, W2, b2, g2, be2,
           m2, v2, Wc1, bc1, Wc2, bc2):
    f32 = jnp.float32
    src, dst = edge_index[0], edge_index[1]
    pad = _EP - _E
    padidx = (_N + (jnp.arange(pad, dtype=jnp.int32) % (_NP - _N))).astype(jnp.int32)
    src_p = jnp.concatenate([src, padidx]).reshape(_NW * _NCHUNK, _C)
    dst_p = jnp.concatenate([dst, padidx]).reshape(_NW * _NCHUNK, _C)
    x_p = jnp.pad(x, ((0, _NP - _N), (0, 0)))
    batch_p = jnp.pad(batch, (0, _NP - _N), constant_values=_G).reshape(1, _NP)
    zeros1 = jnp.zeros((_NP,), f32)
    ones1 = jnp.ones((_C,), f32)

    degp = _build_deg_call()(dst_p, zeros1, ones1)

    h1 = pl.pallas_call(
        _k1_body,
        out_shape=jax.ShapeDtypeStruct((_NC, _NP, _HW), f32),
    )(x_p, W1, b1.reshape(1, _D), degp)

    p1 = _build_edge_call()(h1, src_p, dst_p)

    bn1 = jnp.stack([g1, be1, m1, v1]).reshape(4, 1, _D)
    h2 = pl.pallas_call(
        _k2_body,
        out_shape=jax.ShapeDtypeStruct((_NC, _NP, _HW), f32),
    )(p1, degp, bn1, W2, b2.reshape(1, _D))

    p2 = _build_edge_call()(h2, src_p, dst_p)

    bn2 = jnp.stack([g2, be2, m2, v2]).reshape(4, 1, _D)
    out = pl.pallas_call(
        _k3_body,
        out_shape=jax.ShapeDtypeStruct((_G, 16), f32),
    )(p2, degp, bn2, batch_p, Wc1, bc1.reshape(1, _G), Wc2,
      bc2.reshape(1, 16))
    return out

# --- scband reference (transcript-rebuilt; emitter-appended) ---
"""Pipeline reference for scband-base-gnnmodel-17076789969389 (READ-ONLY COPY).

The authoritative reference and input builder live on the scoring server;
editing this copy changes nothing except your own understanding.
"""

import jax, jax.numpy as jnp
import numpy as np

N, E, D = 10000, 320000, 128
H1, H2, OUT, G = 128, 128, 16, 64


def gcn_conv(x, src, dst, W, b):
    n = x.shape[0]
    loop = jnp.arange(n, dtype=src.dtype)
    s = jnp.concatenate([src, loop])
    d = jnp.concatenate([dst, loop])
    deg = jnp.zeros((n,), x.dtype).at[d].add(1.0)
    dinv = jax.lax.rsqrt(jnp.maximum(deg, 1.0))
    norm = dinv[s] * dinv[d]
    h = x @ W + b
    msg = h[s] * norm[:, None]
    out = jnp.zeros((n, h.shape[1]), x.dtype).at[d].add(msg)
    return out


def batch_norm(x, gamma, beta, mean, var, eps=1e-5):
    return (x - mean) * jax.lax.rsqrt(var + eps) * gamma + beta


def global_mean_pool(x, batch, num_graphs):
    s = jax.ops.segment_sum(x, batch, num_segments=num_graphs)
    cnt = jax.ops.segment_sum(jnp.ones((x.shape[0],), x.dtype), batch, num_segments=num_graphs)
    return s / jnp.maximum(cnt, 1.0)[:, None]


def setup_inputs(seed: int = 0):
    key = jax.random.key(seed)
    ks = jax.random.split(key, 16)
    x = jax.random.normal(ks[0], (N, D), dtype=jnp.float32)
    edge_index = jax.random.randint(ks[1], (2, E), 0, N, dtype=jnp.int32)
    batch = jnp.sort(jax.random.randint(ks[2], (N,), 0, G, dtype=jnp.int32))
    sc = 1.0 / np.sqrt(D)
    return {
        'x': x,
        'edge_index': edge_index,
        'batch': batch,
        'W1': jax.random.normal(ks[3], (D, H1), dtype=jnp.float32) * sc,
        'b1': jnp.zeros((H1,), jnp.float32),
        'g1': jnp.ones((H1,), jnp.float32),
        'be1': jnp.zeros((H1,), jnp.float32),
        'm1': jnp.zeros((H1,), jnp.float32),
        'v1': jnp.ones((H1,), jnp.float32),
        'W2': jax.random.normal(ks[4], (H1, H2), dtype=jnp.float32) * (1.0 / np.sqrt(H1)),
        'b2': jnp.zeros((H2,), jnp.float32),
        'g2': jnp.ones((H2,), jnp.float32),
        'be2': jnp.zeros((H2,), jnp.float32),
        'm2': jnp.zeros((H2,), jnp.float32),
        'v2': jnp.ones((H2,), jnp.float32),
        'Wc1': jax.random.normal(ks[5], (H2, H2 // 2), dtype=jnp.float32) * (1.0 / np.sqrt(H2)),
        'bc1': jnp.zeros((H2 // 2,), jnp.float32),
        'Wc2': jax.random.normal(ks[6], (H2 // 2, OUT), dtype=jnp.float32) * (1.0 / np.sqrt(H2 // 2)),
        'bc2': jnp.zeros((OUT,), jnp.float32),
    }


def reference(x, edge_index, batch, W1, b1, g1, be1, m1, v1, W2, b2, g2, be2, m2, v2, Wc1, bc1, Wc2, bc2):
    src, dst = edge_index[0], edge_index[1]
    h = gcn_conv(x, src, dst, W1, b1)
    h = batch_norm(h, g1, be1, m1, v1)
    h = jax.nn.relu(h)
    # dropout: identity in eval mode
    h = gcn_conv(h, src, dst, W2, b2)
    h = batch_norm(h, g2, be2, m2, v2)
    h = jax.nn.relu(h)
    p = global_mean_pool(h, batch, G)
    out = jax.nn.relu(p @ Wc1 + bc1)
    out = out @ Wc2 + bc2
    return out

if __name__ == "__main__":
    import jax
    _d = setup_inputs()
    print(jax.jit(kernel)(*tuple(_d.values())))

</pallas_src>

<mosaic_0001>
#map = affine_map<(d0, d1) -> (0, 0)>
#map1 = affine_map<(d0, d1) -> (0)>
module attributes {stable_mosaic.version = 14 : i64} {
  func.func @_deg_body(%arg0: i32, %arg1: i32, %arg2: memref<2560x128xi32, #tpu.memory_space<hbm>>, %arg3: memref<10240xf32, #tpu.memory_space<hbm>>, %arg4: memref<128xf32, #tpu.memory_space<hbm>>, %arg5: memref<2x10240xf32, #tpu.memory_space<hbm>>, %arg6: memref<80x128xi32, #tpu.memory_space<vmem>>, %arg7: memref<128xf32, #tpu.memory_space<vmem>>, %arg8: memref<10240xf32, #tpu.memory_space<vmem_shared>>, %arg9: memref<!tpu.dma_semaphore, #tpu.memory_space<semaphore_mem>>) attributes {dimension_semantics = [#tpu.dimension_semantics<core_parallel>, #tpu.dimension_semantics<subcore_parallel>], iteration_bounds = array<i64: 2, 16>, scalar_prefetch = 0 : i64, scratch_operands = 4 : i64, tpu.core_type = #tpu.core_type<sc_vector_subcore>, window_params = [{transform_indices = #map}, {transform_indices = #map1}, {transform_indices = #map1}, {transform_indices = #map}]} {
    %mul3A = arith.constant 2 : i32
    %mul3A_0 = arith.muli %arg1, %mul3A : i32
    %add3A = arith.addi %mul3A_0, %arg0 : i32
    %mul3A_1 = arith.constant 640 : i32
    %mul3A_2 = arith.muli %arg1, %mul3A_1 : i32
    %mul3A_3 = arith.constant 640 : i32
    %mul3A_4 = arith.muli %arg1, %mul3A_3 : i32
    "tpu.region"() ({
      %run_scoped3A = tpu.sem_alloc : memref<!tpu.dma_semaphore, #tpu.memory_space<semaphore_mem>>
      %dma_start3A = tpu.memref_slice %arg8[%mul3A_4] : memref<10240xf32, #tpu.memory_space<vmem_shared>> -> memref<640xf32, #tpu.memory_space<vmem_shared>>
      %dma_start3A_17 = tpu.memref_slice %arg3[%mul3A_2] : memref<10240xf32, #tpu.memory_space<hbm>> -> memref<640xf32, #tpu.memory_space<hbm>>
      tpu.enqueue_dma source(%dma_start3A_17 : memref<640xf32, #tpu.memory_space<hbm>>) target(%dma_start3A : memref<640xf32, #tpu.memory_space<vmem_shared>>) target_semaphore(%run_scoped3A : memref<!tpu.dma_semaphore, #tpu.memory_space<semaphore_mem>>)
      %dma_wait3A = tpu.memref_slice %arg8[%mul3A_4] : memref<10240xf32, #tpu.memory_space<vmem_shared>> -> memref<640xf32, #tpu.memory_space<vmem_shared>>
      %dma_wait3A_18 = tpu.memref_slice %arg3[%mul3A_2] : memref<10240xf32, #tpu.memory_space<hbm>> -> memref<640xf32, #tpu.memory_space<hbm>>
      tpu.wait_dma2 semaphore(%run_scoped3A : memref<!tpu.dma_semaphore, #tpu.memory_space<semaphore_mem>>) src(%dma_wait3A_18 : memref<640xf32, #tpu.memory_space<hbm>>) dst(%dma_wait3A : memref<640xf32, #tpu.memory_space<vmem_shared>>)
      tpu.yield
    }) : () -> ()
    "tpu.region"() ({
      %run_scoped3A = tpu.sem_alloc : memref<!tpu.dma_semaphore, #tpu.memory_space<semaphore_mem>>
      tpu.enqueue_dma source(%arg4 : memref<128xf32, #tpu.memory_space<hbm>>) target(%arg7 : memref<128xf32, #tpu.memory_space<vmem>>) target_semaphore(%run_scoped3A : memref<!tpu.dma_semaphore, #tpu.memory_space<semaphore_mem>>)
      tpu.wait_dma2 semaphore(%run_scoped3A : memref<!tpu.dma_semaphore, #tpu.memory_space<semaphore_mem>>) src(%arg4 : memref<128xf32, #tpu.memory_space<hbm>>) dst(%arg7 : memref<128xf32, #tpu.memory_space<vmem>>)
      tpu.yield
    }) : () -> ()
    %mul3A_5 = arith.constant 80 : i32
    %mul3A_6 = arith.muli %add3A, %mul3A_5 : i32
    "tpu.region"() ({
      %run_scoped3A = tpu.sem_alloc : memref<!tpu.dma_semaphore, #tpu.memory_space<semaphore_mem>>
      %dma_start3A = arith.constant 0 : i32
      %dma_start3A_17 = tpu.memref_slice %arg2[%mul3A_6, %dma_start3A] : memref<2560x128xi32, #tpu.memory_space<hbm>> -> memref<80x128xi32, #tpu.memory_space<hbm>>
      %dma_start3A_18 = arith.constant 0 : i32
      %dma_start3A_19 = tpu.memref_slice %arg2[%mul3A_6, %dma_start3A_18] : memref<2560x128xi32, #tpu.memory_space<hbm>> -> memref<80x128xi32, #tpu.memory_space<hbm>>
      tpu.enqueue_dma source(%dma_start3A_19 : memref<80x128xi32, #tpu.memory_space<hbm>>) target(%arg6 : memref<80x128xi32, #tpu.memory_space<vmem>>) target_semaphore(%run_scoped3A : memref<!tpu.dma_semaphore, #tpu.memory_space<semaphore_mem>>)
      %dma_wait3A = arith.constant 0 : i32
      %dma_wait3A_20 = tpu.memref_slice %arg2[%mul3A_6, %dma_wait3A] : memref<2560x128xi32, #tpu.memory_space<hbm>> -> memref<80x128xi32, #tpu.memory_space<hbm>>
      %dma_wait3A_21 = arith.constant 0 : i32
      %dma_wait3A_22 = tpu.memref_slice %arg2[%mul3A_6, %dma_wait3A_21] : memref<2560x128xi32, #tpu.memory_space<hbm>> -> memref<80x128xi32, #tpu.memory_space<hbm>>
      tpu.wait_dma2 semaphore(%run_scoped3A : memref<!tpu.dma_semaphore, #tpu.memory_space<semaphore_mem>>) src(%dma_wait3A_22 : memref<80x128xi32, #tpu.memory_space<hbm>>) dst(%arg6 : memref<80x128xi32, #tpu.memory_space<vmem>>)
      tpu.yield
    }) : () -> ()
    %barrier3A = arith.constant 0 : index
    tpu.barrier barrier_id(%barrier3A)
    %scan3A = arith.constant 0 : i32
    %scan3A_7 = arith.constant 0 : i32
    %scan3A_8 = arith.constant 2 : i32
    %scan3A_9 = arith.addi %scan3A_7, %scan3A_8 : i32
    %scan3A_10 = arith.constant 1 : i32
    scf.for %scan3A_17 = %scan3A_7 to %scan3A_9 step %scan3A_10  : i32 {
      %mul3A_18 = arith.constant 40 : i32
      %mul3A_19 = arith.muli %scan3A_17, %mul3A_18 : i32
      %add3A_20 = arith.constant 0 : i32
      %add3A_21 = arith.addi %mul3A_19, %add3A_20 : i32
      %dma_start3A = arith.constant 0 : i32
      %dma_start3A_22 = tpu.memref_slice %arg6[%add3A_21, %dma_start3A] : memref<80x128xi32, #tpu.memory_space<vmem>> -> memref<1x128xi32, #tpu.memory_space<vmem>>
      %dma_start3A_23 = tpu.memref_squeeze %dma_start3A_22 : memref<1x128xi32, #tpu.memory_space<vmem>> -> memref<128xi32, #tpu.memory_space<vmem>>
      %dma_start3A_24 = arith.constant 0 : i32
      %dma_start3A_25 = tpu.memref_slice %arg8[%dma_start3A_24] : memref<10240xf32, #tpu.memory_space<vmem_shared>> -> memref<10240xf32, #tpu.memory_space<vmem_shared>>
      tpu.enqueue_indirect_dma source(%arg7 : memref<128xf32, #tpu.memory_space<vmem>>) target(%dma_start3A_25 : memref<10240xf32, #tpu.memory_space<vmem_shared>>) offsets(%dma_start3A_23 : memref<128xi32, #tpu.memory_space<vmem>>) semaphore(%arg9 : memref<!tpu.dma_semaphore, #tpu.memory_space<semaphore_mem>>) {add = true}
      %mul3A_26 = arith.constant 40 : i32
      %mul3A_27 = arith.muli %scan3A_17, %mul3A_26 : i32
      %add3A_28 = arith.constant 1 : i32
      %add3A_29 = arith.addi %mul3A_27, %add3A_28 : i32
      %dma_start3A_30 = arith.constant 0 : i32
      %dma_start3A_31 = tpu.memref_slice %arg6[%add3A_29, %dma_start3A_30] : memref<80x128xi32, #tpu.memory_space<vmem>> -> memref<1x128xi32, #tpu.memory_space<vmem>>
      %dma_start3A_32 = tpu.memref_squeeze %dma_start3A_31 : memref<1x128xi32, #tpu.memory_space<vmem>> -> memref<128xi32, #tpu.memory_space<vmem>>
      %dma_start3A_33 = arith.constant 0 : i32
      %dma_start3A_34 = tpu.memref_slice %arg8[%dma_start3A_33] : memref<10240xf32, #tpu.memory_space<vmem_shared>> -> memref<10240xf32, #tpu.memory_space<vmem_shared>>
      tpu.enqueue_indirect_dma source(%arg7 : memref<128xf32, #tpu.memory_space<vmem>>) target(%dma_start3A_34 : memref<10240xf32, #tpu.memory_space<vmem_shared>>) offsets(%dma_start3A_32 : memref<128xi32, #tpu.memory_space<vmem>>) semaphore(%arg9 : memref<!tpu.dma_semaphore, #tpu.memory_space<semaphore_mem>>) {add = true}
      %mul3A_35 = arith.constant 40 : i32
      %mul3A_36 = arith.muli %scan3A_17, %mul3A_35 : i32
      %add3A_37 = arith.constant 2 : i32
      %add3A_38 = arith.addi %mul3A_36, %add3A_37 : i32
      %dma_start3A_39 = arith.constant 0 : i32
      %dma_start3A_40 = tpu.memref_slice %arg6[%add3A_38, %dma_start3A_39] : memref<80x128xi32, #tpu.memory_space<vmem>> -> memref<1x128xi32, #tpu.memory_space<vmem>>
      %dma_start3A_41 = tpu.memref_squeeze %dma_start3A_40 : memref<1x128xi32, #tpu.memory_space<vmem>> -> memref<128xi32, #tpu.memory_space<vmem>>
      %dma_start3A_42 = arith.constant 0 : i32
      %dma_start3A_43 = tpu.memref_slice %arg8[%dma_start3A_42] : memref<10240xf32, #tpu.memory_space<vmem_shared>> -> memref<10240xf32, #tpu.memory_space<vmem_shared>>
      tpu.enqueue_indirect_dma source(%arg7 : memref<128xf32, #tpu.memory_space<vmem>>) target(%dma_start3A_43 : memref<10240xf32, #tpu.memory_space<vmem_shared>>) offsets(%dma_start3A_41 : memref<128xi32, #tpu.memory_space<vmem>>) semaphore(%arg9 : memref<!tpu.dma_semaphore, #tpu.memory_space<semaphore_mem>>) {add = true}
      %mul3A_44 = arith.constant 40 : i32
      %mul3A_45 = arith.muli %scan3A_17, %mul3A_44 : i32
      %add3A_46 = arith.constant 3 : i32
      %add3A_47 = arith.addi %mul3A_45, %add3A_46 : i32
      %dma_start3A_48 = arith.constant 0 : i32
      %dma_start3A_49 = tpu.memref_slice %arg6[%add3A_47, %dma_start3A_48] : memref<80x128xi32, #tpu.memory_space<vmem>> -> memref<1x128xi32, #tpu.memory_space<vmem>>
      %dma_start3A_50 = tpu.memref_squeeze %dma_start3A_49 : memref<1x128xi32, #tpu.memory_space<vmem>> -> memref<128xi32, #tpu.memory_space<vmem>>
      %dma_start3A_51 = arith.constant 0 : i32
      %dma_start3A_52 = tpu.memref_slice %arg8[%dma_start3A_51] : memref<10240xf32, #tpu.memory_space<vmem_shared>> -> memref<10240xf32, #tpu.memory_space<vmem_shared>>
      tpu.enqueue_indirect_dma source(%arg7 : memref<128xf32, #tpu.memory_space<vmem>>) target(%dma_start3A_52 : memref<10240xf32, #tpu.memory_space<vmem_shared>>) offsets(%dma_start3A_50 : memref<128xi32, #tpu.memory_space<vmem>>) semaphore(%arg9 : memref<!tpu.dma_semaphore, #tpu.memory_space<semaphore_mem>>) {add = true}
      %mul3A_53 = arith.constant 40 : i32
      %mul3A_54 = arith.muli %scan3A_17, %mul3A_53 : i32
      %add3A_55 = arith.constant 4 : i32
      %add3A_56 = arith.addi %mul3A_54, %add3A_55 : i32
      %dma_start3A_57 = arith.constant 0 : i32
      %dma_start3A_58 = tpu.memref_slice %arg6[%add3A_56, %dma_start3A_57] : memref<80x128xi32, #tpu.memory_space<vmem>> -> memref<1x128xi32, #tpu.memory_space<vmem>>
      %dma_start3A_59 = tpu.memref_squeeze %dma_start3A_58 : memref<1x128xi32, #tpu.memory_space<vmem>> -> memref<128xi32, #tpu.memory_space<vmem>>
      %dma_start3A_60 = arith.constant 0 : i32
      %dma_start3A_61 = tpu.memref_slice %arg8[%dma_start3A_60] : memref<10240xf32, #tpu.memory_space<vmem_shared>> -> memref<10240xf32, #tpu.memory_space<vmem_shared>>
      tpu.enqueue_indirect_dma source(%arg7 : memref<128xf32, #tpu.memory_space<vmem>>) target(%dma_start3A_61 : memref<10240xf32, #tpu.memory_space<vmem_shared>>) offsets(%dma_start3A_59 : memref<128xi32, #tpu.memory_space<vmem>>) semaphore(%arg9 : memref<!tpu.dma_semaphore, #tpu.memory_space<semaphore_mem>>) {add = true}
      %mul3A_62 = arith.constant 40 : i32
      %mul3A_63 = arith.muli %scan3A_17, %mul3A_62 : i32
      %add3A_64 = arith.constant 5 : i32
      %add3A_65 = arith.addi %mul3A_63, %add3A_64 : i32
      %dma_start3A_66 = arith.constant 0 : i32
      %dma_start3A_67 = tpu.memref_slice %arg6[%add3A_65, %dma_start3A_66] : memref<80x128xi32, #tpu.memory_space<vmem>> -> memref<1x128xi32, #tpu.memory_space<vmem>>
      %dma_start3A_68 = tpu.memref_squeeze %dma_start3A_67 : memref<1x128xi32, #tpu.memory_space<vmem>> -> memref<128xi32, #tpu.memory_space<vmem>>
      %dma_start3A_69 = arith.constant 0 : i32
      %dma_start3A_70 = tpu.memref_slice %arg8[%dma_start3A_69] : memref<10240xf32, #tpu.memory_space<vmem_shared>> -> memref<10240xf32, #tpu.memory_space<vmem_shared>>
      tpu.enqueue_indirect_dma source(%arg7 : memref<128xf32, #tpu.memory_space<vmem>>) target(%dma_start3A_70 : memref<10240xf32, #tpu.memory_space<vmem_shared>>) offsets(%dma_start3A_68 : memref<128xi32, #tpu.memory_space<vmem>>) semaphore(%arg9 : memref<!tpu.dma_semaphore, #tpu.memory_space<semaphore_mem>>) {add = true}
      %mul3A_71 = arith.constant 40 : i32
      %mul3A_72 = arith.muli %scan3A_17, %mul3A_71 : i32
      %add3A_73 = arith.constant 6 : i32
      %add3A_74 = arith.addi %mul3A_72, %add3A_73 : i32
      %dma_start3A_75 = arith.constant 0 : i32
      %dma_start3A_76 = tpu.memref_slice %arg6[%add3A_74, %dma_start3A_75] : memref<80x128xi32, #tpu.memory_space<vmem>> -> memref<1x128xi32, #tpu.memory_space<vmem>>
      %dma_start3A_77 = tpu.memref_squeeze %dma_start3A_76 : memref<1x128xi32, #tpu.memory_space<vmem>> -> memref<128xi32, #tpu.memory_space<vmem>>
      %dma_start3A_78 = arith.constant 0 : i32
      %dma_start3A_79 = tpu.memref_slice %arg8[%dma_start3A_78] : memref<10240xf32, #tpu.memory_space<vmem_shared>> -> memref<10240xf32, #tpu.memory_space<vmem_shared>>
      tpu.enqueue_indirect_dma source(%arg7 : memref<128xf32, #tpu.memory_space<vmem>>) target(%dma_start3A_79 : memref<10240xf32, #tpu.memory_space<vmem_shared>>) offsets(%dma_start3A_77 : memref<128xi32, #tpu.memory_space<vmem>>) semaphore(%arg9 : memref<!tpu.dma_semaphore, #tpu.memory_space<semaphore_mem>>) {add = true}
      %mul3A_80 = arith.constant 40 : i32
      %mul3A_81 = arith.muli %scan3A_17, %mul3A_80 : i32
      %add3A_82 = arith.constant 7 : i32
      %add3A_83 = arith.addi %mul3A_81, %add3A_82 : i32
      %dma_start3A_84 = arith.constant 0 : i32
      %dma_start3A_85 = tpu.memref_slice %arg6[%add3A_83, %dma_start3A_84] : memref<80x128xi32, #tpu.memory_space<vmem>> -> memref<1x128xi32, #tpu.memory_space<vmem>>
      %dma_start3A_86 = tpu.memref_squeeze %dma_start3A_85 : memref<1x128xi32, #tpu.memory_space<vmem>> -> memref<128xi32, #tpu.memory_space<vmem>>
      %dma_start3A_87 = arith.constant 0 : i32
      %dma_start3A_88 = tpu.memref_slice %arg8[%dma_start3A_87] : memref<10240xf32, #tpu.memory_space<vmem_shared>> -> memref<10240xf32, #tpu.memory_space<vmem_shared>>
      tpu.enqueue_indirect_dma source(%arg7 : memref<128xf32, #tpu.memory_space<vmem>>) target(%dma_start3A_88 : memref<10240xf32, #tpu.memory_space<vmem_shared>>) offsets(%dma_start3A_86 : memref<128xi32, #tpu.memory_space<vmem>>) semaphore(%arg9 : memref<!tpu.dma_semaphore, #tpu.memory_space<semaphore_mem>>) {add = true}
      %mul3A_89 = arith.constant 40 : i32
      %mul3A_90 = arith.muli %scan3A_17, %mul3A_89 : i32
      %add3A_91 = arith.constant 8 : i32
      %add3A_92 = arith.addi %mul3A_90, %add3A_91 : i32
      %dma_start3A_93 = arith.constant 0 : i32
      %dma_start3A_94 = tpu.memref_slice %arg6[%add3A_92, %dma_start3A_93] : memref<80x128xi32, #tpu.memory_space<vmem>> -> memref<1x128xi32, #tpu.memory_space<vmem>>
      %dma_start3A_95 = tpu.memref_squeeze %dma_start3A_94 : memref<1x128xi32, #tpu.memory_space<vmem>> -> memref<128xi32, #tpu.memory_space<vmem>>
      %dma_start3A_96 = arith.constant 0 : i32
      %dma_start3A_97 = tpu.memref_slice %arg8[%dma_start3A_96] : memref<10240xf32, #tpu.memory_space<vmem_shared>> -> memref<10240xf32, #tpu.memory_space<vmem_shared>>
      tpu.enqueue_indirect_dma source(%arg7 : memref<128xf32, #tpu.memory_space<vmem>>) target(%dma_start3A_97 : memref<10240xf32, #tpu.memory_space<vmem_shared>>) offsets(%dma_start3A_95 : memref<128xi32, #tpu.memory_space<vmem>>) semaphore(%arg9 : memref<!tpu.dma_semaphore, #tpu.memory_space<semaphore_mem>>) {add = true}
      %mul3A_98 = arith.constant 40 : i32
      %mul3A_99 = arith.muli %scan3A_17, %mul3A_98 : i32
      %add3A_100 = arith.constant 9 : i32
      %add3A_101 = arith.addi %mul3A_99, %add3A_100 : i32
      %dma_start3A_102 = arith.constant 0 : i32
      %dma_start3A_103 = tpu.memref_slice %arg6[%add3A_101, %dma_start3A_102] : memref<80x128xi32, #tpu.memory_space<vmem>> -> memref<1x128xi32, #tpu.memory_space<vmem>>
      %dma_start3A_104 = tpu.memref_squeeze %dma_start3A_103 : memref<1x128xi32, #tpu.memory_space<vmem>> -> memref<128xi32, #tpu.memory_space<vmem>>
      %dma_start3A_105 = arith.constant 0 : i32
      %dma_start3A_106 = tpu.memref_slice %arg8[%dma_start3A_105] : memref<10240xf32, #tpu.memory_space<vmem_shared>> -> memref<10240xf32, #tpu.memory_space<vmem_shared>>
      tpu.enqueue_indirect_dma source(%arg7 : memref<128xf32, #tpu.memory_space<vmem>>) target(%dma_start3A_106 : memref<10240xf32, #tpu.memory_space<vmem_shared>>) offsets(%dma_start3A_104 : memref<128xi32, #tpu.memory_space<vmem>>) semaphore(%arg9 : memref<!tpu.dma_semaphore, #tpu.memory_space<semaphore_mem>>) {add = true}
      %mul3A_107 = arith.constant 40 : i32
      %mul3A_108 = arith.muli %scan3A_17, %mul3A_107 : i32
      %add3A_109 = arith.constant 10 : i32
      %add3A_110 = arith.addi %mul3A_108, %add3A_109 : i32
      %dma_start3A_111 = arith.constant 0 : i32
      %dma_start3A_112 = tpu.memref_slice %arg6[%add3A_110, %dma_start3A_111] : memref<80x128xi32, #tpu.memory_space<vmem>> -> memref<1x128xi32, #tpu.memory_space<vmem>>
      %dma_start3A_113 = tpu.memref_squeeze %dma_start3A_112 : memref<1x128xi32, #tpu.memory_space<vmem>> -> memref<128xi32, #tpu.memory_space<vmem>>
      %dma_start3A_114 = arith.constant 0 : i32
      %dma_start3A_115 = tpu.memref_slice %arg8[%dma_start3A_114] : memref<10240xf32, #tpu.memory_space<vmem_shared>> -> memref<10240xf32, #tpu.memory_space<vmem_shared>>
      tpu.enqueue_indirect_dma source(%arg7 : memref<128xf32, #tpu.memory_space<vmem>>) target(%dma_start3A_115 : memref<10240xf32, #tpu.memory_space<vmem_shared>>) offsets(%dma_start3A_113 : memref<128xi32, #tpu.memory_space<vmem>>) semaphore(%arg9 : memref<!tpu.dma_semaphore, #tpu.memory_space<semaphore_mem>>) {add = true}
      %mul3A_116 = arith.constant 40 : i32
      %mul3A_117 = arith.muli %scan3A_17, %mul3A_116 : i32
      %add3A_118 = arith.constant 11 : i32
      %add3A_119 = arith.addi %mul3A_117, %add3A_118 : i32
      %dma_start3A_120 = arith.constant 0 : i32
      %dma_start3A_121 = tpu.memref_slice %arg6[%add3A_119, %dma_start3A_120] : memref<80x128xi32, #tpu.memory_space<vmem>> -> memref<1x128xi32, #tpu.memory_space<vmem>>
      %dma_start3A_122 = tpu.memref_squeeze %dma_start3A_121 : memref<1x128xi32, #tpu.memory_space<vmem>> -> memref<128xi32, #tpu.memory_space<vmem>>
      %dma_start3A_123 = arith.constant 0 : i32
      %dma_start3A_124 = tpu.memref_slice %arg8[%dma_start3A_123] : memref<10240xf32, #tpu.memory_space<vmem_shared>> -> memref<10240xf32, #tpu.memory_space<vmem_shared>>
      tpu.enqueue_indirect_dma source(%arg7 : memref<128xf32, #tpu.memory_space<vmem>>) target(%dma_start3A_124 : memref<10240xf32, #tpu.memory_space<vmem_shared>>) offsets(%dma_start3A_122 : memref<128xi32, #tpu.memory_space<vmem>>) semaphore(%arg9 : memref<!tpu.dma_semaphore, #tpu.memory_space<semaphore_mem>>) {add = true}
      %mul3A_125 = arith.constant 40 : i32
      %mul3A_126 = arith.muli %scan3A_17, %mul3A_125 : i32
      %add3A_127 = arith.constant 12 : i32
      %add3A_128 = arith.addi %mul3A_126, %add3A_127 : i32
      %dma_start3A_129 = arith.constant 0 : i32
      %dma_start3A_130 = tpu.memref_slice %arg6[%add3A_128, %dma_start3A_129] : memref<80x128xi32, #tpu.memory_space<vmem>> -> memref<1x128xi32, #tpu.memory_space<vmem>>
      %dma_start3A_131 = tpu.memref_squeeze %dma_start3A_130 : memref<1x128xi32, #tpu.memory_space<vmem>> -> memref<128xi32, #tpu.memory_space<vmem>>
      %dma_start3A_132 = arith.constant 0 : i32
      %dma_start3A_133 = tpu.memref_slice %arg8[%dma_start3A_132] : memref<10240xf32, #tpu.memory_space<vmem_shared>> -> memref<10240xf32, #tpu.memory_space<vmem_shared>>
      tpu.enqueue_indirect_dma source(%arg7 : memref<128xf32, #tpu.memory_space<vmem>>) target(%dma_start3A_133 : memref<10240xf32, #tpu.memory_space<vmem_shared>>) offsets(%dma_start3A_131 : memref<128xi32, #tpu.memory_space<vmem>>) semaphore(%arg9 : memref<!tpu.dma_semaphore, #tpu.memory_space<semaphore_mem>>) {add = true}
      %mul3A_134 = arith.constant 40 : i32
      %mul3A_135 = arith.muli %scan3A_17, %mul3A_134 : i32
      %add3A_136 = arith.constant 13 : i32
      %add3A_137 = arith.addi %mul3A_135, %add3A_136 : i32
      %dma_start3A_138 = arith.constant 0 : i32
      %dma_start3A_139 = tpu.memref_slice %arg6[%add3A_137, %dma_start3A_138] : memref<80x128xi32, #tpu.memory_space<vmem>> -> memref<1x128xi32, #tpu.memory_space<vmem>>
      %dma_start3A_140 = tpu.memref_squeeze %dma_start3A_139 : memref<1x128xi32, #tpu.memory_space<vmem>> -> memref<128xi32, #tpu.memory_space<vmem>>
      %dma_start3A_141 = arith.constant 0 : i32
      %dma_start3A_142 = tpu.memref_slice %arg8[%dma_start3A_141] : memref<10240xf32, #tpu.memory_space<vmem_shared>> -> memref<10240xf32, #tpu.memory_space<vmem_shared>>
      tpu.enqueue_indirect_dma source(%arg7 : memref<128xf32, #tpu.memory_space<vmem>>) target(%dma_start3A_142 : memref<10240xf32, #tpu.memory_space<vmem_shared>>) offsets(%dma_start3A_140 : memref<128xi32, #tpu.memory_space<vmem>>) semaphore(%arg9 : memref<!tpu.dma_semaphore, #tpu.memory_space<semaphore_mem>>) {add = true}
      %mul3A_143 = arith.constant 40 : i32
      %mul3A_144 = arith.muli %scan3A_17, %mul3A_143 : i32
      %add3A_145 = arith.constant 14 : i32
      %add3A_146 = arith.addi %mul3A_144, %add3A_145 : i32
      %dma_start3A_147 = arith.constant 0 : i32
      %dma_start3A_148 = tpu.memref_slice %arg6[%add3A_146, %dma_start3A_147] : memref<80x128xi32, #tpu.memory_space<vmem>> -> memref<1x128xi32, #tpu.memory_space<vmem>>
      %dma_start3A_149 = tpu.memref_squeeze %dma_start3A_148 : memref<1x128xi32, #tpu.memory_space<vmem>> -> memref<128xi32, #tpu.memory_space<vmem>>
      %dma_start3A_150 = arith.constant 0 : i32
      %dma_start3A_151 = tpu.memref_slice %arg8[%dma_start3A_150] : memref<10240xf32, #tpu.memory_space<vmem_shared>> -> memref<10240xf32, #tpu.memory_space<vmem_shared>>
      tpu.enqueue_indirect_dma source(%arg7 : memref<128xf32, #tpu.memory_space<vmem>>) target(%dma_start3A_151 : memref<10240xf32, #tpu.memory_space<vmem_shared>>) offsets(%dma_start3A_149 : memref<128xi32, #tpu.memory_space<vmem>>) semaphore(%arg9 : memref<!tpu.dma_semaphore, #tpu.memory_space<semaphore_mem>>) {add = true}
      %mul3A_152 = arith.constant 40 : i32
      %mul3A_153 = arith.muli %scan3A_17, %mul3A_152 : i32
      %add3A_154 = arith.constant 15 : i32
      %add3A_155 = arith.addi %mul3A_153, %add3A_154 : i32
      %dma_start3A_156 = arith.constant 0 : i32
      %dma_start3A_157 = tpu.memref_slice %arg6[%add3A_155, %dma_start3A_156] : memref<80x128xi32, #tpu.memory_space<vmem>> -> memref<1x128xi32, #tpu.memory_space<vmem>>
      %dma_start3A_158 = tpu.memref_squeeze %dma_start3A_157 : memref<1x128xi32, #tpu.memory_space<vmem>> -> memref<128xi32, #tpu.memory_space<vmem>>
      %dma_start3A_159 = arith.constant 0 : i32
      %dma_start3A_160 = tpu.memref_slice %arg8[%dma_start3A_159] : memref<10240xf32, #tpu.memory_space<vmem_shared>> -> memref<10240xf32, #tpu.memory_space<vmem_shared>>
      tpu.enqueue_indirect_dma source(%arg7 : memref<128xf32, #tpu.memory_space<vmem>>) target(%dma_start3A_160 : memref<10240xf32, #tpu.memory_space<vmem_shared>>) offsets(%dma_start3A_158 : memref<128xi32, #tpu.memory_space<vmem>>) semaphore(%arg9 : memref<!tpu.dma_semaphore, #tpu.memory_space<semaphore_mem>>) {add = true}
      %mul3A_161 = arith.constant 40 : i32
      %mul3A_162 = arith.muli %scan3A_17, %mul3A_161 : i32
      %add3A_163 = arith.constant 16 : i32
      %add3A_164 = arith.addi %mul3A_162, %add3A_163 : i32
      %dma_start3A_165 = arith.constant 0 : i32
      %dma_start3A_166 = tpu.memref_slice %arg6[%add3A_164, %dma_start3A_165] : memref<80x128xi32, #tpu.memory_space<vmem>> -> memref<1x128xi32, #tpu.memory_space<vmem>>
      %dma_start3A_167 = tpu.memref_squeeze %dma_start3A_166 : memref<1x128xi32, #tpu.memory_space<vmem>> -> memref<128xi32, #tpu.memory_space<vmem>>
      %dma_start3A_168 = arith.constant 0 : i32
      %dma_start3A_169 = tpu.memref_slice %arg8[%dma_start3A_168] : memref<10240xf32, #tpu.memory_space<vmem_shared>> -> memref<10240xf32, #tpu.memory_space<vmem_shared>>
      tpu.enqueue_indirect_dma source(%arg7 : memref<128xf32, #tpu.memory_space<vmem>>) target(%dma_start3A_169 : memref<10240xf32, #tpu.memory_space<vmem_shared>>) offsets(%dma_start3A_167 : memref<128xi32, #tpu.memory_space<vmem>>) semaphore(%arg9 : memref<!tpu.dma_semaphore, #tpu.memory_space<semaphore_mem>>) {add = true}
      %mul3A_170 = arith.constant 40 : i32
      %mul3A_171 = arith.muli %scan3A_17, %mul3A_170 : i32
      %add3A_172 = arith.constant 17 : i32
      %add3A_173 = arith.addi %mul3A_171, %add3A_172 : i32
      %dma_start3A_174 = arith.constant 0 : i32
      %dma_start3A_175 = tpu.memref_slice %arg6[%add3A_173, %dma_start3A_174] : memref<80x128xi32, #tpu.memory_space<vmem>> -> memref<1x128xi32, #tpu.memory_space<vmem>>
      %dma_start3A_176 = tpu.memref_squeeze %dma_start3A_175 : memref<1x128xi32, #tpu.memory_space<vmem>> -> memref<128xi32, #tpu.memory_space<vmem>>
      %dma_start3A_177 = arith.constant 0 : i32
      %dma_start3A_178 = tpu.memref_slice %arg8[%dma_start3A_177] : memref<10240xf32, #tpu.memory_space<vmem_shared>> -> memref<10240xf32, #tpu.memory_space<vmem_shared>>
      tpu.enqueue_indirect_dma source(%arg7 : memref<128xf32, #tpu.memory_space<vmem>>) target(%dma_start3A_178 : memref<10240xf32, #tpu.memory_space<vmem_shared>>) offsets(%dma_start3A_176 : memref<128xi32, #tpu.memory_space<vmem>>) semaphore(%arg9 : memref<!tpu.dma_semaphore, #tpu.memory_space<semaphore_mem>>) {add = true}
      %mul3A_179 = arith.constant 40 : i32
      %mul3A_180 = arith.muli %scan3A_17, %mul3A_179 : i32
      %add3A_181 = arith.constant 18 : i32
      %add3A_182 = arith.addi %mul3A_180, %add3A_181 : i32
      %dma_start3A_183 = arith.constant 0 : i32
      %dma_start3A_184 = tpu.memref_slice %arg6[%add3A_182, %dma_start3A_183] : memref<80x128xi32, #tpu.memory_space<vmem>> -> memref<1x128xi32, #tpu.memory_space<vmem>>
      %dma_start3A_185 = tpu.memref_squeeze %dma_start3A_184 : memref<1x128xi32, #tpu.memory_space<vmem>> -> memref<128xi32, #tpu.memory_space<vmem>>
      %dma_start3A_186 = arith.constant 0 : i32
      %dma_start3A_187 = tpu.memref_slice %arg8[%dma_start3A_186] : memref<10240xf32, #tpu.memory_space<vmem_shared>> -> memref<10240xf32, #tpu.memory_space<vmem_shared>>
      tpu.enqueue_indirect_dma source(%arg7 : memref<128xf32, #tpu.memory_space<vmem>>) target(%dma_start3A_187 : memref<10240xf32, #tpu.memory_space<vmem_shared>>) offsets(%dma_start3A_185 : memref<128xi32, #tpu.memory_space<vmem>>) semaphore(%arg9 : memref<!tpu.dma_semaphore, #tpu.memory_space<semaphore_mem>>) {add = true}
      %mul3A_188 = arith.constant 40 : i32
      %mul3A_189 = arith.muli %scan3A_17, %mul3A_188 : i32
      %add3A_190 = arith.constant 19 : i32
      %add3A_191 = arith.addi %mul3A_189, %add3A_190 : i32
      %dma_start3A_192 = arith.constant 0 : i32
      %dma_start3A_193 = tpu.memref_slice %arg6[%add3A_191, %dma_start3A_192] : memref<80x128xi32, #tpu.memory_space<vmem>> -> memref<1x128xi32, #tpu.memory_space<vmem>>
      %dma_start3A_194 = tpu.memref_squeeze %dma_start3A_193 : memref<1x128xi32, #tpu.memory_space<vmem>> -> memref<128xi32, #tpu.memory_space<vmem>>
      %dma_start3A_195 = arith.constant 0 : i32
      %dma_start3A_196 = tpu.memref_slice %arg8[%dma_start3A_195] : memref<10240xf32, #tpu.memory_space<vmem_shared>> -> memref<10240xf32, #tpu.memory_space<vmem_shared>>
      tpu.enqueue_indirect_dma source(%arg7 : memref<128xf32, #tpu.memory_space<vmem>>) target(%dma_start3A_196 : memref<10240xf32, #tpu.memory_space<vmem_shared>>) offsets(%dma_start3A_194 : memref<128xi32, #tpu.memory_space<vmem>>) semaphore(%arg9 : memref<!tpu.dma_semaphore, #tpu.memory_space<semaphore_mem>>) {add = true}
      %mul3A_197 = arith.constant 40 : i32
      %mul3A_198 = arith.muli %scan3A_17, %mul3A_197 : i32
      %add3A_199 = arith.constant 20 : i32
      %add3A_200 = arith.addi %mul3A_198, %add3A_199 : i32
      %dma_start3A_201 = arith.constant 0 : i32
      %dma_start3A_202 = tpu.memref_slice %arg6[%add3A_200, %dma_start3A_201] : memref<80x128xi32, #tpu.memory_space<vmem>> -> memref<1x128xi32, #tpu.memory_space<vmem>>
      %dma_start3A_203 = tpu.memref_squeeze %dma_start3A_202 : memref<1x128xi32, #tpu.memory_space<vmem>> -> memref<128xi32, #tpu.memory_space<vmem>>
      %dma_start3A_204 = arith.constant 0 : i32
      %dma_start3A_205 = tpu.memref_slice %arg8[%dma_start3A_204] : memref<10240xf32, #tpu.memory_space<vmem_shared>> -> memref<10240xf32, #tpu.memory_space<vmem_shared>>
      tpu.enqueue_indirect_dma source(%arg7 : memref<128xf32, #tpu.memory_space<vmem>>) target(%dma_start3A_205 : memref<10240xf32, #tpu.memory_space<vmem_shared>>) offsets(%dma_start3A_203 : memref<128xi32, #tpu.memory_space<vmem>>) semaphore(%arg9 : memref<!tpu.dma_semaphore, #tpu.memory_space<semaphore_mem>>) {add = true}
      %mul3A_206 = arith.constant 40 : i32
      %mul3A_207 = arith.muli %scan3A_17, %mul3A_206 : i32
      %add3A_208 = arith.constant 21 : i32
      %add3A_209 = arith.addi %mul3A_207, %add3A_208 : i32
      %dma_start3A_210 = arith.constant 0 : i32
      %dma_start3A_211 = tpu.memref_slice %arg6[%add3A_209, %dma_start3A_210] : memref<80x128xi32, #tpu.memory_space<vmem>> -> memref<1x128xi32, #tpu.memory_space<vmem>>
      %dma_start3A_212 = tpu.memref_squeeze %dma_start3A_211 : memref<1x128xi32, #tpu.memory_space<vmem>> -> memref<128xi32, #tpu.memory_space<vmem>>
      %dma_start3A_213 = arith.constant 0 : i32
      %dma_start3A_214 = tpu.memref_slice %arg8[%dma_start3A_213] : memref<10240xf32, #tpu.memory_space<vmem_shared>> -> memref<10240xf32, #tpu.memory_space<vmem_shared>>
      tpu.enqueue_indirect_dma source(%arg7 : memref<128xf32, #tpu.memory_space<vmem>>) target(%dma_start3A_214 : memref<10240xf32, #tpu.memory_space<vmem_shared>>) offsets(%dma_start3A_212 : memref<128xi32, #tpu.memory_space<vmem>>) semaphore(%arg9 : memref<!tpu.dma_semaphore, #tpu.memory_space<semaphore_mem>>) {add = true}
      %mul3A_215 = arith.constant 40 : i32
      %mul3A_216 = arith.muli %scan3A_17, %mul3A_215 : i32
      %add3A_217 = arith.constant 22 : i32
      %add3A_218 = arith.addi %mul3A_216, %add3A_217 : i32
      %dma_start3A_219 = arith.constant 0 : i32
      %dma_start3A_220 = tpu.memref_slice %arg6[%add3A_218, %dma_start3A_219] : memref<80x128xi32, #tpu.memory_space<vmem>> -> memref<1x128xi32, #tpu.memory_space<vmem>>
      %dma_start3A_221 = tpu.memref_squeeze %dma_start3A_220 : memref<1x128xi32, #tpu.memory_space<vmem>> -> memref<128xi32, #tpu.memory_space<vmem>>
      %dma_start3A_222 = arith.constant 0 : i32
      %dma_start3A_223 = tpu.memref_slice %arg8[%dma_start3A_222] : memref<10240xf32, #tpu.memory_space<vmem_shared>> -> memref<10240xf32, #tpu.memory_space<vmem_shared>>
      tpu.enqueue_indirect_dma source(%arg7 : memref<128xf32, #tpu.memory_space<vmem>>) target(%dma_start3A_223 : memref<10240xf32, #tpu.memory_space<vmem_shared>>) offsets(%dma_start3A_221 : memref<128xi32, #tpu.memory_space<vmem>>) semaphore(%arg9 : memref<!tpu.dma_semaphore, #tpu.memory_space<semaphore_mem>>) {add = true}
      %mul3A_224 = arith.constant 40 : i32
      %mul3A_225 = arith.muli %scan3A_17, %mul3A_224 : i32
      %add3A_226 = arith.constant 23 : i32
      %add3A_227 = arith.addi %mul3A_225, %add3A_226 : i32
      %dma_start3A_228 = arith.constant 0 : i32
      %dma_start3A_229 = tpu.memref_slice %arg6[%add3A_227, %dma_start3A_228] : memref<80x128xi32, #tpu.memory_space<vmem>> -> memref<1x128xi32, #tpu.memory_space<vmem>>
      %dma_start3A_230 = tpu.memref_squeeze %dma_start3A_229 : memref<1x128xi32, #tpu.memory_space<vmem>> -> memref<128xi32, #tpu.memory_space<vmem>>
      %dma_start3A_231 = arith.constant 0 : i32
      %dma_start3A_232 = tpu.memref_slice %arg8[%dma_start3A_231] : memref<10240xf32, #tpu.memory_space<vmem_shared>> -> memref<10240xf32, #tpu.memory_space<vmem_shared>>
      tpu.enqueue_indirect_dma source(%arg7 : memref<128xf32, #tpu.memory_space<vmem>>) target(%dma_start3A_232 : memref<10240xf32, #tpu.memory_space<vmem_shared>>) offsets(%dma_start3A_230 : memref<128xi32, #tpu.memory_space<vmem>>) semaphore(%arg9 : memref<!tpu.dma_semaphore, #tpu.memory_space<semaphore_mem>>) {add = true}
      %mul3A_233 = arith.constant 40 : i32
      %mul3A_234 = arith.muli %scan3A_17, %mul3A_233 : i32
      %add3A_235 = arith.constant 24 : i32
      %add3A_236 = arith.addi %mul3A_234, %add3A_235 : i32
      %dma_start3A_237 = arith.constant 0 : i32
      %dma_start3A_238 = tpu.memref_slice %arg6[%add3A_236, %dma_start3A_237] : memref<80x128xi32, #tpu.memory_space<vmem>> -> memref<1x128xi32, #tpu.memory_space<vmem>>
      %dma_start3A_239 = tpu.memref_squeeze %dma_start3A_238 : memref<1x128xi32, #tpu.memory_space<vmem>> -> memref<128xi32, #tpu.memory_space<vmem>>
      %dma_start3A_240 = arith.constant 0 : i32
      %dma_start3A_241 = tpu.memref_slice %arg8[%dma_start3A_240] : memref<10240xf32, #tpu.memory_space<vmem_shared>> -> memref<10240xf32, #tpu.memory_space<vmem_shared>>
      tpu.enqueue_indirect_dma source(%arg7 : memref<128xf32, #tpu.memory_space<vmem>>) target(%dma_start3A_241 : memref<10240xf32, #tpu.memory_space<vmem_shared>>) offsets(%dma_start3A_239 : memref<128xi32, #tpu.memory_space<vmem>>) semaphore(%arg9 : memref<!tpu.dma_semaphore, #tpu.memory_space<semaphore_mem>>) {add = true}
      %mul3A_242 = arith.constant 40 : i32
      %mul3A_243 = arith.muli %scan3A_17, %mul3A_242 : i32
      %add3A_244 = arith.constant 25 : i32
      %add3A_245 = arith.addi %mul3A_243, %add3A_244 : i32
      %dma_start3A_246 = arith.constant 0 : i32
      %dma_start3A_247 = tpu.memref_slice %arg6[%add3A_245, %dma_start3A_246] : memref<80x128xi32, #tpu.memory_space<vmem>> -> memref<1x128xi32, #tpu.memory_space<vmem>>
      %dma_start3A_248 = tpu.memref_squeeze %dma_start3A_247 : memref<1x128xi32, #tpu.memory_space<vmem>> -> memref<128xi32, #tpu.memory_space<vmem>>
      %dma_start3A_249 = arith.constant 0 : i32
      %dma_start3A_250 = tpu.memref_slice %arg8[%dma_start3A_249] : memref<10240xf32, #tpu.memory_space<vmem_shared>> -> memref<10240xf32, #tpu.memory_space<vmem_shared>>
      tpu.enqueue_indirect_dma source(%arg7 : memref<128xf32, #tpu.memory_space<vmem>>) target(%dma_start3A_250 : memref<10240xf32, #tpu.memory_space<vmem_shared>>) offsets(%dma_start3A_248 : memref<128xi32, #tpu.memory_space<vmem>>) semaphore(%arg9 : memref<!tpu.dma_semaphore, #tpu.memory_space<semaphore_mem>>) {add = true}
      %mul3A_251 = arith.constant 40 : i32
      %mul3A_252 = arith.muli %scan3A_17, %mul3A_251 : i32
      %add3A_253 = arith.constant 26 : i32
      %add3A_254 = arith.addi %mul3A_252, %add3A_253 : i32
      %dma_start3A_255 = arith.constant 0 : i32
      %dma_start3A_256 = tpu.memref_slice %arg6[%add3A_254, %dma_start3A_255] : memref<80x128xi32, #tpu.memory_space<vmem>> -> memref<1x128xi32, #tpu.memory_space<vmem>>
      %dma_start3A_257 = tpu.memref_squeeze %dma_start3A_256 : memref<1x128xi32, #tpu.memory_space<vmem>> -> memref<128xi32, #tpu.memory_space<vmem>>
      %dma_start3A_258 = arith.constant 0 : i32
      %dma_start3A_259 = tpu.memref_slice %arg8[%dma_start3A_258] : memref<10240xf32, #tpu.memory_space<vmem_shared>> -> memref<10240xf32, #tpu.memory_space<vmem_shared>>
      tpu.enqueue_indirect_dma source(%arg7 : memref<128xf32, #tpu.memory_space<vmem>>) target(%dma_start3A_259 : memref<10240xf32, #tpu.memory_space<vmem_shared>>) offsets(%dma_start3A_257 : memref<128xi32, #tpu.memory_space<vmem>>) semaphore(%arg9 : memref<!tpu.dma_semaphore, #tpu.memory_space<semaphore_mem>>) {add = true}
      %mul3A_260 = arith.constant 40 : i32
      %mul3A_261 = arith.muli %scan3A_17, %mul3A_260 : i32
      %add3A_262 = arith.constant 27 : i32
      %add3A_263 = arith.addi %mul3A_261, %add3A_262 : i32
      %dma_start3A_264 = arith.constant 0 : i32
      %dma_start3A_265 = tpu.memref_slice %arg6[%add3A_263, %dma_start3A_264] : memref<80x128xi32, #tpu.memory_space<vmem>> -> memref<1x128xi32, #tpu.memory_space<vmem>>
      %dma_start3A_266 = tpu.memref_squeeze %dma_start3A_265 : memref<1x128xi32, #tpu.memory_space<vmem>> -> memref<128xi32, #tpu.memory_space<vmem>>
      %dma_start3A_267 = arith.constant 0 : i32
      %dma_start3A_268 = tpu.memref_slice %arg8[%dma_start3A_267] : memref<10240xf32, #tpu.memory_space<vmem_shared>> -> memref<10240xf32, #tpu.memory_space<vmem_shared>>
      tpu.enqueue_indirect_dma source(%arg7 : memref<128xf32, #tpu.memory_space<vmem>>) target(%dma_start3A_268 : memref<10240xf32, #tpu.memory_space<vmem_shared>>) offsets(%dma_start3A_266 : memref<128xi32, #tpu.memory_space<vmem>>) semaphore(%arg9 : memref<!tpu.dma_semaphore, #tpu.memory_space<semaphore_mem>>) {add = true}
      %mul3A_269 = arith.constant 40 : i32
      %mul3A_270 = arith.muli %scan3A_17, %mul3A_269 : i32
      %add3A_271 = arith.constant 28 : i32
      %add3A_272 = arith.addi %mul3A_270, %add3A_271 : i32
      %dma_start3A_273 = arith.constant 0 : i32
      %dma_start3A_274 = tpu.memref_slice %arg6[%add3A_272, %dma_start3A_273] : memref<80x128xi32, #tpu.memory_space<vmem>> -> memref<1x128xi32, #tpu.memory_space<vmem>>
      %dma_start3A_275 = tpu.memref_squeeze %dma_start3A_274 : memref<1x128xi32, #tpu.memory_space<vmem>> -> memref<128xi32, #tpu.memory_space<vmem>>
      %dma_start3A_276 = arith.constant 0 : i32
      %dma_start3A_277 = tpu.memref_slice %arg8[%dma_start3A_276] : memref<10240xf32, #tpu.memory_space<vmem_shared>> -> memref<10240xf32, #tpu.memory_space<vmem_shared>>
      tpu.enqueue_indirect_dma source(%arg7 : memref<128xf32, #tpu.memory_space<vmem>>) target(%dma_start3A_277 : memref<10240xf32, #tpu.memory_space<vmem_shared>>) offsets(%dma_start3A_275 : memref<128xi32, #tpu.memory_space<vmem>>) semaphore(%arg9 : memref<!tpu.dma_semaphore, #tpu.memory_space<semaphore_mem>>) {add = true}
      %mul3A_278 = arith.constant 40 : i32
      %mul3A_279 = arith.muli %scan3A_17, %mul3A_278 : i32
      %add3A_280 = arith.constant 29 : i32
      %add3A_281 = arith.addi %mul3A_279, %add3A_280 : i32
      %dma_start3A_282 = arith.constant 0 : i32
      %dma_start3A_283 = tpu.memref_slice %arg6[%add3A_281, %dma_start3A_282] : memref<80x128xi32, #tpu.memory_space<vmem>> -> memref<1x128xi32, #tpu.memory_space<vmem>>
      %dma_start3A_284 = tpu.memref_squeeze %dma_start3A_283 : memref<1x128xi32, #tpu.memory_space<vmem>> -> memref<128xi32, #tpu.memory_space<vmem>>
      %dma_start3A_285 = arith.constant 0 : i32
      %dma_start3A_286 = tpu.memref_slice %arg8[%dma_start3A_285] : memref<10240xf32, #tpu.memory_space<vmem_shared>> -> memref<10240xf32, #tpu.memory_space<vmem_shared>>
      tpu.enqueue_indirect_dma source(%arg7 : memref<128xf32, #tpu.memory_space<vmem>>) target(%dma_start3A_286 : memref<10240xf32, #tpu.memory_space<vmem_shared>>) offsets(%dma_start3A_284 : memref<128xi32, #tpu.memory_space<vmem>>) semaphore(%arg9 : memref<!tpu.dma_semaphore, #tpu.memory_space<semaphore_mem>>) {add = true}
      %mul3A_287 = arith.constant 40 : i32
      %mul3A_288 = arith.muli %scan3A_17, %mul3A_287 : i32
      %add3A_289 = arith.constant 30 : i32
      %add3A_290 = arith.addi %mul3A_288, %add3A_289 : i32
      %dma_start3A_291 = arith.constant 0 : i32
      %dma_start3A_292 = tpu.memref_slice %arg6[%add3A_290, %dma_start3A_291] : memref<80x128xi32, #tpu.memory_space<vmem>> -> memref<1x128xi32, #tpu.memory_space<vmem>>
      %dma_start3A_293 = tpu.memref_squeeze %dma_start3A_292 : memref<1x128xi32, #tpu.memory_space<vmem>> -> memref<128xi32, #tpu.memory_space<vmem>>
      %dma_start3A_294 = arith.constant 0 : i32
      %dma_start3A_295 = tpu.memref_slice %arg8[%dma_start3A_294] : memref<10240xf32, #tpu.memory_space<vmem_shared>> -> memref<10240xf32, #tpu.memory_space<vmem_shared>>
      tpu.enqueue_indirect_dma source(%arg7 : memref<128xf32, #tpu.memory_space<vmem>>) target(%dma_start3A_295 : memref<10240xf32, #tpu.memory_space<vmem_shared>>) offsets(%dma_start3A_293 : memref<128xi32, #tpu.memory_space<vmem>>) semaphore(%arg9 : memref<!tpu.dma_semaphore, #tpu.memory_space<semaphore_mem>>) {add = true}
      %mul3A_296 = arith.constant 40 : i32
      %mul3A_297 = arith.muli %scan3A_17, %mul3A_296 : i32
      %add3A_298 = arith.constant 31 : i32
      %add3A_299 = arith.addi %mul3A_297, %add3A_298 : i32
      %dma_start3A_300 = arith.constant 0 : i32
      %dma_start3A_301 = tpu.memref_slice %arg6[%add3A_299, %dma_start3A_300] : memref<80x128xi32, #tpu.memory_space<vmem>> -> memref<1x128xi32, #tpu.memory_space<vmem>>
      %dma_start3A_302 = tpu.memref_squeeze %dma_start3A_301 : memref<1x128xi32, #tpu.memory_space<vmem>> -> memref<128xi32, #tpu.memory_space<vmem>>
      %dma_start3A_303 = arith.constant 0 : i32
      %dma_start3A_304 = tpu.memref_slice %arg8[%dma_start3A_303] : memref<10240xf32, #tpu.memory_space<vmem_shared>> -> memref<10240xf32, #tpu.memory_space<vmem_shared>>
      tpu.enqueue_indirect_dma source(%arg7 : memref<128xf32, #tpu.memory_space<vmem>>) target(%dma_start3A_304 : memref<10240xf32, #tpu.memory_space<vmem_shared>>) offsets(%dma_start3A_302 : memref<128xi32, #tpu.memory_space<vmem>>) semaphore(%arg9 : memref<!tpu.dma_semaphore, #tpu.memory_space<semaphore_mem>>) {add = true}
      %mul3A_305 = arith.constant 40 : i32
      %mul3A_306 = arith.muli %scan3A_17, %mul3A_305 : i32
      %add3A_307 = arith.constant 32 : i32
      %add3A_308 = arith.addi %mul3A_306, %add3A_307 : i32
      %dma_start3A_309 = arith.constant 0 : i32
      %dma_start3A_310 = tpu.memref_slice %arg6[%add3A_308, %dma_start3A_309] : memref<80x128xi32, #tpu.memory_space<vmem>> -> memref<1x128xi32, #tpu.memory_space<vmem>>
      %dma_start3A_311 = tpu.memref_squeeze %dma_start3A_310 : memref<1x128xi32, #tpu.memory_space<vmem>> -> memref<128xi32, #tpu.memory_space<vmem>>
      %dma_start3A_312 = arith.constant 0 : i32
      %dma_start3A_313 = tpu.memref_slice %arg8[%dma_start3A_312] : memref<10240xf32, #tpu.memory_space<vmem_shared>> -> memref<10240xf32, #tpu.memory_space<vmem_shared>>
      tpu.enqueue_indirect_dma source(%arg7 : memref<128xf32, #tpu.memory_space<vmem>>) target(%dma_start3A_313 : memref<10240xf32, #tpu.memory_space<vmem_shared>>) offsets(%dma_start3A_311 : memref<128xi32, #tpu.memory_space<vmem>>) semaphore(%arg9 : memref<!tpu.dma_semaphore, #tpu.memory_space<semaphore_mem>>) {add = true}
      %mul3A_314 = arith.constant 40 : i32
      %mul3A_315 = arith.muli %scan3A_17, %mul3A_314 : i32
      %add3A_316 = arith.constant 33 : i32
      %add3A_317 = arith.addi %mul3A_315, %add3A_316 : i32
      %dma_start3A_318 = arith.constant 0 : i32
      %dma_start3A_319 = tpu.memref_slice %arg6[%add3A_317, %dma_start3A_318] : memref<80x128xi32, #tpu.memory_space<vmem>> -> memref<1x128xi32, #tpu.memory_space<vmem>>
      %dma_start3A_320 = tpu.memref_squeeze %dma_start3A_319 : memref<1x128xi32, #tpu.memory_space<vmem>> -> memref<128xi32, #tpu.memory_space<vmem>>
      %dma_start3A_321 = arith.constant 0 : i32
      %dma_start3A_322 = tpu.memref_slice %arg8[%dma_start3A_321] : memref<10240xf32, #tpu.memory_space<vmem_shared>> -> memref<10240xf32, #tpu.memory_space<vmem_shared>>
      tpu.enqueue_indirect_dma source(%arg7 : memref<128xf32, #tpu.memory_space<vmem>>) target(%dma_start3A_322 : memref<10240xf32, #tpu.memory_space<vmem_shared>>) offsets(%dma_start3A_320 : memref<128xi32, #tpu.memory_space<vmem>>) semaphore(%arg9 : memref<!tpu.dma_semaphore, #tpu.memory_space<semaphore_mem>>) {add = true}
      %mul3A_323 = arith.constant 40 : i32
      %mul3A_324 = arith.muli %scan3A_17, %mul3A_323 : i32
      %add3A_325 = arith.constant 34 : i32
      %add3A_326 = arith.addi %mul3A_324, %add3A_325 : i32
      %dma_start3A_327 = arith.constant 0 : i32
      %dma_start3A_328 = tpu.memref_slice %arg6[%add3A_326, %dma_start3A_327] : memref<80x128xi32, #tpu.memory_space<vmem>> -> memref<1x128xi32, #tpu.memory_space<vmem>>
      %dma_start3A_329 = tpu.memref_squeeze %dma_start3A_328 : memref<1x128xi32, #tpu.memory_space<vmem>> -> memref<128xi32, #tpu.memory_space<vmem>>
      %dma_start3A_330 = arith.constant 0 : i32
      %dma_start3A_331 = tpu.memref_slice %arg8[%dma_start3A_330] : memref<10240xf32, #tpu.memory_space<vmem_shared>> -> memref<10240xf32, #tpu.memory_space<vmem_shared>>
      tpu.enqueue_indirect_dma source(%arg7 : memref<128xf32, #tpu.memory_space<vmem>>) target(%dma_start3A_331 : memref<10240xf32, #tpu.memory_space<vmem_shared>>) offsets(%dma_start3A_329 : memref<128xi32, #tpu.memory_space<vmem>>) semaphore(%arg9 : memref<!tpu.dma_semaphore, #tpu.memory_space<semaphore_mem>>) {add = true}
      %mul3A_332 = arith.constant 40 : i32
      %mul3A_333 = arith.muli %scan3A_17, %mul3A_332 : i32
      %add3A_334 = arith.constant 35 : i32
      %add3A_335 = arith.addi %mul3A_333, %add3A_334 : i32
      %dma_start3A_336 = arith.constant 0 : i32
      %dma_start3A_337 = tpu.memref_slice %arg6[%add3A_335, %dma_start3A_336] : memref<80x128xi32, #tpu.memory_space<vmem>> -> memref<1x128xi32, #tpu.memory_space<vmem>>
      %dma_start3A_338 = tpu.memref_squeeze %dma_start3A_337 : memref<1x128xi32, #tpu.memory_space<vmem>> -> memref<128xi32, #tpu.memory_space<vmem>>
      %dma_start3A_339 = arith.constant 0 : i32
      %dma_start3A_340 = tpu.memref_slice %arg8[%dma_start3A_339] : memref<10240xf32, #tpu.memory_space<vmem_shared>> -> memref<10240xf32, #tpu.memory_space<vmem_shared>>
      tpu.enqueue_indirect_dma source(%arg7 : memref<128xf32, #tpu.memory_space<vmem>>) target(%dma_start3A_340 : memref<10240xf32, #tpu.memory_space<vmem_shared>>) offsets(%dma_start3A_338 : memref<128xi32, #tpu.memory_space<vmem>>) semaphore(%arg9 : memref<!tpu.dma_semaphore, #tpu.memory_space<semaphore_mem>>) {add = true}
      %mul3A_341 = arith.constant 40 : i32
      %mul3A_342 = arith.muli %scan3A_17, %mul3A_341 : i32
      %add3A_343 = arith.constant 36 : i32
      %add3A_344 = arith.addi %mul3A_342, %add3A_343 : i32
      %dma_start3A_345 = arith.constant 0 : i32
      %dma_start3A_346 = tpu.memref_slice %arg6[%add3A_344, %dma_start3A_345] : memref<80x128xi32, #tpu.memory_space<vmem>> -> memref<1x128xi32, #tpu.memory_space<vmem>>
      %dma_start3A_347 = tpu.memref_squeeze %dma_start3A_346 : memref<1x128xi32, #tpu.memory_space<vmem>> -> memref<128xi32, #tpu.memory_space<vmem>>
      %dma_start3A_348 = arith.constant 0 : i32
      %dma_start3A_349 = tpu.memref_slice %arg8[%dma_start3A_348] : memref<10240xf32, #tpu.memory_space<vmem_shared>> -> memref<10240xf32, #tpu.memory_space<vmem_shared>>
      tpu.enqueue_indirect_dma source(%arg7 : memref<128xf32, #tpu.memory_space<vmem>>) target(%dma_start3A_349 : memref<10240xf32, #tpu.memory_space<vmem_shared>>) offsets(%dma_start3A_347 : memref<128xi32, #tpu.memory_space<vmem>>) semaphore(%arg9 : memref<!tpu.dma_semaphore, #tpu.memory_space<semaphore_mem>>) {add = true}
      %mul3A_350 = arith.constant 40 : i32
      %mul3A_351 = arith.muli %scan3A_17, %mul3A_350 : i32
      %add3A_352 = arith.constant 37 : i32
      %add3A_353 = arith.addi %mul3A_351, %add3A_352 : i32
      %dma_start3A_354 = arith.constant 0 : i32
      %dma_start3A_355 = tpu.memref_slice %arg6[%add3A_353, %dma_start3A_354] : memref<80x128xi32, #tpu.memory_space<vmem>> -> memref<1x128xi32, #tpu.memory_space<vmem>>
      %dma_start3A_356 = tpu.memref_squeeze %dma_start3A_355 : memref<1x128xi32, #tpu.memory_space<vmem>> -> memref<128xi32, #tpu.memory_space<vmem>>
      %dma_start3A_357 = arith.constant 0 : i32
      %dma_start3A_358 = tpu.memref_slice %arg8[%dma_start3A_357] : memref<10240xf32, #tpu.memory_space<vmem_shared>> -> memref<10240xf32, #tpu.memory_space<vmem_shared>>
      tpu.enqueue_indirect_dma source(%arg7 : memref<128xf32, #tpu.memory_space<vmem>>) target(%dma_start3A_358 : memref<10240xf32, #tpu.memory_space<vmem_shared>>) offsets(%dma_start3A_356 : memref<128xi32, #tpu.memory_space<vmem>>) semaphore(%arg9 : memref<!tpu.dma_semaphore, #tpu.memory_space<semaphore_mem>>) {add = true}
      %mul3A_359 = arith.constant 40 : i32
      %mul3A_360 = arith.muli %scan3A_17, %mul3A_359 : i32
      %add3A_361 = arith.constant 38 : i32
      %add3A_362 = arith.addi %mul3A_360, %add3A_361 : i32
      %dma_start3A_363 = arith.constant 0 : i32
      %dma_start3A_364 = tpu.memref_slice %arg6[%add3A_362, %dma_start3A_363] : memref<80x128xi32, #tpu.memory_space<vmem>> -> memref<1x128xi32, #tpu.memory_space<vmem>>
      %dma_start3A_365 = tpu.memref_squeeze %dma_start3A_364 : memref<1x128xi32, #tpu.memory_space<vmem>> -> memref<128xi32, #tpu.memory_space<vmem>>
      %dma_start3A_366 = arith.constant 0 : i32
      %dma_start3A_367 = tpu.memref_slice %arg8[%dma_start3A_366] : memref<10240xf32, #tpu.memory_space<vmem_shared>> -> memref<10240xf32, #tpu.memory_space<vmem_shared>>
      tpu.enqueue_indirect_dma source(%arg7 : memref<128xf32, #tpu.memory_space<vmem>>) target(%dma_start3A_367 : memref<10240xf32, #tpu.memory_space<vmem_shared>>) offsets(%dma_start3A_365 : memref<128xi32, #tpu.memory_space<vmem>>) semaphore(%arg9 : memref<!tpu.dma_semaphore, #tpu.memory_space<semaphore_mem>>) {add = true}
      %mul3A_368 = arith.constant 40 : i32
      %mul3A_369 = arith.muli %scan3A_17, %mul3A_368 : i32
      %add3A_370 = arith.constant 39 : i32
      %add3A_371 = arith.addi %mul3A_369, %add3A_370 : i32
      %dma_start3A_372 = arith.constant 0 : i32
      %dma_start3A_373 = tpu.memref_slice %arg6[%add3A_371, %dma_start3A_372] : memref<80x128xi32, #tpu.memory_space<vmem>> -> memref<1x128xi32, #tpu.memory_space<vmem>>
      %dma_start3A_374 = tpu.memref_squeeze %dma_start3A_373 : memref<1x128xi32, #tpu.memory_space<vmem>> -> memref<128xi32, #tpu.memory_space<vmem>>
      %dma_start3A_375 = arith.constant 0 : i32
      %dma_start3A_376 = tpu.memref_slice %arg8[%dma_start3A_375] : memref<10240xf32, #tpu.memory_space<vmem_shared>> -> memref<10240xf32, #tpu.memory_space<vmem_shared>>
      tpu.enqueue_indirect_dma source(%arg7 : memref<128xf32, #tpu.memory_space<vmem>>) target(%dma_start3A_376 : memref<10240xf32, #tpu.memory_space<vmem_shared>>) offsets(%dma_start3A_374 : memref<128xi32, #tpu.memory_space<vmem>>) semaphore(%arg9 : memref<!tpu.dma_semaphore, #tpu.memory_space<semaphore_mem>>) {add = true}
      %mul3A_377 = arith.constant 40 : i32
      %mul3A_378 = arith.muli %scan3A_17, %mul3A_377 : i32
      %add3A_379 = arith.constant 0 : i32
      %add3A_380 = arith.addi %mul3A_378, %add3A_379 : i32
      %dma_wait3A = arith.constant 0 : i32
      %dma_wait3A_381 = tpu.memref_slice %arg6[%add3A_380, %dma_wait3A] : memref<80x128xi32, #tpu.memory_space<vmem>> -> memref<1x128xi32, #tpu.memory_space<vmem>>
      %dma_wait3A_382 = tpu.memref_squeeze %dma_wait3A_381 : memref<1x128xi32, #tpu.memory_space<vmem>> -> memref<128xi32, #tpu.memory_space<vmem>>
      %dma_wait3A_383 = arith.constant 0 : i32
      %dma_wait3A_384 = tpu.memref_slice %arg8[%dma_wait3A_383] : memref<10240xf32, #tpu.memory_space<vmem_shared>> -> memref<10240xf32, #tpu.memory_space<vmem_shared>>
      tpu.wait_indirect_dma semaphore(%arg9 : memref<!tpu.dma_semaphore, #tpu.memory_space<semaphore_mem>>) src(%arg7 : memref<128xf32, #tpu.memory_space<vmem>>) dst(%dma_wait3A_384 : memref<10240xf32, #tpu.memory_space<vmem_shared>>)
      %mul3A_385 = arith.constant 40 : i32
      %mul3A_386 = arith.muli %scan3A_17, %mul3A_385 : i32
      %add3A_387 = arith.constant 1 : i32
      %add3A_388 = arith.addi %mul3A_386, %add3A_387 : i32
      %dma_wait3A_389 = arith.constant 0 : i32
      %dma_wait3A_390 = tpu.memref_slice %arg6[%add3A_388, %dma_wait3A_389] : memref<80x128xi32, #tpu.memory_space<vmem>> -> memref<1x128xi32, #tpu.memory_space<vmem>>
      %dma_wait3A_391 = tpu.memref_squeeze %dma_wait3A_390 : memref<1x128xi32, #tpu.memory_space<vmem>> -> memref<128xi32, #tpu.memory_space<vmem>>
      %dma_wait3A_392 = arith.constant 0 : i32
      %dma_wait3A_393 = tpu.memref_slice %arg8[%dma_wait3A_392] : memref<10240xf32, #tpu.memory_space<vmem_shared>> -> memref<10240xf32, #tpu.memory_space<vmem_shared>>
      tpu.wait_indirect_dma semaphore(%arg9 : memref<!tpu.dma_semaphore, #tpu.memory_space<semaphore_mem>>) src(%arg7 : memref<128xf32, #tpu.memory_space<vmem>>) dst(%dma_wait3A_393 : memref<10240xf32, #tpu.memory_space<vmem_shared>>)
      %mul3A_394 = arith.constant 40 : i32
      %mul3A_395 = arith.muli %scan3A_17, %mul3A_394 : i32
      %add3A_396 = arith.constant 2 : i32
      %add3A_397 = arith.addi %mul3A_395, %add3A_396 : i32
      %dma_wait3A_398 = arith.constant 0 : i32
      %dma_wait3A_399 = tpu.memref_slice %arg6[%add3A_397, %dma_wait3A_398] : memref<80x128xi32, #tpu.memory_space<vmem>> -> memref<1x128xi32, #tpu.memory_space<vmem>>
      %dma_wait3A_400 = tpu.memref_squeeze %dma_wait3A_399 : memref<1x128xi32, #tpu.memory_space<vmem>> -> memref<128xi32, #tpu.memory_space<vmem>>
      %dma_wait3A_401 = arith.constant 0 : i32
      %dma_wait3A_402 = tpu.memref_slice %arg8[%dma_wait3A_401] : memref<10240xf32, #tpu.memory_space<vmem_shared>> -> memref<10240xf32, #tpu.memory_space<vmem_shared>>
      tpu.wait_indirect_dma semaphore(%arg9 : memref<!tpu.dma_semaphore, #tpu.memory_space<semaphore_mem>>) src(%arg7 : memref<128xf32, #tpu.memory_space<vmem>>) dst(%dma_wait3A_402 : memref<10240xf32, #tpu.memory_space<vmem_shared>>)
      %mul3A_403 = arith.constant 40 : i32
      %mul3A_404 = arith.muli %scan3A_17, %mul3A_403 : i32
      %add3A_405 = arith.constant 3 : i32
      %add3A_406 = arith.addi %mul3A_404, %add3A_405 : i32
      %dma_wait3A_407 = arith.constant 0 : i32
      %dma_wait3A_408 = tpu.memref_slice %arg6[%add3A_406, %dma_wait3A_407] : memref<80x128xi32, #tpu.memory_space<vmem>> -> memref<1x128xi32, #tpu.memory_space<vmem>>
      %dma_wait3A_409 = tpu.memref_squeeze %dma_wait3A_408 : memref<1x128xi32, #tpu.memory_space<vmem>> -> memref<128xi32, #tpu.memory_space<vmem>>
      %dma_wait3A_410 = arith.constant 0 : i32
      %dma_wait3A_411 = tpu.memref_slice %arg8[%dma_wait3A_410] : memref<10240xf32, #tpu.memory_space<vmem_shared>> -> memref<10240xf32, #tpu.memory_space<vmem_shared>>
      tpu.wait_indirect_dma semaphore(%arg9 : memref<!tpu.dma_semaphore, #tpu.memory_space<semaphore_mem>>) src(%arg7 : memref<128xf32, #tpu.memory_space<vmem>>) dst(%dma_wait3A_411 : memref<10240xf32, #tpu.memory_space<vmem_shared>>)
      %mul3A_412 = arith.constant 40 : i32
      %mul3A_413 = arith.muli %scan3A_17, %mul3A_412 : i32
      %add3A_414 = arith.constant 4 : i32
      %add3A_415 = arith.addi %mul3A_413, %add3A_414 : i32
      %dma_wait3A_416 = arith.constant 0 : i32
      %dma_wait3A_417 = tpu.memref_slice %arg6[%add3A_415, %dma_wait3A_416] : memref<80x128xi32, #tpu.memory_space<vmem>> -> memref<1x128xi32, #tpu.memory_space<vmem>>
      %dma_wait3A_418 = tpu.memref_squeeze %dma_wait3A_417 : memref<1x128xi32, #tpu.memory_space<vmem>> -> memref<128xi32, #tpu.memory_space<vmem>>
      %dma_wait3A_419 = arith.constant 0 : i32
      %dma_wait3A_420 = tpu.memref_slice %arg8[%dma_wait3A_419] : memref<10240xf32, #tpu.memory_space<vmem_shared>> -> memref<10240xf32, #tpu.memory_space<vmem_shared>>
      tpu.wait_indirect_dma semaphore(%arg9 : memref<!tpu.dma_semaphore, #tpu.memory_space<semaphore_mem>>) src(%arg7 : memref<128xf32, #tpu.memory_space<vmem>>) dst(%dma_wait3A_420 : memref<10240xf32, #tpu.memory_space<vmem_shared>>)
      %mul3A_421 = arith.constant 40 : i32
      %mul3A_422 = arith.muli %scan3A_17, %mul3A_421 : i32
      %add3A_423 = arith.constant 5 : i32
      %add3A_424 = arith.addi %mul3A_422, %add3A_423 : i32
      %dma_wait3A_425 = arith.constant 0 : i32
      %dma_wait3A_426 = tpu.memref_slice %arg6[%add3A_424, %dma_wait3A_425] : memref<80x128xi32, #tpu.memory_space<vmem>> -> memref<1x128xi32, #tpu.memory_space<vmem>>
      %dma_wait3A_427 = tpu.memref_squeeze %dma_wait3A_426 : memref<1x128xi32, #tpu.memory_space<vmem>> -> memref<128xi32, #tpu.memory_space<vmem>>
      %dma_wait3A_428 = arith.constant 0 : i32
      %dma_wait3A_429 = tpu.memref_slice %arg8[%dma_wait3A_428] : memref<10240xf32, #tpu.memory_space<vmem_shared>> -> memref<10240xf32, #tpu.memory_space<vmem_shared>>
      tpu.wait_indirect_dma semaphore(%arg9 : memref<!tpu.dma_semaphore, #tpu.memory_space<semaphore_mem>>) src(%arg7 : memref<128xf32, #tpu.memory_space<vmem>>) dst(%dma_wait3A_429 : memref<10240xf32, #tpu.memory_space<vmem_shared>>)
      %mul3A_430 = arith.constant 40 : i32
      %mul3A_431 = arith.muli %scan3A_17, %mul3A_430 : i32
      %add3A_432 = arith.constant 6 : i32
      %add3A_433 = arith.addi %mul3A_431, %add3A_432 : i32
      %dma_wait3A_434 = arith.constant 0 : i32
      %dma_wait3A_435 = tpu.memref_slice %arg6[%add3A_433, %dma_wait3A_434] : memref<80x128xi32, #tpu.memory_space<vmem>> -> memref<1x128xi32, #tpu.memory_space<vmem>>
      %dma_wait3A_436 = tpu.memref_squeeze %dma_wait3A_435 : memref<1x128xi32, #tpu.memory_space<vmem>> -> memref<128xi32, #tpu.memory_space<vmem>>
      %dma_wait3A_437 = arith.constant 0 : i32
      %dma_wait3A_438 = tpu.memref_slice %arg8[%dma_wait3A_437] : memref<10240xf32, #tpu.memory_space<vmem_shared>> -> memref<10240xf32, #tpu.memory_space<vmem_shared>>
      tpu.wait_indirect_dma semaphore(%arg9 : memref<!tpu.dma_semaphore, #tpu.memory_space<semaphore_mem>>) src(%arg7 : memref<128xf32, #tpu.memory_space<vmem>>) dst(%dma_wait3A_438 : memref<10240xf32, #tpu.memory_space<vmem_shared>>)
      %mul3A_439 = arith.constant 40 : i32
      %mul3A_440 = arith.muli %scan3A_17, %mul3A_439 : i32
      %add3A_441 = arith.constant 7 : i32
      %add3A_442 = arith.addi %mul3A_440, %add3A_441 : i32
      %dma_wait3A_443 = arith.constant 0 : i32
      %dma_wait3A_444 = tpu.memref_slice %arg6[%add3A_442, %dma_wait3A_443] : memref<80x128xi32, #tpu.memory_space<vmem>> -> memref<1x128xi32, #tpu.memory_space<vmem>>
      %dma_wait3A_445 = tpu.memref_squeeze %dma_wait3A_444 : memref<1x128xi32, #tpu.memory_space<vmem>> -> memref<128xi32, #tpu.memory_space<vmem>>
      %dma_wait3A_446 = arith.constant 0 : i32
      %dma_wait3A_447 = tpu.memref_slice %arg8[%dma_wait3A_446] : memref<10240xf32, #tpu.memory_space<vmem_shared>> -> memref<10240xf32, #tpu.memory_space<vmem_shared>>
      tpu.wait_indirect_dma semaphore(%arg9 : memref<!tpu.dma_semaphore, #tpu.memory_space<semaphore_mem>>) src(%arg7 : memref<128xf32, #tpu.memory_space<vmem>>) dst(%dma_wait3A_447 : memref<10240xf32, #tpu.memory_space<vmem_shared>>)
      %mul3A_448 = arith.constant 40 : i32
      %mul3A_449 = arith.muli %scan3A_17, %mul3A_448 : i32
      %add3A_450 = arith.constant 8 : i32
      %add3A_451 = arith.addi %mul3A_449, %add3A_450 : i32
      %dma_wait3A_452 = arith.constant 0 : i32
      %dma_wait3A_453 = tpu.memref_slice %arg6[%add3A_451, %dma_wait3A_452] : memref<80x128xi32, #tpu.memory_space<vmem>> -> memref<1x128xi32, #tpu.memory_space<vmem>>
      %dma_wait3A_454 = tpu.memref_squeeze %dma_wait3A_453 : memref<1x128xi32, #tpu.memory_space<vmem>> -> memref<128xi32, #tpu.memory_space<vmem>>
      %dma_wait3A_455 = arith.constant 0 : i32
      %dma_wait3A_456 = tpu.memref_slice %arg8[%dma_wait3A_455] : memref<10240xf32, #tpu.memory_space<vmem_shared>> -> memref<10240xf32, #tpu.memory_space<vmem_shared>>
      tpu.wait_indirect_dma semaphore(%arg9 : memref<!tpu.dma_semaphore, #tpu.memory_space<semaphore_mem>>) src(%arg7 : memref<128xf32, #tpu.memory_space<vmem>>) dst(%dma_wait3A_456 : memref<10240xf32, #tpu.memory_space<vmem_shared>>)
      %mul3A_457 = arith.constant 40 : i32
      %mul3A_458 = arith.muli %scan3A_17, %mul3A_457 : i32
      %add3A_459 = arith.constant 9 : i32
      %add3A_460 = arith.addi %mul3A_458, %add3A_459 : i32
      %dma_wait3A_461 = arith.constant 0 : i32
      %dma_wait3A_462 = tpu.memref_slice %arg6[%add3A_460, %dma_wait3A_461] : memref<80x128xi32, #tpu.memory_space<vmem>> -> memref<1x128xi32, #tpu.memory_space<vmem>>
      %dma_wait3A_463 = tpu.memref_squeeze %dma_wait3A_462 : memref<1x128xi32, #tpu.memory_space<vmem>> -> memref<128xi32, #tpu.memory_space<vmem>>
      %dma_wait3A_464 = arith.constant 0 : i32
      %dma_wait3A_465 = tpu.memref_slice %arg8[%dma_wait3A_464] : memref<10240xf32, #tpu.memory_space<vmem_shared>> -> memref<10240xf32, #tpu.memory_space<vmem_shared>>
      tpu.wait_indirect_dma semaphore(%arg9 : memref<!tpu.dma_semaphore, #tpu.memory_space<semaphore_mem>>) src(%arg7 : memref<128xf32, #tpu.memory_space<vmem>>) dst(%dma_wait3A_465 : memref<10240xf32, #tpu.memory_space<vmem_shared>>)
      %mul3A_466 = arith.constant 40 : i32
      %mul3A_467 = arith.muli %scan3A_17, %mul3A_466 : i32
      %add3A_468 = arith.constant 10 : i32
      %add3A_469 = arith.addi %mul3A_467, %add3A_468 : i32
      %dma_wait3A_470 = arith.constant 0 : i32
      %dma_wait3A_471 = tpu.memref_slice %arg6[%add3A_469, %dma_wait3A_470] : memref<80x128xi32, #tpu.memory_space<vmem>> -> memref<1x128xi32, #tpu.memory_space<vmem>>
      %dma_wait3A_472 = tpu.memref_squeeze %dma_wait3A_471 : memref<1x128xi32, #tpu.memory_space<vmem>> -> memref<128xi32, #tpu.memory_space<vmem>>
      %dma_wait3A_473 = arith.constant 0 : i32
      %dma_wait3A_474 = tpu.memref_slice %arg8[%dma_wait3A_473] : memref<10240xf32, #tpu.memory_space<vmem_shared>> -> memref<10240xf32, #tpu.memory_space<vmem_shared>>
      tpu.wait_indirect_dma semaphore(%arg9 : memref<!tpu.dma_semaphore, #tpu.memory_space<semaphore_mem>>) src(%arg7 : memref<128xf32, #tpu.memory_space<vmem>>) dst(%dma_wait3A_474 : memref<10240xf32, #tpu.memory_space<vmem_shared>>)
      %mul3A_475 = arith.constant 40 : i32
      %mul3A_476 = arith.muli %scan3A_17, %mul3A_475 : i32
      %add3A_477 = arith.constant 11 : i32
      %add3A_478 = arith.addi %mul3A_476, %add3A_477 : i32
      %dma_wait3A_479 = arith.constant 0 : i32
      %dma_wait3A_480 = tpu.memref_slice %arg6[%add3A_478, %dma_wait3A_479] : memref<80x128xi32, #tpu.memory_space<vmem>> -> memref<1x128xi32, #tpu.memory_space<vmem>>
      %dma_wait3A_481 = tpu.memref_squeeze %dma_wait3A_480 : memref<1x128xi32, #tpu.memory_space<vmem>> -> memref<128xi32, #tpu.memory_space<vmem>>
      %dma_wait3A_482 = arith.constant 0 : i32
      %dma_wait3A_483 = tpu.memref_slice %arg8[%dma_wait3A_482] : memref<10240xf32, #tpu.memory_space<vmem_shared>> -> memref<10240xf32, #tpu.memory_space<vmem_shared>>
      tpu.wait_indirect_dma semaphore(%arg9 : memref<!tpu.dma_semaphore, #tpu.memory_space<semaphore_mem>>) src(%arg7 : memref<128xf32, #tpu.memory_space<vmem>>) dst(%dma_wait3A_483 : memref<10240xf32, #tpu.memory_space<vmem_shared>>)
      %mul3A_484 = arith.constant 40 : i32
      %mul3A_485 = arith.muli %scan3A_17, %mul3A_484 : i32
      %add3A_486 = arith.constant 12 : i32
      %add3A_487 = arith.addi %mul3A_485, %add3A_486 : i32
      %dma_wait3A_488 = arith.constant 0 : i32
      %dma_wait3A_489 = tpu.memref_slice %arg6[%add3A_487, %dma_wait3A_488] : memref<80x128xi32, #tpu.memory_space<vmem>> -> memref<1x128xi32, #tpu.memory_space<vmem>>
      %dma_wait3A_490 = tpu.memref_squeeze %dma_wait3A_489 : memref<1x128xi32, #tpu.memory_space<vmem>> -> memref<128xi32, #tpu.memory_space<vmem>>
      %dma_wait3A_491 = arith.constant 0 : i32
      %dma_wait3A_492 = tpu.memref_slice %arg8[%dma_wait3A_491] : memref<10240xf32, #tpu.memory_space<vmem_shared>> -> memref<10240xf32, #tpu.memory_space<vmem_shared>>
      tpu.wait_indirect_dma semaphore(%arg9 : memref<!tpu.dma_semaphore, #tpu.memory_space<semaphore_mem>>) src(%arg7 : memref<128xf32, #tpu.memory_space<vmem>>) dst(%dma_wait3A_492 : memref<10240xf32, #tpu.memory_space<vmem_shared>>)
      %mul3A_493 = arith.constant 40 : i32
      %mul3A_494 = arith.muli %scan3A_17, %mul3A_493 : i32
      %add3A_495 = arith.constant 13 : i32
      %add3A_496 = arith.addi %mul3A_494, %add3A_495 : i32
      %dma_wait3A_497 = arith.constant 0 : i32
      %dma_wait3A_498 = tpu.memref_slice %arg6[%add3A_496, %dma_wait3A_497] : memref<80x128xi32, #tpu.memory_space<vmem>> -> memref<1x128xi32, #tpu.memory_space<vmem>>
      %dma_wait3A_499 = tpu.memref_squeeze %dma_wait3A_498 : memref<1x128xi32, #tpu.memory_space<vmem>> -> memref<128xi32, #tpu.memory_space<vmem>>
      %dma_wait3A_500 = arith.constant 0 : i32
      %dma_wait3A_501 = tpu.memref_slice %arg8[%dma_wait3A_500] : memref<10240xf32, #tpu.memory_space<vmem_shared>> -> memref<10240xf32, #tpu.memory_space<vmem_shared>>
      tpu.wait_indirect_dma semaphore(%arg9 : memref<!tpu.dma_semaphore, #tpu.memory_space<semaphore_mem>>) src(%arg7 : memref<128xf32, #tpu.memory_space<vmem>>) dst(%dma_wait3A_501 : memref<10240xf32, #tpu.memory_space<vmem_shared>>)
      %mul3A_502 = arith.constant 40 : i32
      %mul3A_503 = arith.muli %scan3A_17, %mul3A_502 : i32
      %add3A_504 = arith.constant 14 : i32
      %add3A_505 = arith.addi %mul3A_503, %add3A_504 : i32
      %dma_wait3A_506 = arith.constant 0 : i32
      %dma_wait3A_507 = tpu.memref_slice %arg6[%add3A_505, %dma_wait3A_506] : memref<80x128xi32, #tpu.memory_space<vmem>> -> memref<1x128xi32, #tpu.memory_space<vmem>>
      %dma_wait3A_508 = tpu.memref_squeeze %dma_wait3A_507 : memref<1x128xi32, #tpu.memory_space<vmem>> -> memref<128xi32, #tpu.memory_space<vmem>>
      %dma_wait3A_509 = arith.constant 0 : i32
      %dma_wait3A_510 = tpu.memref_slice %arg8[%dma_wait3A_509] : memref<10240xf32, #tpu.memory_space<vmem_shared>> -> memref<10240xf32, #tpu.memory_space<vmem_shared>>
      tpu.wait_indirect_dma semaphore(%arg9 : memref<!tpu.dma_semaphore, #tpu.memory_space<semaphore_mem>>) src(%arg7 : memref<128xf32, #tpu.memory_space<vmem>>) dst(%dma_wait3A_510 : memref<10240xf32, #tpu.memory_space<vmem_shared>>)
      %mul3A_511 = arith.constant 40 : i32
      %mul3A_512 = arith.muli %scan3A_17, %mul3A_511 : i32
      %add3A_513 = arith.constant 15 : i32
      %add3A_514 = arith.addi %mul3A_512, %add3A_513 : i32
      %dma_wait3A_515 = arith.constant 0 : i32
      %dma_wait3A_516 = tpu.memref_slice %arg6[%add3A_514, %dma_wait3A_515] : memref<80x128xi32, #tpu.memory_space<vmem>> -> memref<1x128xi32, #tpu.memory_space<vmem>>
      %dma_wait3A_517 = tpu.memref_squeeze %dma_wait3A_516 : memref<1x128xi32, #tpu.memory_space<vmem>> -> memref<128xi32, #tpu.memory_space<vmem>>
      %dma_wait3A_518 = arith.constant 0 : i32
      %dma_wait3A_519 = tpu.memref_slice %arg8[%dma_wait3A_518] : memref<10240xf32, #tpu.memory_space<vmem_shared>> -> memref<10240xf32, #tpu.memory_space<vmem_shared>>
      tpu.wait_indirect_dma semaphore(%arg9 : memref<!tpu.dma_semaphore, #tpu.memory_space<semaphore_mem>>) src(%arg7 : memref<128xf32, #tpu.memory_space<vmem>>) dst(%dma_wait3A_519 : memref<10240xf32, #tpu.memory_space<vmem_shared>>)
      %mul3A_520 = arith.constant 40 : i32
      %mul3A_521 = arith.muli %scan3A_17, %mul3A_520 : i32
      %add3A_522 = arith.constant 16 : i32
      %add3A_523 = arith.addi %mul3A_521, %add3A_522 : i32
      %dma_wait3A_524 = arith.constant 0 : i32
      %dma_wait3A_525 = tpu.memref_slice %arg6[%add3A_523, %dma_wait3A_524] : memref<80x128xi32, #tpu.memory_space<vmem>> -> memref<1x128xi32, #tpu.memory_space<vmem>>
      %dma_wait3A_526 = tpu.memref_squeeze %dma_wait3A_525 : memref<1x128xi32, #tpu.memory_space<vmem>> -> memref<128xi32, #tpu.memory_space<vmem>>
      %dma_wait3A_527 = arith.constant 0 : i32
      %dma_wait3A_528 = tpu.memref_slice %arg8[%dma_wait3A_527] : memref<10240xf32, #tpu.memory_space<vmem_shared>> -> memref<10240xf32, #tpu.memory_space<vmem_shared>>
      tpu.wait_indirect_dma semaphore(%arg9 : memref<!tpu.dma_semaphore, #tpu.memory_space<semaphore_mem>>) src(%arg7 : memref<128xf32, #tpu.memory_space<vmem>>) dst(%dma_wait3A_528 : memref<10240xf32, #tpu.memory_space<vmem_shared>>)
      %mul3A_529 = arith.constant 40 : i32
      %mul3A_530 = arith.muli %scan3A_17, %mul3A_529 : i32
      %add3A_531 = arith.constant 17 : i32
      %add3A_532 = arith.addi %mul3A_530, %add3A_531 : i32
      %dma_wait3A_533 = arith.constant 0 : i32
      %dma_wait3A_534 = tpu.memref_slice %arg6[%add3A_532, %dma_wait3A_533] : memref<80x128xi32, #tpu.memory_space<vmem>> -> memref<1x128xi32, #tpu.memory_space<vmem>>
      %dma_wait3A_535 = tpu.memref_squeeze %dma_wait3A_534 : memref<1x128xi32, #tpu.memory_space<vmem>> -> memref<128xi32, #tpu.memory_space<vmem>>
      %dma_wait3A_536 = arith.constant 0 : i32
      %dma_wait3A_537 = tpu.memref_slice %arg8[%dma_wait3A_536] : memref<10240xf32, #tpu.memory_space<vmem_shared>> -> memref<10240xf32, #tpu.memory_space<vmem_shared>>
      tpu.wait_indirect_dma semaphore(%arg9 : memref<!tpu.dma_semaphore, #tpu.memory_space<semaphore_mem>>) src(%arg7 : memref<128xf32, #tpu.memory_space<vmem>>) dst(%dma_wait3A_537 : memref<10240xf32, #tpu.memory_space<vmem_shared>>)
      %mul3A_538 = arith.constant 40 : i32
      %mul3A_539 = arith.muli %scan3A_17, %mul3A_538 : i32
      %add3A_540 = arith.constant 18 : i32
      %add3A_541 = arith.addi %mul3A_539, %add3A_540 : i32
      %dma_wait3A_542 = arith.constant 0 : i32
      %dma_wait3A_543 = tpu.memref_slice %arg6[%add3A_541, %dma_wait3A_542] : memref<80x128xi32, #tpu.memory_space<vmem>> -> memref<1x128xi32, #tpu.memory_space<vmem>>
      %dma_wait3A_544 = tpu.memref_squeeze %dma_wait3A_543 : memref<1x128xi32, #tpu.memory_space<vmem>> -> memref<128xi32, #tpu.memory_space<vmem>>
      %dma_wait3A_545 = arith.constant 0 : i32
      %dma_wait3A_546 = tpu.memref_slice %arg8[%dma_wait3A_545] : memref<10240xf32, #tpu.memory_space<vmem_shared>> -> memref<10240xf32, #tpu.memory_space<vmem_shared>>
      tpu.wait_indirect_dma semaphore(%arg9 : memref<!tpu.dma_semaphore, #tpu.memory_space<semaphore_mem>>) src(%arg7 : memref<128xf32, #tpu.memory_space<vmem>>) dst(%dma_wait3A_546 : memref<10240xf32, #tpu.memory_space<vmem_shared>>)
      %mul3A_547 = arith.constant 40 : i32
      %mul3A_548 = arith.muli %scan3A_17, %mul3A_547 : i32
      %add3A_549 = arith.constant 19 : i32
      %add3A_550 = arith.addi %mul3A_548, %add3A_549 : i32
      %dma_wait3A_551 = arith.constant 0 : i32
      %dma_wait3A_552 = tpu.memref_slice %arg6[%add3A_550, %dma_wait3A_551] : memref<80x128xi32, #tpu.memory_space<vmem>> -> memref<1x128xi32, #tpu.memory_space<vmem>>
      %dma_wait3A_553 = tpu.memref_squeeze %dma_wait3A_552 : memref<1x128xi32, #tpu.memory_space<vmem>> -> memref<128xi32, #tpu.memory_space<vmem>>
      %dma_wait3A_554 = arith.constant 0 : i32
      %dma_wait3A_555 = tpu.memref_slice %arg8[%dma_wait3A_554] : memref<10240xf32, #tpu.memory_space<vmem_shared>> -> memref<10240xf32, #tpu.memory_space<vmem_shared>>
      tpu.wait_indirect_dma semaphore(%arg9 : memref<!tpu.dma_semaphore, #tpu.memory_space<semaphore_mem>>) src(%arg7 : memref<128xf32, #tpu.memory_space<vmem>>) dst(%dma_wait3A_555 : memref<10240xf32, #tpu.memory_space<vmem_shared>>)
      %mul3A_556 = arith.constant 40 : i32
      %mul3A_557 = arith.muli %scan3A_17, %mul3A_556 : i32
      %add3A_558 = arith.constant 20 : i32
      %add3A_559 = arith.addi %mul3A_557, %add3A_558 : i32
      %dma_wait3A_560 = arith.constant 0 : i32
      %dma_wait3A_561 = tpu.memref_slice %arg6[%add3A_559, %dma_wait3A_560] : memref<80x128xi32, #tpu.memory_space<vmem>> -> memref<1x128xi32, #tpu.memory_space<vmem>>
      %dma_wait3A_562 = tpu.memref_squeeze %dma_wait3A_561 : memref<1x128xi32, #tpu.memory_space<vmem>> -> memref<128xi32, #tpu.memory_space<vmem>>
      %dma_wait3A_563 = arith.constant 0 : i32
      %dma_wait3A_564 = tpu.memref_slice %arg8[%dma_wait3A_563] : memref<10240xf32, #tpu.memory_space<vmem_shared>> -> memref<10240xf32, #tpu.memory_space<vmem_shared>>
      tpu.wait_indirect_dma semaphore(%arg9 : memref<!tpu.dma_semaphore, #tpu.memory_space<semaphore_mem>>) src(%arg7 : memref<128xf32, #tpu.memory_space<vmem>>) dst(%dma_wait3A_564 : memref<10240xf32, #tpu.memory_space<vmem_shared>>)
      %mul3A_565 = arith.constant 40 : i32
      %mul3A_566 = arith.muli %scan3A_17, %mul3A_565 : i32
      %add3A_567 = arith.constant 21 : i32
      %add3A_568 = arith.addi %mul3A_566, %add3A_567 : i32
      %dma_wait3A_569 = arith.constant 0 : i32
      %dma_wait3A_570 = tpu.memref_slice %arg6[%add3A_568, %dma_wait3A_569] : memref<80x128xi32, #tpu.memory_space<vmem>> -> memref<1x128xi32, #tpu.memory_space<vmem>>
      %dma_wait3A_571 = tpu.memref_squeeze %dma_wait3A_570 : memref<1x128xi32, #tpu.memory_space<vmem>> -> memref<128xi32, #tpu.memory_space<vmem>>
      %dma_wait3A_572 = arith.constant 0 : i32
      %dma_wait3A_573 = tpu.memref_slice %arg8[%dma_wait3A_572] : memref<10240xf32, #tpu.memory_space<vmem_shared>> -> memref<10240xf32, #tpu.memory_space<vmem_shared>>
      tpu.wait_indirect_dma semaphore(%arg9 : memref<!tpu.dma_semaphore, #tpu.memory_space<semaphore_mem>>) src(%arg7 : memref<128xf32, #tpu.memory_space<vmem>>) dst(%dma_wait3A_573 : memref<10240xf32, #tpu.memory_space<vmem_shared>>)
      %mul3A_574 = arith.constant 40 : i32
      %mul3A_575 = arith.muli %scan3A_17, %mul3A_574 : i32
      %add3A_576 = arith.constant 22 : i32
      %add3A_577 = arith.addi %mul3A_575, %add3A_576 : i32
      %dma_wait3A_578 = arith.constant 0 : i32
      %dma_wait3A_579 = tpu.memref_slice %arg6[%add3A_577, %dma_wait3A_578] : memref<80x128xi32, #tpu.memory_space<vmem>> -> memref<1x128xi32, #tpu.memory_space<vmem>>
      %dma_wait3A_580 = tpu.memref_squeeze %dma_wait3A_579 : memref<1x128xi32, #tpu.memory_space<vmem>> -> memref<128xi32, #tpu.memory_space<vmem>>
      %dma_wait3A_581 = arith.constant 0 : i32
      %dma_wait3A_582 = tpu.memref_slice %arg8[%dma_wait3A_581] : memref<10240xf32, #tpu.memory_space<vmem_shared>> -> memref<10240xf32, #tpu.memory_space<vmem_shared>>
      tpu.wait_indirect_dma semaphore(%arg9 : memref<!tpu.dma_semaphore, #tpu.memory_space<semaphore_mem>>) src(%arg7 : memref<128xf32, #tpu.memory_space<vmem>>) dst(%dma_wait3A_582 : memref<10240xf32, #tpu.memory_space<vmem_shared>>)
      %mul3A_583 = arith.constant 40 : i32
      %mul3A_584 = arith.muli %scan3A_17, %mul3A_583 : i32
      %add3A_585 = arith.constant 23 : i32
      %add3A_586 = arith.addi %mul3A_584, %add3A_585 : i32
      %dma_wait3A_587 = arith.constant 0 : i32
      %dma_wait3A_588 = tpu.memref_slice %arg6[%add3A_586, %dma_wait3A_587] : memref<80x128xi32, #tpu.memory_space<vmem>> -> memref<1x128xi32, #tpu.memory_space<vmem>>
      %dma_wait3A_589 = tpu.memref_squeeze %dma_wait3A_588 : memref<1x128xi32, #tpu.memory_space<vmem>> -> memref<128xi32, #tpu.memory_space<vmem>>
      %dma_wait3A_590 = arith.constant 0 : i32
      %dma_wait3A_591 = tpu.memref_slice %arg8[%dma_wait3A_590] : memref<10240xf32, #tpu.memory_space<vmem_shared>> -> memref<10240xf32, #tpu.memory_space<vmem_shared>>
      tpu.wait_indirect_dma semaphore(%arg9 : memref<!tpu.dma_semaphore, #tpu.memory_space<semaphore_mem>>) src(%arg7 : memref<128xf32, #tpu.memory_space<vmem>>) dst(%dma_wait3A_591 : memref<10240xf32, #tpu.memory_space<vmem_shared>>)
      %mul3A_592 = arith.constant 40 : i32
      %mul3A_593 = arith.muli %scan3A_17, %mul3A_592 : i32
      %add3A_594 = arith.constant 24 : i32
      %add3A_595 = arith.addi %mul3A_593, %add3A_594 : i32
      %dma_wait3A_596 = arith.constant 0 : i32
      %dma_wait3A_597 = tpu.memref_slice %arg6[%add3A_595, %dma_wait3A_596] : memref<80x128xi32, #tpu.memory_space<vmem>> -> memref<1x128xi32, #tpu.memory_space<vmem>>
      %dma_wait3A_598 = tpu.memref_squeeze %dma_wait3A_597 : memref<1x128xi32, #tpu.memory_space<vmem>> -> memref<128xi32, #tpu.memory_space<vmem>>
      %dma_wait3A_599 = arith.constant 0 : i32
      %dma_wait3A_600 = tpu.memref_slice %arg8[%dma_wait3A_599] : memref<10240xf32, #tpu.memory_space<vmem_shared>> -> memref<10240xf32, #tpu.memory_space<vmem_shared>>
      tpu.wait_indirect_dma semaphore(%arg9 : memref<!tpu.dma_semaphore, #tpu.memory_space<semaphore_mem>>) src(%arg7 : memref<128xf32, #tpu.memory_space<vmem>>) dst(%dma_wait3A_600 : memref<10240xf32, #tpu.memory_space<vmem_shared>>)
      %mul3A_601 = arith.constant 40 : i32
      %mul3A_602 = arith.muli %scan3A_17, %mul3A_601 : i32
      %add3A_603 = arith.constant 25 : i32
      %add3A_604 = arith.addi %mul3A_602, %add3A_603 : i32
      %dma_wait3A_605 = arith.constant 0 : i32
      %dma_wait3A_606 = tpu.memref_slice %arg6[%add3A_604, %dma_wait3A_605] : memref<80x128xi32, #tpu.memory_space<vmem>> -> memref<1x128xi32, #tpu.memory_space<vmem>>
      %dma_wait3A_607 = tpu.memref_squeeze %dma_wait3A_606 : memref<1x128xi32, #tpu.memory_space<vmem>> -> memref<128xi32, #tpu.memory_space<vmem>>
      %dma_wait3A_608 = arith.constant 0 : i32
      %dma_wait3A_609 = tpu.memref_slice %arg8[%dma_wait3A_608] : memref<10240xf32, #tpu.memory_space<vmem_shared>> -> memref<10240xf32, #tpu.memory_space<vmem_shared>>
      tpu.wait_indirect_dma semaphore(%arg9 : memref<!tpu.dma_semaphore, #tpu.memory_space<semaphore_mem>>) src(%arg7 : memref<128xf32, #tpu.memory_space<vmem>>) dst(%dma_wait3A_609 : memref<10240xf32, #tpu.memory_space<vmem_shared>>)
      %mul3A_610 = arith.constant 40 : i32
      %mul3A_611 = arith.muli %scan3A_17, %mul3A_610 : i32
      %add3A_612 = arith.constant 26 : i32
      %add3A_613 = arith.addi %mul3A_611, %add3A_612 : i32
      %dma_wait3A_614 = arith.constant 0 : i32
      %dma_wait3A_615 = tpu.memref_slice %arg6[%add3A_613, %dma_wait3A_614] : memref<80x128xi32, #tpu.memory_space<vmem>> -> memref<1x128xi32, #tpu.memory_space<vmem>>
      %dma_wait3A_616 = tpu.memref_squeeze %dma_wait3A_615 : memref<1x128xi32, #tpu.memory_space<vmem>> -> memref<128xi32, #tpu.memory_space<vmem>>
      %dma_wait3A_617 = arith.constant 0 : i32
      %dma_wait3A_618 = tpu.memref_slice %arg8[%dma_wait3A_617] : memref<10240xf32, #tpu.memory_space<vmem_shared>> -> memref<10240xf32, #tpu.memory_space<vmem_shared>>
      tpu.wait_indirect_dma semaphore(%arg9 : memref<!tpu.dma_semaphore, #tpu.memory_space<semaphore_mem>>) src(%arg7 : memref<128xf32, #tpu.memory_space<vmem>>) dst(%dma_wait3A_618 : memref<10240xf32, #tpu.memory_space<vmem_shared>>)
      %mul3A_619 = arith.constant 40 : i32
      %mul3A_620 = arith.muli %scan3A_17, %mul3A_619 : i32
      %add3A_621 = arith.constant 27 : i32
      %add3A_622 = arith.addi %mul3A_620, %add3A_621 : i32
      %dma_wait3A_623 = arith.constant 0 : i32
      %dma_wait3A_624 = tpu.memref_slice %arg6[%add3A_622, %dma_wait3A_623] : memref<80x128xi32, #tpu.memory_space<vmem>> -> memref<1x128xi32, #tpu.memory_space<vmem>>
      %dma_wait3A_625 = tpu.memref_squeeze %dma_wait3A_624 : memref<1x128xi32, #tpu.memory_space<vmem>> -> memref<128xi32, #tpu.memory_space<vmem>>
      %dma_wait3A_626 = arith.constant 0 : i32
      %dma_wait3A_627 = tpu.memref_slice %arg8[%dma_wait3A_626] : memref<10240xf32, #tpu.memory_space<vmem_shared>> -> memref<10240xf32, #tpu.memory_space<vmem_shared>>
      tpu.wait_indirect_dma semaphore(%arg9 : memref<!tpu.dma_semaphore, #tpu.memory_space<semaphore_mem>>) src(%arg7 : memref<128xf32, #tpu.memory_space<vmem>>) dst(%dma_wait3A_627 : memref<10240xf32, #tpu.memory_space<vmem_shared>>)
      %mul3A_628 = arith.constant 40 : i32
      %mul3A_629 = arith.muli %scan3A_17, %mul3A_628 : i32
      %add3A_630 = arith.constant 28 : i32
      %add3A_631 = arith.addi %mul3A_629, %add3A_630 : i32
      %dma_wait3A_632 = arith.constant 0 : i32
      %dma_wait3A_633 = tpu.memref_slice %arg6[%add3A_631, %dma_wait3A_632] : memref<80x128xi32, #tpu.memory_space<vmem>> -> memref<1x128xi32, #tpu.memory_space<vmem>>
      %dma_wait3A_634 = tpu.memref_squeeze %dma_wait3A_633 : memref<1x128xi32, #tpu.memory_space<vmem>> -> memref<128xi32, #tpu.memory_space<vmem>>
      %dma_wait3A_635 = arith.constant 0 : i32
      %dma_wait3A_636 = tpu.memref_slice %arg8[%dma_wait3A_635] : memref<10240xf32, #tpu.memory_space<vmem_shared>> -> memref<10240xf32, #tpu.memory_space<vmem_shared>>
      tpu.wait_indirect_dma semaphore(%arg9 : memref<!tpu.dma_semaphore, #tpu.memory_space<semaphore_mem>>) src(%arg7 : memref<128xf32, #tpu.memory_space<vmem>>) dst(%dma_wait3A_636 : memref<10240xf32, #tpu.memory_space<vmem_shared>>)
      %mul3A_637 = arith.constant 40 : i32
      %mul3A_638 = arith.muli %scan3A_17, %mul3A_637 : i32
      %add3A_639 = arith.constant 29 : i32
      %add3A_640 = arith.addi %mul3A_638, %add3A_639 : i32
      %dma_wait3A_641 = arith.constant 0 : i32
      %dma_wait3A_642 = tpu.memref_slice %arg6[%add3A_640, %dma_wait3A_641] : memref<80x128xi32, #tpu.memory_space<vmem>> -> memref<1x128xi32, #tpu.memory_space<vmem>>
      %dma_wait3A_643 = tpu.memref_squeeze %dma_wait3A_642 : memref<1x128xi32, #tpu.memory_space<vmem>> -> memref<128xi32, #tpu.memory_space<vmem>>
      %dma_wait3A_644 = arith.constant 0 : i32
      %dma_wait3A_645 = tpu.memref_slice %arg8[%dma_wait3A_644] : memref<10240xf32, #tpu.memory_space<vmem_shared>> -> memref<10240xf32, #tpu.memory_space<vmem_shared>>
      tpu.wait_indirect_dma semaphore(%arg9 : memref<!tpu.dma_semaphore, #tpu.memory_space<semaphore_mem>>) src(%arg7 : memref<128xf32, #tpu.memory_space<vmem>>) dst(%dma_wait3A_645 : memref<10240xf32, #tpu.memory_space<vmem_shared>>)
      %mul3A_646 = arith.constant 40 : i32
      %mul3A_647 = arith.muli %scan3A_17, %mul3A_646 : i32
      %add3A_648 = arith.constant 30 : i32
      %add3A_649 = arith.addi %mul3A_647, %add3A_648 : i32
      %dma_wait3A_650 = arith.constant 0 : i32
      %dma_wait3A_651 = tpu.memref_slice %arg6[%add3A_649, %dma_wait3A_650] : memref<80x128xi32, #tpu.memory_space<vmem>> -> memref<1x128xi32, #tpu.memory_space<vmem>>
      %dma_wait3A_652 = tpu.memref_squeeze %dma_wait3A_651 : memref<1x128xi32, #tpu.memory_space<vmem>> -> memref<128xi32, #tpu.memory_space<vmem>>
      %dma_wait3A_653 = arith.constant 0 : i32
      %dma_wait3A_654 = tpu.memref_slice %arg8[%dma_wait3A_653] : memref<10240xf32, #tpu.memory_space<vmem_shared>> -> memref<10240xf32, #tpu.memory_space<vmem_shared>>
      tpu.wait_indirect_dma semaphore(%arg9 : memref<!tpu.dma_semaphore, #tpu.memory_space<semaphore_mem>>) src(%arg7 : memref<128xf32, #tpu.memory_space<vmem>>) dst(%dma_wait3A_654 : memref<10240xf32, #tpu.memory_space<vmem_shared>>)
      %mul3A_655 = arith.constant 40 : i32
      %mul3A_656 = arith.muli %scan3A_17, %mul3A_655 : i32
      %add3A_657 = arith.constant 31 : i32
      %add3A_658 = arith.addi %mul3A_656, %add3A_657 : i32
      %dma_wait3A_659 = arith.constant 0 : i32
      %dma_wait3A_660 = tpu.memref_slice %arg6[%add3A_658, %dma_wait3A_659] : memref<80x128xi32, #tpu.memory_space<vmem>> -> memref<1x128xi32, #tpu.memory_space<vmem>>
      %dma_wait3A_661 = tpu.memref_squeeze %dma_wait3A_660 : memref<1x128xi32, #tpu.memory_space<vmem>> -> memref<128xi32, #tpu.memory_space<vmem>>
      %dma_wait3A_662 = arith.constant 0 : i32
      %dma_wait3A_663 = tpu.memref_slice %arg8[%dma_wait3A_662] : memref<10240xf32, #tpu.memory_space<vmem_shared>> -> memref<10240xf32, #tpu.memory_space<vmem_shared>>
      tpu.wait_indirect_dma semaphore(%arg9 : memref<!tpu.dma_semaphore, #tpu.memory_space<semaphore_mem>>) src(%arg7 : memref<128xf32, #tpu.memory_space<vmem>>) dst(%dma_wait3A_663 : memref<10240xf32, #tpu.memory_space<vmem_shared>>)
      %mul3A_664 = arith.constant 40 : i32
      %mul3A_665 = arith.muli %scan3A_17, %mul3A_664 : i32
      %add3A_666 = arith.constant 32 : i32
      %add3A_667 = arith.addi %mul3A_665, %add3A_666 : i32
      %dma_wait3A_668 = arith.constant 0 : i32
      %dma_wait3A_669 = tpu.memref_slice %arg6[%add3A_667, %dma_wait3A_668] : memref<80x128xi32, #tpu.memory_space<vmem>> -> memref<1x128xi32, #tpu.memory_space<vmem>>
      %dma_wait3A_670 = tpu.memref_squeeze %dma_wait3A_669 : memref<1x128xi32, #tpu.memory_space<vmem>> -> memref<128xi32, #tpu.memory_space<vmem>>
      %dma_wait3A_671 = arith.constant 0 : i32
      %dma_wait3A_672 = tpu.memref_slice %arg8[%dma_wait3A_671] : memref<10240xf32, #tpu.memory_space<vmem_shared>> -> memref<10240xf32, #tpu.memory_space<vmem_shared>>
      tpu.wait_indirect_dma semaphore(%arg9 : memref<!tpu.dma_semaphore, #tpu.memory_space<semaphore_mem>>) src(%arg7 : memref<128xf32, #tpu.memory_space<vmem>>) dst(%dma_wait3A_672 : memref<10240xf32, #tpu.memory_space<vmem_shared>>)
      %mul3A_673 = arith.constant 40 : i32
      %mul3A_674 = arith.muli %scan3A_17, %mul3A_673 : i32
      %add3A_675 = arith.constant 33 : i32
      %add3A_676 = arith.addi %mul3A_674, %add3A_675 : i32
      %dma_wait3A_677 = arith.constant 0 : i32
      %dma_wait3A_678 = tpu.memref_slice %arg6[%add3A_676, %dma_wait3A_677] : memref<80x128xi32, #tpu.memory_space<vmem>> -> memref<1x128xi32, #tpu.memory_space<vmem>>
      %dma_wait3A_679 = tpu.memref_squeeze %dma_wait3A_678 : memref<1x128xi32, #tpu.memory_space<vmem>> -> memref<128xi32, #tpu.memory_space<vmem>>
      %dma_wait3A_680 = arith.constant 0 : i32
      %dma_wait3A_681 = tpu.memref_slice %arg8[%dma_wait3A_680] : memref<10240xf32, #tpu.memory_space<vmem_shared>> -> memref<10240xf32, #tpu.memory_space<vmem_shared>>
      tpu.wait_indirect_dma semaphore(%arg9 : memref<!tpu.dma_semaphore, #tpu.memory_space<semaphore_mem>>) src(%arg7 : memref<128xf32, #tpu.memory_space<vmem>>) dst(%dma_wait3A_681 : memref<10240xf32, #tpu.memory_space<vmem_shared>>)
      %mul3A_682 = arith.constant 40 : i32
      %mul3A_683 = arith.muli %scan3A_17, %mul3A_682 : i32
      %add3A_684 = arith.constant 34 : i32
      %add3A_685 = arith.addi %mul3A_683, %add3A_684 : i32
      %dma_wait3A_686 = arith.constant 0 : i32
      %dma_wait3A_687 = tpu.memref_slice %arg6[%add3A_685, %dma_wait3A_686] : memref<80x128xi32, #tpu.memory_space<vmem>> -> memref<1x128xi32, #tpu.memory_space<vmem>>
      %dma_wait3A_688 = tpu.memref_squeeze %dma_wait3A_687 : memref<1x128xi32, #tpu.memory_space<vmem>> -> memref<128xi32, #tpu.memory_space<vmem>>
      %dma_wait3A_689 = arith.constant 0 : i32
      %dma_wait3A_690 = tpu.memref_slice %arg8[%dma_wait3A_689] : memref<10240xf32, #tpu.memory_space<vmem_shared>> -> memref<10240xf32, #tpu.memory_space<vmem_shared>>
      tpu.wait_indirect_dma semaphore(%arg9 : memref<!tpu.dma_semaphore, #tpu.memory_space<semaphore_mem>>) src(%arg7 : memref<128xf32, #tpu.memory_space<vmem>>) dst(%dma_wait3A_690 : memref<10240xf32, #tpu.memory_space<vmem_shared>>)
      %mul3A_691 = arith.constant 40 : i32
      %mul3A_692 = arith.muli %scan3A_17, %mul3A_691 : i32
      %add3A_693 = arith.constant 35 : i32
      %add3A_694 = arith.addi %mul3A_692, %add3A_693 : i32
      %dma_wait3A_695 = arith.constant 0 : i32
      %dma_wait3A_696 = tpu.memref_slice %arg6[%add3A_694, %dma_wait3A_695] : memref<80x128xi32, #tpu.memory_space<vmem>> -> memref<1x128xi32, #tpu.memory_space<vmem>>
      %dma_wait3A_697 = tpu.memref_squeeze %dma_wait3A_696 : memref<1x128xi32, #tpu.memory_space<vmem>> -> memref<128xi32, #tpu.memory_space<vmem>>
      %dma_wait3A_698 = arith.constant 0 : i32
      %dma_wait3A_699 = tpu.memref_slice %arg8[%dma_wait3A_698] : memref<10240xf32, #tpu.memory_space<vmem_shared>> -> memref<10240xf32, #tpu.memory_space<vmem_shared>>
      tpu.wait_indirect_dma semaphore(%arg9 : memref<!tpu.dma_semaphore, #tpu.memory_space<semaphore_mem>>) src(%arg7 : memref<128xf32, #tpu.memory_space<vmem>>) dst(%dma_wait3A_699 : memref<10240xf32, #tpu.memory_space<vmem_shared>>)
      %mul3A_700 = arith.constant 40 : i32
      %mul3A_701 = arith.muli %scan3A_17, %mul3A_700 : i32
      %add3A_702 = arith.constant 36 : i32
      %add3A_703 = arith.addi %mul3A_701, %add3A_702 : i32
      %dma_wait3A_704 = arith.constant 0 : i32
      %dma_wait3A_705 = tpu.memref_slice %arg6[%add3A_703, %dma_wait3A_704] : memref<80x128xi32, #tpu.memory_space<vmem>> -> memref<1x128xi32, #tpu.memory_space<vmem>>
      %dma_wait3A_706 = tpu.memref_squeeze %dma_wait3A_705 : memref<1x128xi32, #tpu.memory_space<vmem>> -> memref<128xi32, #tpu.memory_space<vmem>>
      %dma_wait3A_707 = arith.constant 0 : i32
      %dma_wait3A_708 = tpu.memref_slice %arg8[%dma_wait3A_707] : memref<10240xf32, #tpu.memory_space<vmem_shared>> -> memref<10240xf32, #tpu.memory_space<vmem_shared>>
      tpu.wait_indirect_dma semaphore(%arg9 : memref<!tpu.dma_semaphore, #tpu.memory_space<semaphore_mem>>) src(%arg7 : memref<128xf32, #tpu.memory_space<vmem>>) dst(%dma_wait3A_708 : memref<10240xf32, #tpu.memory_space<vmem_shared>>)
      %mul3A_709 = arith.constant 40 : i32
      %mul3A_710 = arith.muli %scan3A_17, %mul3A_709 : i32
      %add3A_711 = arith.constant 37 : i32
      %add3A_712 = arith.addi %mul3A_710, %add3A_711 : i32
      %dma_wait3A_713 = arith.constant 0 : i32
      %dma_wait3A_714 = tpu.memref_slice %arg6[%add3A_712, %dma_wait3A_713] : memref<80x128xi32, #tpu.memory_space<vmem>> -> memref<1x128xi32, #tpu.memory_space<vmem>>
      %dma_wait3A_715 = tpu.memref_squeeze %dma_wait3A_714 : memref<1x128xi32, #tpu.memory_space<vmem>> -> memref<128xi32, #tpu.memory_space<vmem>>
      %dma_wait3A_716 = arith.constant 0 : i32
      %dma_wait3A_717 = tpu.memref_slice %arg8[%dma_wait3A_716] : memref<10240xf32, #tpu.memory_space<vmem_shared>> -> memref<10240xf32, #tpu.memory_space<vmem_shared>>
      tpu.wait_indirect_dma semaphore(%arg9 : memref<!tpu.dma_semaphore, #tpu.memory_space<semaphore_mem>>) src(%arg7 : memref<128xf32, #tpu.memory_space<vmem>>) dst(%dma_wait3A_717 : memref<10240xf32, #tpu.memory_space<vmem_shared>>)
      %mul3A_718 = arith.constant 40 : i32
      %mul3A_719 = arith.muli %scan3A_17, %mul3A_718 : i32
      %add3A_720 = arith.constant 38 : i32
      %add3A_721 = arith.addi %mul3A_719, %add3A_720 : i32
      %dma_wait3A_722 = arith.constant 0 : i32
      %dma_wait3A_723 = tpu.memref_slice %arg6[%add3A_721, %dma_wait3A_722] : memref<80x128xi32, #tpu.memory_space<vmem>> -> memref<1x128xi32, #tpu.memory_space<vmem>>
      %dma_wait3A_724 = tpu.memref_squeeze %dma_wait3A_723 : memref<1x128xi32, #tpu.memory_space<vmem>> -> memref<128xi32, #tpu.memory_space<vmem>>
      %dma_wait3A_725 = arith.constant 0 : i32
      %dma_wait3A_726 = tpu.memref_slice %arg8[%dma_wait3A_725] : memref<10240xf32, #tpu.memory_space<vmem_shared>> -> memref<10240xf32, #tpu.memory_space<vmem_shared>>
      tpu.wait_indirect_dma semaphore(%arg9 : memref<!tpu.dma_semaphore, #tpu.memory_space<semaphore_mem>>) src(%arg7 : memref<128xf32, #tpu.memory_space<vmem>>) dst(%dma_wait3A_726 : memref<10240xf32, #tpu.memory_space<vmem_shared>>)
      %mul3A_727 = arith.constant 40 : i32
      %mul3A_728 = arith.muli %scan3A_17, %mul3A_727 : i32
      %add3A_729 = arith.constant 39 : i32
      %add3A_730 = arith.addi %mul3A_728, %add3A_729 : i32
      %dma_wait3A_731 = arith.constant 0 : i32
      %dma_wait3A_732 = tpu.memref_slice %arg6[%add3A_730, %dma_wait3A_731] : memref<80x128xi32, #tpu.memory_space<vmem>> -> memref<1x128xi32, #tpu.memory_space<vmem>>
      %dma_wait3A_733 = tpu.memref_squeeze %dma_wait3A_732 : memref<1x128xi32, #tpu.memory_space<vmem>> -> memref<128xi32, #tpu.memory_space<vmem>>
      %dma_wait3A_734 = arith.constant 0 : i32
      %dma_wait3A_735 = tpu.memref_slice %arg8[%dma_wait3A_734] : memref<10240xf32, #tpu.memory_space<vmem_shared>> -> memref<10240xf32, #tpu.memory_space<vmem_shared>>
      tpu.wait_indirect_dma semaphore(%arg9 : memref<!tpu.dma_semaphore, #tpu.memory_space<semaphore_mem>>) src(%arg7 : memref<128xf32, #tpu.memory_space<vmem>>) dst(%dma_wait3A_735 : memref<10240xf32, #tpu.memory_space<vmem_shared>>)
    }
    %scan3A_11 = arith.constant 2 : i32
    %barrier3A_12 = arith.constant 0 : index
    tpu.barrier barrier_id(%barrier3A_12)
    %mul3A_13 = arith.constant 640 : i32
    %mul3A_14 = arith.muli %arg1, %mul3A_13 : i32
    %mul3A_15 = arith.constant 640 : i32
    %mul3A_16 = arith.muli %arg1, %mul3A_15 : i32
    "tpu.region"() ({
      %run_scoped3A = tpu.sem_alloc : memref<!tpu.dma_semaphore, #tpu.memory_space<semaphore_mem>>
      %dma_start3A = tpu.memref_slice %arg5[%arg0, %mul3A_16] : memref<2x10240xf32, #tpu.memory_space<hbm>> -> memref<1x640xf32, #tpu.memory_space<hbm>>
      %dma_start3A_17 = tpu.memref_squeeze %dma_start3A : memref<1x640xf32, #tpu.memory_space<hbm>> -> memref<640xf32, #tpu.memory_space<hbm>>
      %dma_start3A_18 = tpu.memref_slice %arg8[%mul3A_14] : memref<10240xf32, #tpu.memory_space<vmem_shared>> -> memref<640xf32, #tpu.memory_space<vmem_shared>>
      tpu.enqueue_dma source(%dma_start3A_18 : memref<640xf32, #tpu.memory_space<vmem_shared>>) target(%dma_start3A_17 : memref<640xf32, #tpu.memory_space<hbm>>) target_semaphore(%run_scoped3A : memref<!tpu.dma_semaphore, #tpu.memory_space<semaphore_mem>>)
      %dma_wait3A = tpu.memref_slice %arg5[%arg0, %mul3A_16] : memref<2x10240xf32, #tpu.memory_space<hbm>> -> memref<1x640xf32, #tpu.memory_space<hbm>>
      %dma_wait3A_19 = tpu.memref_squeeze %dma_wait3A : memref<1x640xf32, #tpu.memory_space<hbm>> -> memref<640xf32, #tpu.memory_space<hbm>>
      %dma_wait3A_20 = tpu.memref_slice %arg8[%mul3A_14] : memref<10240xf32, #tpu.memory_space<vmem_shared>> -> memref<640xf32, #tpu.memory_space<vmem_shared>>
      tpu.wait_dma2 semaphore(%run_scoped3A : memref<!tpu.dma_semaphore, #tpu.memory_space<semaphore_mem>>) src(%dma_wait3A_20 : memref<640xf32, #tpu.memory_space<vmem_shared>>) dst(%dma_wait3A_19 : memref<640xf32, #tpu.memory_space<hbm>>)
      tpu.yield
    }) : () -> ()
    return
  }
}

#map = affine_map<(d0, d1) -> (0, 0, 0)>
#map1 = affine_map<(d0, d1) -> (0, 0)>
module attributes {stable_mosaic.version = 14 : i64} {
  func.func @_edge_body(%arg0: i32, %arg1: i32, %arg2: memref<2x10240x64xf32, #tpu.memory_space<hbm>>, %arg3: memref<2560x128xi32, #tpu.memory_space<hbm>>, %arg4: memref<2560x128xi32, #tpu.memory_space<hbm>>, %arg5: memref<2x10240x64xf32, #tpu.memory_space<hbm>>, %arg6: memref<160x128xi32, #tpu.memory_space<vmem>>, %arg7: memref<160x128xi32, #tpu.memory_space<vmem>>, %arg8: memref<5x128x64xf32, #tpu.memory_space<vmem>>, %arg9: memref<10240x64xf32, #tpu.memory_space<vmem_shared>>, %arg10: memref<5x!tpu.dma_semaphore, #tpu.memory_space<semaphore_mem>>, %arg11: memref<5x!tpu.dma_semaphore, #tpu.memory_space<semaphore_mem>>) attributes {dimension_semantics = [#tpu.dimension_semantics<core_parallel>, #tpu.dimension_semantics<subcore_parallel>], iteration_bounds = array<i64: 2, 16>, scalar_prefetch = 0 : i64, scratch_operands = 6 : i64, tpu.core_type = #tpu.core_type<sc_vector_subcore>, window_params = [{transform_indices = #map}, {transform_indices = #map1}, {transform_indices = #map1}, {transform_indices = #map}]} {
    %mul3A = arith.constant 640 : i32
    %mul3A_0 = arith.muli %arg1, %mul3A : i32
    %mul3A_1 = arith.constant 640 : i32
    %mul3A_2 = arith.muli %arg1, %mul3A_1 : i32
    "tpu.region"() ({
      %run_scoped3A = tpu.sem_alloc : memref<!tpu.dma_semaphore, #tpu.memory_space<semaphore_mem>>
      %dma_start3A_166 = arith.constant 0 : i32
      %dma_start3A_167 = tpu.memref_slice %arg9[%mul3A_2, %dma_start3A_166] : memref<10240x64xf32, #tpu.memory_space<vmem_shared>> -> memref<640x64xf32, #tpu.memory_space<vmem_shared>>
      %dma_start3A_168 = arith.constant 0 : i32
      %dma_start3A_169 = tpu.memref_slice %arg2[%arg0, %mul3A_0, %dma_start3A_168] : memref<2x10240x64xf32, #tpu.memory_space<hbm>> -> memref<1x640x64xf32, #tpu.memory_space<hbm>>
      %dma_start3A_170 = tpu.memref_squeeze %dma_start3A_169 : memref<1x640x64xf32, #tpu.memory_space<hbm>> -> memref<640x64xf32, #tpu.memory_space<hbm>>
      tpu.enqueue_dma source(%dma_start3A_170 : memref<640x64xf32, #tpu.memory_space<hbm>>) target(%dma_start3A_167 : memref<640x64xf32, #tpu.memory_space<vmem_shared>>) target_semaphore(%run_scoped3A : memref<!tpu.dma_semaphore, #tpu.memory_space<semaphore_mem>>)
      %dma_wait3A_171 = arith.constant 0 : i32
      %dma_wait3A_172 = tpu.memref_slice %arg9[%mul3A_2, %dma_wait3A_171] : memref<10240x64xf32, #tpu.memory_space<vmem_shared>> -> memref<640x64xf32, #tpu.memory_space<vmem_shared>>
      %dma_wait3A_173 = arith.constant 0 : i32
      %dma_wait3A_174 = tpu.memref_slice %arg2[%arg0, %mul3A_0, %dma_wait3A_173] : memref<2x10240x64xf32, #tpu.memory_space<hbm>> -> memref<1x640x64xf32, #tpu.memory_space<hbm>>
      %dma_wait3A_175 = tpu.memref_squeeze %dma_wait3A_174 : memref<1x640x64xf32, #tpu.memory_space<hbm>> -> memref<640x64xf32, #tpu.memory_space<hbm>>
      tpu.wait_dma2 semaphore(%run_scoped3A : memref<!tpu.dma_semaphore, #tpu.memory_space<semaphore_mem>>) src(%dma_wait3A_175 : memref<640x64xf32, #tpu.memory_space<hbm>>) dst(%dma_wait3A_172 : memref<640x64xf32, #tpu.memory_space<vmem_shared>>)
      tpu.yield
    }) : () -> ()
    %mul3A_3 = arith.constant 160 : i32
    %mul3A_4 = arith.muli %arg1, %mul3A_3 : i32
    "tpu.region"() ({
      %run_scoped3A = tpu.sem_alloc : memref<!tpu.dma_semaphore, #tpu.memory_space<semaphore_mem>>
      %dma_start3A_166 = arith.constant 0 : i32
      %dma_start3A_167 = tpu.memref_slice %arg3[%mul3A_4, %dma_start3A_166] : memref<2560x128xi32, #tpu.memory_space<hbm>> -> memref<160x128xi32, #tpu.memory_space<hbm>>
      %dma_start3A_168 = arith.constant 0 : i32
      %dma_start3A_169 = tpu.memref_slice %arg3[%mul3A_4, %dma_start3A_168] : memref<2560x128xi32, #tpu.memory_space<hbm>> -> memref<160x128xi32, #tpu.memory_space<hbm>>
      tpu.enqueue_dma source(%dma_start3A_169 : memref<160x128xi32, #tpu.memory_space<hbm>>) target(%arg6 : memref<160x128xi32, #tpu.memory_space<vmem>>) target_semaphore(%run_scoped3A : memref<!tpu.dma_semaphore, #tpu.memory_space<semaphore_mem>>)
      %dma_wait3A_170 = arith.constant 0 : i32
      %dma_wait3A_171 = tpu.memref_slice %arg3[%mul3A_4, %dma_wait3A_170] : memref<2560x128xi32, #tpu.memory_space<hbm>> -> memref<160x128xi32, #tpu.memory_space<hbm>>
      %dma_wait3A_172 = arith.constant 0 : i32
      %dma_wait3A_173 = tpu.memref_slice %arg3[%mul3A_4, %dma_wait3A_172] : memref<2560x128xi32, #tpu.memory_space<hbm>> -> memref<160x128xi32, #tpu.memory_space<hbm>>
      tpu.wait_dma2 semaphore(%run_scoped3A : memref<!tpu.dma_semaphore, #tpu.memory_space<semaphore_mem>>) src(%dma_wait3A_173 : memref<160x128xi32, #tpu.memory_space<hbm>>) dst(%arg6 : memref<160x128xi32, #tpu.memory_space<vmem>>)
      tpu.yield
    }) : () -> ()
    %mul3A_5 = arith.constant 160 : i32
    %mul3A_6 = arith.muli %arg1, %mul3A_5 : i32
    "tpu.region"() ({
      %run_scoped3A = tpu.sem_alloc : memref<!tpu.dma_semaphore, #tpu.memory_space<semaphore_mem>>
      %dma_start3A_166 = arith.constant 0 : i32
      %dma_start3A_167 = tpu.memref_slice %arg4[%mul3A_6, %dma_start3A_166] : memref<2560x128xi32, #tpu.memory_space<hbm>> -> memref<160x128xi32, #tpu.memory_space<hbm>>
      %dma_start3A_168 = arith.constant 0 : i32
      %dma_start3A_169 = tpu.memref_slice %arg4[%mul3A_6, %dma_start3A_168] : memref<2560x128xi32, #tpu.memory_space<hbm>> -> memref<160x128xi32, #tpu.memory_space<hbm>>
      tpu.enqueue_dma source(%dma_start3A_169 : memref<160x128xi32, #tpu.memory_space<hbm>>) target(%arg7 : memref<160x128xi32, #tpu.memory_space<vmem>>) target_semaphore(%run_scoped3A : memref<!tpu.dma_semaphore, #tpu.memory_space<semaphore_mem>>)
      %dma_wait3A_170 = arith.constant 0 : i32
      %dma_wait3A_171 = tpu.memref_slice %arg4[%mul3A_6, %dma_wait3A_170] : memref<2560x128xi32, #tpu.memory_space<hbm>> -> memref<160x128xi32, #tpu.memory_space<hbm>>
      %dma_wait3A_172 = arith.constant 0 : i32
      %dma_wait3A_173 = tpu.memref_slice %arg4[%mul3A_6, %dma_wait3A_172] : memref<2560x128xi32, #tpu.memory_space<hbm>> -> memref<160x128xi32, #tpu.memory_space<hbm>>
      tpu.wait_dma2 semaphore(%run_scoped3A : memref<!tpu.dma_semaphore, #tpu.memory_space<semaphore_mem>>) src(%dma_wait3A_173 : memref<160x128xi32, #tpu.memory_space<hbm>>) dst(%arg7 : memref<160x128xi32, #tpu.memory_space<vmem>>)
      tpu.yield
    }) : () -> ()
    %barrier3A = arith.constant 0 : index
    tpu.barrier barrier_id(%barrier3A)
    %dma_start3A = arith.constant 0 : i32
    %dma_start3A_7 = arith.constant 0 : i32
    %dma_start3A_8 = arith.constant 0 : i32
    %dma_start3A_9 = arith.constant 0 : i32
    %dma_start3A_10 = arith.constant 0 : i32
    %dma_start3A_11 = tpu.memref_slice %arg8[%dma_start3A_7, %dma_start3A_9, %dma_start3A_10] : memref<5x128x64xf32, #tpu.memory_space<vmem>> -> memref<1x128x64xf32, #tpu.memory_space<vmem>>
    %dma_start3A_12 = tpu.memref_squeeze %dma_start3A_11 : memref<1x128x64xf32, #tpu.memory_space<vmem>> -> memref<128x64xf32, #tpu.memory_space<vmem>>
    %dma_start3A_13 = arith.constant 0 : i32
    %dma_start3A_14 = tpu.memref_slice %arg6[%dma_start3A, %dma_start3A_13] : memref<160x128xi32, #tpu.memory_space<vmem>> -> memref<1x128xi32, #tpu.memory_space<vmem>>
    %dma_start3A_15 = tpu.memref_squeeze %dma_start3A_14 : memref<1x128xi32, #tpu.memory_space<vmem>> -> memref<128xi32, #tpu.memory_space<vmem>>
    %dma_start3A_16 = arith.constant 0 : i32
    %dma_start3A_17 = arith.constant 0 : i32
    %dma_start3A_18 = tpu.memref_slice %arg2[%arg0, %dma_start3A_16, %dma_start3A_17] : memref<2x10240x64xf32, #tpu.memory_space<hbm>> -> memref<1x10240x64xf32, #tpu.memory_space<hbm>>
    %dma_start3A_19 = tpu.memref_squeeze %dma_start3A_18 : memref<1x10240x64xf32, #tpu.memory_space<hbm>> -> memref<10240x64xf32, #tpu.memory_space<hbm>>
    %dma_start3A_20 = arith.constant 0 : i32
    %dma_start3A_21 = arith.constant 0 : i32
    %dma_start3A_22 = tpu.memref_slice %dma_start3A_19[%dma_start3A_20, %dma_start3A_21] : memref<10240x64xf32, #tpu.memory_space<hbm>> -> memref<10240x64xf32, #tpu.memory_space<hbm>>
    %dma_start3A_23 = tpu.memref_slice %arg10[%dma_start3A_8] : memref<5x!tpu.dma_semaphore, #tpu.memory_space<semaphore_mem>> -> memref<1x!tpu.dma_semaphore, #tpu.memory_space<semaphore_mem>>
    %dma_start3A_24 = tpu.memref_squeeze %dma_start3A_23 : memref<1x!tpu.dma_semaphore, #tpu.memory_space<semaphore_mem>> -> memref<!tpu.dma_semaphore, #tpu.memory_space<semaphore_mem>>
    tpu.enqueue_indirect_dma source(%dma_start3A_22 : memref<10240x64xf32, #tpu.memory_space<hbm>>) target(%dma_start3A_12 : memref<128x64xf32, #tpu.memory_space<vmem>>) offsets(%dma_start3A_15 : memref<128xi32, #tpu.memory_space<vmem>>) semaphore(%dma_start3A_24 : memref<!tpu.dma_semaphore, #tpu.memory_space<semaphore_mem>>)
    %dma_start3A_25 = arith.constant 1 : i32
    %dma_start3A_26 = arith.constant 1 : i32
    %dma_start3A_27 = arith.constant 1 : i32
    %dma_start3A_28 = arith.constant 0 : i32
    %dma_start3A_29 = arith.constant 0 : i32
    %dma_start3A_30 = tpu.memref_slice %arg8[%dma_start3A_26, %dma_start3A_28, %dma_start3A_29] : memref<5x128x64xf32, #tpu.memory_space<vmem>> -> memref<1x128x64xf32, #tpu.memory_space<vmem>>
    %dma_start3A_31 = tpu.memref_squeeze %dma_start3A_30 : memref<1x128x64xf32, #tpu.memory_space<vmem>> -> memref<128x64xf32, #tpu.memory_space<vmem>>
    %dma_start3A_32 = arith.constant 0 : i32
    %dma_start3A_33 = tpu.memref_slice %arg6[%dma_start3A_25, %dma_start3A_32] : memref<160x128xi32, #tpu.memory_space<vmem>> -> memref<1x128xi32, #tpu.memory_space<vmem>>
    %dma_start3A_34 = tpu.memref_squeeze %dma_start3A_33 : memref<1x128xi32, #tpu.memory_space<vmem>> -> memref<128xi32, #tpu.memory_space<vmem>>
    %dma_start3A_35 = arith.constant 0 : i32
    %dma_start3A_36 = arith.constant 0 : i32
    %dma_start3A_37 = tpu.memref_slice %arg2[%arg0, %dma_start3A_35, %dma_start3A_36] : memref<2x10240x64xf32, #tpu.memory_space<hbm>> -> memref<1x10240x64xf32, #tpu.memory_space<hbm>>
    %dma_start3A_38 = tpu.memref_squeeze %dma_start3A_37 : memref<1x10240x64xf32, #tpu.memory_space<hbm>> -> memref<10240x64xf32, #tpu.memory_space<hbm>>
    %dma_start3A_39 = arith.constant 0 : i32
    %dma_start3A_40 = arith.constant 0 : i32
    %dma_start3A_41 = tpu.memref_slice %dma_start3A_38[%dma_start3A_39, %dma_start3A_40] : memref<10240x64xf32, #tpu.memory_space<hbm>> -> memref<10240x64xf32, #tpu.memory_space<hbm>>
    %dma_start3A_42 = tpu.memref_slice %arg10[%dma_start3A_27] : memref<5x!tpu.dma_semaphore, #tpu.memory_space<semaphore_mem>> -> memref<1x!tpu.dma_semaphore, #tpu.memory_space<semaphore_mem>>
    %dma_start3A_43 = tpu.memref_squeeze %dma_start3A_42 : memref<1x!tpu.dma_semaphore, #tpu.memory_space<semaphore_mem>> -> memref<!tpu.dma_semaphore, #tpu.memory_space<semaphore_mem>>
    tpu.enqueue_indirect_dma source(%dma_start3A_41 : memref<10240x64xf32, #tpu.memory_space<hbm>>) target(%dma_start3A_31 : memref<128x64xf32, #tpu.memory_space<vmem>>) offsets(%dma_start3A_34 : memref<128xi32, #tpu.memory_space<vmem>>) semaphore(%dma_start3A_43 : memref<!tpu.dma_semaphore, #tpu.memory_space<semaphore_mem>>)
    %dma_start3A_44 = arith.constant 2 : i32
    %dma_start3A_45 = arith.constant 2 : i32
    %dma_start3A_46 = arith.constant 2 : i32
    %dma_start3A_47 = arith.constant 0 : i32
    %dma_start3A_48 = arith.constant 0 : i32
    %dma_start3A_49 = tpu.memref_slice %arg8[%dma_start3A_45, %dma_start3A_47, %dma_start3A_48] : memref<5x128x64xf32, #tpu.memory_space<vmem>> -> memref<1x128x64xf32, #tpu.memory_space<vmem>>
    %dma_start3A_50 = tpu.memref_squeeze %dma_start3A_49 : memref<1x128x64xf32, #tpu.memory_space<vmem>> -> memref<128x64xf32, #tpu.memory_space<vmem>>
    %dma_start3A_51 = arith.constant 0 : i32
    %dma_start3A_52 = tpu.memref_slice %arg6[%dma_start3A_44, %dma_start3A_51] : memref<160x128xi32, #tpu.memory_space<vmem>> -> memref<1x128xi32, #tpu.memory_space<vmem>>
    %dma_start3A_53 = tpu.memref_squeeze %dma_start3A_52 : memref<1x128xi32, #tpu.memory_space<vmem>> -> memref<128xi32, #tpu.memory_space<vmem>>
    %dma_start3A_54 = arith.constant 0 : i32
    %dma_start3A_55 = arith.constant 0 : i32
    %dma_start3A_56 = tpu.memref_slice %arg2[%arg0, %dma_start3A_54, %dma_start3A_55] : memref<2x10240x64xf32, #tpu.memory_space<hbm>> -> memref<1x10240x64xf32, #tpu.memory_space<hbm>>
    %dma_start3A_57 = tpu.memref_squeeze %dma_start3A_56 : memref<1x10240x64xf32, #tpu.memory_space<hbm>> -> memref<10240x64xf32, #tpu.memory_space<hbm>>
    %dma_start3A_58 = arith.constant 0 : i32
    %dma_start3A_59 = arith.constant 0 : i32
    %dma_start3A_60 = tpu.memref_slice %dma_start3A_57[%dma_start3A_58, %dma_start3A_59] : memref<10240x64xf32, #tpu.memory_space<hbm>> -> memref<10240x64xf32, #tpu.memory_space<hbm>>
    %dma_start3A_61 = tpu.memref_slice %arg10[%dma_start3A_46] : memref<5x!tpu.dma_semaphore, #tpu.memory_space<semaphore_mem>> -> memref<1x!tpu.dma_semaphore, #tpu.memory_space<semaphore_mem>>
    %dma_start3A_62 = tpu.memref_squeeze %dma_start3A_61 : memref<1x!tpu.dma_semaphore, #tpu.memory_space<semaphore_mem>> -> memref<!tpu.dma_semaphore, #tpu.memory_space<semaphore_mem>>
    tpu.enqueue_indirect_dma source(%dma_start3A_60 : memref<10240x64xf32, #tpu.memory_space<hbm>>) target(%dma_start3A_50 : memref<128x64xf32, #tpu.memory_space<vmem>>) offsets(%dma_start3A_53 : memref<128xi32, #tpu.memory_space<vmem>>) semaphore(%dma_start3A_62 : memref<!tpu.dma_semaphore, #tpu.memory_space<semaphore_mem>>)
    %dma_start3A_63 = arith.constant 3 : i32
    %dma_start3A_64 = arith.constant 3 : i32
    %dma_start3A_65 = arith.constant 3 : i32
    %dma_start3A_66 = arith.constant 0 : i32
    %dma_start3A_67 = arith.constant 0 : i32
    %dma_start3A_68 = tpu.memref_slice %arg8[%dma_start3A_64, %dma_start3A_66, %dma_start3A_67] : memref<5x128x64xf32, #tpu.memory_space<vmem>> -> memref<1x128x64xf32, #tpu.memory_space<vmem>>
    %dma_start3A_69 = tpu.memref_squeeze %dma_start3A_68 : memref<1x128x64xf32, #tpu.memory_space<vmem>> -> memref<128x64xf32, #tpu.memory_space<vmem>>
    %dma_start3A_70 = arith.constant 0 : i32
    %dma_start3A_71 = tpu.memref_slice %arg6[%dma_start3A_63, %dma_start3A_70] : memref<160x128xi32, #tpu.memory_space<vmem>> -> memref<1x128xi32, #tpu.memory_space<vmem>>
    %dma_start3A_72 = tpu.memref_squeeze %dma_start3A_71 : memref<1x128xi32, #tpu.memory_space<vmem>> -> memref<128xi32, #tpu.memory_space<vmem>>
    %dma_start3A_73 = arith.constant 0 : i32
    %dma_start3A_74 = arith.constant 0 : i32
    %dma_start3A_75 = tpu.memref_slice %arg2[%arg0, %dma_start3A_73, %dma_start3A_74] : memref<2x10240x64xf32, #tpu.memory_space<hbm>> -> memref<1x10240x64xf32, #tpu.memory_space<hbm>>
    %dma_start3A_76 = tpu.memref_squeeze %dma_start3A_75 : memref<1x10240x64xf32, #tpu.memory_space<hbm>> -> memref<10240x64xf32, #tpu.memory_space<hbm>>
    %dma_start3A_77 = arith.constant 0 : i32
    %dma_start3A_78 = arith.constant 0 : i32
    %dma_start3A_79 = tpu.memref_slice %dma_start3A_76[%dma_start3A_77, %dma_start3A_78] : memref<10240x64xf32, #tpu.memory_space<hbm>> -> memref<10240x64xf32, #tpu.memory_space<hbm>>
    %dma_start3A_80 = tpu.memref_slice %arg10[%dma_start3A_65] : memref<5x!tpu.dma_semaphore, #tpu.memory_space<semaphore_mem>> -> memref<1x!tpu.dma_semaphore, #tpu.memory_space<semaphore_mem>>
    %dma_start3A_81 = tpu.memref_squeeze %dma_start3A_80 : memref<1x!tpu.dma_semaphore, #tpu.memory_space<semaphore_mem>> -> memref<!tpu.dma_semaphore, #tpu.memory_space<semaphore_mem>>
    tpu.enqueue_indirect_dma source(%dma_start3A_79 : memref<10240x64xf32, #tpu.memory_space<hbm>>) target(%dma_start3A_69 : memref<128x64xf32, #tpu.memory_space<vmem>>) offsets(%dma_start3A_72 : memref<128xi32, #tpu.memory_space<vmem>>) semaphore(%dma_start3A_81 : memref<!tpu.dma_semaphore, #tpu.memory_space<semaphore_mem>>)
    %scan3A = arith.constant 0 : i32
    %scan3A_82 = arith.constant 0 : i32
    %scan3A_83 = arith.constant 32 : i32
    %scan3A_84 = arith.addi %scan3A_82, %scan3A_83 : i32
    %scan3A_85 = arith.constant 1 : i32
    scf.for %scan3A_166 = %scan3A_82 to %scan3A_84 step %scan3A_85  : i32 {
      %mul3A_167 = arith.constant 5 : i32
      %mul3A_168 = arith.muli %scan3A_166, %mul3A_167 : i32
      %add3A = arith.constant 0 : i32
      %add3A_169 = arith.addi %mul3A_168, %add3A : i32
      %dma_wait3A_170 = arith.constant 0 : i32
      %dma_wait3A_171 = arith.constant 0 : i32
      %dma_wait3A_172 = arith.constant 0 : i32
      %dma_wait3A_173 = arith.constant 0 : i32
      %dma_wait3A_174 = tpu.memref_slice %arg8[%dma_wait3A_170, %dma_wait3A_172, %dma_wait3A_173] : memref<5x128x64xf32, #tpu.memory_space<vmem>> -> memref<1x128x64xf32, #tpu.memory_space<vmem>>
      %dma_wait3A_175 = tpu.memref_squeeze %dma_wait3A_174 : memref<1x128x64xf32, #tpu.memory_space<vmem>> -> memref<128x64xf32, #tpu.memory_space<vmem>>
      %dma_wait3A_176 = arith.constant 0 : i32
      %dma_wait3A_177 = tpu.memref_slice %arg6[%add3A_169, %dma_wait3A_176] : memref<160x128xi32, #tpu.memory_space<vmem>> -> memref<1x128xi32, #tpu.memory_space<vmem>>
      %dma_wait3A_178 = tpu.memref_squeeze %dma_wait3A_177 : memref<1x128xi32, #tpu.memory_space<vmem>> -> memref<128xi32, #tpu.memory_space<vmem>>
      %dma_wait3A_179 = arith.constant 0 : i32
      %dma_wait3A_180 = arith.constant 0 : i32
      %dma_wait3A_181 = tpu.memref_slice %arg2[%arg0, %dma_wait3A_179, %dma_wait3A_180] : memref<2x10240x64xf32, #tpu.memory_space<hbm>> -> memref<1x10240x64xf32, #tpu.memory_space<hbm>>
      %dma_wait3A_182 = tpu.memref_squeeze %dma_wait3A_181 : memref<1x10240x64xf32, #tpu.memory_space<hbm>> -> memref<10240x64xf32, #tpu.memory_space<hbm>>
      %dma_wait3A_183 = arith.constant 0 : i32
      %dma_wait3A_184 = arith.constant 0 : i32
      %dma_wait3A_185 = tpu.memref_slice %dma_wait3A_182[%dma_wait3A_183, %dma_wait3A_184] : memref<10240x64xf32, #tpu.memory_space<hbm>> -> memref<10240x64xf32, #tpu.memory_space<hbm>>
      %dma_wait3A_186 = tpu.memref_slice %arg10[%dma_wait3A_171] : memref<5x!tpu.dma_semaphore, #tpu.memory_space<semaphore_mem>> -> memref<1x!tpu.dma_semaphore, #tpu.memory_space<semaphore_mem>>
      %dma_wait3A_187 = tpu.memref_squeeze %dma_wait3A_186 : memref<1x!tpu.dma_semaphore, #tpu.memory_space<semaphore_mem>> -> memref<!tpu.dma_semaphore, #tpu.memory_space<semaphore_mem>>
      tpu.wait_indirect_dma semaphore(%dma_wait3A_187 : memref<!tpu.dma_semaphore, #tpu.memory_space<semaphore_mem>>) src(%dma_wait3A_185 : memref<10240x64xf32, #tpu.memory_space<hbm>>) dst(%dma_wait3A_175 : memref<128x64xf32, #tpu.memory_space<vmem>>)
      %dma_start3A_188 = arith.constant 0 : i32
      %dma_start3A_189 = arith.constant 0 : i32
      %dma_start3A_190 = arith.constant 0 : i32
      %dma_start3A_191 = arith.constant 0 : i32
      %dma_start3A_192 = tpu.memref_slice %arg8[%dma_start3A_188, %dma_start3A_190, %dma_start3A_191] : memref<5x128x64xf32, #tpu.memory_space<vmem>> -> memref<1x128x64xf32, #tpu.memory_space<vmem>>
      %dma_start3A_193 = tpu.memref_squeeze %dma_start3A_192 : memref<1x128x64xf32, #tpu.memory_space<vmem>> -> memref<128x64xf32, #tpu.memory_space<vmem>>
      %dma_start3A_194 = arith.constant 0 : i32
      %dma_start3A_195 = tpu.memref_slice %arg7[%add3A_169, %dma_start3A_194] : memref<160x128xi32, #tpu.memory_space<vmem>> -> memref<1x128xi32, #tpu.memory_space<vmem>>
      %dma_start3A_196 = tpu.memref_squeeze %dma_start3A_195 : memref<1x128xi32, #tpu.memory_space<vmem>> -> memref<128xi32, #tpu.memory_space<vmem>>
      %dma_start3A_197 = arith.constant 0 : i32
      %dma_start3A_198 = arith.constant 0 : i32
      %dma_start3A_199 = tpu.memref_slice %arg9[%dma_start3A_197, %dma_start3A_198] : memref<10240x64xf32, #tpu.memory_space<vmem_shared>> -> memref<10240x64xf32, #tpu.memory_space<vmem_shared>>
      %dma_start3A_200 = tpu.memref_slice %arg11[%dma_start3A_189] : memref<5x!tpu.dma_semaphore, #tpu.memory_space<semaphore_mem>> -> memref<1x!tpu.dma_semaphore, #tpu.memory_space<semaphore_mem>>
      %dma_start3A_201 = tpu.memref_squeeze %dma_start3A_200 : memref<1x!tpu.dma_semaphore, #tpu.memory_space<semaphore_mem>> -> memref<!tpu.dma_semaphore, #tpu.memory_space<semaphore_mem>>
      tpu.enqueue_indirect_dma source(%dma_start3A_193 : memref<128x64xf32, #tpu.memory_space<vmem>>) target(%dma_start3A_199 : memref<10240x64xf32, #tpu.memory_space<vmem_shared>>) offsets(%dma_start3A_196 : memref<128xi32, #tpu.memory_space<vmem>>) semaphore(%dma_start3A_201 : memref<!tpu.dma_semaphore, #tpu.memory_space<semaphore_mem>>) {add = true}
      %add3A_202 = arith.constant 5 : i32
      %add3A_203 = arith.addi %add3A_169, %add3A_202 : i32
      %sub3A = arith.constant 1 : i32
      %sub3A_204 = arith.subi %add3A_203, %sub3A : i32
      %lt3A = arith.constant 160 : i32
      %lt3A_205 = arith.cmpi slt, %sub3A_204, %lt3A : i32
      %convert_element_type3A = arith.extui %lt3A_205 : i1 to i32
      %cond3A = arith.constant 0 : i32
      %cond3A_206 = arith.cmpi ne, %convert_element_type3A, %cond3A : i32
      scf.if %cond3A_206 {
        %ge3A = arith.constant 5 : i32
        %ge3A_379 = arith.cmpi sge, %sub3A_204, %ge3A : i32
        %convert_element_type3A_380 = arith.extui %ge3A_379 : i1 to i32
        %cond3A_381 = arith.constant 0 : i32
        %cond3A_382 = arith.cmpi ne, %convert_element_type3A_380, %cond3A_381 : i32
        scf.if %cond3A_382 {
          %sub3A_401 = arith.constant 5 : i32
          %sub3A_402 = arith.subi %sub3A_204, %sub3A_401 : i32
          %dma_wait3A_403 = arith.constant 4 : i32
          %dma_wait3A_404 = arith.constant 4 : i32
          %dma_wait3A_405 = arith.constant 0 : i32
          %dma_wait3A_406 = arith.constant 0 : i32
          %dma_wait3A_407 = tpu.memref_slice %arg8[%dma_wait3A_403, %dma_wait3A_405, %dma_wait3A_406] : memref<5x128x64xf32, #tpu.memory_space<vmem>> -> memref<1x128x64xf32, #tpu.memory_space<vmem>>
          %dma_wait3A_408 = tpu.memref_squeeze %dma_wait3A_407 : memref<1x128x64xf32, #tpu.memory_space<vmem>> -> memref<128x64xf32, #tpu.memory_space<vmem>>
          %dma_wait3A_409 = arith.constant 0 : i32
          %dma_wait3A_410 = tpu.memref_slice %arg7[%sub3A_402, %dma_wait3A_409] : memref<160x128xi32, #tpu.memory_space<vmem>> -> memref<1x128xi32, #tpu.memory_space<vmem>>
          %dma_wait3A_411 = tpu.memref_squeeze %dma_wait3A_410 : memref<1x128xi32, #tpu.memory_space<vmem>> -> memref<128xi32, #tpu.memory_space<vmem>>
          %dma_wait3A_412 = arith.constant 0 : i32
          %dma_wait3A_413 = arith.constant 0 : i32
          %dma_wait3A_414 = tpu.memref_slice %arg9[%dma_wait3A_412, %dma_wait3A_413] : memref<10240x64xf32, #tpu.memory_space<vmem_shared>> -> memref<10240x64xf32, #tpu.memory_space<vmem_shared>>
          %dma_wait3A_415 = tpu.memref_slice %arg11[%dma_wait3A_404] : memref<5x!tpu.dma_semaphore, #tpu.memory_space<semaphore_mem>> -> memref<1x!tpu.dma_semaphore, #tpu.memory_space<semaphore_mem>>
          %dma_wait3A_416 = tpu.memref_squeeze %dma_wait3A_415 : memref<1x!tpu.dma_semaphore, #tpu.memory_space<semaphore_mem>> -> memref<!tpu.dma_semaphore, #tpu.memory_space<semaphore_mem>>
          tpu.wait_indirect_dma semaphore(%dma_wait3A_416 : memref<!tpu.dma_semaphore, #tpu.memory_space<semaphore_mem>>) src(%dma_wait3A_408 : memref<128x64xf32, #tpu.memory_space<vmem>>) dst(%dma_wait3A_414 : memref<10240x64xf32, #tpu.memory_space<vmem_shared>>)
        } else {
        }
        %dma_start3A_383 = arith.constant 4 : i32
        %dma_start3A_384 = arith.constant 4 : i32
        %dma_start3A_385 = arith.constant 0 : i32
        %dma_start3A_386 = arith.constant 0 : i32
        %dma_start3A_387 = tpu.memref_slice %arg8[%dma_start3A_383, %dma_start3A_385, %dma_start3A_386] : memref<5x128x64xf32, #tpu.memory_space<vmem>> -> memref<1x128x64xf32, #tpu.memory_space<vmem>>
        %dma_start3A_388 = tpu.memref_squeeze %dma_start3A_387 : memref<1x128x64xf32, #tpu.memory_space<vmem>> -> memref<128x64xf32, #tpu.memory_space<vmem>>
        %dma_start3A_389 = arith.constant 0 : i32
        %dma_start3A_390 = tpu.memref_slice %arg6[%sub3A_204, %dma_start3A_389] : memref<160x128xi32, #tpu.memory_space<vmem>> -> memref<1x128xi32, #tpu.memory_space<vmem>>
        %dma_start3A_391 = tpu.memref_squeeze %dma_start3A_390 : memref<1x128xi32, #tpu.memory_space<vmem>> -> memref<128xi32, #tpu.memory_space<vmem>>
        %dma_start3A_392 = arith.constant 0 : i32
        %dma_start3A_393 = arith.constant 0 : i32
        %dma_start3A_394 = tpu.memref_slice %arg2[%arg0, %dma_start3A_392, %dma_start3A_393] : memref<2x10240x64xf32, #tpu.memory_space<hbm>> -> memref<1x10240x64xf32, #tpu.memory_space<hbm>>
        %dma_start3A_395 = tpu.memref_squeeze %dma_start3A_394 : memref<1x10240x64xf32, #tpu.memory_space<hbm>> -> memref<10240x64xf32, #tpu.memory_space<hbm>>
        %dma_start3A_396 = arith.constant 0 : i32
        %dma_start3A_397 = arith.constant 0 : i32
        %dma_start3A_398 = tpu.memref_slice %dma_start3A_395[%dma_start3A_396, %dma_start3A_397] : memref<10240x64xf32, #tpu.memory_space<hbm>> -> memref<10240x64xf32, #tpu.memory_space<hbm>>
        %dma_start3A_399 = tpu.memref_slice %arg10[%dma_start3A_384] : memref<5x!tpu.dma_semaphore, #tpu.memory_space<semaphore_mem>> -> memref<1x!tpu.dma_semaphore, #tpu.memory_space<semaphore_mem>>
        %dma_start3A_400 = tpu.memref_squeeze %dma_start3A_399 : memref<1x!tpu.dma_semaphore, #tpu.memory_space<semaphore_mem>> -> memref<!tpu.dma_semaphore, #tpu.memory_space<semaphore_mem>>
        tpu.enqueue_indirect_dma source(%dma_start3A_398 : memref<10240x64xf32, #tpu.memory_space<hbm>>) target(%dma_start3A_388 : memref<128x64xf32, #tpu.memory_space<vmem>>) offsets(%dma_start3A_391 : memref<128xi32, #tpu.memory_space<vmem>>) semaphore(%dma_start3A_400 : memref<!tpu.dma_semaphore, #tpu.memory_space<semaphore_mem>>)
      } else {
      }
      %add3A_207 = arith.constant 1 : i32
      %add3A_208 = arith.addi %mul3A_168, %add3A_207 : i32
      %dma_wait3A_209 = arith.constant 1 : i32
      %dma_wait3A_210 = arith.constant 1 : i32
      %dma_wait3A_211 = arith.constant 0 : i32
      %dma_wait3A_212 = arith.constant 0 : i32
      %dma_wait3A_213 = tpu.memref_slice %arg8[%dma_wait3A_209, %dma_wait3A_211, %dma_wait3A_212] : memref<5x128x64xf32, #tpu.memory_space<vmem>> -> memref<1x128x64xf32, #tpu.memory_space<vmem>>
      %dma_wait3A_214 = tpu.memref_squeeze %dma_wait3A_213 : memref<1x128x64xf32, #tpu.memory_space<vmem>> -> memref<128x64xf32, #tpu.memory_space<vmem>>
      %dma_wait3A_215 = arith.constant 0 : i32
      %dma_wait3A_216 = tpu.memref_slice %arg6[%add3A_208, %dma_wait3A_215] : memref<160x128xi32, #tpu.memory_space<vmem>> -> memref<1x128xi32, #tpu.memory_space<vmem>>
      %dma_wait3A_217 = tpu.memref_squeeze %dma_wait3A_216 : memref<1x128xi32, #tpu.memory_space<vmem>> -> memref<128xi32, #tpu.memory_space<vmem>>
      %dma_wait3A_218 = arith.constant 0 : i32
      %dma_wait3A_219 = arith.constant 0 : i32
      %dma_wait3A_220 = tpu.memref_slice %arg2[%arg0, %dma_wait3A_218, %dma_wait3A_219] : memref<2x10240x64xf32, #tpu.memory_space<hbm>> -> memref<1x10240x64xf32, #tpu.memory_space<hbm>>
      %dma_wait3A_221 = tpu.memref_squeeze %dma_wait3A_220 : memref<1x10240x64xf32, #tpu.memory_space<hbm>> -> memref<10240x64xf32, #tpu.memory_space<hbm>>
      %dma_wait3A_222 = arith.constant 0 : i32
      %dma_wait3A_223 = arith.constant 0 : i32
      %dma_wait3A_224 = tpu.memref_slice %dma_wait3A_221[%dma_wait3A_222, %dma_wait3A_223] : memref<10240x64xf32, #tpu.memory_space<hbm>> -> memref<10240x64xf32, #tpu.memory_space<hbm>>
      %dma_wait3A_225 = tpu.memref_slice %arg10[%dma_wait3A_210] : memref<5x!tpu.dma_semaphore, #tpu.memory_space<semaphore_mem>> -> memref<1x!tpu.dma_semaphore, #tpu.memory_space<semaphore_mem>>
      %dma_wait3A_226 = tpu.memref_squeeze %dma_wait3A_225 : memref<1x!tpu.dma_semaphore, #tpu.memory_space<semaphore_mem>> -> memref<!tpu.dma_semaphore, #tpu.memory_space<semaphore_mem>>
      tpu.wait_indirect_dma semaphore(%dma_wait3A_226 : memref<!tpu.dma_semaphore, #tpu.memory_space<semaphore_mem>>) src(%dma_wait3A_224 : memref<10240x64xf32, #tpu.memory_space<hbm>>) dst(%dma_wait3A_214 : memref<128x64xf32, #tpu.memory_space<vmem>>)
      %dma_start3A_227 = arith.constant 1 : i32
      %dma_start3A_228 = arith.constant 1 : i32
      %dma_start3A_229 = arith.constant 0 : i32
      %dma_start3A_230 = arith.constant 0 : i32
      %dma_start3A_231 = tpu.memref_slice %arg8[%dma_start3A_227, %dma_start3A_229, %dma_start3A_230] : memref<5x128x64xf32, #tpu.memory_space<vmem>> -> memref<1x128x64xf32, #tpu.memory_space<vmem>>
      %dma_start3A_232 = tpu.memref_squeeze %dma_start3A_231 : memref<1x128x64xf32, #tpu.memory_space<vmem>> -> memref<128x64xf32, #tpu.memory_space<vmem>>
      %dma_start3A_233 = arith.constant 0 : i32
      %dma_start3A_234 = tpu.memref_slice %arg7[%add3A_208, %dma_start3A_233] : memref<160x128xi32, #tpu.memory_space<vmem>> -> memref<1x128xi32, #tpu.memory_space<vmem>>
      %dma_start3A_235 = tpu.memref_squeeze %dma_start3A_234 : memref<1x128xi32, #tpu.memory_space<vmem>> -> memref<128xi32, #tpu.memory_space<vmem>>
      %dma_start3A_236 = arith.constant 0 : i32
      %dma_start3A_237 = arith.constant 0 : i32
      %dma_start3A_238 = tpu.memref_slice %arg9[%dma_start3A_236, %dma_start3A_237] : memref<10240x64xf32, #tpu.memory_space<vmem_shared>> -> memref<10240x64xf32, #tpu.memory_space<vmem_shared>>
      %dma_start3A_239 = tpu.memref_slice %arg11[%dma_start3A_228] : memref<5x!tpu.dma_semaphore, #tpu.memory_space<semaphore_mem>> -> memref<1x!tpu.dma_semaphore, #tpu.memory_space<semaphore_mem>>
      %dma_start3A_240 = tpu.memref_squeeze %dma_start3A_239 : memref<1x!tpu.dma_semaphore, #tpu.memory_space<semaphore_mem>> -> memref<!tpu.dma_semaphore, #tpu.memory_space<semaphore_mem>>
      tpu.enqueue_indirect_dma source(%dma_start3A_232 : memref<128x64xf32, #tpu.memory_space<vmem>>) target(%dma_start3A_238 : memref<10240x64xf32, #tpu.memory_space<vmem_shared>>) offsets(%dma_start3A_235 : memref<128xi32, #tpu.memory_space<vmem>>) semaphore(%dma_start3A_240 : memref<!tpu.dma_semaphore, #tpu.memory_space<semaphore_mem>>) {add = true}
      %add3A_241 = arith.constant 5 : i32
      %add3A_242 = arith.addi %add3A_208, %add3A_241 : i32
      %sub3A_243 = arith.constant 1 : i32
      %sub3A_244 = arith.subi %add3A_242, %sub3A_243 : i32
      %lt3A_245 = arith.constant 160 : i32
      %lt3A_246 = arith.cmpi slt, %sub3A_244, %lt3A_245 : i32
      %convert_element_type3A_247 = arith.extui %lt3A_246 : i1 to i32
      %cond3A_248 = arith.constant 0 : i32
      %cond3A_249 = arith.cmpi ne, %convert_element_type3A_247, %cond3A_248 : i32
      scf.if %cond3A_249 {
        %ge3A = arith.constant 5 : i32
        %ge3A_379 = arith.cmpi sge, %sub3A_244, %ge3A : i32
        %convert_element_type3A_380 = arith.extui %ge3A_379 : i1 to i32
        %cond3A_381 = arith.constant 0 : i32
        %cond3A_382 = arith.cmpi ne, %convert_element_type3A_380, %cond3A_381 : i32
        scf.if %cond3A_382 {
          %sub3A_401 = arith.constant 5 : i32
          %sub3A_402 = arith.subi %sub3A_244, %sub3A_401 : i32
          %dma_wait3A_403 = arith.constant 0 : i32
          %dma_wait3A_404 = arith.constant 0 : i32
          %dma_wait3A_405 = arith.constant 0 : i32
          %dma_wait3A_406 = arith.constant 0 : i32
          %dma_wait3A_407 = tpu.memref_slice %arg8[%dma_wait3A_403, %dma_wait3A_405, %dma_wait3A_406] : memref<5x128x64xf32, #tpu.memory_space<vmem>> -> memref<1x128x64xf32, #tpu.memory_space<vmem>>
          %dma_wait3A_408 = tpu.memref_squeeze %dma_wait3A_407 : memref<1x128x64xf32, #tpu.memory_space<vmem>> -> memref<128x64xf32, #tpu.memory_space<vmem>>
          %dma_wait3A_409 = arith.constant 0 : i32
          %dma_wait3A_410 = tpu.memref_slice %arg7[%sub3A_402, %dma_wait3A_409] : memref<160x128xi32, #tpu.memory_space<vmem>> -> memref<1x128xi32, #tpu.memory_space<vmem>>
          %dma_wait3A_411 = tpu.memref_squeeze %dma_wait3A_410 : memref<1x128xi32, #tpu.memory_space<vmem>> -> memref<128xi32, #tpu.memory_space<vmem>>
          %dma_wait3A_412 = arith.constant 0 : i32
          %dma_wait3A_413 = arith.constant 0 : i32
          %dma_wait3A_414 = tpu.memref_slice %arg9[%dma_wait3A_412, %dma_wait3A_413] : memref<10240x64xf32, #tpu.memory_space<vmem_shared>> -> memref<10240x64xf32, #tpu.memory_space<vmem_shared>>
          %dma_wait3A_415 = tpu.memref_slice %arg11[%dma_wait3A_404] : memref<5x!tpu.dma_semaphore, #tpu.memory_space<semaphore_mem>> -> memref<1x!tpu.dma_semaphore, #tpu.memory_space<semaphore_mem>>
          %dma_wait3A_416 = tpu.memref_squeeze %dma_wait3A_415 : memref<1x!tpu.dma_semaphore, #tpu.memory_space<semaphore_mem>> -> memref<!tpu.dma_semaphore, #tpu.memory_space<semaphore_mem>>
          tpu.wait_indirect_dma semaphore(%dma_wait3A_416 : memref<!tpu.dma_semaphore, #tpu.memory_space<semaphore_mem>>) src(%dma_wait3A_408 : memref<128x64xf32, #tpu.memory_space<vmem>>) dst(%dma_wait3A_414 : memref<10240x64xf32, #tpu.memory_space<vmem_shared>>)
        } else {
        }
        %dma_start3A_383 = arith.constant 0 : i32
        %dma_start3A_384 = arith.constant 0 : i32
        %dma_start3A_385 = arith.constant 0 : i32
        %dma_start3A_386 = arith.constant 0 : i32
        %dma_start3A_387 = tpu.memref_slice %arg8[%dma_start3A_383, %dma_start3A_385, %dma_start3A_386] : memref<5x128x64xf32, #tpu.memory_space<vmem>> -> memref<1x128x64xf32, #tpu.memory_space<vmem>>
        %dma_start3A_388 = tpu.memref_squeeze %dma_start3A_387 : memref<1x128x64xf32, #tpu.memory_space<vmem>> -> memref<128x64xf32, #tpu.memory_space<vmem>>
        %dma_start3A_389 = arith.constant 0 : i32
        %dma_start3A_390 = tpu.memref_slice %arg6[%sub3A_244, %dma_start3A_389] : memref<160x128xi32, #tpu.memory_space<vmem>> -> memref<1x128xi32, #tpu.memory_space<vmem>>
        %dma_start3A_391 = tpu.memref_squeeze %dma_start3A_390 : memref<1x128xi32, #tpu.memory_space<vmem>> -> memref<128xi32, #tpu.memory_space<vmem>>
        %dma_start3A_392 = arith.constant 0 : i32
        %dma_start3A_393 = arith.constant 0 : i32
        %dma_start3A_394 = tpu.memref_slice %arg2[%arg0, %dma_start3A_392, %dma_start3A_393] : memref<2x10240x64xf32, #tpu.memory_space<hbm>> -> memref<1x10240x64xf32, #tpu.memory_space<hbm>>
        %dma_start3A_395 = tpu.memref_squeeze %dma_start3A_394 : memref<1x10240x64xf32, #tpu.memory_space<hbm>> -> memref<10240x64xf32, #tpu.memory_space<hbm>>
        %dma_start3A_396 = arith.constant 0 : i32
        %dma_start3A_397 = arith.constant 0 : i32
        %dma_start3A_398 = tpu.memref_slice %dma_start3A_395[%dma_start3A_396, %dma_start3A_397] : memref<10240x64xf32, #tpu.memory_space<hbm>> -> memref<10240x64xf32, #tpu.memory_space<hbm>>
        %dma_start3A_399 = tpu.memref_slice %arg10[%dma_start3A_384] : memref<5x!tpu.dma_semaphore, #tpu.memory_space<semaphore_mem>> -> memref<1x!tpu.dma_semaphore, #tpu.memory_space<semaphore_mem>>
        %dma_start3A_400 = tpu.memref_squeeze %dma_start3A_399 : memref<1x!tpu.dma_semaphore, #tpu.memory_space<semaphore_mem>> -> memref<!tpu.dma_semaphore, #tpu.memory_space<semaphore_mem>>
        tpu.enqueue_indirect_dma source(%dma_start3A_398 : memref<10240x64xf32, #tpu.memory_space<hbm>>) target(%dma_start3A_388 : memref<128x64xf32, #tpu.memory_space<vmem>>) offsets(%dma_start3A_391 : memref<128xi32, #tpu.memory_space<vmem>>) semaphore(%dma_start3A_400 : memref<!tpu.dma_semaphore, #tpu.memory_space<semaphore_mem>>)
      } else {
      }
      %add3A_250 = arith.constant 2 : i32
      %add3A_251 = arith.addi %mul3A_168, %add3A_250 : i32
      %dma_wait3A_252 = arith.constant 2 : i32
      %dma_wait3A_253 = arith.constant 2 : i32
      %dma_wait3A_254 = arith.constant 0 : i32
      %dma_wait3A_255 = arith.constant 0 : i32
      %dma_wait3A_256 = tpu.memref_slice %arg8[%dma_wait3A_252, %dma_wait3A_254, %dma_wait3A_255] : memref<5x128x64xf32, #tpu.memory_space<vmem>> -> memref<1x128x64xf32, #tpu.memory_space<vmem>>
      %dma_wait3A_257 = tpu.memref_squeeze %dma_wait3A_256 : memref<1x128x64xf32, #tpu.memory_space<vmem>> -> memref<128x64xf32, #tpu.memory_space<vmem>>
      %dma_wait3A_258 = arith.constant 0 : i32
      %dma_wait3A_259 = tpu.memref_slice %arg6[%add3A_251, %dma_wait3A_258] : memref<160x128xi32, #tpu.memory_space<vmem>> -> memref<1x128xi32, #tpu.memory_space<vmem>>
      %dma_wait3A_260 = tpu.memref_squeeze %dma_wait3A_259 : memref<1x128xi32, #tpu.memory_space<vmem>> -> memref<128xi32, #tpu.memory_space<vmem>>
      %dma_wait3A_261 = arith.constant 0 : i32
      %dma_wait3A_262 = arith.constant 0 : i32
      %dma_wait3A_263 = tpu.memref_slice %arg2[%arg0, %dma_wait3A_261, %dma_wait3A_262] : memref<2x10240x64xf32, #tpu.memory_space<hbm>> -> memref<1x10240x64xf32, #tpu.memory_space<hbm>>
      %dma_wait3A_264 = tpu.memref_squeeze %dma_wait3A_263 : memref<1x10240x64xf32, #tpu.memory_space<hbm>> -> memref<10240x64xf32, #tpu.memory_space<hbm>>
      %dma_wait3A_265 = arith.constant 0 : i32
      %dma_wait3A_266 = arith.constant 0 : i32
      %dma_wait3A_267 = tpu.memref_slice %dma_wait3A_264[%dma_wait3A_265, %dma_wait3A_266] : memref<10240x64xf32, #tpu.memory_space<hbm>> -> memref<10240x64xf32, #tpu.memory_space<hbm>>
      %dma_wait3A_268 = tpu.memref_slice %arg10[%dma_wait3A_253] : memref<5x!tpu.dma_semaphore, #tpu.memory_space<semaphore_mem>> -> memref<1x!tpu.dma_semaphore, #tpu.memory_space<semaphore_mem>>
      %dma_wait3A_269 = tpu.memref_squeeze %dma_wait3A_268 : memref<1x!tpu.dma_semaphore, #tpu.memory_space<semaphore_mem>> -> memref<!tpu.dma_semaphore, #tpu.memory_space<semaphore_mem>>
      tpu.wait_indirect_dma semaphore(%dma_wait3A_269 : memref<!tpu.dma_semaphore, #tpu.memory_space<semaphore_mem>>) src(%dma_wait3A_267 : memref<10240x64xf32, #tpu.memory_space<hbm>>) dst(%dma_wait3A_257 : memref<128x64xf32, #tpu.memory_space<vmem>>)
      %dma_start3A_270 = arith.constant 2 : i32
      %dma_start3A_271 = arith.constant 2 : i32
      %dma_start3A_272 = arith.constant 0 : i32
      %dma_start3A_273 = arith.constant 0 : i32
      %dma_start3A_274 = tpu.memref_slice %arg8[%dma_start3A_270, %dma_start3A_272, %dma_start3A_273] : memref<5x128x64xf32, #tpu.memory_space<vmem>> -> memref<1x128x64xf32, #tpu.memory_space<vmem>>
      %dma_start3A_275 = tpu.memref_squeeze %dma_start3A_274 : memref<1x128x64xf32, #tpu.memory_space<vmem>> -> memref<128x64xf32, #tpu.memory_space<vmem>>
      %dma_start3A_276 = arith.constant 0 : i32
      %dma_start3A_277 = tpu.memref_slice %arg7[%add3A_251, %dma_start3A_276] : memref<160x128xi32, #tpu.memory_space<vmem>> -> memref<1x128xi32, #tpu.memory_space<vmem>>
      %dma_start3A_278 = tpu.memref_squeeze %dma_start3A_277 : memref<1x128xi32, #tpu.memory_space<vmem>> -> memref<128xi32, #tpu.memory_space<vmem>>
      %dma_start3A_279 = arith.constant 0 : i32
      %dma_start3A_280 = arith.constant 0 : i32
      %dma_start3A_281 = tpu.memref_slice %arg9[%dma_start3A_279, %dma_start3A_280] : memref<10240x64xf32, #tpu.memory_space<vmem_shared>> -> memref<10240x64xf32, #tpu.memory_space<vmem_shared>>
      %dma_start3A_282 = tpu.memref_slice %arg11[%dma_start3A_271] : memref<5x!tpu.dma_semaphore, #tpu.memory_space<semaphore_mem>> -> memref<1x!tpu.dma_semaphore, #tpu.memory_space<semaphore_mem>>
      %dma_start3A_283 = tpu.memref_squeeze %dma_start3A_282 : memref<1x!tpu.dma_semaphore, #tpu.memory_space<semaphore_mem>> -> memref<!tpu.dma_semaphore, #tpu.memory_space<semaphore_mem>>
      tpu.enqueue_indirect_dma source(%dma_start3A_275 : memref<128x64xf32, #tpu.memory_space<vmem>>) target(%dma_start3A_281 : memref<10240x64xf32, #tpu.memory_space<vmem_shared>>) offsets(%dma_start3A_278 : memref<128xi32, #tpu.memory_space<vmem>>) semaphore(%dma_start3A_283 : memref<!tpu.dma_semaphore, #tpu.memory_space<semaphore_mem>>) {add = true}
      %add3A_284 = arith.constant 5 : i32
      %add3A_285 = arith.addi %add3A_251, %add3A_284 : i32
      %sub3A_286 = arith.constant 1 : i32
      %sub3A_287 = arith.subi %add3A_285, %sub3A_286 : i32
      %lt3A_288 = arith.constant 160 : i32
      %lt3A_289 = arith.cmpi slt, %sub3A_287, %lt3A_288 : i32
      %convert_element_type3A_290 = arith.extui %lt3A_289 : i1 to i32
      %cond3A_291 = arith.constant 0 : i32
      %cond3A_292 = arith.cmpi ne, %convert_element_type3A_290, %cond3A_291 : i32
      scf.if %cond3A_292 {
        %ge3A = arith.constant 5 : i32
        %ge3A_379 = arith.cmpi sge, %sub3A_287, %ge3A : i32
        %convert_element_type3A_380 = arith.extui %ge3A_379 : i1 to i32
        %cond3A_381 = arith.constant 0 : i32
        %cond3A_382 = arith.cmpi ne, %convert_element_type3A_380, %cond3A_381 : i32
        scf.if %cond3A_382 {
          %sub3A_401 = arith.constant 5 : i32
          %sub3A_402 = arith.subi %sub3A_287, %sub3A_401 : i32
          %dma_wait3A_403 = arith.constant 1 : i32
          %dma_wait3A_404 = arith.constant 1 : i32
          %dma_wait3A_405 = arith.constant 0 : i32
          %dma_wait3A_406 = arith.constant 0 : i32
          %dma_wait3A_407 = tpu.memref_slice %arg8[%dma_wait3A_403, %dma_wait3A_405, %dma_wait3A_406] : memref<5x128x64xf32, #tpu.memory_space<vmem>> -> memref<1x128x64xf32, #tpu.memory_space<vmem>>
          %dma_wait3A_408 = tpu.memref_squeeze %dma_wait3A_407 : memref<1x128x64xf32, #tpu.memory_space<vmem>> -> memref<128x64xf32, #tpu.memory_space<vmem>>
          %dma_wait3A_409 = arith.constant 0 : i32
          %dma_wait3A_410 = tpu.memref_slice %arg7[%sub3A_402, %dma_wait3A_409] : memref<160x128xi32, #tpu.memory_space<vmem>> -> memref<1x128xi32, #tpu.memory_space<vmem>>
          %dma_wait3A_411 = tpu.memref_squeeze %dma_wait3A_410 : memref<1x128xi32, #tpu.memory_space<vmem>> -> memref<128xi32, #tpu.memory_space<vmem>>
          %dma_wait3A_412 = arith.constant 0 : i32
          %dma_wait3A_413 = arith.constant 0 : i32
          %dma_wait3A_414 = tpu.memref_slice %arg9[%dma_wait3A_412, %dma_wait3A_413] : memref<10240x64xf32, #tpu.memory_space<vmem_shared>> -> memref<10240x64xf32, #tpu.memory_space<vmem_shared>>
          %dma_wait3A_415 = tpu.memref_slice %arg11[%dma_wait3A_404] : memref<5x!tpu.dma_semaphore, #tpu.memory_space<semaphore_mem>> -> memref<1x!tpu.dma_semaphore, #tpu.memory_space<semaphore_mem>>
          %dma_wait3A_416 = tpu.memref_squeeze %dma_wait3A_415 : memref<1x!tpu.dma_semaphore, #tpu.memory_space<semaphore_mem>> -> memref<!tpu.dma_semaphore, #tpu.memory_space<semaphore_mem>>
          tpu.wait_indirect_dma semaphore(%dma_wait3A_416 : memref<!tpu.dma_semaphore, #tpu.memory_space<semaphore_mem>>) src(%dma_wait3A_408 : memref<128x64xf32, #tpu.memory_space<vmem>>) dst(%dma_wait3A_414 : memref<10240x64xf32, #tpu.memory_space<vmem_shared>>)
        } else {
        }
        %dma_start3A_383 = arith.constant 1 : i32
        %dma_start3A_384 = arith.constant 1 : i32
        %dma_start3A_385 = arith.constant 0 : i32
        %dma_start3A_386 = arith.constant 0 : i32
        %dma_start3A_387 = tpu.memref_slice %arg8[%dma_start3A_383, %dma_start3A_385, %dma_start3A_386] : memref<5x128x64xf32, #tpu.memory_space<vmem>> -> memref<1x128x64xf32, #tpu.memory_space<vmem>>
        %dma_start3A_388 = tpu.memref_squeeze %dma_start3A_387 : memref<1x128x64xf32, #tpu.memory_space<vmem>> -> memref<128x64xf32, #tpu.memory_space<vmem>>
        %dma_start3A_389 = arith.constant 0 : i32
        %dma_start3A_390 = tpu.memref_slice %arg6[%sub3A_287, %dma_start3A_389] : memref<160x128xi32, #tpu.memory_space<vmem>> -> memref<1x128xi32, #tpu.memory_space<vmem>>
        %dma_start3A_391 = tpu.memref_squeeze %dma_start3A_390 : memref<1x128xi32, #tpu.memory_space<vmem>> -> memref<128xi32, #tpu.memory_space<vmem>>
        %dma_start3A_392 = arith.constant 0 : i32
        %dma_start3A_393 = arith.constant 0 : i32
        %dma_start3A_394 = tpu.memref_slice %arg2[%arg0, %dma_start3A_392, %dma_start3A_393] : memref<2x10240x64xf32, #tpu.memory_space<hbm>> -> memref<1x10240x64xf32, #tpu.memory_space<hbm>>
        %dma_start3A_395 = tpu.memref_squeeze %dma_start3A_394 : memref<1x10240x64xf32, #tpu.memory_space<hbm>> -> memref<10240x64xf32, #tpu.memory_space<hbm>>
        %dma_start3A_396 = arith.constant 0 : i32
        %dma_start3A_397 = arith.constant 0 : i32
        %dma_start3A_398 = tpu.memref_slice %dma_start3A_395[%dma_start3A_396, %dma_start3A_397] : memref<10240x64xf32, #tpu.memory_space<hbm>> -> memref<10240x64xf32, #tpu.memory_space<hbm>>
        %dma_start3A_399 = tpu.memref_slice %arg10[%dma_start3A_384] : memref<5x!tpu.dma_semaphore, #tpu.memory_space<semaphore_mem>> -> memref<1x!tpu.dma_semaphore, #tpu.memory_space<semaphore_mem>>
        %dma_start3A_400 = tpu.memref_squeeze %dma_start3A_399 : memref<1x!tpu.dma_semaphore, #tpu.memory_space<semaphore_mem>> -> memref<!tpu.dma_semaphore, #tpu.memory_space<semaphore_mem>>
        tpu.enqueue_indirect_dma source(%dma_start3A_398 : memref<10240x64xf32, #tpu.memory_space<hbm>>) target(%dma_start3A_388 : memref<128x64xf32, #tpu.memory_space<vmem>>) offsets(%dma_start3A_391 : memref<128xi32, #tpu.memory_space<vmem>>) semaphore(%dma_start3A_400 : memref<!tpu.dma_semaphore, #tpu.memory_space<semaphore_mem>>)
      } else {
      }
      %add3A_293 = arith.constant 3 : i32
      %add3A_294 = arith.addi %mul3A_168, %add3A_293 : i32
      %dma_wait3A_295 = arith.constant 3 : i32
      %dma_wait3A_296 = arith.constant 3 : i32
      %dma_wait3A_297 = arith.constant 0 : i32
      %dma_wait3A_298 = arith.constant 0 : i32
      %dma_wait3A_299 = tpu.memref_slice %arg8[%dma_wait3A_295, %dma_wait3A_297, %dma_wait3A_298] : memref<5x128x64xf32, #tpu.memory_space<vmem>> -> memref<1x128x64xf32, #tpu.memory_space<vmem>>
      %dma_wait3A_300 = tpu.memref_squeeze %dma_wait3A_299 : memref<1x128x64xf32, #tpu.memory_space<vmem>> -> memref<128x64xf32, #tpu.memory_space<vmem>>
      %dma_wait3A_301 = arith.constant 0 : i32
      %dma_wait3A_302 = tpu.memref_slice %arg6[%add3A_294, %dma_wait3A_301] : memref<160x128xi32, #tpu.memory_space<vmem>> -> memref<1x128xi32, #tpu.memory_space<vmem>>
      %dma_wait3A_303 = tpu.memref_squeeze %dma_wait3A_302 : memref<1x128xi32, #tpu.memory_space<vmem>> -> memref<128xi32, #tpu.memory_space<vmem>>
      %dma_wait3A_304 = arith.constant 0 : i32
      %dma_wait3A_305 = arith.constant 0 : i32
      %dma_wait3A_306 = tpu.memref_slice %arg2[%arg0, %dma_wait3A_304, %dma_wait3A_305] : memref<2x10240x64xf32, #tpu.memory_space<hbm>> -> memref<1x10240x64xf32, #tpu.memory_space<hbm>>
      %dma_wait3A_307 = tpu.memref_squeeze %dma_wait3A_306 : memref<1x10240x64xf32, #tpu.memory_space<hbm>> -> memref<10240x64xf32, #tpu.memory_space<hbm>>
      %dma_wait3A_308 = arith.constant 0 : i32
      %dma_wait3A_309 = arith.constant 0 : i32
      %dma_wait3A_310 = tpu.memref_slice %dma_wait3A_307[%dma_wait3A_308, %dma_wait3A_309] : memref<10240x64xf32, #tpu.memory_space<hbm>> -> memref<10240x64xf32, #tpu.memory_space<hbm>>
      %dma_wait3A_311 = tpu.memref_slice %arg10[%dma_wait3A_296] : memref<5x!tpu.dma_semaphore, #tpu.memory_space<semaphore_mem>> -> memref<1x!tpu.dma_semaphore, #tpu.memory_space<semaphore_mem>>
      %dma_wait3A_312 = tpu.memref_squeeze %dma_wait3A_311 : memref<1x!tpu.dma_semaphore, #tpu.memory_space<semaphore_mem>> -> memref<!tpu.dma_semaphore, #tpu.memory_space<semaphore_mem>>
      tpu.wait_indirect_dma semaphore(%dma_wait3A_312 : memref<!tpu.dma_semaphore, #tpu.memory_space<semaphore_mem>>) src(%dma_wait3A_310 : memref<10240x64xf32, #tpu.memory_space<hbm>>) dst(%dma_wait3A_300 : memref<128x64xf32, #tpu.memory_space<vmem>>)
      %dma_start3A_313 = arith.constant 3 : i32
      %dma_start3A_314 = arith.constant 3 : i32
      %dma_start3A_315 = arith.constant 0 : i32
      %dma_start3A_316 = arith.constant 0 : i32
      %dma_start3A_317 = tpu.memref_slice %arg8[%dma_start3A_313, %dma_start3A_315, %dma_start3A_316] : memref<5x128x64xf32, #tpu.memory_space<vmem>> -> memref<1x128x64xf32, #tpu.memory_space<vmem>>
      %dma_start3A_318 = tpu.memref_squeeze %dma_start3A_317 : memref<1x128x64xf32, #tpu.memory_space<vmem>> -> memref<128x64xf32, #tpu.memory_space<vmem>>
      %dma_start3A_319 = arith.constant 0 : i32
      %dma_start3A_320 = tpu.memref_slice %arg7[%add3A_294, %dma_start3A_319] : memref<160x128xi32, #tpu.memory_space<vmem>> -> memref<1x128xi32, #tpu.memory_space<vmem>>
      %dma_start3A_321 = tpu.memref_squeeze %dma_start3A_320 : memref<1x128xi32, #tpu.memory_space<vmem>> -> memref<128xi32, #tpu.memory_space<vmem>>
      %dma_start3A_322 = arith.constant 0 : i32
      %dma_start3A_323 = arith.constant 0 : i32
      %dma_start3A_324 = tpu.memref_slice %arg9[%dma_start3A_322, %dma_start3A_323] : memref<10240x64xf32, #tpu.memory_space<vmem_shared>> -> memref<10240x64xf32, #tpu.memory_space<vmem_shared>>
      %dma_start3A_325 = tpu.memref_slice %arg11[%dma_start3A_314] : memref<5x!tpu.dma_semaphore, #tpu.memory_space<semaphore_mem>> -> memref<1x!tpu.dma_semaphore, #tpu.memory_space<semaphore_mem>>
      %dma_start3A_326 = tpu.memref_squeeze %dma_start3A_325 : memref<1x!tpu.dma_semaphore, #tpu.memory_space<semaphore_mem>> -> memref<!tpu.dma_semaphore, #tpu.memory_space<semaphore_mem>>
      tpu.enqueue_indirect_dma source(%dma_start3A_318 : memref<128x64xf32, #tpu.memory_space<vmem>>) target(%dma_start3A_324 : memref<10240x64xf32, #tpu.memory_space<vmem_shared>>) offsets(%dma_start3A_321 : memref<128xi32, #tpu.memory_space<vmem>>) semaphore(%dma_start3A_326 : memref<!tpu.dma_semaphore, #tpu.memory_space<semaphore_mem>>) {add = true}
      %add3A_327 = arith.constant 5 : i32
      %add3A_328 = arith.addi %add3A_294, %add3A_327 : i32
      %sub3A_329 = arith.constant 1 : i32
      %sub3A_330 = arith.subi %add3A_328, %sub3A_329 : i32
      %lt3A_331 = arith.constant 160 : i32
      %lt3A_332 = arith.cmpi slt, %sub3A_330, %lt3A_331 : i32
      %convert_element_type3A_333 = arith.extui %lt3A_332 : i1 to i32
      %cond3A_334 = arith.constant 0 : i32
      %cond3A_335 = arith.cmpi ne, %convert_element_type3A_333, %cond3A_334 : i32
      scf.if %cond3A_335 {
        %ge3A = arith.constant 5 : i32
        %ge3A_379 = arith.cmpi sge, %sub3A_330, %ge3A : i32
        %convert_element_type3A_380 = arith.extui %ge3A_379 : i1 to i32
        %cond3A_381 = arith.constant 0 : i32
        %cond3A_382 = arith.cmpi ne, %convert_element_type3A_380, %cond3A_381 : i32
        scf.if %cond3A_382 {
          %sub3A_401 = arith.constant 5 : i32
          %sub3A_402 = arith.subi %sub3A_330, %sub3A_401 : i32
          %dma_wait3A_403 = arith.constant 2 : i32
          %dma_wait3A_404 = arith.constant 2 : i32
          %dma_wait3A_405 = arith.constant 0 : i32
          %dma_wait3A_406 = arith.constant 0 : i32
          %dma_wait3A_407 = tpu.memref_slice %arg8[%dma_wait3A_403, %dma_wait3A_405, %dma_wait3A_406] : memref<5x128x64xf32, #tpu.memory_space<vmem>> -> memref<1x128x64xf32, #tpu.memory_space<vmem>>
          %dma_wait3A_408 = tpu.memref_squeeze %dma_wait3A_407 : memref<1x128x64xf32, #tpu.memory_space<vmem>> -> memref<128x64xf32, #tpu.memory_space<vmem>>
          %dma_wait3A_409 = arith.constant 0 : i32
          %dma_wait3A_410 = tpu.memref_slice %arg7[%sub3A_402, %dma_wait3A_409] : memref<160x128xi32, #tpu.memory_space<vmem>> -> memref<1x128xi32, #tpu.memory_space<vmem>>
          %dma_wait3A_411 = tpu.memref_squeeze %dma_wait3A_410 : memref<1x128xi32, #tpu.memory_space<vmem>> -> memref<128xi32, #tpu.memory_space<vmem>>
          %dma_wait3A_412 = arith.constant 0 : i32
          %dma_wait3A_413 = arith.constant 0 : i32
          %dma_wait3A_414 = tpu.memref_slice %arg9[%dma_wait3A_412, %dma_wait3A_413] : memref<10240x64xf32, #tpu.memory_space<vmem_shared>> -> memref<10240x64xf32, #tpu.memory_space<vmem_shared>>
          %dma_wait3A_415 = tpu.memref_slice %arg11[%dma_wait3A_404] : memref<5x!tpu.dma_semaphore, #tpu.memory_space<semaphore_mem>> -> memref<1x!tpu.dma_semaphore, #tpu.memory_space<semaphore_mem>>
          %dma_wait3A_416 = tpu.memref_squeeze %dma_wait3A_415 : memref<1x!tpu.dma_semaphore, #tpu.memory_space<semaphore_mem>> -> memref<!tpu.dma_semaphore, #tpu.memory_space<semaphore_mem>>
          tpu.wait_indirect_dma semaphore(%dma_wait3A_416 : memref<!tpu.dma_semaphore, #tpu.memory_space<semaphore_mem>>) src(%dma_wait3A_408 : memref<128x64xf32, #tpu.memory_space<vmem>>) dst(%dma_wait3A_414 : memref<10240x64xf32, #tpu.memory_space<vmem_shared>>)
        } else {
        }
        %dma_start3A_383 = arith.constant 2 : i32
        %dma_start3A_384 = arith.constant 2 : i32
        %dma_start3A_385 = arith.constant 0 : i32
        %dma_start3A_386 = arith.constant 0 : i32
        %dma_start3A_387 = tpu.memref_slice %arg8[%dma_start3A_383, %dma_start3A_385, %dma_start3A_386] : memref<5x128x64xf32, #tpu.memory_space<vmem>> -> memref<1x128x64xf32, #tpu.memory_space<vmem>>
        %dma_start3A_388 = tpu.memref_squeeze %dma_start3A_387 : memref<1x128x64xf32, #tpu.memory_space<vmem>> -> memref<128x64xf32, #tpu.memory_space<vmem>>
        %dma_start3A_389 = arith.constant 0 : i32
        %dma_start3A_390 = tpu.memref_slice %arg6[%sub3A_330, %dma_start3A_389] : memref<160x128xi32, #tpu.memory_space<vmem>> -> memref<1x128xi32, #tpu.memory_space<vmem>>
        %dma_start3A_391 = tpu.memref_squeeze %dma_start3A_390 : memref<1x128xi32, #tpu.memory_space<vmem>> -> memref<128xi32, #tpu.memory_space<vmem>>
        %dma_start3A_392 = arith.constant 0 : i32
        %dma_start3A_393 = arith.constant 0 : i32
        %dma_start3A_394 = tpu.memref_slice %arg2[%arg0, %dma_start3A_392, %dma_start3A_393] : memref<2x10240x64xf32, #tpu.memory_space<hbm>> -> memref<1x10240x64xf32, #tpu.memory_space<hbm>>
        %dma_start3A_395 = tpu.memref_squeeze %dma_start3A_394 : memref<1x10240x64xf32, #tpu.memory_space<hbm>> -> memref<10240x64xf32, #tpu.memory_space<hbm>>
        %dma_start3A_396 = arith.constant 0 : i32
        %dma_start3A_397 = arith.constant 0 : i32
        %dma_start3A_398 = tpu.memref_slice %dma_start3A_395[%dma_start3A_396, %dma_start3A_397] : memref<10240x64xf32, #tpu.memory_space<hbm>> -> memref<10240x64xf32, #tpu.memory_space<hbm>>
        %dma_start3A_399 = tpu.memref_slice %arg10[%dma_start3A_384] : memref<5x!tpu.dma_semaphore, #tpu.memory_space<semaphore_mem>> -> memref<1x!tpu.dma_semaphore, #tpu.memory_space<semaphore_mem>>
        %dma_start3A_400 = tpu.memref_squeeze %dma_start3A_399 : memref<1x!tpu.dma_semaphore, #tpu.memory_space<semaphore_mem>> -> memref<!tpu.dma_semaphore, #tpu.memory_space<semaphore_mem>>
        tpu.enqueue_indirect_dma source(%dma_start3A_398 : memref<10240x64xf32, #tpu.memory_space<hbm>>) target(%dma_start3A_388 : memref<128x64xf32, #tpu.memory_space<vmem>>) offsets(%dma_start3A_391 : memref<128xi32, #tpu.memory_space<vmem>>) semaphore(%dma_start3A_400 : memref<!tpu.dma_semaphore, #tpu.memory_space<semaphore_mem>>)
      } else {
      }
      %add3A_336 = arith.constant 4 : i32
      %add3A_337 = arith.addi %mul3A_168, %add3A_336 : i32
      %dma_wait3A_338 = arith.constant 4 : i32
      %dma_wait3A_339 = arith.constant 4 : i32
      %dma_wait3A_340 = arith.constant 0 : i32
      %dma_wait3A_341 = arith.constant 0 : i32
      %dma_wait3A_342 = tpu.memref_slice %arg8[%dma_wait3A_338, %dma_wait3A_340, %dma_wait3A_341] : memref<5x128x64xf32, #tpu.memory_space<vmem>> -> memref<1x128x64xf32, #tpu.memory_space<vmem>>
      %dma_wait3A_343 = tpu.memref_squeeze %dma_wait3A_342 : memref<1x128x64xf32, #tpu.memory_space<vmem>> -> memref<128x64xf32, #tpu.memory_space<vmem>>
      %dma_wait3A_344 = arith.constant 0 : i32
      %dma_wait3A_345 = tpu.memref_slice %arg6[%add3A_337, %dma_wait3A_344] : memref<160x128xi32, #tpu.memory_space<vmem>> -> memref<1x128xi32, #tpu.memory_space<vmem>>
      %dma_wait3A_346 = tpu.memref_squeeze %dma_wait3A_345 : memref<1x128xi32, #tpu.memory_space<vmem>> -> memref<128xi32, #tpu.memory_space<vmem>>
      %dma_wait3A_347 = arith.constant 0 : i32
      %dma_wait3A_348 = arith.constant 0 : i32
      %dma_wait3A_349 = tpu.memref_slice %arg2[%arg0, %dma_wait3A_347, %dma_wait3A_348] : memref<2x10240x64xf32, #tpu.memory_space<hbm>> -> memref<1x10240x64xf32, #tpu.memory_space<hbm>>
      %dma_wait3A_350 = tpu.memref_squeeze %dma_wait3A_349 : memref<1x10240x64xf32, #tpu.memory_space<hbm>> -> memref<10240x64xf32, #tpu.memory_space<hbm>>
      %dma_wait3A_351 = arith.constant 0 : i32
      %dma_wait3A_352 = arith.constant 0 : i32
      %dma_wait3A_353 = tpu.memref_slice %dma_wait3A_350[%dma_wait3A_351, %dma_wait3A_352] : memref<10240x64xf32, #tpu.memory_space<hbm>> -> memref<10240x64xf32, #tpu.memory_space<hbm>>
      %dma_wait3A_354 = tpu.memref_slice %arg10[%dma_wait3A_339] : memref<5x!tpu.dma_semaphore, #tpu.memory_space<semaphore_mem>> -> memref<1x!tpu.dma_semaphore, #tpu.memory_space<semaphore_mem>>
      %dma_wait3A_355 = tpu.memref_squeeze %dma_wait3A_354 : memref<1x!tpu.dma_semaphore, #tpu.memory_space<semaphore_mem>> -> memref<!tpu.dma_semaphore, #tpu.memory_space<semaphore_mem>>
      tpu.wait_indirect_dma semaphore(%dma_wait3A_355 : memref<!tpu.dma_semaphore, #tpu.memory_space<semaphore_mem>>) src(%dma_wait3A_353 : memref<10240x64xf32, #tpu.memory_space<hbm>>) dst(%dma_wait3A_343 : memref<128x64xf32, #tpu.memory_space<vmem>>)
      %dma_start3A_356 = arith.constant 4 : i32
      %dma_start3A_357 = arith.constant 4 : i32
      %dma_start3A_358 = arith.constant 0 : i32
      %dma_start3A_359 = arith.constant 0 : i32
      %dma_start3A_360 = tpu.memref_slice %arg8[%dma_start3A_356, %dma_start3A_358, %dma_start3A_359] : memref<5x128x64xf32, #tpu.memory_space<vmem>> -> memref<1x128x64xf32, #tpu.memory_space<vmem>>
      %dma_start3A_361 = tpu.memref_squeeze %dma_start3A_360 : memref<1x128x64xf32, #tpu.memory_space<vmem>> -> memref<128x64xf32, #tpu.memory_space<vmem>>
      %dma_start3A_362 = arith.constant 0 : i32
      %dma_start3A_363 = tpu.memref_slice %arg7[%add3A_337, %dma_start3A_362] : memref<160x128xi32, #tpu.memory_space<vmem>> -> memref<1x128xi32, #tpu.memory_space<vmem>>
      %dma_start3A_364 = tpu.memref_squeeze %dma_start3A_363 : memref<1x128xi32, #tpu.memory_space<vmem>> -> memref<128xi32, #tpu.memory_space<vmem>>
      %dma_start3A_365 = arith.constant 0 : i32
      %dma_start3A_366 = arith.constant 0 : i32
      %dma_start3A_367 = tpu.memref_slice %arg9[%dma_start3A_365, %dma_start3A_366] : memref<10240x64xf32, #tpu.memory_space<vmem_shared>> -> memref<10240x64xf32, #tpu.memory_space<vmem_shared>>
      %dma_start3A_368 = tpu.memref_slice %arg11[%dma_start3A_357] : memref<5x!tpu.dma_semaphore, #tpu.memory_space<semaphore_mem>> -> memref<1x!tpu.dma_semaphore, #tpu.memory_space<semaphore_mem>>
      %dma_start3A_369 = tpu.memref_squeeze %dma_start3A_368 : memref<1x!tpu.dma_semaphore, #tpu.memory_space<semaphore_mem>> -> memref<!tpu.dma_semaphore, #tpu.memory_space<semaphore_mem>>
      tpu.enqueue_indirect_dma source(%dma_start3A_361 : memref<128x64xf32, #tpu.memory_space<vmem>>) target(%dma_start3A_367 : memref<10240x64xf32, #tpu.memory_space<vmem_shared>>) offsets(%dma_start3A_364 : memref<128xi32, #tpu.memory_space<vmem>>) semaphore(%dma_start3A_369 : memref<!tpu.dma_semaphore, #tpu.memory_space<semaphore_mem>>) {add = true}
      %add3A_370 = arith.constant 5 : i32
      %add3A_371 = arith.addi %add3A_337, %add3A_370 : i32
      %sub3A_372 = arith.constant 1 : i32
      %sub3A_373 = arith.subi %add3A_371, %sub3A_372 : i32
      %lt3A_374 = arith.constant 160 : i32
      %lt3A_375 = arith.cmpi slt, %sub3A_373, %lt3A_374 : i32
      %convert_element_type3A_376 = arith.extui %lt3A_375 : i1 to i32
      %cond3A_377 = arith.constant 0 : i32
      %cond3A_378 = arith.cmpi ne, %convert_element_type3A_376, %cond3A_377 : i32
      scf.if %cond3A_378 {
        %ge3A = arith.constant 5 : i32
        %ge3A_379 = arith.cmpi sge, %sub3A_373, %ge3A : i32
        %convert_element_type3A_380 = arith.extui %ge3A_379 : i1 to i32
        %cond3A_381 = arith.constant 0 : i32
        %cond3A_382 = arith.cmpi ne, %convert_element_type3A_380, %cond3A_381 : i32
        scf.if %cond3A_382 {
          %sub3A_401 = arith.constant 5 : i32
          %sub3A_402 = arith.subi %sub3A_373, %sub3A_401 : i32
          %dma_wait3A_403 = arith.constant 3 : i32
          %dma_wait3A_404 = arith.constant 3 : i32
          %dma_wait3A_405 = arith.constant 0 : i32
          %dma_wait3A_406 = arith.constant 0 : i32
          %dma_wait3A_407 = tpu.memref_slice %arg8[%dma_wait3A_403, %dma_wait3A_405, %dma_wait3A_406] : memref<5x128x64xf32, #tpu.memory_space<vmem>> -> memref<1x128x64xf32, #tpu.memory_space<vmem>>
          %dma_wait3A_408 = tpu.memref_squeeze %dma_wait3A_407 : memref<1x128x64xf32, #tpu.memory_space<vmem>> -> memref<128x64xf32, #tpu.memory_space<vmem>>
          %dma_wait3A_409 = arith.constant 0 : i32
          %dma_wait3A_410 = tpu.memref_slice %arg7[%sub3A_402, %dma_wait3A_409] : memref<160x128xi32, #tpu.memory_space<vmem>> -> memref<1x128xi32, #tpu.memory_space<vmem>>
          %dma_wait3A_411 = tpu.memref_squeeze %dma_wait3A_410 : memref<1x128xi32, #tpu.memory_space<vmem>> -> memref<128xi32, #tpu.memory_space<vmem>>
          %dma_wait3A_412 = arith.constant 0 : i32
          %dma_wait3A_413 = arith.constant 0 : i32
          %dma_wait3A_414 = tpu.memref_slice %arg9[%dma_wait3A_412, %dma_wait3A_413] : memref<10240x64xf32, #tpu.memory_space<vmem_shared>> -> memref<10240x64xf32, #tpu.memory_space<vmem_shared>>
          %dma_wait3A_415 = tpu.memref_slice %arg11[%dma_wait3A_404] : memref<5x!tpu.dma_semaphore, #tpu.memory_space<semaphore_mem>> -> memref<1x!tpu.dma_semaphore, #tpu.memory_space<semaphore_mem>>
          %dma_wait3A_416 = tpu.memref_squeeze %dma_wait3A_415 : memref<1x!tpu.dma_semaphore, #tpu.memory_space<semaphore_mem>> -> memref<!tpu.dma_semaphore, #tpu.memory_space<semaphore_mem>>
          tpu.wait_indirect_dma semaphore(%dma_wait3A_416 : memref<!tpu.dma_semaphore, #tpu.memory_space<semaphore_mem>>) src(%dma_wait3A_408 : memref<128x64xf32, #tpu.memory_space<vmem>>) dst(%dma_wait3A_414 : memref<10240x64xf32, #tpu.memory_space<vmem_shared>>)
        } else {
        }
        %dma_start3A_383 = arith.constant 3 : i32
        %dma_start3A_384 = arith.constant 3 : i32
        %dma_start3A_385 = arith.constant 0 : i32
        %dma_start3A_386 = arith.constant 0 : i32
        %dma_start3A_387 = tpu.memref_slice %arg8[%dma_start3A_383, %dma_start3A_385, %dma_start3A_386] : memref<5x128x64xf32, #tpu.memory_space<vmem>> -> memref<1x128x64xf32, #tpu.memory_space<vmem>>
        %dma_start3A_388 = tpu.memref_squeeze %dma_start3A_387 : memref<1x128x64xf32, #tpu.memory_space<vmem>> -> memref<128x64xf32, #tpu.memory_space<vmem>>
        %dma_start3A_389 = arith.constant 0 : i32
        %dma_start3A_390 = tpu.memref_slice %arg6[%sub3A_373, %dma_start3A_389] : memref<160x128xi32, #tpu.memory_space<vmem>> -> memref<1x128xi32, #tpu.memory_space<vmem>>
        %dma_start3A_391 = tpu.memref_squeeze %dma_start3A_390 : memref<1x128xi32, #tpu.memory_space<vmem>> -> memref<128xi32, #tpu.memory_space<vmem>>
        %dma_start3A_392 = arith.constant 0 : i32
        %dma_start3A_393 = arith.constant 0 : i32
        %dma_start3A_394 = tpu.memref_slice %arg2[%arg0, %dma_start3A_392, %dma_start3A_393] : memref<2x10240x64xf32, #tpu.memory_space<hbm>> -> memref<1x10240x64xf32, #tpu.memory_space<hbm>>
        %dma_start3A_395 = tpu.memref_squeeze %dma_start3A_394 : memref<1x10240x64xf32, #tpu.memory_space<hbm>> -> memref<10240x64xf32, #tpu.memory_space<hbm>>
        %dma_start3A_396 = arith.constant 0 : i32
        %dma_start3A_397 = arith.constant 0 : i32
        %dma_start3A_398 = tpu.memref_slice %dma_start3A_395[%dma_start3A_396, %dma_start3A_397] : memref<10240x64xf32, #tpu.memory_space<hbm>> -> memref<10240x64xf32, #tpu.memory_space<hbm>>
        %dma_start3A_399 = tpu.memref_slice %arg10[%dma_start3A_384] : memref<5x!tpu.dma_semaphore, #tpu.memory_space<semaphore_mem>> -> memref<1x!tpu.dma_semaphore, #tpu.memory_space<semaphore_mem>>
        %dma_start3A_400 = tpu.memref_squeeze %dma_start3A_399 : memref<1x!tpu.dma_semaphore, #tpu.memory_space<semaphore_mem>> -> memref<!tpu.dma_semaphore, #tpu.memory_space<semaphore_mem>>
        tpu.enqueue_indirect_dma source(%dma_start3A_398 : memref<10240x64xf32, #tpu.memory_space<hbm>>) target(%dma_start3A_388 : memref<128x64xf32, #tpu.memory_space<vmem>>) offsets(%dma_start3A_391 : memref<128xi32, #tpu.memory_space<vmem>>) semaphore(%dma_start3A_400 : memref<!tpu.dma_semaphore, #tpu.memory_space<semaphore_mem>>)
      } else {
      }
    }
    %scan3A_86 = arith.constant 32 : i32
    %dma_wait3A = arith.constant 0 : i32
    %dma_wait3A_87 = arith.constant 155 : i32
    %dma_wait3A_88 = arith.constant 0 : i32
    %dma_wait3A_89 = arith.constant 0 : i32
    %dma_wait3A_90 = arith.constant 0 : i32
    %dma_wait3A_91 = tpu.memref_slice %arg8[%dma_wait3A, %dma_wait3A_89, %dma_wait3A_90] : memref<5x128x64xf32, #tpu.memory_space<vmem>> -> memref<1x128x64xf32, #tpu.memory_space<vmem>>
    %dma_wait3A_92 = tpu.memref_squeeze %dma_wait3A_91 : memref<1x128x64xf32, #tpu.memory_space<vmem>> -> memref<128x64xf32, #tpu.memory_space<vmem>>
    %dma_wait3A_93 = arith.constant 0 : i32
    %dma_wait3A_94 = tpu.memref_slice %arg7[%dma_wait3A_87, %dma_wait3A_93] : memref<160x128xi32, #tpu.memory_space<vmem>> -> memref<1x128xi32, #tpu.memory_space<vmem>>
    %dma_wait3A_95 = tpu.memref_squeeze %dma_wait3A_94 : memref<1x128xi32, #tpu.memory_space<vmem>> -> memref<128xi32, #tpu.memory_space<vmem>>
    %dma_wait3A_96 = arith.constant 0 : i32
    %dma_wait3A_97 = arith.constant 0 : i32
    %dma_wait3A_98 = tpu.memref_slice %arg9[%dma_wait3A_96, %dma_wait3A_97] : memref<10240x64xf32, #tpu.memory_space<vmem_shared>> -> memref<10240x64xf32, #tpu.memory_space<vmem_shared>>
    %dma_wait3A_99 = tpu.memref_slice %arg11[%dma_wait3A_88] : memref<5x!tpu.dma_semaphore, #tpu.memory_space<semaphore_mem>> -> memref<1x!tpu.dma_semaphore, #tpu.memory_space<semaphore_mem>>
    %dma_wait3A_100 = tpu.memref_squeeze %dma_wait3A_99 : memref<1x!tpu.dma_semaphore, #tpu.memory_space<semaphore_mem>> -> memref<!tpu.dma_semaphore, #tpu.memory_space<semaphore_mem>>
    tpu.wait_indirect_dma semaphore(%dma_wait3A_100 : memref<!tpu.dma_semaphore, #tpu.memory_space<semaphore_mem>>) src(%dma_wait3A_92 : memref<128x64xf32, #tpu.memory_space<vmem>>) dst(%dma_wait3A_98 : memref<10240x64xf32, #tpu.memory_space<vmem_shared>>)
    %dma_wait3A_101 = arith.constant 1 : i32
    %dma_wait3A_102 = arith.constant 156 : i32
    %dma_wait3A_103 = arith.constant 1 : i32
    %dma_wait3A_104 = arith.constant 0 : i32
    %dma_wait3A_105 = arith.constant 0 : i32
    %dma_wait3A_106 = tpu.memref_slice %arg8[%dma_wait3A_101, %dma_wait3A_104, %dma_wait3A_105] : memref<5x128x64xf32, #tpu.memory_space<vmem>> -> memref<1x128x64xf32, #tpu.memory_space<vmem>>
    %dma_wait3A_107 = tpu.memref_squeeze %dma_wait3A_106 : memref<1x128x64xf32, #tpu.memory_space<vmem>> -> memref<128x64xf32, #tpu.memory_space<vmem>>
    %dma_wait3A_108 = arith.constant 0 : i32
    %dma_wait3A_109 = tpu.memref_slice %arg7[%dma_wait3A_102, %dma_wait3A_108] : memref<160x128xi32, #tpu.memory_space<vmem>> -> memref<1x128xi32, #tpu.memory_space<vmem>>
    %dma_wait3A_110 = tpu.memref_squeeze %dma_wait3A_109 : memref<1x128xi32, #tpu.memory_space<vmem>> -> memref<128xi32, #tpu.memory_space<vmem>>
    %dma_wait3A_111 = arith.constant 0 : i32
    %dma_wait3A_112 = arith.constant 0 : i32
    %dma_wait3A_113 = tpu.memref_slice %arg9[%dma_wait3A_111, %dma_wait3A_112] : memref<10240x64xf32, #tpu.memory_space<vmem_shared>> -> memref<10240x64xf32, #tpu.memory_space<vmem_shared>>
    %dma_wait3A_114 = tpu.memref_slice %arg11[%dma_wait3A_103] : memref<5x!tpu.dma_semaphore, #tpu.memory_space<semaphore_mem>> -> memref<1x!tpu.dma_semaphore, #tpu.memory_space<semaphore_mem>>
    %dma_wait3A_115 = tpu.memref_squeeze %dma_wait3A_114 : memref<1x!tpu.dma_semaphore, #tpu.memory_space<semaphore_mem>> -> memref<!tpu.dma_semaphore, #tpu.memory_space<semaphore_mem>>
    tpu.wait_indirect_dma semaphore(%dma_wait3A_115 : memref<!tpu.dma_semaphore, #tpu.memory_space<semaphore_mem>>) src(%dma_wait3A_107 : memref<128x64xf32, #tpu.memory_space<vmem>>) dst(%dma_wait3A_113 : memref<10240x64xf32, #tpu.memory_space<vmem_shared>>)
    %dma_wait3A_116 = arith.constant 2 : i32
    %dma_wait3A_117 = arith.constant 157 : i32
    %dma_wait3A_118 = arith.constant 2 : i32
    %dma_wait3A_119 = arith.constant 0 : i32
    %dma_wait3A_120 = arith.constant 0 : i32
    %dma_wait3A_121 = tpu.memref_slice %arg8[%dma_wait3A_116, %dma_wait3A_119, %dma_wait3A_120] : memref<5x128x64xf32, #tpu.memory_space<vmem>> -> memref<1x128x64xf32, #tpu.memory_space<vmem>>
    %dma_wait3A_122 = tpu.memref_squeeze %dma_wait3A_121 : memref<1x128x64xf32, #tpu.memory_space<vmem>> -> memref<128x64xf32, #tpu.memory_space<vmem>>
    %dma_wait3A_123 = arith.constant 0 : i32
    %dma_wait3A_124 = tpu.memref_slice %arg7[%dma_wait3A_117, %dma_wait3A_123] : memref<160x128xi32, #tpu.memory_space<vmem>> -> memref<1x128xi32, #tpu.memory_space<vmem>>
    %dma_wait3A_125 = tpu.memref_squeeze %dma_wait3A_124 : memref<1x128xi32, #tpu.memory_space<vmem>> -> memref<128xi32, #tpu.memory_space<vmem>>
    %dma_wait3A_126 = arith.constant 0 : i32
    %dma_wait3A_127 = arith.constant 0 : i32
    %dma_wait3A_128 = tpu.memref_slice %arg9[%dma_wait3A_126, %dma_wait3A_127] : memref<10240x64xf32, #tpu.memory_space<vmem_shared>> -> memref<10240x64xf32, #tpu.memory_space<vmem_shared>>
    %dma_wait3A_129 = tpu.memref_slice %arg11[%dma_wait3A_118] : memref<5x!tpu.dma_semaphore, #tpu.memory_space<semaphore_mem>> -> memref<1x!tpu.dma_semaphore, #tpu.memory_space<semaphore_mem>>
    %dma_wait3A_130 = tpu.memref_squeeze %dma_wait3A_129 : memref<1x!tpu.dma_semaphore, #tpu.memory_space<semaphore_mem>> -> memref<!tpu.dma_semaphore, #tpu.memory_space<semaphore_mem>>
    tpu.wait_indirect_dma semaphore(%dma_wait3A_130 : memref<!tpu.dma_semaphore, #tpu.memory_space<semaphore_mem>>) src(%dma_wait3A_122 : memref<128x64xf32, #tpu.memory_space<vmem>>) dst(%dma_wait3A_128 : memref<10240x64xf32, #tpu.memory_space<vmem_shared>>)
    %dma_wait3A_131 = arith.constant 3 : i32
    %dma_wait3A_132 = arith.constant 158 : i32
    %dma_wait3A_133 = arith.constant 3 : i32
    %dma_wait3A_134 = arith.constant 0 : i32
    %dma_wait3A_135 = arith.constant 0 : i32
    %dma_wait3A_136 = tpu.memref_slice %arg8[%dma_wait3A_131, %dma_wait3A_134, %dma_wait3A_135] : memref<5x128x64xf32, #tpu.memory_space<vmem>> -> memref<1x128x64xf32, #tpu.memory_space<vmem>>
    %dma_wait3A_137 = tpu.memref_squeeze %dma_wait3A_136 : memref<1x128x64xf32, #tpu.memory_space<vmem>> -> memref<128x64xf32, #tpu.memory_space<vmem>>
    %dma_wait3A_138 = arith.constant 0 : i32
    %dma_wait3A_139 = tpu.memref_slice %arg7[%dma_wait3A_132, %dma_wait3A_138] : memref<160x128xi32, #tpu.memory_space<vmem>> -> memref<1x128xi32, #tpu.memory_space<vmem>>
    %dma_wait3A_140 = tpu.memref_squeeze %dma_wait3A_139 : memref<1x128xi32, #tpu.memory_space<vmem>> -> memref<128xi32, #tpu.memory_space<vmem>>
    %dma_wait3A_141 = arith.constant 0 : i32
    %dma_wait3A_142 = arith.constant 0 : i32
    %dma_wait3A_143 = tpu.memref_slice %arg9[%dma_wait3A_141, %dma_wait3A_142] : memref<10240x64xf32, #tpu.memory_space<vmem_shared>> -> memref<10240x64xf32, #tpu.memory_space<vmem_shared>>
    %dma_wait3A_144 = tpu.memref_slice %arg11[%dma_wait3A_133] : memref<5x!tpu.dma_semaphore, #tpu.memory_space<semaphore_mem>> -> memref<1x!tpu.dma_semaphore, #tpu.memory_space<semaphore_mem>>
    %dma_wait3A_145 = tpu.memref_squeeze %dma_wait3A_144 : memref<1x!tpu.dma_semaphore, #tpu.memory_space<semaphore_mem>> -> memref<!tpu.dma_semaphore, #tpu.memory_space<semaphore_mem>>
    tpu.wait_indirect_dma semaphore(%dma_wait3A_145 : memref<!tpu.dma_semaphore, #tpu.memory_space<semaphore_mem>>) src(%dma_wait3A_137 : memref<128x64xf32, #tpu.memory_space<vmem>>) dst(%dma_wait3A_143 : memref<10240x64xf32, #tpu.memory_space<vmem_shared>>)
    %dma_wait3A_146 = arith.constant 4 : i32
    %dma_wait3A_147 = arith.constant 159 : i32
    %dma_wait3A_148 = arith.constant 4 : i32
    %dma_wait3A_149 = arith.constant 0 : i32
    %dma_wait3A_150 = arith.constant 0 : i32
    %dma_wait3A_151 = tpu.memref_slice %arg8[%dma_wait3A_146, %dma_wait3A_149, %dma_wait3A_150] : memref<5x128x64xf32, #tpu.memory_space<vmem>> -> memref<1x128x64xf32, #tpu.memory_space<vmem>>
    %dma_wait3A_152 = tpu.memref_squeeze %dma_wait3A_151 : memref<1x128x64xf32, #tpu.memory_space<vmem>> -> memref<128x64xf32, #tpu.memory_space<vmem>>
    %dma_wait3A_153 = arith.constant 0 : i32
    %dma_wait3A_154 = tpu.memref_slice %arg7[%dma_wait3A_147, %dma_wait3A_153] : memref<160x128xi32, #tpu.memory_space<vmem>> -> memref<1x128xi32, #tpu.memory_space<vmem>>
    %dma_wait3A_155 = tpu.memref_squeeze %dma_wait3A_154 : memref<1x128xi32, #tpu.memory_space<vmem>> -> memref<128xi32, #tpu.memory_space<vmem>>
    %dma_wait3A_156 = arith.constant 0 : i32
    %dma_wait3A_157 = arith.constant 0 : i32
    %dma_wait3A_158 = tpu.memref_slice %arg9[%dma_wait3A_156, %dma_wait3A_157] : memref<10240x64xf32, #tpu.memory_space<vmem_shared>> -> memref<10240x64xf32, #tpu.memory_space<vmem_shared>>
    %dma_wait3A_159 = tpu.memref_slice %arg11[%dma_wait3A_148] : memref<5x!tpu.dma_semaphore, #tpu.memory_space<semaphore_mem>> -> memref<1x!tpu.dma_semaphore, #tpu.memory_space<semaphore_mem>>
    %dma_wait3A_160 = tpu.memref_squeeze %dma_wait3A_159 : memref<1x!tpu.dma_semaphore, #tpu.memory_space<semaphore_mem>> -> memref<!tpu.dma_semaphore, #tpu.memory_space<semaphore_mem>>
    tpu.wait_indirect_dma semaphore(%dma_wait3A_160 : memref<!tpu.dma_semaphore, #tpu.memory_space<semaphore_mem>>) src(%dma_wait3A_152 : memref<128x64xf32, #tpu.memory_space<vmem>>) dst(%dma_wait3A_158 : memref<10240x64xf32, #tpu.memory_space<vmem_shared>>)
    %barrier3A_161 = arith.constant 0 : index
    tpu.barrier barrier_id(%barrier3A_161)
    %mul3A_162 = arith.constant 640 : i32
    %mul3A_163 = arith.muli %arg1, %mul3A_162 : i32
    %mul3A_164 = arith.constant 640 : i32
    %mul3A_165 = arith.muli %arg1, %mul3A_164 : i32
    "tpu.region"() ({
      %run_scoped3A = tpu.sem_alloc : memref<!tpu.dma_semaphore, #tpu.memory_space<semaphore_mem>>
      %dma_start3A_166 = arith.constant 0 : i32
      %dma_start3A_167 = tpu.memref_slice %arg5[%arg0, %mul3A_165, %dma_start3A_166] : memref<2x10240x64xf32, #tpu.memory_space<hbm>> -> memref<1x640x64xf32, #tpu.memory_space<hbm>>
      %dma_start3A_168 = tpu.memref_squeeze %dma_start3A_167 : memref<1x640x64xf32, #tpu.memory_space<hbm>> -> memref<640x64xf32, #tpu.memory_space<hbm>>
      %dma_start3A_169 = arith.constant 0 : i32
      %dma_start3A_170 = tpu.memref_slice %arg9[%mul3A_163, %dma_start3A_169] : memref<10240x64xf32, #tpu.memory_space<vmem_shared>> -> memref<640x64xf32, #tpu.memory_space<vmem_shared>>
      tpu.enqueue_dma source(%dma_start3A_170 : memref<640x64xf32, #tpu.memory_space<vmem_shared>>) target(%dma_start3A_168 : memref<640x64xf32, #tpu.memory_space<hbm>>) target_semaphore(%run_scoped3A : memref<!tpu.dma_semaphore, #tpu.memory_space<semaphore_mem>>)
      %dma_wait3A_171 = arith.constant 0 : i32
      %dma_wait3A_172 = tpu.memref_slice %arg5[%arg0, %mul3A_165, %dma_wait3A_171] : memref<2x10240x64xf32, #tpu.memory_space<hbm>> -> memref<1x640x64xf32, #tpu.memory_space<hbm>>
      %dma_wait3A_173 = tpu.memref_squeeze %dma_wait3A_172 : memref<1x640x64xf32, #tpu.memory_space<hbm>> -> memref<640x64xf32, #tpu.memory_space<hbm>>
      %dma_wait3A_174 = arith.constant 0 : i32
      %dma_wait3A_175 = tpu.memref_slice %arg9[%mul3A_163, %dma_wait3A_174] : memref<10240x64xf32, #tpu.memory_space<vmem_shared>> -> memref<640x64xf32, #tpu.memory_space<vmem_shared>>
      tpu.wait_dma2 semaphore(%run_scoped3A : memref<!tpu.dma_semaphore, #tpu.memory_space<semaphore_mem>>) src(%dma_wait3A_175 : memref<640x64xf32, #tpu.memory_space<vmem_shared>>) dst(%dma_wait3A_173 : memref<640x64xf32, #tpu.memory_space<hbm>>)
      tpu.yield
    }) : () -> ()
    return
  }
}

#map = affine_map<(d0, d1) -> (0, 0, 0)>
#map1 = affine_map<(d0, d1) -> (0, 0)>
module attributes {stable_mosaic.version = 14 : i64} {
  func.func @_edge_body(%arg0: i32, %arg1: i32, %arg2: memref<2x10240x64xf32, #tpu.memory_space<hbm>>, %arg3: memref<2560x128xi32, #tpu.memory_space<hbm>>, %arg4: memref<2560x128xi32, #tpu.memory_space<hbm>>, %arg5: memref<2x10240x64xf32, #tpu.memory_space<hbm>>, %arg6: memref<160x128xi32, #tpu.memory_space<vmem>>, %arg7: memref<160x128xi32, #tpu.memory_space<vmem>>, %arg8: memref<5x128x64xf32, #tpu.memory_space<vmem>>, %arg9: memref<10240x64xf32, #tpu.memory_space<vmem_shared>>, %arg10: memref<5x!tpu.dma_semaphore, #tpu.memory_space<semaphore_mem>>, %arg11: memref<5x!tpu.dma_semaphore, #tpu.memory_space<semaphore_mem>>) attributes {dimension_semantics = [#tpu.dimension_semantics<core_parallel>, #tpu.dimension_semantics<subcore_parallel>], iteration_bounds = array<i64: 2, 16>, scalar_prefetch = 0 : i64, scratch_operands = 6 : i64, tpu.core_type = #tpu.core_type<sc_vector_subcore>, window_params = [{transform_indices = #map}, {transform_indices = #map1}, {transform_indices = #map1}, {transform_indices = #map}]} {
    %mul3A = arith.constant 640 : i32
    %mul3A_0 = arith.muli %arg1, %mul3A : i32
    %mul3A_1 = arith.constant 640 : i32
    %mul3A_2 = arith.muli %arg1, %mul3A_1 : i32
    "tpu.region"() ({
      %run_scoped3A = tpu.sem_alloc : memref<!tpu.dma_semaphore, #tpu.memory_space<semaphore_mem>>
      %dma_start3A_166 = arith.constant 0 : i32
      %dma_start3A_167 = tpu.memref_slice %arg9[%mul3A_2, %dma_start3A_166] : memref<10240x64xf32, #tpu.memory_space<vmem_shared>> -> memref<640x64xf32, #tpu.memory_space<vmem_shared>>
      %dma_start3A_168 = arith.constant 0 : i32
      %dma_start3A_169 = tpu.memref_slice %arg2[%arg0, %mul3A_0, %dma_start3A_168] : memref<2x10240x64xf32, #tpu.memory_space<hbm>> -> memref<1x640x64xf32, #tpu.memory_space<hbm>>
      %dma_start3A_170 = tpu.memref_squeeze %dma_start3A_169 : memref<1x640x64xf32, #tpu.memory_space<hbm>> -> memref<640x64xf32, #tpu.memory_space<hbm>>
      tpu.enqueue_dma source(%dma_start3A_170 : memref<640x64xf32, #tpu.memory_space<hbm>>) target(%dma_start3A_167 : memref<640x64xf32, #tpu.memory_space<vmem_shared>>) target_semaphore(%run_scoped3A : memref<!tpu.dma_semaphore, #tpu.memory_space<semaphore_mem>>)
      %dma_wait3A_171 = arith.constant 0 : i32
      %dma_wait3A_172 = tpu.memref_slice %arg9[%mul3A_2, %dma_wait3A_171] : memref<10240x64xf32, #tpu.memory_space<vmem_shared>> -> memref<640x64xf32, #tpu.memory_space<vmem_shared>>
      %dma_wait3A_173 = arith.constant 0 : i32
      %dma_wait3A_174 = tpu.memref_slice %arg2[%arg0, %mul3A_0, %dma_wait3A_173] : memref<2x10240x64xf32, #tpu.memory_space<hbm>> -> memref<1x640x64xf32, #tpu.memory_space<hbm>>
      %dma_wait3A_175 = tpu.memref_squeeze %dma_wait3A_174 : memref<1x640x64xf32, #tpu.memory_space<hbm>> -> memref<640x64xf32, #tpu.memory_space<hbm>>
      tpu.wait_dma2 semaphore(%run_scoped3A : memref<!tpu.dma_semaphore, #tpu.memory_space<semaphore_mem>>) src(%dma_wait3A_175 : memref<640x64xf32, #tpu.memory_space<hbm>>) dst(%dma_wait3A_172 : memref<640x64xf32, #tpu.memory_space<vmem_shared>>)
      tpu.yield
    }) : () -> ()
    %mul3A_3 = arith.constant 160 : i32
    %mul3A_4 = arith.muli %arg1, %mul3A_3 : i32
    "tpu.region"() ({
      %run_scoped3A = tpu.sem_alloc : memref<!tpu.dma_semaphore, #tpu.memory_space<semaphore_mem>>
      %dma_start3A_166 = arith.constant 0 : i32
      %dma_start3A_167 = tpu.memref_slice %arg3[%mul3A_4, %dma_start3A_166] : memref<2560x128xi32, #tpu.memory_space<hbm>> -> memref<160x128xi32, #tpu.memory_space<hbm>>
      %dma_start3A_168 = arith.constant 0 : i32
      %dma_start3A_169 = tpu.memref_slice %arg3[%mul3A_4, %dma_start3A_168] : memref<2560x128xi32, #tpu.memory_space<hbm>> -> memref<160x128xi32, #tpu.memory_space<hbm>>
      tpu.enqueue_dma source(%dma_start3A_169 : memref<160x128xi32, #tpu.memory_space<hbm>>) target(%arg6 : memref<160x128xi32, #tpu.memory_space<vmem>>) target_semaphore(%run_scoped3A : memref<!tpu.dma_semaphore, #tpu.memory_space<semaphore_mem>>)
      %dma_wait3A_170 = arith.constant 0 : i32
      %dma_wait3A_171 = tpu.memref_slice %arg3[%mul3A_4, %dma_wait3A_170] : memref<2560x128xi32, #tpu.memory_space<hbm>> -> memref<160x128xi32, #tpu.memory_space<hbm>>
      %dma_wait3A_172 = arith.constant 0 : i32
      %dma_wait3A_173 = tpu.memref_slice %arg3[%mul3A_4, %dma_wait3A_172] : memref<2560x128xi32, #tpu.memory_space<hbm>> -> memref<160x128xi32, #tpu.memory_space<hbm>>
      tpu.wait_dma2 semaphore(%run_scoped3A : memref<!tpu.dma_semaphore, #tpu.memory_space<semaphore_mem>>) src(%dma_wait3A_173 : memref<160x128xi32, #tpu.memory_space<hbm>>) dst(%arg6 : memref<160x128xi32, #tpu.memory_space<vmem>>)
      tpu.yield
    }) : () -> ()
    %mul3A_5 = arith.constant 160 : i32
    %mul3A_6 = arith.muli %arg1, %mul3A_5 : i32
    "tpu.region"() ({
      %run_scoped3A = tpu.sem_alloc : memref<!tpu.dma_semaphore, #tpu.memory_space<semaphore_mem>>
      %dma_start3A_166 = arith.constant 0 : i32
      %dma_start3A_167 = tpu.memref_slice %arg4[%mul3A_6, %dma_start3A_166] : memref<2560x128xi32, #tpu.memory_space<hbm>> -> memref<160x128xi32, #tpu.memory_space<hbm>>
      %dma_start3A_168 = arith.constant 0 : i32
      %dma_start3A_169 = tpu.memref_slice %arg4[%mul3A_6, %dma_start3A_168] : memref<2560x128xi32, #tpu.memory_space<hbm>> -> memref<160x128xi32, #tpu.memory_space<hbm>>
      tpu.enqueue_dma source(%dma_start3A_169 : memref<160x128xi32, #tpu.memory_space<hbm>>) target(%arg7 : memref<160x128xi32, #tpu.memory_space<vmem>>) target_semaphore(%run_scoped3A : memref<!tpu.dma_semaphore, #tpu.memory_space<semaphore_mem>>)
      %dma_wait3A_170 = arith.constant 0 : i32
      %dma_wait3A_171 = tpu.memref_slice %arg4[%mul3A_6, %dma_wait3A_170] : memref<2560x128xi32, #tpu.memory_space<hbm>> -> memref<160x128xi32, #tpu.memory_space<hbm>>
      %dma_wait3A_172 = arith.constant 0 : i32
      %dma_wait3A_173 = tpu.memref_slice %arg4[%mul3A_6, %dma_wait3A_172] : memref<2560x128xi32, #tpu.memory_space<hbm>> -> memref<160x128xi32, #tpu.memory_space<hbm>>
      tpu.wait_dma2 semaphore(%run_scoped3A : memref<!tpu.dma_semaphore, #tpu.memory_space<semaphore_mem>>) src(%dma_wait3A_173 : memref<160x128xi32, #tpu.memory_space<hbm>>) dst(%arg7 : memref<160x128xi32, #tpu.memory_space<vmem>>)
      tpu.yield
    }) : () -> ()
    %barrier3A = arith.constant 0 : index
    tpu.barrier barrier_id(%barrier3A)
    %dma_start3A = arith.constant 0 : i32
    %dma_start3A_7 = arith.constant 0 : i32
    %dma_start3A_8 = arith.constant 0 : i32
    %dma_start3A_9 = arith.constant 0 : i32
    %dma_start3A_10 = arith.constant 0 : i32
    %dma_start3A_11 = tpu.memref_slice %arg8[%dma_start3A_7, %dma_start3A_9, %dma_start3A_10] : memref<5x128x64xf32, #tpu.memory_space<vmem>> -> memref<1x128x64xf32, #tpu.memory_space<vmem>>
    %dma_start3A_12 = tpu.memref_squeeze %dma_start3A_11 : memref<1x128x64xf32, #tpu.memory_space<vmem>> -> memref<128x64xf32, #tpu.memory_space<vmem>>
    %dma_start3A_13 = arith.constant 0 : i32
    %dma_start3A_14 = tpu.memref_slice %arg6[%dma_start3A, %dma_start3A_13] : memref<160x128xi32, #tpu.memory_space<vmem>> -> memref<1x128xi32, #tpu.memory_space<vmem>>
    %dma_start3A_15 = tpu.memref_squeeze %dma_start3A_14 : memref<1x128xi32, #tpu.memory_space<vmem>> -> memref<128xi32, #tpu.memory_space<vmem>>
    %dma_start3A_16 = arith.constant 0 : i32
    %dma_start3A_17 = arith.constant 0 : i32
    %dma_start3A_18 = tpu.memref_slice %arg2[%arg0, %dma_start3A_16, %dma_start3A_17] : memref<2x10240x64xf32, #tpu.memory_space<hbm>> -> memref<1x10240x64xf32, #tpu.memory_space<hbm>>
    %dma_start3A_19 = tpu.memref_squeeze %dma_start3A_18 : memref<1x10240x64xf32, #tpu.memory_space<hbm>> -> memref<10240x64xf32, #tpu.memory_space<hbm>>
    %dma_start3A_20 = arith.constant 0 : i32
    %dma_start3A_21 = arith.constant 0 : i32
    %dma_start3A_22 = tpu.memref_slice %dma_start3A_19[%dma_start3A_20, %dma_start3A_21] : memref<10240x64xf32, #tpu.memory_space<hbm>> -> memref<10240x64xf32, #tpu.memory_space<hbm>>
    %dma_start3A_23 = tpu.memref_slice %arg10[%dma_start3A_8] : memref<5x!tpu.dma_semaphore, #tpu.memory_space<semaphore_mem>> -> memref<1x!tpu.dma_semaphore, #tpu.memory_space<semaphore_mem>>
    %dma_start3A_24 = tpu.memref_squeeze %dma_start3A_23 : memref<1x!tpu.dma_semaphore, #tpu.memory_space<semaphore_mem>> -> memref<!tpu.dma_semaphore, #tpu.memory_space<semaphore_mem>>
    tpu.enqueue_indirect_dma source(%dma_start3A_22 : memref<10240x64xf32, #tpu.memory_space<hbm>>) target(%dma_start3A_12 : memref<128x64xf32, #tpu.memory_space<vmem>>) offsets(%dma_start3A_15 : memref<128xi32, #tpu.memory_space<vmem>>) semaphore(%dma_start3A_24 : memref<!tpu.dma_semaphore, #tpu.memory_space<semaphore_mem>>)
    %dma_start3A_25 = arith.constant 1 : i32
    %dma_start3A_26 = arith.constant 1 : i32
    %dma_start3A_27 = arith.constant 1 : i32
    %dma_start3A_28 = arith.constant 0 : i32
    %dma_start3A_29 = arith.constant 0 : i32
    %dma_start3A_30 = tpu.memref_slice %arg8[%dma_start3A_26, %dma_start3A_28, %dma_start3A_29] : memref<5x128x64xf32, #tpu.memory_space<vmem>> -> memref<1x128x64xf32, #tpu.memory_space<vmem>>
    %dma_start3A_31 = tpu.memref_squeeze %dma_start3A_30 : memref<1x128x64xf32, #tpu.memory_space<vmem>> -> memref<128x64xf32, #tpu.memory_space<vmem>>
    %dma_start3A_32 = arith.constant 0 : i32
    %dma_start3A_33 = tpu.memref_slice %arg6[%dma_start3A_25, %dma_start3A_32] : memref<160x128xi32, #tpu.memory_space<vmem>> -> memref<1x128xi32, #tpu.memory_space<vmem>>
    %dma_start3A_34 = tpu.memref_squeeze %dma_start3A_33 : memref<1x128xi32, #tpu.memory_space<vmem>> -> memref<128xi32, #tpu.memory_space<vmem>>
    %dma_start3A_35 = arith.constant 0 : i32
    %dma_start3A_36 = arith.constant 0 : i32
    %dma_start3A_37 = tpu.memref_slice %arg2[%arg0, %dma_start3A_35, %dma_start3A_36] : memref<2x10240x64xf32, #tpu.memory_space<hbm>> -> memref<1x10240x64xf32, #tpu.memory_space<hbm>>
    %dma_start3A_38 = tpu.memref_squeeze %dma_start3A_37 : memref<1x10240x64xf32, #tpu.memory_space<hbm>> -> memref<10240x64xf32, #tpu.memory_space<hbm>>
    %dma_start3A_39 = arith.constant 0 : i32
    %dma_start3A_40 = arith.constant 0 : i32
    %dma_start3A_41 = tpu.memref_slice %dma_start3A_38[%dma_start3A_39, %dma_start3A_40] : memref<10240x64xf32, #tpu.memory_space<hbm>> -> memref<10240x64xf32, #tpu.memory_space<hbm>>
    %dma_start3A_42 = tpu.memref_slice %arg10[%dma_start3A_27] : memref<5x!tpu.dma_semaphore, #tpu.memory_space<semaphore_mem>> -> memref<1x!tpu.dma_semaphore, #tpu.memory_space<semaphore_mem>>
    %dma_start3A_43 = tpu.memref_squeeze %dma_start3A_42 : memref<1x!tpu.dma_semaphore, #tpu.memory_space<semaphore_mem>> -> memref<!tpu.dma_semaphore, #tpu.memory_space<semaphore_mem>>
    tpu.enqueue_indirect_dma source(%dma_start3A_41 : memref<10240x64xf32, #tpu.memory_space<hbm>>) target(%dma_start3A_31 : memref<128x64xf32, #tpu.memory_space<vmem>>) offsets(%dma_start3A_34 : memref<128xi32, #tpu.memory_space<vmem>>) semaphore(%dma_start3A_43 : memref<!tpu.dma_semaphore, #tpu.memory_space<semaphore_mem>>)
    %dma_start3A_44 = arith.constant 2 : i32
    %dma_start3A_45 = arith.constant 2 : i32
    %dma_start3A_46 = arith.constant 2 : i32
    %dma_start3A_47 = arith.constant 0 : i32
    %dma_start3A_48 = arith.constant 0 : i32
    %dma_start3A_49 = tpu.memref_slice %arg8[%dma_start3A_45, %dma_start3A_47, %dma_start3A_48] : memref<5x128x64xf32, #tpu.memory_space<vmem>> -> memref<1x128x64xf32, #tpu.memory_space<vmem>>
    %dma_start3A_50 = tpu.memref_squeeze %dma_start3A_49 : memref<1x128x64xf32, #tpu.memory_space<vmem>> -> memref<128x64xf32, #tpu.memory_space<vmem>>
    %dma_start3A_51 = arith.constant 0 : i32
    %dma_start3A_52 = tpu.memref_slice %arg6[%dma_start3A_44, %dma_start3A_51] : memref<160x128xi32, #tpu.memory_space<vmem>> -> memref<1x128xi32, #tpu.memory_space<vmem>>
    %dma_start3A_53 = tpu.memref_squeeze %dma_start3A_52 : memref<1x128xi32, #tpu.memory_space<vmem>> -> memref<128xi32, #tpu.memory_space<vmem>>
    %dma_start3A_54 = arith.constant 0 : i32
    %dma_start3A_55 = arith.constant 0 : i32
    %dma_start3A_56 = tpu.memref_slice %arg2[%arg0, %dma_start3A_54, %dma_start3A_55] : memref<2x10240x64xf32, #tpu.memory_space<hbm>> -> memref<1x10240x64xf32, #tpu.memory_space<hbm>>
    %dma_start3A_57 = tpu.memref_squeeze %dma_start3A_56 : memref<1x10240x64xf32, #tpu.memory_space<hbm>> -> memref<10240x64xf32, #tpu.memory_space<hbm>>
    %dma_start3A_58 = arith.constant 0 : i32
    %dma_start3A_59 = arith.constant 0 : i32
    %dma_start3A_60 = tpu.memref_slice %dma_start3A_57[%dma_start3A_58, %dma_start3A_59] : memref<10240x64xf32, #tpu.memory_space<hbm>> -> memref<10240x64xf32, #tpu.memory_space<hbm>>
    %dma_start3A_61 = tpu.memref_slice %arg10[%dma_start3A_46] : memref<5x!tpu.dma_semaphore, #tpu.memory_space<semaphore_mem>> -> memref<1x!tpu.dma_semaphore, #tpu.memory_space<semaphore_mem>>
    %dma_start3A_62 = tpu.memref_squeeze %dma_start3A_61 : memref<1x!tpu.dma_semaphore, #tpu.memory_space<semaphore_mem>> -> memref<!tpu.dma_semaphore, #tpu.memory_space<semaphore_mem>>
    tpu.enqueue_indirect_dma source(%dma_start3A_60 : memref<10240x64xf32, #tpu.memory_space<hbm>>) target(%dma_start3A_50 : memref<128x64xf32, #tpu.memory_space<vmem>>) offsets(%dma_start3A_53 : memref<128xi32, #tpu.memory_space<vmem>>) semaphore(%dma_start3A_62 : memref<!tpu.dma_semaphore, #tpu.memory_space<semaphore_mem>>)
    %dma_start3A_63 = arith.constant 3 : i32
    %dma_start3A_64 = arith.constant 3 : i32
    %dma_start3A_65 = arith.constant 3 : i32
    %dma_start3A_66 = arith.constant 0 : i32
    %dma_start3A_67 = arith.constant 0 : i32
    %dma_start3A_68 = tpu.memref_slice %arg8[%dma_start3A_64, %dma_start3A_66, %dma_start3A_67] : memref<5x128x64xf32, #tpu.memory_space<vmem>> -> memref<1x128x64xf32, #tpu.memory_space<vmem>>
    %dma_start3A_69 = tpu.memref_squeeze %dma_start3A_68 : memref<1x128x64xf32, #tpu.memory_space<vmem>> -> memref<128x64xf32, #tpu.memory_space<vmem>>
    %dma_start3A_70 = arith.constant 0 : i32
    %dma_start3A_71 = tpu.memref_slice %arg6[%dma_start3A_63, %dma_start3A_70] : memref<160x128xi32, #tpu.memory_space<vmem>> -> memref<1x128xi32, #tpu.memory_space<vmem>>
    %dma_start3A_72 = tpu.memref_squeeze %dma_start3A_71 : memref<1x128xi32, #tpu.memory_space<vmem>> -> memref<128xi32, #tpu.memory_space<vmem>>
    %dma_start3A_73 = arith.constant 0 : i32
    %dma_start3A_74 = arith.constant 0 : i32
    %dma_start3A_75 = tpu.memref_slice %arg2[%arg0, %dma_start3A_73, %dma_start3A_74] : memref<2x10240x64xf32, #tpu.memory_space<hbm>> -> memref<1x10240x64xf32, #tpu.memory_space<hbm>>
    %dma_start3A_76 = tpu.memref_squeeze %dma_start3A_75 : memref<1x10240x64xf32, #tpu.memory_space<hbm>> -> memref<10240x64xf32, #tpu.memory_space<hbm>>
    %dma_start3A_77 = arith.constant 0 : i32
    %dma_start3A_78 = arith.constant 0 : i32
    %dma_start3A_79 = tpu.memref_slice %dma_start3A_76[%dma_start3A_77, %dma_start3A_78] : memref<10240x64xf32, #tpu.memory_space<hbm>> -> memref<10240x64xf32, #tpu.memory_space<hbm>>
    %dma_start3A_80 = tpu.memref_slice %arg10[%dma_start3A_65] : memref<5x!tpu.dma_semaphore, #tpu.memory_space<semaphore_mem>> -> memref<1x!tpu.dma_semaphore, #tpu.memory_space<semaphore_mem>>
    %dma_start3A_81 = tpu.memref_squeeze %dma_start3A_80 : memref<1x!tpu.dma_semaphore, #tpu.memory_space<semaphore_mem>> -> memref<!tpu.dma_semaphore, #tpu.memory_space<semaphore_mem>>
    tpu.enqueue_indirect_dma source(%dma_start3A_79 : memref<10240x64xf32, #tpu.memory_space<hbm>>) target(%dma_start3A_69 : memref<128x64xf32, #tpu.memory_space<vmem>>) offsets(%dma_start3A_72 : memref<128xi32, #tpu.memory_space<vmem>>) semaphore(%dma_start3A_81 : memref<!tpu.dma_semaphore, #tpu.memory_space<semaphore_mem>>)
    %scan3A = arith.constant 0 : i32
    %scan3A_82 = arith.constant 0 : i32
    %scan3A_83 = arith.constant 32 : i32
    %scan3A_84 = arith.addi %scan3A_82, %scan3A_83 : i32
    %scan3A_85 = arith.constant 1 : i32
    scf.for %scan3A_166 = %scan3A_82 to %scan3A_84 step %scan3A_85  : i32 {
      %mul3A_167 = arith.constant 5 : i32
      %mul3A_168 = arith.muli %scan3A_166, %mul3A_167 : i32
      %add3A = arith.constant 0 : i32
      %add3A_169 = arith.addi %mul3A_168, %add3A : i32
      %dma_wait3A_170 = arith.constant 0 : i32
      %dma_wait3A_171 = arith.constant 0 : i32
      %dma_wait3A_172 = arith.constant 0 : i32
      %dma_wait3A_173 = arith.constant 0 : i32
      %dma_wait3A_174 = tpu.memref_slice %arg8[%dma_wait3A_170, %dma_wait3A_172, %dma_wait3A_173] : memref<5x128x64xf32, #tpu.memory_space<vmem>> -> memref<1x128x64xf32, #tpu.memory_space<vmem>>
      %dma_wait3A_175 = tpu.memref_squeeze %dma_wait3A_174 : memref<1x128x64xf32, #tpu.memory_space<vmem>> -> memref<128x64xf32, #tpu.memory_space<vmem>>
      %dma_wait3A_176 = arith.constant 0 : i32
      %dma_wait3A_177 = tpu.memref_slice %arg6[%add3A_169, %dma_wait3A_176] : memref<160x128xi32, #tpu.memory_space<vmem>> -> memref<1x128xi32, #tpu.memory_space<vmem>>
      %dma_wait3A_178 = tpu.memref_squeeze %dma_wait3A_177 : memref<1x128xi32, #tpu.memory_space<vmem>> -> memref<128xi32, #tpu.memory_space<vmem>>
      %dma_wait3A_179 = arith.constant 0 : i32
      %dma_wait3A_180 = arith.constant 0 : i32
      %dma_wait3A_181 = tpu.memref_slice %arg2[%arg0, %dma_wait3A_179, %dma_wait3A_180] : memref<2x10240x64xf32, #tpu.memory_space<hbm>> -> memref<1x10240x64xf32, #tpu.memory_space<hbm>>
      %dma_wait3A_182 = tpu.memref_squeeze %dma_wait3A_181 : memref<1x10240x64xf32, #tpu.memory_space<hbm>> -> memref<10240x64xf32, #tpu.memory_space<hbm>>
      %dma_wait3A_183 = arith.constant 0 : i32
      %dma_wait3A_184 = arith.constant 0 : i32
      %dma_wait3A_185 = tpu.memref_slice %dma_wait3A_182[%dma_wait3A_183, %dma_wait3A_184] : memref<10240x64xf32, #tpu.memory_space<hbm>> -> memref<10240x64xf32, #tpu.memory_space<hbm>>
      %dma_wait3A_186 = tpu.memref_slice %arg10[%dma_wait3A_171] : memref<5x!tpu.dma_semaphore, #tpu.memory_space<semaphore_mem>> -> memref<1x!tpu.dma_semaphore, #tpu.memory_space<semaphore_mem>>
      %dma_wait3A_187 = tpu.memref_squeeze %dma_wait3A_186 : memref<1x!tpu.dma_semaphore, #tpu.memory_space<semaphore_mem>> -> memref<!tpu.dma_semaphore, #tpu.memory_space<semaphore_mem>>
      tpu.wait_indirect_dma semaphore(%dma_wait3A_187 : memref<!tpu.dma_semaphore, #tpu.memory_space<semaphore_mem>>) src(%dma_wait3A_185 : memref<10240x64xf32, #tpu.memory_space<hbm>>) dst(%dma_wait3A_175 : memref<128x64xf32, #tpu.memory_space<vmem>>)
      %dma_start3A_188 = arith.constant 0 : i32
      %dma_start3A_189 = arith.constant 0 : i32
      %dma_start3A_190 = arith.constant 0 : i32
      %dma_start3A_191 = arith.constant 0 : i32
      %dma_start3A_192 = tpu.memref_slice %arg8[%dma_start3A_188, %dma_start3A_190, %dma_start3A_191] : memref<5x128x64xf32, #tpu.memory_space<vmem>> -> memref<1x128x64xf32, #tpu.memory_space<vmem>>
      %dma_start3A_193 = tpu.memref_squeeze %dma_start3A_192 : memref<1x128x64xf32, #tpu.memory_space<vmem>> -> memref<128x64xf32, #tpu.memory_space<vmem>>
      %dma_start3A_194 = arith.constant 0 : i32
      %dma_start3A_195 = tpu.memref_slice %arg7[%add3A_169, %dma_start3A_194] : memref<160x128xi32, #tpu.memory_space<vmem>> -> memref<1x128xi32, #tpu.memory_space<vmem>>
      %dma_start3A_196 = tpu.memref_squeeze %dma_start3A_195 : memref<1x128xi32, #tpu.memory_space<vmem>> -> memref<128xi32, #tpu.memory_space<vmem>>
      %dma_start3A_197 = arith.constant 0 : i32
      %dma_start3A_198 = arith.constant 0 : i32
      %dma_start3A_199 = tpu.memref_slice %arg9[%dma_start3A_197, %dma_start3A_198] : memref<10240x64xf32, #tpu.memory_space<vmem_shared>> -> memref<10240x64xf32, #tpu.memory_space<vmem_shared>>
      %dma_start3A_200 = tpu.memref_slice %arg11[%dma_start3A_189] : memref<5x!tpu.dma_semaphore, #tpu.memory_space<semaphore_mem>> -> memref<1x!tpu.dma_semaphore, #tpu.memory_space<semaphore_mem>>
      %dma_start3A_201 = tpu.memref_squeeze %dma_start3A_200 : memref<1x!tpu.dma_semaphore, #tpu.memory_space<semaphore_mem>> -> memref<!tpu.dma_semaphore, #tpu.memory_space<semaphore_mem>>
      tpu.enqueue_indirect_dma source(%dma_start3A_193 : memref<128x64xf32, #tpu.memory_space<vmem>>) target(%dma_start3A_199 : memref<10240x64xf32, #tpu.memory_space<vmem_shared>>) offsets(%dma_start3A_196 : memref<128xi32, #tpu.memory_space<vmem>>) semaphore(%dma_start3A_201 : memref<!tpu.dma_semaphore, #tpu.memory_space<semaphore_mem>>) {add = true}
      %add3A_202 = arith.constant 5 : i32
      %add3A_203 = arith.addi %add3A_169, %add3A_202 : i32
      %sub3A = arith.constant 1 : i32
      %sub3A_204 = arith.subi %add3A_203, %sub3A : i32
      %lt3A = arith.constant 160 : i32
      %lt3A_205 = arith.cmpi slt, %sub3A_204, %lt3A : i32
      %convert_element_type3A = arith.extui %lt3A_205 : i1 to i32
      %cond3A = arith.constant 0 : i32
      %cond3A_206 = arith.cmpi ne, %convert_element_type3A, %cond3A : i32
      scf.if %cond3A_206 {
        %ge3A = arith.constant 5 : i32
        %ge3A_379 = arith.cmpi sge, %sub3A_204, %ge3A : i32
        %convert_element_type3A_380 = arith.extui %ge3A_379 : i1 to i32
        %cond3A_381 = arith.constant 0 : i32
        %cond3A_382 = arith.cmpi ne, %convert_element_type3A_380, %cond3A_381 : i32
        scf.if %cond3A_382 {
          %sub3A_401 = arith.constant 5 : i32
          %sub3A_402 = arith.subi %sub3A_204, %sub3A_401 : i32
          %dma_wait3A_403 = arith.constant 4 : i32
          %dma_wait3A_404 = arith.constant 4 : i32
          %dma_wait3A_405 = arith.constant 0 : i32
          %dma_wait3A_406 = arith.constant 0 : i32
          %dma_wait3A_407 = tpu.memref_slice %arg8[%dma_wait3A_403, %dma_wait3A_405, %dma_wait3A_406] : memref<5x128x64xf32, #tpu.memory_space<vmem>> -> memref<1x128x64xf32, #tpu.memory_space<vmem>>
          %dma_wait3A_408 = tpu.memref_squeeze %dma_wait3A_407 : memref<1x128x64xf32, #tpu.memory_space<vmem>> -> memref<128x64xf32, #tpu.memory_space<vmem>>
          %dma_wait3A_409 = arith.constant 0 : i32
          %dma_wait3A_410 = tpu.memref_slice %arg7[%sub3A_402, %dma_wait3A_409] : memref<160x128xi32, #tpu.memory_space<vmem>> -> memref<1x128xi32, #tpu.memory_space<vmem>>
          %dma_wait3A_411 = tpu.memref_squeeze %dma_wait3A_410 : memref<1x128xi32, #tpu.memory_space<vmem>> -> memref<128xi32, #tpu.memory_space<vmem>>
          %dma_wait3A_412 = arith.constant 0 : i32
          %dma_wait3A_413 = arith.constant 0 : i32
          %dma_wait3A_414 = tpu.memref_slice %arg9[%dma_wait3A_412, %dma_wait3A_413] : memref<10240x64xf32, #tpu.memory_space<vmem_shared>> -> memref<10240x64xf32, #tpu.memory_space<vmem_shared>>
          %dma_wait3A_415 = tpu.memref_slice %arg11[%dma_wait3A_404] : memref<5x!tpu.dma_semaphore, #tpu.memory_space<semaphore_mem>> -> memref<1x!tpu.dma_semaphore, #tpu.memory_space<semaphore_mem>>
          %dma_wait3A_416 = tpu.memref_squeeze %dma_wait3A_415 : memref<1x!tpu.dma_semaphore, #tpu.memory_space<semaphore_mem>> -> memref<!tpu.dma_semaphore, #tpu.memory_space<semaphore_mem>>
          tpu.wait_indirect_dma semaphore(%dma_wait3A_416 : memref<!tpu.dma_semaphore, #tpu.memory_space<semaphore_mem>>) src(%dma_wait3A_408 : memref<128x64xf32, #tpu.memory_space<vmem>>) dst(%dma_wait3A_414 : memref<10240x64xf32, #tpu.memory_space<vmem_shared>>)
        } else {
        }
        %dma_start3A_383 = arith.constant 4 : i32
        %dma_start3A_384 = arith.constant 4 : i32
        %dma_start3A_385 = arith.constant 0 : i32
        %dma_start3A_386 = arith.constant 0 : i32
        %dma_start3A_387 = tpu.memref_slice %arg8[%dma_start3A_383, %dma_start3A_385, %dma_start3A_386] : memref<5x128x64xf32, #tpu.memory_space<vmem>> -> memref<1x128x64xf32, #tpu.memory_space<vmem>>
        %dma_start3A_388 = tpu.memref_squeeze %dma_start3A_387 : memref<1x128x64xf32, #tpu.memory_space<vmem>> -> memref<128x64xf32, #tpu.memory_space<vmem>>
        %dma_start3A_389 = arith.constant 0 : i32
        %dma_start3A_390 = tpu.memref_slice %arg6[%sub3A_204, %dma_start3A_389] : memref<160x128xi32, #tpu.memory_space<vmem>> -> memref<1x128xi32, #tpu.memory_space<vmem>>
        %dma_start3A_391 = tpu.memref_squeeze %dma_start3A_390 : memref<1x128xi32, #tpu.memory_space<vmem>> -> memref<128xi32, #tpu.memory_space<vmem>>
        %dma_start3A_392 = arith.constant 0 : i32
        %dma_start3A_393 = arith.constant 0 : i32
        %dma_start3A_394 = tpu.memref_slice %arg2[%arg0, %dma_start3A_392, %dma_start3A_393] : memref<2x10240x64xf32, #tpu.memory_space<hbm>> -> memref<1x10240x64xf32, #tpu.memory_space<hbm>>
        %dma_start3A_395 = tpu.memref_squeeze %dma_start3A_394 : memref<1x10240x64xf32, #tpu.memory_space<hbm>> -> memref<10240x64xf32, #tpu.memory_space<hbm>>
        %dma_start3A_396 = arith.constant 0 : i32
        %dma_start3A_397 = arith.constant 0 : i32
        %dma_start3A_398 = tpu.memref_slice %dma_start3A_395[%dma_start3A_396, %dma_start3A_397] : memref<10240x64xf32, #tpu.memory_space<hbm>> -> memref<10240x64xf32, #tpu.memory_space<hbm>>
        %dma_start3A_399 = tpu.memref_slice %arg10[%dma_start3A_384] : memref<5x!tpu.dma_semaphore, #tpu.memory_space<semaphore_mem>> -> memref<1x!tpu.dma_semaphore, #tpu.memory_space<semaphore_mem>>
        %dma_start3A_400 = tpu.memref_squeeze %dma_start3A_399 : memref<1x!tpu.dma_semaphore, #tpu.memory_space<semaphore_mem>> -> memref<!tpu.dma_semaphore, #tpu.memory_space<semaphore_mem>>
        tpu.enqueue_indirect_dma source(%dma_start3A_398 : memref<10240x64xf32, #tpu.memory_space<hbm>>) target(%dma_start3A_388 : memref<128x64xf32, #tpu.memory_space<vmem>>) offsets(%dma_start3A_391 : memref<128xi32, #tpu.memory_space<vmem>>) semaphore(%dma_start3A_400 : memref<!tpu.dma_semaphore, #tpu.memory_space<semaphore_mem>>)
      } else {
      }
      %add3A_207 = arith.constant 1 : i32
      %add3A_208 = arith.addi %mul3A_168, %add3A_207 : i32
      %dma_wait3A_209 = arith.constant 1 : i32
      %dma_wait3A_210 = arith.constant 1 : i32
      %dma_wait3A_211 = arith.constant 0 : i32
      %dma_wait3A_212 = arith.constant 0 : i32
      %dma_wait3A_213 = tpu.memref_slice %arg8[%dma_wait3A_209, %dma_wait3A_211, %dma_wait3A_212] : memref<5x128x64xf32, #tpu.memory_space<vmem>> -> memref<1x128x64xf32, #tpu.memory_space<vmem>>
      %dma_wait3A_214 = tpu.memref_squeeze %dma_wait3A_213 : memref<1x128x64xf32, #tpu.memory_space<vmem>> -> memref<128x64xf32, #tpu.memory_space<vmem>>
      %dma_wait3A_215 = arith.constant 0 : i32
      %dma_wait3A_216 = tpu.memref_slice %arg6[%add3A_208, %dma_wait3A_215] : memref<160x128xi32, #tpu.memory_space<vmem>> -> memref<1x128xi32, #tpu.memory_space<vmem>>
      %dma_wait3A_217 = tpu.memref_squeeze %dma_wait3A_216 : memref<1x128xi32, #tpu.memory_space<vmem>> -> memref<128xi32, #tpu.memory_space<vmem>>
      %dma_wait3A_218 = arith.constant 0 : i32
      %dma_wait3A_219 = arith.constant 0 : i32
      %dma_wait3A_220 = tpu.memref_slice %arg2[%arg0, %dma_wait3A_218, %dma_wait3A_219] : memref<2x10240x64xf32, #tpu.memory_space<hbm>> -> memref<1x10240x64xf32, #tpu.memory_space<hbm>>
      %dma_wait3A_221 = tpu.memref_squeeze %dma_wait3A_220 : memref<1x10240x64xf32, #tpu.memory_space<hbm>> -> memref<10240x64xf32, #tpu.memory_space<hbm>>
      %dma_wait3A_222 = arith.constant 0 : i32
      %dma_wait3A_223 = arith.constant 0 : i32
      %dma_wait3A_224 = tpu.memref_slice %dma_wait3A_221[%dma_wait3A_222, %dma_wait3A_223] : memref<10240x64xf32, #tpu.memory_space<hbm>> -> memref<10240x64xf32, #tpu.memory_space<hbm>>
      %dma_wait3A_225 = tpu.memref_slice %arg10[%dma_wait3A_210] : memref<5x!tpu.dma_semaphore, #tpu.memory_space<semaphore_mem>> -> memref<1x!tpu.dma_semaphore, #tpu.memory_space<semaphore_mem>>
      %dma_wait3A_226 = tpu.memref_squeeze %dma_wait3A_225 : memref<1x!tpu.dma_semaphore, #tpu.memory_space<semaphore_mem>> -> memref<!tpu.dma_semaphore, #tpu.memory_space<semaphore_mem>>
      tpu.wait_indirect_dma semaphore(%dma_wait3A_226 : memref<!tpu.dma_semaphore, #tpu.memory_space<semaphore_mem>>) src(%dma_wait3A_224 : memref<10240x64xf32, #tpu.memory_space<hbm>>) dst(%dma_wait3A_214 : memref<128x64xf32, #tpu.memory_space<vmem>>)
      %dma_start3A_227 = arith.constant 1 : i32
      %dma_start3A_228 = arith.constant 1 : i32
      %dma_start3A_229 = arith.constant 0 : i32
      %dma_start3A_230 = arith.constant 0 : i32
      %dma_start3A_231 = tpu.memref_slice %arg8[%dma_start3A_227, %dma_start3A_229, %dma_start3A_230] : memref<5x128x64xf32, #tpu.memory_space<vmem>> -> memref<1x128x64xf32, #tpu.memory_space<vmem>>
      %dma_start3A_232 = tpu.memref_squeeze %dma_start3A_231 : memref<1x128x64xf32, #tpu.memory_space<vmem>> -> memref<128x64xf32, #tpu.memory_space<vmem>>
      %dma_start3A_233 = arith.constant 0 : i32
      %dma_start3A_234 = tpu.memref_slice %arg7[%add3A_208, %dma_start3A_233] : memref<160x128xi32, #tpu.memory_space<vmem>> -> memref<1x128xi32, #tpu.memory_space<vmem>>
      %dma_start3A_235 = tpu.memref_squeeze %dma_start3A_234 : memref<1x128xi32, #tpu.memory_space<vmem>> -> memref<128xi32, #tpu.memory_space<vmem>>
      %dma_start3A_236 = arith.constant 0 : i32
      %dma_start3A_237 = arith.constant 0 : i32
      %dma_start3A_238 = tpu.memref_slice %arg9[%dma_start3A_236, %dma_start3A_237] : memref<10240x64xf32, #tpu.memory_space<vmem_shared>> -> memref<10240x64xf32, #tpu.memory_space<vmem_shared>>
      %dma_start3A_239 = tpu.memref_slice %arg11[%dma_start3A_228] : memref<5x!tpu.dma_semaphore, #tpu.memory_space<semaphore_mem>> -> memref<1x!tpu.dma_semaphore, #tpu.memory_space<semaphore_mem>>
      %dma_start3A_240 = tpu.memref_squeeze %dma_start3A_239 : memref<1x!tpu.dma_semaphore, #tpu.memory_space<semaphore_mem>> -> memref<!tpu.dma_semaphore, #tpu.memory_space<semaphore_mem>>
      tpu.enqueue_indirect_dma source(%dma_start3A_232 : memref<128x64xf32, #tpu.memory_space<vmem>>) target(%dma_start3A_238 : memref<10240x64xf32, #tpu.memory_space<vmem_shared>>) offsets(%dma_start3A_235 : memref<128xi32, #tpu.memory_space<vmem>>) semaphore(%dma_start3A_240 : memref<!tpu.dma_semaphore, #tpu.memory_space<semaphore_mem>>) {add = true}
      %add3A_241 = arith.constant 5 : i32
      %add3A_242 = arith.addi %add3A_208, %add3A_241 : i32
      %sub3A_243 = arith.constant 1 : i32
      %sub3A_244 = arith.subi %add3A_242, %sub3A_243 : i32
      %lt3A_245 = arith.constant 160 : i32
      %lt3A_246 = arith.cmpi slt, %sub3A_244, %lt3A_245 : i32
      %convert_element_type3A_247 = arith.extui %lt3A_246 : i1 to i32
      %cond3A_248 = arith.constant 0 : i32
      %cond3A_249 = arith.cmpi ne, %convert_element_type3A_247, %cond3A_248 : i32
      scf.if %cond3A_249 {
        %ge3A = arith.constant 5 : i32
        %ge3A_379 = arith.cmpi sge, %sub3A_244, %ge3A : i32
        %convert_element_type3A_380 = arith.extui %ge3A_379 : i1 to i32
        %cond3A_381 = arith.constant 0 : i32
        %cond3A_382 = arith.cmpi ne, %convert_element_type3A_380, %cond3A_381 : i32
        scf.if %cond3A_382 {
          %sub3A_401 = arith.constant 5 : i32
          %sub3A_402 = arith.subi %sub3A_244, %sub3A_401 : i32
          %dma_wait3A_403 = arith.constant 0 : i32
          %dma_wait3A_404 = arith.constant 0 : i32
          %dma_wait3A_405 = arith.constant 0 : i32
          %dma_wait3A_406 = arith.constant 0 : i32
          %dma_wait3A_407 = tpu.memref_slice %arg8[%dma_wait3A_403, %dma_wait3A_405, %dma_wait3A_406] : memref<5x128x64xf32, #tpu.memory_space<vmem>> -> memref<1x128x64xf32, #tpu.memory_space<vmem>>
          %dma_wait3A_408 = tpu.memref_squeeze %dma_wait3A_407 : memref<1x128x64xf32, #tpu.memory_space<vmem>> -> memref<128x64xf32, #tpu.memory_space<vmem>>
          %dma_wait3A_409 = arith.constant 0 : i32
          %dma_wait3A_410 = tpu.memref_slice %arg7[%sub3A_402, %dma_wait3A_409] : memref<160x128xi32, #tpu.memory_space<vmem>> -> memref<1x128xi32, #tpu.memory_space<vmem>>
          %dma_wait3A_411 = tpu.memref_squeeze %dma_wait3A_410 : memref<1x128xi32, #tpu.memory_space<vmem>> -> memref<128xi32, #tpu.memory_space<vmem>>
          %dma_wait3A_412 = arith.constant 0 : i32
          %dma_wait3A_413 = arith.constant 0 : i32
          %dma_wait3A_414 = tpu.memref_slice %arg9[%dma_wait3A_412, %dma_wait3A_413] : memref<10240x64xf32, #tpu.memory_space<vmem_shared>> -> memref<10240x64xf32, #tpu.memory_space<vmem_shared>>
          %dma_wait3A_415 = tpu.memref_slice %arg11[%dma_wait3A_404] : memref<5x!tpu.dma_semaphore, #tpu.memory_space<semaphore_mem>> -> memref<1x!tpu.dma_semaphore, #tpu.memory_space<semaphore_mem>>
          %dma_wait3A_416 = tpu.memref_squeeze %dma_wait3A_415 : memref<1x!tpu.dma_semaphore, #tpu.memory_space<semaphore_mem>> -> memref<!tpu.dma_semaphore, #tpu.memory_space<semaphore_mem>>
          tpu.wait_indirect_dma semaphore(%dma_wait3A_416 : memref<!tpu.dma_semaphore, #tpu.memory_space<semaphore_mem>>) src(%dma_wait3A_408 : memref<128x64xf32, #tpu.memory_space<vmem>>) dst(%dma_wait3A_414 : memref<10240x64xf32, #tpu.memory_space<vmem_shared>>)
        } else {
        }
        %dma_start3A_383 = arith.constant 0 : i32
        %dma_start3A_384 = arith.constant 0 : i32
        %dma_start3A_385 = arith.constant 0 : i32
        %dma_start3A_386 = arith.constant 0 : i32
        %dma_start3A_387 = tpu.memref_slice %arg8[%dma_start3A_383, %dma_start3A_385, %dma_start3A_386] : memref<5x128x64xf32, #tpu.memory_space<vmem>> -> memref<1x128x64xf32, #tpu.memory_space<vmem>>
        %dma_start3A_388 = tpu.memref_squeeze %dma_start3A_387 : memref<1x128x64xf32, #tpu.memory_space<vmem>> -> memref<128x64xf32, #tpu.memory_space<vmem>>
        %dma_start3A_389 = arith.constant 0 : i32
        %dma_start3A_390 = tpu.memref_slice %arg6[%sub3A_244, %dma_start3A_389] : memref<160x128xi32, #tpu.memory_space<vmem>> -> memref<1x128xi32, #tpu.memory_space<vmem>>
        %dma_start3A_391 = tpu.memref_squeeze %dma_start3A_390 : memref<1x128xi32, #tpu.memory_space<vmem>> -> memref<128xi32, #tpu.memory_space<vmem>>
        %dma_start3A_392 = arith.constant 0 : i32
        %dma_start3A_393 = arith.constant 0 : i32
        %dma_start3A_394 = tpu.memref_slice %arg2[%arg0, %dma_start3A_392, %dma_start3A_393] : memref<2x10240x64xf32, #tpu.memory_space<hbm>> -> memref<1x10240x64xf32, #tpu.memory_space<hbm>>
        %dma_start3A_395 = tpu.memref_squeeze %dma_start3A_394 : memref<1x10240x64xf32, #tpu.memory_space<hbm>> -> memref<10240x64xf32, #tpu.memory_space<hbm>>
        %dma_start3A_396 = arith.constant 0 : i32
        %dma_start3A_397 = arith.constant 0 : i32
        %dma_start3A_398 = tpu.memref_slice %dma_start3A_395[%dma_start3A_396, %dma_start3A_397] : memref<10240x64xf32, #tpu.memory_space<hbm>> -> memref<10240x64xf32, #tpu.memory_space<hbm>>
        %dma_start3A_399 = tpu.memref_slice %arg10[%dma_start3A_384] : memref<5x!tpu.dma_semaphore, #tpu.memory_space<semaphore_mem>> -> memref<1x!tpu.dma_semaphore, #tpu.memory_space<semaphore_mem>>
        %dma_start3A_400 = tpu.memref_squeeze %dma_start3A_399 : memref<1x!tpu.dma_semaphore, #tpu.memory_space<semaphore_mem>> -> memref<!tpu.dma_semaphore, #tpu.memory_space<semaphore_mem>>
        tpu.enqueue_indirect_dma source(%dma_start3A_398 : memref<10240x64xf32, #tpu.memory_space<hbm>>) target(%dma_start3A_388 : memref<128x64xf32, #tpu.memory_space<vmem>>) offsets(%dma_start3A_391 : memref<128xi32, #tpu.memory_space<vmem>>) semaphore(%dma_start3A_400 : memref<!tpu.dma_semaphore, #tpu.memory_space<semaphore_mem>>)
      } else {
      }
      %add3A_250 = arith.constant 2 : i32
      %add3A_251 = arith.addi %mul3A_168, %add3A_250 : i32
      %dma_wait3A_252 = arith.constant 2 : i32
      %dma_wait3A_253 = arith.constant 2 : i32
      %dma_wait3A_254 = arith.constant 0 : i32
      %dma_wait3A_255 = arith.constant 0 : i32
      %dma_wait3A_256 = tpu.memref_slice %arg8[%dma_wait3A_252, %dma_wait3A_254, %dma_wait3A_255] : memref<5x128x64xf32, #tpu.memory_space<vmem>> -> memref<1x128x64xf32, #tpu.memory_space<vmem>>
      %dma_wait3A_257 = tpu.memref_squeeze %dma_wait3A_256 : memref<1x128x64xf32, #tpu.memory_space<vmem>> -> memref<128x64xf32, #tpu.memory_space<vmem>>
      %dma_wait3A_258 = arith.constant 0 : i32
      %dma_wait3A_259 = tpu.memref_slice %arg6[%add3A_251, %dma_wait3A_258] : memref<160x128xi32, #tpu.memory_space<vmem>> -> memref<1x128xi32, #tpu.memory_space<vmem>>
      %dma_wait3A_260 = tpu.memref_squeeze %dma_wait3A_259 : memref<1x128xi32, #tpu.memory_space<vmem>> -> memref<128xi32, #tpu.memory_space<vmem>>
      %dma_wait3A_261 = arith.constant 0 : i32
      %dma_wait3A_262 = arith.constant 0 : i32
      %dma_wait3A_263 = tpu.memref_slice %arg2[%arg0, %dma_wait3A_261, %dma_wait3A_262] : memref<2x10240x64xf32, #tpu.memory_space<hbm>> -> memref<1x10240x64xf32, #tpu.memory_space<hbm>>
      %dma_wait3A_264 = tpu.memref_squeeze %dma_wait3A_263 : memref<1x10240x64xf32, #tpu.memory_space<hbm>> -> memref<10240x64xf32, #tpu.memory_space<hbm>>
      %dma_wait3A_265 = arith.constant 0 : i32
      %dma_wait3A_266 = arith.constant 0 : i32
      %dma_wait3A_267 = tpu.memref_slice %dma_wait3A_264[%dma_wait3A_265, %dma_wait3A_266] : memref<10240x64xf32, #tpu.memory_space<hbm>> -> memref<10240x64xf32, #tpu.memory_space<hbm>>
      %dma_wait3A_268 = tpu.memref_slice %arg10[%dma_wait3A_253] : memref<5x!tpu.dma_semaphore, #tpu.memory_space<semaphore_mem>> -> memref<1x!tpu.dma_semaphore, #tpu.memory_space<semaphore_mem>>
      %dma_wait3A_269 = tpu.memref_squeeze %dma_wait3A_268 : memref<1x!tpu.dma_semaphore, #tpu.memory_space<semaphore_mem>> -> memref<!tpu.dma_semaphore, #tpu.memory_space<semaphore_mem>>
      tpu.wait_indirect_dma semaphore(%dma_wait3A_269 : memref<!tpu.dma_semaphore, #tpu.memory_space<semaphore_mem>>) src(%dma_wait3A_267 : memref<10240x64xf32, #tpu.memory_space<hbm>>) dst(%dma_wait3A_257 : memref<128x64xf32, #tpu.memory_space<vmem>>)
      %dma_start3A_270 = arith.constant 2 : i32
      %dma_start3A_271 = arith.constant 2 : i32
      %dma_start3A_272 = arith.constant 0 : i32
      %dma_start3A_273 = arith.constant 0 : i32
      %dma_start3A_274 = tpu.memref_slice %arg8[%dma_start3A_270, %dma_start3A_272, %dma_start3A_273] : memref<5x128x64xf32, #tpu.memory_space<vmem>> -> memref<1x128x64xf32, #tpu.memory_space<vmem>>
      %dma_start3A_275 = tpu.memref_squeeze %dma_start3A_274 : memref<1x128x64xf32, #tpu.memory_space<vmem>> -> memref<128x64xf32, #tpu.memory_space<vmem>>
      %dma_start3A_276 = arith.constant 0 : i32
      %dma_start3A_277 = tpu.memref_slice %arg7[%add3A_251, %dma_start3A_276] : memref<160x128xi32, #tpu.memory_space<vmem>> -> memref<1x128xi32, #tpu.memory_space<vmem>>
      %dma_start3A_278 = tpu.memref_squeeze %dma_start3A_277 : memref<1x128xi32, #tpu.memory_space<vmem>> -> memref<128xi32, #tpu.memory_space<vmem>>
      %dma_start3A_279 = arith.constant 0 : i32
      %dma_start3A_280 = arith.constant 0 : i32
      %dma_start3A_281 = tpu.memref_slice %arg9[%dma_start3A_279, %dma_start3A_280] : memref<10240x64xf32, #tpu.memory_space<vmem_shared>> -> memref<10240x64xf32, #tpu.memory_space<vmem_shared>>
      %dma_start3A_282 = tpu.memref_slice %arg11[%dma_start3A_271] : memref<5x!tpu.dma_semaphore, #tpu.memory_space<semaphore_mem>> -> memref<1x!tpu.dma_semaphore, #tpu.memory_space<semaphore_mem>>
      %dma_start3A_283 = tpu.memref_squeeze %dma_start3A_282 : memref<1x!tpu.dma_semaphore, #tpu.memory_space<semaphore_mem>> -> memref<!tpu.dma_semaphore, #tpu.memory_space<semaphore_mem>>
      tpu.enqueue_indirect_dma source(%dma_start3A_275 : memref<128x64xf32, #tpu.memory_space<vmem>>) target(%dma_start3A_281 : memref<10240x64xf32, #tpu.memory_space<vmem_shared>>) offsets(%dma_start3A_278 : memref<128xi32, #tpu.memory_space<vmem>>) semaphore(%dma_start3A_283 : memref<!tpu.dma_semaphore, #tpu.memory_space<semaphore_mem>>) {add = true}
      %add3A_284 = arith.constant 5 : i32
      %add3A_285 = arith.addi %add3A_251, %add3A_284 : i32
      %sub3A_286 = arith.constant 1 : i32
      %sub3A_287 = arith.subi %add3A_285, %sub3A_286 : i32
      %lt3A_288 = arith.constant 160 : i32
      %lt3A_289 = arith.cmpi slt, %sub3A_287, %lt3A_288 : i32
      %convert_element_type3A_290 = arith.extui %lt3A_289 : i1 to i32
      %cond3A_291 = arith.constant 0 : i32
      %cond3A_292 = arith.cmpi ne, %convert_element_type3A_290, %cond3A_291 : i32
      scf.if %cond3A_292 {
        %ge3A = arith.constant 5 : i32
        %ge3A_379 = arith.cmpi sge, %sub3A_287, %ge3A : i32
        %convert_element_type3A_380 = arith.extui %ge3A_379 : i1 to i32
        %cond3A_381 = arith.constant 0 : i32
        %cond3A_382 = arith.cmpi ne, %convert_element_type3A_380, %cond3A_381 : i32
        scf.if %cond3A_382 {
          %sub3A_401 = arith.constant 5 : i32
          %sub3A_402 = arith.subi %sub3A_287, %sub3A_401 : i32
          %dma_wait3A_403 = arith.constant 1 : i32
          %dma_wait3A_404 = arith.constant 1 : i32
          %dma_wait3A_405 = arith.constant 0 : i32
          %dma_wait3A_406 = arith.constant 0 : i32
          %dma_wait3A_407 = tpu.memref_slice %arg8[%dma_wait3A_403, %dma_wait3A_405, %dma_wait3A_406] : memref<5x128x64xf32, #tpu.memory_space<vmem>> -> memref<1x128x64xf32, #tpu.memory_space<vmem>>
          %dma_wait3A_408 = tpu.memref_squeeze %dma_wait3A_407 : memref<1x128x64xf32, #tpu.memory_space<vmem>> -> memref<128x64xf32, #tpu.memory_space<vmem>>
          %dma_wait3A_409 = arith.constant 0 : i32
          %dma_wait3A_410 = tpu.memref_slice %arg7[%sub3A_402, %dma_wait3A_409] : memref<160x128xi32, #tpu.memory_space<vmem>> -> memref<1x128xi32, #tpu.memory_space<vmem>>
          %dma_wait3A_411 = tpu.memref_squeeze %dma_wait3A_410 : memref<1x128xi32, #tpu.memory_space<vmem>> -> memref<128xi32, #tpu.memory_space<vmem>>
          %dma_wait3A_412 = arith.constant 0 : i32
          %dma_wait3A_413 = arith.constant 0 : i32
          %dma_wait3A_414 = tpu.memref_slice %arg9[%dma_wait3A_412, %dma_wait3A_413] : memref<10240x64xf32, #tpu.memory_space<vmem_shared>> -> memref<10240x64xf32, #tpu.memory_space<vmem_shared>>
          %dma_wait3A_415 = tpu.memref_slice %arg11[%dma_wait3A_404] : memref<5x!tpu.dma_semaphore, #tpu.memory_space<semaphore_mem>> -> memref<1x!tpu.dma_semaphore, #tpu.memory_space<semaphore_mem>>
          %dma_wait3A_416 = tpu.memref_squeeze %dma_wait3A_415 : memref<1x!tpu.dma_semaphore, #tpu.memory_space<semaphore_mem>> -> memref<!tpu.dma_semaphore, #tpu.memory_space<semaphore_mem>>
          tpu.wait_indirect_dma semaphore(%dma_wait3A_416 : memref<!tpu.dma_semaphore, #tpu.memory_space<semaphore_mem>>) src(%dma_wait3A_408 : memref<128x64xf32, #tpu.memory_space<vmem>>) dst(%dma_wait3A_414 : memref<10240x64xf32, #tpu.memory_space<vmem_shared>>)
        } else {
        }
        %dma_start3A_383 = arith.constant 1 : i32
        %dma_start3A_384 = arith.constant 1 : i32
        %dma_start3A_385 = arith.constant 0 : i32
        %dma_start3A_386 = arith.constant 0 : i32
        %dma_start3A_387 = tpu.memref_slice %arg8[%dma_start3A_383, %dma_start3A_385, %dma_start3A_386] : memref<5x128x64xf32, #tpu.memory_space<vmem>> -> memref<1x128x64xf32, #tpu.memory_space<vmem>>
        %dma_start3A_388 = tpu.memref_squeeze %dma_start3A_387 : memref<1x128x64xf32, #tpu.memory_space<vmem>> -> memref<128x64xf32, #tpu.memory_space<vmem>>
        %dma_start3A_389 = arith.constant 0 : i32
        %dma_start3A_390 = tpu.memref_slice %arg6[%sub3A_287, %dma_start3A_389] : memref<160x128xi32, #tpu.memory_space<vmem>> -> memref<1x128xi32, #tpu.memory_space<vmem>>
        %dma_start3A_391 = tpu.memref_squeeze %dma_start3A_390 : memref<1x128xi32, #tpu.memory_space<vmem>> -> memref<128xi32, #tpu.memory_space<vmem>>
        %dma_start3A_392 = arith.constant 0 : i32
        %dma_start3A_393 = arith.constant 0 : i32
        %dma_start3A_394 = tpu.memref_slice %arg2[%arg0, %dma_start3A_392, %dma_start3A_393] : memref<2x10240x64xf32, #tpu.memory_space<hbm>> -> memref<1x10240x64xf32, #tpu.memory_space<hbm>>
        %dma_start3A_395 = tpu.memref_squeeze %dma_start3A_394 : memref<1x10240x64xf32, #tpu.memory_space<hbm>> -> memref<10240x64xf32, #tpu.memory_space<hbm>>
        %dma_start3A_396 = arith.constant 0 : i32
        %dma_start3A_397 = arith.constant 0 : i32
        %dma_start3A_398 = tpu.memref_slice %dma_start3A_395[%dma_start3A_396, %dma_start3A_397] : memref<10240x64xf32, #tpu.memory_space<hbm>> -> memref<10240x64xf32, #tpu.memory_space<hbm>>
        %dma_start3A_399 = tpu.memref_slice %arg10[%dma_start3A_384] : memref<5x!tpu.dma_semaphore, #tpu.memory_space<semaphore_mem>> -> memref<1x!tpu.dma_semaphore, #tpu.memory_space<semaphore_mem>>
        %dma_start3A_400 = tpu.memref_squeeze %dma_start3A_399 : memref<1x!tpu.dma_semaphore, #tpu.memory_space<semaphore_mem>> -> memref<!tpu.dma_semaphore, #tpu.memory_space<semaphore_mem>>
        tpu.enqueue_indirect_dma source(%dma_start3A_398 : memref<10240x64xf32, #tpu.memory_space<hbm>>) target(%dma_start3A_388 : memref<128x64xf32, #tpu.memory_space<vmem>>) offsets(%dma_start3A_391 : memref<128xi32, #tpu.memory_space<vmem>>) semaphore(%dma_start3A_400 : memref<!tpu.dma_semaphore, #tpu.memory_space<semaphore_mem>>)
      } else {
      }
      %add3A_293 = arith.constant 3 : i32
      %add3A_294 = arith.addi %mul3A_168, %add3A_293 : i32
      %dma_wait3A_295 = arith.constant 3 : i32
      %dma_wait3A_296 = arith.constant 3 : i32
      %dma_wait3A_297 = arith.constant 0 : i32
      %dma_wait3A_298 = arith.constant 0 : i32
      %dma_wait3A_299 = tpu.memref_slice %arg8[%dma_wait3A_295, %dma_wait3A_297, %dma_wait3A_298] : memref<5x128x64xf32, #tpu.memory_space<vmem>> -> memref<1x128x64xf32, #tpu.memory_space<vmem>>
      %dma_wait3A_300 = tpu.memref_squeeze %dma_wait3A_299 : memref<1x128x64xf32, #tpu.memory_space<vmem>> -> memref<128x64xf32, #tpu.memory_space<vmem>>
      %dma_wait3A_301 = arith.constant 0 : i32
      %dma_wait3A_302 = tpu.memref_slice %arg6[%add3A_294, %dma_wait3A_301] : memref<160x128xi32, #tpu.memory_space<vmem>> -> memref<1x128xi32, #tpu.memory_space<vmem>>
      %dma_wait3A_303 = tpu.memref_squeeze %dma_wait3A_302 : memref<1x128xi32, #tpu.memory_space<vmem>> -> memref<128xi32, #tpu.memory_space<vmem>>
      %dma_wait3A_304 = arith.constant 0 : i32
      %dma_wait3A_305 = arith.constant 0 : i32
      %dma_wait3A_306 = tpu.memref_slice %arg2[%arg0, %dma_wait3A_304, %dma_wait3A_305] : memref<2x10240x64xf32, #tpu.memory_space<hbm>> -> memref<1x10240x64xf32, #tpu.memory_space<hbm>>
      %dma_wait3A_307 = tpu.memref_squeeze %dma_wait3A_306 : memref<1x10240x64xf32, #tpu.memory_space<hbm>> -> memref<10240x64xf32, #tpu.memory_space<hbm>>
      %dma_wait3A_308 = arith.constant 0 : i32
      %dma_wait3A_309 = arith.constant 0 : i32
      %dma_wait3A_310 = tpu.memref_slice %dma_wait3A_307[%dma_wait3A_308, %dma_wait3A_309] : memref<10240x64xf32, #tpu.memory_space<hbm>> -> memref<10240x64xf32, #tpu.memory_space<hbm>>
      %dma_wait3A_311 = tpu.memref_slice %arg10[%dma_wait3A_296] : memref<5x!tpu.dma_semaphore, #tpu.memory_space<semaphore_mem>> -> memref<1x!tpu.dma_semaphore, #tpu.memory_space<semaphore_mem>>
      %dma_wait3A_312 = tpu.memref_squeeze %dma_wait3A_311 : memref<1x!tpu.dma_semaphore, #tpu.memory_space<semaphore_mem>> -> memref<!tpu.dma_semaphore, #tpu.memory_space<semaphore_mem>>
      tpu.wait_indirect_dma semaphore(%dma_wait3A_312 : memref<!tpu.dma_semaphore, #tpu.memory_space<semaphore_mem>>) src(%dma_wait3A_310 : memref<10240x64xf32, #tpu.memory_space<hbm>>) dst(%dma_wait3A_300 : memref<128x64xf32, #tpu.memory_space<vmem>>)
      %dma_start3A_313 = arith.constant 3 : i32
      %dma_start3A_314 = arith.constant 3 : i32
      %dma_start3A_315 = arith.constant 0 : i32
      %dma_start3A_316 = arith.constant 0 : i32
      %dma_start3A_317 = tpu.memref_slice %arg8[%dma_start3A_313, %dma_start3A_315, %dma_start3A_316] : memref<5x128x64xf32, #tpu.memory_space<vmem>> -> memref<1x128x64xf32, #tpu.memory_space<vmem>>
      %dma_start3A_318 = tpu.memref_squeeze %dma_start3A_317 : memref<1x128x64xf32, #tpu.memory_space<vmem>> -> memref<128x64xf32, #tpu.memory_space<vmem>>
      %dma_start3A_319 = arith.constant 0 : i32
      %dma_start3A_320 = tpu.memref_slice %arg7[%add3A_294, %dma_start3A_319] : memref<160x128xi32, #tpu.memory_space<vmem>> -> memref<1x128xi32, #tpu.memory_space<vmem>>
      %dma_start3A_321 = tpu.memref_squeeze %dma_start3A_320 : memref<1x128xi32, #tpu.memory_space<vmem>> -> memref<128xi32, #tpu.memory_space<vmem>>
      %dma_start3A_322 = arith.constant 0 : i32
      %dma_start3A_323 = arith.constant 0 : i32
      %dma_start3A_324 = tpu.memref_slice %arg9[%dma_start3A_322, %dma_start3A_323] : memref<10240x64xf32, #tpu.memory_space<vmem_shared>> -> memref<10240x64xf32, #tpu.memory_space<vmem_shared>>
      %dma_start3A_325 = tpu.memref_slice %arg11[%dma_start3A_314] : memref<5x!tpu.dma_semaphore, #tpu.memory_space<semaphore_mem>> -> memref<1x!tpu.dma_semaphore, #tpu.memory_space<semaphore_mem>>
      %dma_start3A_326 = tpu.memref_squeeze %dma_start3A_325 : memref<1x!tpu.dma_semaphore, #tpu.memory_space<semaphore_mem>> -> memref<!tpu.dma_semaphore, #tpu.memory_space<semaphore_mem>>
      tpu.enqueue_indirect_dma source(%dma_start3A_318 : memref<128x64xf32, #tpu.memory_space<vmem>>) target(%dma_start3A_324 : memref<10240x64xf32, #tpu.memory_space<vmem_shared>>) offsets(%dma_start3A_321 : memref<128xi32, #tpu.memory_space<vmem>>) semaphore(%dma_start3A_326 : memref<!tpu.dma_semaphore, #tpu.memory_space<semaphore_mem>>) {add = true}
      %add3A_327 = arith.constant 5 : i32
      %add3A_328 = arith.addi %add3A_294, %add3A_327 : i32
      %sub3A_329 = arith.constant 1 : i32
      %sub3A_330 = arith.subi %add3A_328, %sub3A_329 : i32
      %lt3A_331 = arith.constant 160 : i32
      %lt3A_332 = arith.cmpi slt, %sub3A_330, %lt3A_331 : i32
      %convert_element_type3A_333 = arith.extui %lt3A_332 : i1 to i32
      %cond3A_334 = arith.constant 0 : i32
      %cond3A_335 = arith.cmpi ne, %convert_element_type3A_333, %cond3A_334 : i32
      scf.if %cond3A_335 {
        %ge3A = arith.constant 5 : i32
        %ge3A_379 = arith.cmpi sge, %sub3A_330, %ge3A : i32
        %convert_element_type3A_380 = arith.extui %ge3A_379 : i1 to i32
        %cond3A_381 = arith.constant 0 : i32
        %cond3A_382 = arith.cmpi ne, %convert_element_type3A_380, %cond3A_381 : i32
        scf.if %cond3A_382 {
          %sub3A_401 = arith.constant 5 : i32
          %sub3A_402 = arith.subi %sub3A_330, %sub3A_401 : i32
          %dma_wait3A_403 = arith.constant 2 : i32
          %dma_wait3A_404 = arith.constant 2 : i32
          %dma_wait3A_405 = arith.constant 0 : i32
          %dma_wait3A_406 = arith.constant 0 : i32
          %dma_wait3A_407 = tpu.memref_slice %arg8[%dma_wait3A_403, %dma_wait3A_405, %dma_wait3A_406] : memref<5x128x64xf32, #tpu.memory_space<vmem>> -> memref<1x128x64xf32, #tpu.memory_space<vmem>>
          %dma_wait3A_408 = tpu.memref_squeeze %dma_wait3A_407 : memref<1x128x64xf32, #tpu.memory_space<vmem>> -> memref<128x64xf32, #tpu.memory_space<vmem>>
          %dma_wait3A_409 = arith.constant 0 : i32
          %dma_wait3A_410 = tpu.memref_slice %arg7[%sub3A_402, %dma_wait3A_409] : memref<160x128xi32, #tpu.memory_space<vmem>> -> memref<1x128xi32, #tpu.memory_space<vmem>>
          %dma_wait3A_411 = tpu.memref_squeeze %dma_wait3A_410 : memref<1x128xi32, #tpu.memory_space<vmem>> -> memref<128xi32, #tpu.memory_space<vmem>>
          %dma_wait3A_412 = arith.constant 0 : i32
          %dma_wait3A_413 = arith.constant 0 : i32
          %dma_wait3A_414 = tpu.memref_slice %arg9[%dma_wait3A_412, %dma_wait3A_413] : memref<10240x64xf32, #tpu.memory_space<vmem_shared>> -> memref<10240x64xf32, #tpu.memory_space<vmem_shared>>
          %dma_wait3A_415 = tpu.memref_slice %arg11[%dma_wait3A_404] : memref<5x!tpu.dma_semaphore, #tpu.memory_space<semaphore_mem>> -> memref<1x!tpu.dma_semaphore, #tpu.memory_space<semaphore_mem>>
          %dma_wait3A_416 = tpu.memref_squeeze %dma_wait3A_415 : memref<1x!tpu.dma_semaphore, #tpu.memory_space<semaphore_mem>> -> memref<!tpu.dma_semaphore, #tpu.memory_space<semaphore_mem>>
          tpu.wait_indirect_dma semaphore(%dma_wait3A_416 : memref<!tpu.dma_semaphore, #tpu.memory_space<semaphore_mem>>) src(%dma_wait3A_408 : memref<128x64xf32, #tpu.memory_space<vmem>>) dst(%dma_wait3A_414 : memref<10240x64xf32, #tpu.memory_space<vmem_shared>>)
        } else {
        }
        %dma_start3A_383 = arith.constant 2 : i32
        %dma_start3A_384 = arith.constant 2 : i32
        %dma_start3A_385 = arith.constant 0 : i32
        %dma_start3A_386 = arith.constant 0 : i32
        %dma_start3A_387 = tpu.memref_slice %arg8[%dma_start3A_383, %dma_start3A_385, %dma_start3A_386] : memref<5x128x64xf32, #tpu.memory_space<vmem>> -> memref<1x128x64xf32, #tpu.memory_space<vmem>>
        %dma_start3A_388 = tpu.memref_squeeze %dma_start3A_387 : memref<1x128x64xf32, #tpu.memory_space<vmem>> -> memref<128x64xf32, #tpu.memory_space<vmem>>
        %dma_start3A_389 = arith.constant 0 : i32
        %dma_start3A_390 = tpu.memref_slice %arg6[%sub3A_330, %dma_start3A_389] : memref<160x128xi32, #tpu.memory_space<vmem>> -> memref<1x128xi32, #tpu.memory_space<vmem>>
        %dma_start3A_391 = tpu.memref_squeeze %dma_start3A_390 : memref<1x128xi32, #tpu.memory_space<vmem>> -> memref<128xi32, #tpu.memory_space<vmem>>
        %dma_start3A_392 = arith.constant 0 : i32
        %dma_start3A_393 = arith.constant 0 : i32
        %dma_start3A_394 = tpu.memref_slice %arg2[%arg0, %dma_start3A_392, %dma_start3A_393] : memref<2x10240x64xf32, #tpu.memory_space<hbm>> -> memref<1x10240x64xf32, #tpu.memory_space<hbm>>
        %dma_start3A_395 = tpu.memref_squeeze %dma_start3A_394 : memref<1x10240x64xf32, #tpu.memory_space<hbm>> -> memref<10240x64xf32, #tpu.memory_space<hbm>>
        %dma_start3A_396 = arith.constant 0 : i32
        %dma_start3A_397 = arith.constant 0 : i32
        %dma_start3A_398 = tpu.memref_slice %dma_start3A_395[%dma_start3A_396, %dma_start3A_397] : memref<10240x64xf32, #tpu.memory_space<hbm>> -> memref<10240x64xf32, #tpu.memory_space<hbm>>
        %dma_start3A_399 = tpu.memref_slice %arg10[%dma_start3A_384] : memref<5x!tpu.dma_semaphore, #tpu.memory_space<semaphore_mem>> -> memref<1x!tpu.dma_semaphore, #tpu.memory_space<semaphore_mem>>
        %dma_start3A_400 = tpu.memref_squeeze %dma_start3A_399 : memref<1x!tpu.dma_semaphore, #tpu.memory_space<semaphore_mem>> -> memref<!tpu.dma_semaphore, #tpu.memory_space<semaphore_mem>>
        tpu.enqueue_indirect_dma source(%dma_start3A_398 : memref<10240x64xf32, #tpu.memory_space<hbm>>) target(%dma_start3A_388 : memref<128x64xf32, #tpu.memory_space<vmem>>) offsets(%dma_start3A_391 : memref<128xi32, #tpu.memory_space<vmem>>) semaphore(%dma_start3A_400 : memref<!tpu.dma_semaphore, #tpu.memory_space<semaphore_mem>>)
      } else {
      }
      %add3A_336 = arith.constant 4 : i32
      %add3A_337 = arith.addi %mul3A_168, %add3A_336 : i32
      %dma_wait3A_338 = arith.constant 4 : i32
      %dma_wait3A_339 = arith.constant 4 : i32
      %dma_wait3A_340 = arith.constant 0 : i32
      %dma_wait3A_341 = arith.constant 0 : i32
      %dma_wait3A_342 = tpu.memref_slice %arg8[%dma_wait3A_338, %dma_wait3A_340, %dma_wait3A_341] : memref<5x128x64xf32, #tpu.memory_space<vmem>> -> memref<1x128x64xf32, #tpu.memory_space<vmem>>
      %dma_wait3A_343 = tpu.memref_squeeze %dma_wait3A_342 : memref<1x128x64xf32, #tpu.memory_space<vmem>> -> memref<128x64xf32, #tpu.memory_space<vmem>>
      %dma_wait3A_344 = arith.constant 0 : i32
      %dma_wait3A_345 = tpu.memref_slice %arg6[%add3A_337, %dma_wait3A_344] : memref<160x128xi32, #tpu.memory_space<vmem>> -> memref<1x128xi32, #tpu.memory_space<vmem>>
      %dma_wait3A_346 = tpu.memref_squeeze %dma_wait3A_345 : memref<1x128xi32, #tpu.memory_space<vmem>> -> memref<128xi32, #tpu.memory_space<vmem>>
      %dma_wait3A_347 = arith.constant 0 : i32
      %dma_wait3A_348 = arith.constant 0 : i32
      %dma_wait3A_349 = tpu.memref_slice %arg2[%arg0, %dma_wait3A_347, %dma_wait3A_348] : memref<2x10240x64xf32, #tpu.memory_space<hbm>> -> memref<1x10240x64xf32, #tpu.memory_space<hbm>>
      %dma_wait3A_350 = tpu.memref_squeeze %dma_wait3A_349 : memref<1x10240x64xf32, #tpu.memory_space<hbm>> -> memref<10240x64xf32, #tpu.memory_space<hbm>>
      %dma_wait3A_351 = arith.constant 0 : i32
      %dma_wait3A_352 = arith.constant 0 : i32
      %dma_wait3A_353 = tpu.memref_slice %dma_wait3A_350[%dma_wait3A_351, %dma_wait3A_352] : memref<10240x64xf32, #tpu.memory_space<hbm>> -> memref<10240x64xf32, #tpu.memory_space<hbm>>
      %dma_wait3A_354 = tpu.memref_slice %arg10[%dma_wait3A_339] : memref<5x!tpu.dma_semaphore, #tpu.memory_space<semaphore_mem>> -> memref<1x!tpu.dma_semaphore, #tpu.memory_space<semaphore_mem>>
      %dma_wait3A_355 = tpu.memref_squeeze %dma_wait3A_354 : memref<1x!tpu.dma_semaphore, #tpu.memory_space<semaphore_mem>> -> memref<!tpu.dma_semaphore, #tpu.memory_space<semaphore_mem>>
      tpu.wait_indirect_dma semaphore(%dma_wait3A_355 : memref<!tpu.dma_semaphore, #tpu.memory_space<semaphore_mem>>) src(%dma_wait3A_353 : memref<10240x64xf32, #tpu.memory_space<hbm>>) dst(%dma_wait3A_343 : memref<128x64xf32, #tpu.memory_space<vmem>>)
      %dma_start3A_356 = arith.constant 4 : i32
      %dma_start3A_357 = arith.constant 4 : i32
      %dma_start3A_358 = arith.constant 0 : i32
      %dma_start3A_359 = arith.constant 0 : i32
      %dma_start3A_360 = tpu.memref_slice %arg8[%dma_start3A_356, %dma_start3A_358, %dma_start3A_359] : memref<5x128x64xf32, #tpu.memory_space<vmem>> -> memref<1x128x64xf32, #tpu.memory_space<vmem>>
      %dma_start3A_361 = tpu.memref_squeeze %dma_start3A_360 : memref<1x128x64xf32, #tpu.memory_space<vmem>> -> memref<128x64xf32, #tpu.memory_space<vmem>>
      %dma_start3A_362 = arith.constant 0 : i32
      %dma_start3A_363 = tpu.memref_slice %arg7[%add3A_337, %dma_start3A_362] : memref<160x128xi32, #tpu.memory_space<vmem>> -> memref<1x128xi32, #tpu.memory_space<vmem>>
      %dma_start3A_364 = tpu.memref_squeeze %dma_start3A_363 : memref<1x128xi32, #tpu.memory_space<vmem>> -> memref<128xi32, #tpu.memory_space<vmem>>
      %dma_start3A_365 = arith.constant 0 : i32
      %dma_start3A_366 = arith.constant 0 : i32
      %dma_start3A_367 = tpu.memref_slice %arg9[%dma_start3A_365, %dma_start3A_366] : memref<10240x64xf32, #tpu.memory_space<vmem_shared>> -> memref<10240x64xf32, #tpu.memory_space<vmem_shared>>
      %dma_start3A_368 = tpu.memref_slice %arg11[%dma_start3A_357] : memref<5x!tpu.dma_semaphore, #tpu.memory_space<semaphore_mem>> -> memref<1x!tpu.dma_semaphore, #tpu.memory_space<semaphore_mem>>
      %dma_start3A_369 = tpu.memref_squeeze %dma_start3A_368 : memref<1x!tpu.dma_semaphore, #tpu.memory_space<semaphore_mem>> -> memref<!tpu.dma_semaphore, #tpu.memory_space<semaphore_mem>>
      tpu.enqueue_indirect_dma source(%dma_start3A_361 : memref<128x64xf32, #tpu.memory_space<vmem>>) target(%dma_start3A_367 : memref<10240x64xf32, #tpu.memory_space<vmem_shared>>) offsets(%dma_start3A_364 : memref<128xi32, #tpu.memory_space<vmem>>) semaphore(%dma_start3A_369 : memref<!tpu.dma_semaphore, #tpu.memory_space<semaphore_mem>>) {add = true}
      %add3A_370 = arith.constant 5 : i32
      %add3A_371 = arith.addi %add3A_337, %add3A_370 : i32
      %sub3A_372 = arith.constant 1 : i32
      %sub3A_373 = arith.subi %add3A_371, %sub3A_372 : i32
      %lt3A_374 = arith.constant 160 : i32
      %lt3A_375 = arith.cmpi slt, %sub3A_373, %lt3A_374 : i32
      %convert_element_type3A_376 = arith.extui %lt3A_375 : i1 to i32
      %cond3A_377 = arith.constant 0 : i32
      %cond3A_378 = arith.cmpi ne, %convert_element_type3A_376, %cond3A_377 : i32
      scf.if %cond3A_378 {
        %ge3A = arith.constant 5 : i32
        %ge3A_379 = arith.cmpi sge, %sub3A_373, %ge3A : i32
        %convert_element_type3A_380 = arith.extui %ge3A_379 : i1 to i32
        %cond3A_381 = arith.constant 0 : i32
        %cond3A_382 = arith.cmpi ne, %convert_element_type3A_380, %cond3A_381 : i32
        scf.if %cond3A_382 {
          %sub3A_401 = arith.constant 5 : i32
          %sub3A_402 = arith.subi %sub3A_373, %sub3A_401 : i32
          %dma_wait3A_403 = arith.constant 3 : i32
          %dma_wait3A_404 = arith.constant 3 : i32
          %dma_wait3A_405 = arith.constant 0 : i32
          %dma_wait3A_406 = arith.constant 0 : i32
          %dma_wait3A_407 = tpu.memref_slice %arg8[%dma_wait3A_403, %dma_wait3A_405, %dma_wait3A_406] : memref<5x128x64xf32, #tpu.memory_space<vmem>> -> memref<1x128x64xf32, #tpu.memory_space<vmem>>
          %dma_wait3A_408 = tpu.memref_squeeze %dma_wait3A_407 : memref<1x128x64xf32, #tpu.memory_space<vmem>> -> memref<128x64xf32, #tpu.memory_space<vmem>>
          %dma_wait3A_409 = arith.constant 0 : i32
          %dma_wait3A_410 = tpu.memref_slice %arg7[%sub3A_402, %dma_wait3A_409] : memref<160x128xi32, #tpu.memory_space<vmem>> -> memref<1x128xi32, #tpu.memory_space<vmem>>
          %dma_wait3A_411 = tpu.memref_squeeze %dma_wait3A_410 : memref<1x128xi32, #tpu.memory_space<vmem>> -> memref<128xi32, #tpu.memory_space<vmem>>
          %dma_wait3A_412 = arith.constant 0 : i32
          %dma_wait3A_413 = arith.constant 0 : i32
          %dma_wait3A_414 = tpu.memref_slice %arg9[%dma_wait3A_412, %dma_wait3A_413] : memref<10240x64xf32, #tpu.memory_space<vmem_shared>> -> memref<10240x64xf32, #tpu.memory_space<vmem_shared>>
          %dma_wait3A_415 = tpu.memref_slice %arg11[%dma_wait3A_404] : memref<5x!tpu.dma_semaphore, #tpu.memory_space<semaphore_mem>> -> memref<1x!tpu.dma_semaphore, #tpu.memory_space<semaphore_mem>>
          %dma_wait3A_416 = tpu.memref_squeeze %dma_wait3A_415 : memref<1x!tpu.dma_semaphore, #tpu.memory_space<semaphore_mem>> -> memref<!tpu.dma_semaphore, #tpu.memory_space<semaphore_mem>>
          tpu.wait_indirect_dma semaphore(%dma_wait3A_416 : memref<!tpu.dma_semaphore, #tpu.memory_space<semaphore_mem>>) src(%dma_wait3A_408 : memref<128x64xf32, #tpu.memory_space<vmem>>) dst(%dma_wait3A_414 : memref<10240x64xf32, #tpu.memory_space<vmem_shared>>)
        } else {
        }
        %dma_start3A_383 = arith.constant 3 : i32
        %dma_start3A_384 = arith.constant 3 : i32
        %dma_start3A_385 = arith.constant 0 : i32
        %dma_start3A_386 = arith.constant 0 : i32
        %dma_start3A_387 = tpu.memref_slice %arg8[%dma_start3A_383, %dma_start3A_385, %dma_start3A_386] : memref<5x128x64xf32, #tpu.memory_space<vmem>> -> memref<1x128x64xf32, #tpu.memory_space<vmem>>
        %dma_start3A_388 = tpu.memref_squeeze %dma_start3A_387 : memref<1x128x64xf32, #tpu.memory_space<vmem>> -> memref<128x64xf32, #tpu.memory_space<vmem>>
        %dma_start3A_389 = arith.constant 0 : i32
        %dma_start3A_390 = tpu.memref_slice %arg6[%sub3A_373, %dma_start3A_389] : memref<160x128xi32, #tpu.memory_space<vmem>> -> memref<1x128xi32, #tpu.memory_space<vmem>>
        %dma_start3A_391 = tpu.memref_squeeze %dma_start3A_390 : memref<1x128xi32, #tpu.memory_space<vmem>> -> memref<128xi32, #tpu.memory_space<vmem>>
        %dma_start3A_392 = arith.constant 0 : i32
        %dma_start3A_393 = arith.constant 0 : i32
        %dma_start3A_394 = tpu.memref_slice %arg2[%arg0, %dma_start3A_392, %dma_start3A_393] : memref<2x10240x64xf32, #tpu.memory_space<hbm>> -> memref<1x10240x64xf32, #tpu.memory_space<hbm>>
        %dma_start3A_395 = tpu.memref_squeeze %dma_start3A_394 : memref<1x10240x64xf32, #tpu.memory_space<hbm>> -> memref<10240x64xf32, #tpu.memory_space<hbm>>
        %dma_start3A_396 = arith.constant 0 : i32
        %dma_start3A_397 = arith.constant 0 : i32
        %dma_start3A_398 = tpu.memref_slice %dma_start3A_395[%dma_start3A_396, %dma_start3A_397] : memref<10240x64xf32, #tpu.memory_space<hbm>> -> memref<10240x64xf32, #tpu.memory_space<hbm>>
        %dma_start3A_399 = tpu.memref_slice %arg10[%dma_start3A_384] : memref<5x!tpu.dma_semaphore, #tpu.memory_space<semaphore_mem>> -> memref<1x!tpu.dma_semaphore, #tpu.memory_space<semaphore_mem>>
        %dma_start3A_400 = tpu.memref_squeeze %dma_start3A_399 : memref<1x!tpu.dma_semaphore, #tpu.memory_space<semaphore_mem>> -> memref<!tpu.dma_semaphore, #tpu.memory_space<semaphore_mem>>
        tpu.enqueue_indirect_dma source(%dma_start3A_398 : memref<10240x64xf32, #tpu.memory_space<hbm>>) target(%dma_start3A_388 : memref<128x64xf32, #tpu.memory_space<vmem>>) offsets(%dma_start3A_391 : memref<128xi32, #tpu.memory_space<vmem>>) semaphore(%dma_start3A_400 : memref<!tpu.dma_semaphore, #tpu.memory_space<semaphore_mem>>)
      } else {
      }
    }
    %scan3A_86 = arith.constant 32 : i32
    %dma_wait3A = arith.constant 0 : i32
    %dma_wait3A_87 = arith.constant 155 : i32
    %dma_wait3A_88 = arith.constant 0 : i32
    %dma_wait3A_89 = arith.constant 0 : i32
    %dma_wait3A_90 = arith.constant 0 : i32
    %dma_wait3A_91 = tpu.memref_slice %arg8[%dma_wait3A, %dma_wait3A_89, %dma_wait3A_90] : memref<5x128x64xf32, #tpu.memory_space<vmem>> -> memref<1x128x64xf32, #tpu.memory_space<vmem>>
    %dma_wait3A_92 = tpu.memref_squeeze %dma_wait3A_91 : memref<1x128x64xf32, #tpu.memory_space<vmem>> -> memref<128x64xf32, #tpu.memory_space<vmem>>
    %dma_wait3A_93 = arith.constant 0 : i32
    %dma_wait3A_94 = tpu.memref_slice %arg7[%dma_wait3A_87, %dma_wait3A_93] : memref<160x128xi32, #tpu.memory_space<vmem>> -> memref<1x128xi32, #tpu.memory_space<vmem>>
    %dma_wait3A_95 = tpu.memref_squeeze %dma_wait3A_94 : memref<1x128xi32, #tpu.memory_space<vmem>> -> memref<128xi32, #tpu.memory_space<vmem>>
    %dma_wait3A_96 = arith.constant 0 : i32
    %dma_wait3A_97 = arith.constant 0 : i32
    %dma_wait3A_98 = tpu.memref_slice %arg9[%dma_wait3A_96, %dma_wait3A_97] : memref<10240x64xf32, #tpu.memory_space<vmem_shared>> -> memref<10240x64xf32, #tpu.memory_space<vmem_shared>>
    %dma_wait3A_99 = tpu.memref_slice %arg11[%dma_wait3A_88] : memref<5x!tpu.dma_semaphore, #tpu.memory_space<semaphore_mem>> -> memref<1x!tpu.dma_semaphore, #tpu.memory_space<semaphore_mem>>
    %dma_wait3A_100 = tpu.memref_squeeze %dma_wait3A_99 : memref<1x!tpu.dma_semaphore, #tpu.memory_space<semaphore_mem>> -> memref<!tpu.dma_semaphore, #tpu.memory_space<semaphore_mem>>
    tpu.wait_indirect_dma semaphore(%dma_wait3A_100 : memref<!tpu.dma_semaphore, #tpu.memory_space<semaphore_mem>>) src(%dma_wait3A_92 : memref<128x64xf32, #tpu.memory_space<vmem>>) dst(%dma_wait3A_98 : memref<10240x64xf32, #tpu.memory_space<vmem_shared>>)
    %dma_wait3A_101 = arith.constant 1 : i32
    %dma_wait3A_102 = arith.constant 156 : i32
    %dma_wait3A_103 = arith.constant 1 : i32
    %dma_wait3A_104 = arith.constant 0 : i32
    %dma_wait3A_105 = arith.constant 0 : i32
    %dma_wait3A_106 = tpu.memref_slice %arg8[%dma_wait3A_101, %dma_wait3A_104, %dma_wait3A_105] : memref<5x128x64xf32, #tpu.memory_space<vmem>> -> memref<1x128x64xf32, #tpu.memory_space<vmem>>
    %dma_wait3A_107 = tpu.memref_squeeze %dma_wait3A_106 : memref<1x128x64xf32, #tpu.memory_space<vmem>> -> memref<128x64xf32, #tpu.memory_space<vmem>>
    %dma_wait3A_108 = arith.constant 0 : i32
    %dma_wait3A_109 = tpu.memref_slice %arg7[%dma_wait3A_102, %dma_wait3A_108] : memref<160x128xi32, #tpu.memory_space<vmem>> -> memref<1x128xi32, #tpu.memory_space<vmem>>
    %dma_wait3A_110 = tpu.memref_squeeze %dma_wait3A_109 : memref<1x128xi32, #tpu.memory_space<vmem>> -> memref<128xi32, #tpu.memory_space<vmem>>
    %dma_wait3A_111 = arith.constant 0 : i32
    %dma_wait3A_112 = arith.constant 0 : i32
    %dma_wait3A_113 = tpu.memref_slice %arg9[%dma_wait3A_111, %dma_wait3A_112] : memref<10240x64xf32, #tpu.memory_space<vmem_shared>> -> memref<10240x64xf32, #tpu.memory_space<vmem_shared>>
    %dma_wait3A_114 = tpu.memref_slice %arg11[%dma_wait3A_103] : memref<5x!tpu.dma_semaphore, #tpu.memory_space<semaphore_mem>> -> memref<1x!tpu.dma_semaphore, #tpu.memory_space<semaphore_mem>>
    %dma_wait3A_115 = tpu.memref_squeeze %dma_wait3A_114 : memref<1x!tpu.dma_semaphore, #tpu.memory_space<semaphore_mem>> -> memref<!tpu.dma_semaphore, #tpu.memory_space<semaphore_mem>>
    tpu.wait_indirect_dma semaphore(%dma_wait3A_115 : memref<!tpu.dma_semaphore, #tpu.memory_space<semaphore_mem>>) src(%dma_wait3A_107 : memref<128x64xf32, #tpu.memory_space<vmem>>) dst(%dma_wait3A_113 : memref<10240x64xf32, #tpu.memory_space<vmem_shared>>)
    %dma_wait3A_116 = arith.constant 2 : i32
    %dma_wait3A_117 = arith.constant 157 : i32
    %dma_wait3A_118 = arith.constant 2 : i32
    %dma_wait3A_119 = arith.constant 0 : i32
    %dma_wait3A_120 = arith.constant 0 : i32
    %dma_wait3A_121 = tpu.memref_slice %arg8[%dma_wait3A_116, %dma_wait3A_119, %dma_wait3A_120] : memref<5x128x64xf32, #tpu.memory_space<vmem>> -> memref<1x128x64xf32, #tpu.memory_space<vmem>>
    %dma_wait3A_122 = tpu.memref_squeeze %dma_wait3A_121 : memref<1x128x64xf32, #tpu.memory_space<vmem>> -> memref<128x64xf32, #tpu.memory_space<vmem>>
    %dma_wait3A_123 = arith.constant 0 : i32
    %dma_wait3A_124 = tpu.memref_slice %arg7[%dma_wait3A_117, %dma_wait3A_123] : memref<160x128xi32, #tpu.memory_space<vmem>> -> memref<1x128xi32, #tpu.memory_space<vmem>>
    %dma_wait3A_125 = tpu.memref_squeeze %dma_wait3A_124 : memref<1x128xi32, #tpu.memory_space<vmem>> -> memref<128xi32, #tpu.memory_space<vmem>>
    %dma_wait3A_126 = arith.constant 0 : i32
    %dma_wait3A_127 = arith.constant 0 : i32
    %dma_wait3A_128 = tpu.memref_slice %arg9[%dma_wait3A_126, %dma_wait3A_127] : memref<10240x64xf32, #tpu.memory_space<vmem_shared>> -> memref<10240x64xf32, #tpu.memory_space<vmem_shared>>
    %dma_wait3A_129 = tpu.memref_slice %arg11[%dma_wait3A_118] : memref<5x!tpu.dma_semaphore, #tpu.memory_space<semaphore_mem>> -> memref<1x!tpu.dma_semaphore, #tpu.memory_space<semaphore_mem>>
    %dma_wait3A_130 = tpu.memref_squeeze %dma_wait3A_129 : memref<1x!tpu.dma_semaphore, #tpu.memory_space<semaphore_mem>> -> memref<!tpu.dma_semaphore, #tpu.memory_space<semaphore_mem>>
    tpu.wait_indirect_dma semaphore(%dma_wait3A_130 : memref<!tpu.dma_semaphore, #tpu.memory_space<semaphore_mem>>) src(%dma_wait3A_122 : memref<128x64xf32, #tpu.memory_space<vmem>>) dst(%dma_wait3A_128 : memref<10240x64xf32, #tpu.memory_space<vmem_shared>>)
    %dma_wait3A_131 = arith.constant 3 : i32
    %dma_wait3A_132 = arith.constant 158 : i32
    %dma_wait3A_133 = arith.constant 3 : i32
    %dma_wait3A_134 = arith.constant 0 : i32
    %dma_wait3A_135 = arith.constant 0 : i32
    %dma_wait3A_136 = tpu.memref_slice %arg8[%dma_wait3A_131, %dma_wait3A_134, %dma_wait3A_135] : memref<5x128x64xf32, #tpu.memory_space<vmem>> -> memref<1x128x64xf32, #tpu.memory_space<vmem>>
    %dma_wait3A_137 = tpu.memref_squeeze %dma_wait3A_136 : memref<1x128x64xf32, #tpu.memory_space<vmem>> -> memref<128x64xf32, #tpu.memory_space<vmem>>
    %dma_wait3A_138 = arith.constant 0 : i32
    %dma_wait3A_139 = tpu.memref_slice %arg7[%dma_wait3A_132, %dma_wait3A_138] : memref<160x128xi32, #tpu.memory_space<vmem>> -> memref<1x128xi32, #tpu.memory_space<vmem>>
    %dma_wait3A_140 = tpu.memref_squeeze %dma_wait3A_139 : memref<1x128xi32, #tpu.memory_space<vmem>> -> memref<128xi32, #tpu.memory_space<vmem>>
    %dma_wait3A_141 = arith.constant 0 : i32
    %dma_wait3A_142 = arith.constant 0 : i32
    %dma_wait3A_143 = tpu.memref_slice %arg9[%dma_wait3A_141, %dma_wait3A_142] : memref<10240x64xf32, #tpu.memory_space<vmem_shared>> -> memref<10240x64xf32, #tpu.memory_space<vmem_shared>>
    %dma_wait3A_144 = tpu.memref_slice %arg11[%dma_wait3A_133] : memref<5x!tpu.dma_semaphore, #tpu.memory_space<semaphore_mem>> -> memref<1x!tpu.dma_semaphore, #tpu.memory_space<semaphore_mem>>
    %dma_wait3A_145 = tpu.memref_squeeze %dma_wait3A_144 : memref<1x!tpu.dma_semaphore, #tpu.memory_space<semaphore_mem>> -> memref<!tpu.dma_semaphore, #tpu.memory_space<semaphore_mem>>
    tpu.wait_indirect_dma semaphore(%dma_wait3A_145 : memref<!tpu.dma_semaphore, #tpu.memory_space<semaphore_mem>>) src(%dma_wait3A_137 : memref<128x64xf32, #tpu.memory_space<vmem>>) dst(%dma_wait3A_143 : memref<10240x64xf32, #tpu.memory_space<vmem_shared>>)
    %dma_wait3A_146 = arith.constant 4 : i32
    %dma_wait3A_147 = arith.constant 159 : i32
    %dma_wait3A_148 = arith.constant 4 : i32
    %dma_wait3A_149 = arith.constant 0 : i32
    %dma_wait3A_150 = arith.constant 0 : i32
    %dma_wait3A_151 = tpu.memref_slice %arg8[%dma_wait3A_146, %dma_wait3A_149, %dma_wait3A_150] : memref<5x128x64xf32, #tpu.memory_space<vmem>> -> memref<1x128x64xf32, #tpu.memory_space<vmem>>
    %dma_wait3A_152 = tpu.memref_squeeze %dma_wait3A_151 : memref<1x128x64xf32, #tpu.memory_space<vmem>> -> memref<128x64xf32, #tpu.memory_space<vmem>>
    %dma_wait3A_153 = arith.constant 0 : i32
    %dma_wait3A_154 = tpu.memref_slice %arg7[%dma_wait3A_147, %dma_wait3A_153] : memref<160x128xi32, #tpu.memory_space<vmem>> -> memref<1x128xi32, #tpu.memory_space<vmem>>
    %dma_wait3A_155 = tpu.memref_squeeze %dma_wait3A_154 : memref<1x128xi32, #tpu.memory_space<vmem>> -> memref<128xi32, #tpu.memory_space<vmem>>
    %dma_wait3A_156 = arith.constant 0 : i32
    %dma_wait3A_157 = arith.constant 0 : i32
    %dma_wait3A_158 = tpu.memref_slice %arg9[%dma_wait3A_156, %dma_wait3A_157] : memref<10240x64xf32, #tpu.memory_space<vmem_shared>> -> memref<10240x64xf32, #tpu.memory_space<vmem_shared>>
    %dma_wait3A_159 = tpu.memref_slice %arg11[%dma_wait3A_148] : memref<5x!tpu.dma_semaphore, #tpu.memory_space<semaphore_mem>> -> memref<1x!tpu.dma_semaphore, #tpu.memory_space<semaphore_mem>>
    %dma_wait3A_160 = tpu.memref_squeeze %dma_wait3A_159 : memref<1x!tpu.dma_semaphore, #tpu.memory_space<semaphore_mem>> -> memref<!tpu.dma_semaphore, #tpu.memory_space<semaphore_mem>>
    tpu.wait_indirect_dma semaphore(%dma_wait3A_160 : memref<!tpu.dma_semaphore, #tpu.memory_space<semaphore_mem>>) src(%dma_wait3A_152 : memref<128x64xf32, #tpu.memory_space<vmem>>) dst(%dma_wait3A_158 : memref<10240x64xf32, #tpu.memory_space<vmem_shared>>)
    %barrier3A_161 = arith.constant 0 : index
    tpu.barrier barrier_id(%barrier3A_161)
    %mul3A_162 = arith.constant 640 : i32
    %mul3A_163 = arith.muli %arg1, %mul3A_162 : i32
    %mul3A_164 = arith.constant 640 : i32
    %mul3A_165 = arith.muli %arg1, %mul3A_164 : i32
    "tpu.region"() ({
      %run_scoped3A = tpu.sem_alloc : memref<!tpu.dma_semaphore, #tpu.memory_space<semaphore_mem>>
      %dma_start3A_166 = arith.constant 0 : i32
      %dma_start3A_167 = tpu.memref_slice %arg5[%arg0, %mul3A_165, %dma_start3A_166] : memref<2x10240x64xf32, #tpu.memory_space<hbm>> -> memref<1x640x64xf32, #tpu.memory_space<hbm>>
      %dma_start3A_168 = tpu.memref_squeeze %dma_start3A_167 : memref<1x640x64xf32, #tpu.memory_space<hbm>> -> memref<640x64xf32, #tpu.memory_space<hbm>>
      %dma_start3A_169 = arith.constant 0 : i32
      %dma_start3A_170 = tpu.memref_slice %arg9[%mul3A_163, %dma_start3A_169] : memref<10240x64xf32, #tpu.memory_space<vmem_shared>> -> memref<640x64xf32, #tpu.memory_space<vmem_shared>>
      tpu.enqueue_dma source(%dma_start3A_170 : memref<640x64xf32, #tpu.memory_space<vmem_shared>>) target(%dma_start3A_168 : memref<640x64xf32, #tpu.memory_space<hbm>>) target_semaphore(%run_scoped3A : memref<!tpu.dma_semaphore, #tpu.memory_space<semaphore_mem>>)
      %dma_wait3A_171 = arith.constant 0 : i32
      %dma_wait3A_172 = tpu.memref_slice %arg5[%arg0, %mul3A_165, %dma_wait3A_171] : memref<2x10240x64xf32, #tpu.memory_space<hbm>> -> memref<1x640x64xf32, #tpu.memory_space<hbm>>
      %dma_wait3A_173 = tpu.memref_squeeze %dma_wait3A_172 : memref<1x640x64xf32, #tpu.memory_space<hbm>> -> memref<640x64xf32, #tpu.memory_space<hbm>>
      %dma_wait3A_174 = arith.constant 0 : i32
      %dma_wait3A_175 = tpu.memref_slice %arg9[%mul3A_163, %dma_wait3A_174] : memref<10240x64xf32, #tpu.memory_space<vmem_shared>> -> memref<640x64xf32, #tpu.memory_space<vmem_shared>>
      tpu.wait_dma2 semaphore(%run_scoped3A : memref<!tpu.dma_semaphore, #tpu.memory_space<semaphore_mem>>) src(%dma_wait3A_175 : memref<640x64xf32, #tpu.memory_space<vmem_shared>>) dst(%dma_wait3A_173 : memref<640x64xf32, #tpu.memory_space<hbm>>)
      tpu.yield
    }) : () -> ()
    return
  }
}

module attributes {stable_mosaic.version = 14 : i64} {
  func.func @_k1_body(%arg0: memref<10240x128xf32, #tpu.memory_space<vmem>>, %arg1: memref<128x128xf32, #tpu.memory_space<vmem>>, %arg2: memref<1x128xf32, #tpu.memory_space<vmem>>, %arg3: memref<2x10240xf32, #tpu.memory_space<vmem>>, %arg4: memref<2x10240x64xf32, #tpu.memory_space<vmem>>) attributes {dimension_semantics = [], scalar_prefetch = 0 : i64, scratch_operands = 0 : i64, tpu.core_type = #tpu.core_type<tc>} {
    %get3A = arith.constant 0 : index
    %get3A_0 = arith.constant 0 : index
    %get3A_1 = vector.load %arg0[%get3A, %get3A_0] : memref<10240x128xf32, #tpu.memory_space<vmem>>, vector<10240x128xf32>
    %get3A_2 = arith.constant 0 : index
    %get3A_3 = arith.constant 0 : index
    %get3A_4 = vector.load %arg1[%get3A_2, %get3A_3] : memref<128x128xf32, #tpu.memory_space<vmem>>, vector<128x128xf32>
    %dot_general3A = arith.constant dense<0.000000e+00> : vector<10240x128xf32>
    %dot_general3A_5 = tpu.matmul %get3A_1, %get3A_4, %dot_general3A {dimension_numbers = #tpu.dot_dimension_numbers<[1], [0], [0], [1], [0, 0, 1, 1], [], []>, transpose_lhs_hint = false} : vector<10240x128xf32>, vector<128x128xf32>, vector<10240x128xf32> -> vector<10240x128xf32>
    %get3A_6 = arith.constant 0 : index
    %get3A_7 = arith.constant 0 : index
    %get3A_8 = vector.load %arg2[%get3A_6, %get3A_7] : memref<1x128xf32, #tpu.memory_space<vmem>>, vector<1x128xf32>
    %add3A = vector.broadcast %get3A_8 : vector<1x128xf32> to vector<10240x128xf32>
    %add3A_9 = arith.addf %dot_general3A_5, %add3A : vector<10240x128xf32>
    %get3A_10 = arith.constant 0 : index
    %get3A_11 = arith.constant 0 : index
    %get3A_12 = vector.load %arg3[%get3A_10, %get3A_11] : memref<2x10240xf32, #tpu.memory_space<vmem>>, vector<1x10240xf32>
    %get3A_13 = vector.shape_cast %get3A_12 : vector<1x10240xf32> to vector<10240xf32>
    %get3A_14 = arith.constant 1 : index
    %get3A_15 = arith.constant 0 : index
    %get3A_16 = vector.load %arg3[%get3A_14, %get3A_15] : memref<2x10240xf32, #tpu.memory_space<vmem>>, vector<1x10240xf32>
    %get3A_17 = vector.shape_cast %get3A_16 : vector<1x10240xf32> to vector<10240xf32>
    %add3A_18 = arith.addf %get3A_13, %get3A_17 : vector<10240xf32>
    %add3A_19 = arith.constant 1.000000e+00 : f32
    %add3A_20 = vector.broadcast %add3A_19 : f32 to vector<10240xf32>
    %add3A_21 = arith.addf %add3A_18, %add3A_20 : vector<10240xf32>
    %rsqrt3A = math.rsqrt %add3A_21 : vector<10240xf32>
    %broadcast_in_dim3A = vector.shape_cast %rsqrt3A : vector<10240xf32> to vector<10240x1xf32>
    %mul3A = vector.broadcast %broadcast_in_dim3A : vector<10240x1xf32> to vector<10240x128xf32>
    %mul3A_22 = arith.mulf %add3A_9, %mul3A : vector<10240x128xf32>
    %slice3A = vector.extract_strided_slice %mul3A_22 {offsets = [0, 0], sizes = [10240, 64], strides = [1, 1]} : vector<10240x128xf32> to vector<10240x64xf32>
    %swap3A = arith.constant 0 : index
    %swap3A_23 = arith.constant 0 : index
    %swap3A_24 = arith.constant 0 : index
    %swap3A_25 = vector.load %arg4[%swap3A, %swap3A_23, %swap3A_24] : memref<2x10240x64xf32, #tpu.memory_space<vmem>>, vector<1x10240x64xf32>
    %swap3A_26 = vector.shape_cast %swap3A_25 : vector<1x10240x64xf32> to vector<10240x64xf32>
    %swap3A_27 = vector.shape_cast %slice3A : vector<10240x64xf32> to vector<1x10240x64xf32>
    tpu.vector_store %arg4[%swap3A, %swap3A_23, %swap3A_24], %swap3A_27 {strides = array<i32>} : memref<2x10240x64xf32, #tpu.memory_space<vmem>>, vector<1x10240x64xf32>,
    %slice3A_28 = vector.extract_strided_slice %mul3A_22 {offsets = [0, 64], sizes = [10240, 64], strides = [1, 1]} : vector<10240x128xf32> to vector<10240x64xf32>
    %swap3A_29 = arith.constant 1 : index
    %swap3A_30 = arith.constant 0 : index
    %swap3A_31 = arith.constant 0 : index
    %swap3A_32 = vector.load %arg4[%swap3A_29, %swap3A_30, %swap3A_31] : memref<2x10240x64xf32, #tpu.memory_space<vmem>>, vector<1x10240x64xf32>
    %swap3A_33 = vector.shape_cast %swap3A_32 : vector<1x10240x64xf32> to vector<10240x64xf32>
    %swap3A_34 = vector.shape_cast %slice3A_28 : vector<10240x64xf32> to vector<1x10240x64xf32>
    tpu.vector_store %arg4[%swap3A_29, %swap3A_30, %swap3A_31], %swap3A_34 {strides = array<i32>} : memref<2x10240x64xf32, #tpu.memory_space<vmem>>, vector<1x10240x64xf32>,
    return
  }
}

module attributes {stable_mosaic.version = 14 : i64} {
  func.func @_k2_body(%arg0: memref<2x10240x64xf32, #tpu.memory_space<vmem>>, %arg1: memref<2x10240xf32, #tpu.memory_space<vmem>>, %arg2: memref<4x1x128xf32, #tpu.memory_space<vmem>>, %arg3: memref<128x128xf32, #tpu.memory_space<vmem>>, %arg4: memref<1x128xf32, #tpu.memory_space<vmem>>, %arg5: memref<2x10240x64xf32, #tpu.memory_space<vmem>>) attributes {dimension_semantics = [], scalar_prefetch = 0 : i64, scratch_operands = 0 : i64, tpu.core_type = #tpu.core_type<tc>} {
    %get3A = arith.constant 0 : index
    %get3A_0 = arith.constant 0 : index
    %get3A_1 = vector.load %arg1[%get3A, %get3A_0] : memref<2x10240xf32, #tpu.memory_space<vmem>>, vector<1x10240xf32>
    %get3A_2 = vector.shape_cast %get3A_1 : vector<1x10240xf32> to vector<10240xf32>
    %get3A_3 = arith.constant 1 : index
    %get3A_4 = arith.constant 0 : index
    %get3A_5 = vector.load %arg1[%get3A_3, %get3A_4] : memref<2x10240xf32, #tpu.memory_space<vmem>>, vector<1x10240xf32>
    %get3A_6 = vector.shape_cast %get3A_5 : vector<1x10240xf32> to vector<10240xf32>
    %add3A = arith.addf %get3A_2, %get3A_6 : vector<10240xf32>
    %add3A_7 = arith.constant 1.000000e+00 : f32
    %add3A_8 = vector.broadcast %add3A_7 : f32 to vector<10240xf32>
    %add3A_9 = arith.addf %add3A, %add3A_8 : vector<10240xf32>
    %rsqrt3A = math.rsqrt %add3A_9 : vector<10240xf32>
    %broadcast_in_dim3A = vector.shape_cast %rsqrt3A : vector<10240xf32> to vector<10240x1xf32>
    %get3A_10 = arith.constant 0 : index
    %get3A_11 = arith.constant 0 : index
    %get3A_12 = arith.constant 0 : index
    %get3A_13 = vector.load %arg0[%get3A_10, %get3A_11, %get3A_12] : memref<2x10240x64xf32, #tpu.memory_space<vmem>>, vector<1x10240x64xf32>
    %get3A_14 = vector.shape_cast %get3A_13 : vector<1x10240x64xf32> to vector<10240x64xf32>
    %get3A_15 = arith.constant 1 : index
    %get3A_16 = arith.constant 0 : index
    %get3A_17 = arith.constant 0 : index
    %get3A_18 = vector.load %arg0[%get3A_15, %get3A_16, %get3A_17] : memref<2x10240x64xf32, #tpu.memory_space<vmem>>, vector<1x10240x64xf32>
    %get3A_19 = vector.shape_cast %get3A_18 : vector<1x10240x64xf32> to vector<10240x64xf32>
    %concatenate3A = tpu.concatenate %get3A_14, %get3A_19 in 1 : vector<10240x64xf32>, vector<10240x64xf32> -> vector<10240x128xf32>
    %mul3A = vector.broadcast %broadcast_in_dim3A : vector<10240x1xf32> to vector<10240x128xf32>
    %mul3A_20 = arith.mulf %concatenate3A, %mul3A : vector<10240x128xf32>
    %get3A_21 = arith.constant 0 : index
    %get3A_22 = arith.constant 0 : index
    %get3A_23 = arith.constant 0 : index
    %get3A_24 = vector.load %arg2[%get3A_21, %get3A_22, %get3A_23] : memref<4x1x128xf32, #tpu.memory_space<vmem>>, vector<1x1x128xf32>
    %get3A_25 = vector.shape_cast %get3A_24 : vector<1x1x128xf32> to vector<1x128xf32>
    %get3A_26 = arith.constant 1 : index
    %get3A_27 = arith.constant 0 : index
    %get3A_28 = arith.constant 0 : index
    %get3A_29 = vector.load %arg2[%get3A_26, %get3A_27, %get3A_28] : memref<4x1x128xf32, #tpu.memory_space<vmem>>, vector<1x1x128xf32>
    %get3A_30 = vector.shape_cast %get3A_29 : vector<1x1x128xf32> to vector<1x128xf32>
    %get3A_31 = arith.constant 2 : index
    %get3A_32 = arith.constant 0 : index
    %get3A_33 = arith.constant 0 : index
    %get3A_34 = vector.load %arg2[%get3A_31, %get3A_32, %get3A_33] : memref<4x1x128xf32, #tpu.memory_space<vmem>>, vector<1x1x128xf32>
    %get3A_35 = vector.shape_cast %get3A_34 : vector<1x1x128xf32> to vector<1x128xf32>
    %get3A_36 = arith.constant 3 : index
    %get3A_37 = arith.constant 0 : index
    %get3A_38 = arith.constant 0 : index
    %get3A_39 = vector.load %arg2[%get3A_36, %get3A_37, %get3A_38] : memref<4x1x128xf32, #tpu.memory_space<vmem>>, vector<1x1x128xf32>
    %get3A_40 = vector.shape_cast %get3A_39 : vector<1x1x128xf32> to vector<1x128xf32>
    %sub3A = vector.broadcast %get3A_35 : vector<1x128xf32> to vector<10240x128xf32>
    %sub3A_41 = arith.subf %mul3A_20, %sub3A : vector<10240x128xf32>
    %add3A_42 = arith.constant 9.99999974E-6 : f32
    %add3A_43 = vector.broadcast %add3A_42 : f32 to vector<1x128xf32>
    %add3A_44 = arith.addf %get3A_40, %add3A_43 : vector<1x128xf32>
    %rsqrt3A_45 = math.rsqrt %add3A_44 : vector<1x128xf32>
    %mul3A_46 = vector.broadcast %rsqrt3A_45 : vector<1x128xf32> to vector<10240x128xf32>
    %mul3A_47 = arith.mulf %sub3A_41, %mul3A_46 : vector<10240x128xf32>
    %mul3A_48 = vector.broadcast %get3A_25 : vector<1x128xf32> to vector<10240x128xf32>
    %mul3A_49 = arith.mulf %mul3A_47, %mul3A_48 : vector<10240x128xf32>
    %add3A_50 = vector.broadcast %get3A_30 : vector<1x128xf32> to vector<10240x128xf32>
    %add3A_51 = arith.addf %mul3A_49, %add3A_50 : vector<10240x128xf32>
    %max3A = arith.constant 0.000000e+00 : f32
    %max3A_52 = vector.broadcast %max3A : f32 to vector<10240x128xf32>
    %max3A_53 = arith.maximumf %add3A_51, %max3A_52 : vector<10240x128xf32>
    %get3A_54 = arith.constant 0 : index
    %get3A_55 = arith.constant 0 : index
    %get3A_56 = vector.load %arg3[%get3A_54, %get3A_55] : memref<128x128xf32, #tpu.memory_space<vmem>>, vector<128x128xf32>
    %dot_general3A = arith.constant dense<0.000000e+00> : vector<10240x128xf32>
    %dot_general3A_57 = tpu.matmul %max3A_53, %get3A_56, %dot_general3A {dimension_numbers = #tpu.dot_dimension_numbers<[1], [0], [0], [1], [0, 0, 1, 1], [], []>, transpose_lhs_hint = false} : vector<10240x128xf32>, vector<128x128xf32>, vector<10240x128xf32> -> vector<10240x128xf32>
    %get3A_58 = arith.constant 0 : index
    %get3A_59 = arith.constant 0 : index
    %get3A_60 = vector.load %arg4[%get3A_58, %get3A_59] : memref<1x128xf32, #tpu.memory_space<vmem>>, vector<1x128xf32>
    %add3A_61 = vector.broadcast %get3A_60 : vector<1x128xf32> to vector<10240x128xf32>
    %add3A_62 = arith.addf %dot_general3A_57, %add3A_61 : vector<10240x128xf32>
    %mul3A_63 = vector.broadcast %broadcast_in_dim3A : vector<10240x1xf32> to vector<10240x128xf32>
    %mul3A_64 = arith.mulf %add3A_62, %mul3A_63 : vector<10240x128xf32>
    %slice3A = vector.extract_strided_slice %mul3A_64 {offsets = [0, 0], sizes = [10240, 64], strides = [1, 1]} : vector<10240x128xf32> to vector<10240x64xf32>
    %swap3A = arith.constant 0 : index
    %swap3A_65 = arith.constant 0 : index
    %swap3A_66 = arith.constant 0 : index
    %swap3A_67 = vector.load %arg5[%swap3A, %swap3A_65, %swap3A_66] : memref<2x10240x64xf32, #tpu.memory_space<vmem>>, vector<1x10240x64xf32>
    %swap3A_68 = vector.shape_cast %swap3A_67 : vector<1x10240x64xf32> to vector<10240x64xf32>
    %swap3A_69 = vector.shape_cast %slice3A : vector<10240x64xf32> to vector<1x10240x64xf32>
    tpu.vector_store %arg5[%swap3A, %swap3A_65, %swap3A_66], %swap3A_69 {strides = array<i32>} : memref<2x10240x64xf32, #tpu.memory_space<vmem>>, vector<1x10240x64xf32>,
    %slice3A_70 = vector.extract_strided_slice %mul3A_64 {offsets = [0, 64], sizes = [10240, 64], strides = [1, 1]} : vector<10240x128xf32> to vector<10240x64xf32>
    %swap3A_71 = arith.constant 1 : index
    %swap3A_72 = arith.constant 0 : index
    %swap3A_73 = arith.constant 0 : index
    %swap3A_74 = vector.load %arg5[%swap3A_71, %swap3A_72, %swap3A_73] : memref<2x10240x64xf32, #tpu.memory_space<vmem>>, vector<1x10240x64xf32>
    %swap3A_75 = vector.shape_cast %swap3A_74 : vector<1x10240x64xf32> to vector<10240x64xf32>
    %swap3A_76 = vector.shape_cast %slice3A_70 : vector<10240x64xf32> to vector<1x10240x64xf32>
    tpu.vector_store %arg5[%swap3A_71, %swap3A_72, %swap3A_73], %swap3A_76 {strides = array<i32>} : memref<2x10240x64xf32, #tpu.memory_space<vmem>>, vector<1x10240x64xf32>,
    return
  }
}

module attributes {stable_mosaic.version = 14 : i64} {
  func.func @_k3_body(%arg0: memref<2x10240x64xf32, #tpu.memory_space<vmem>>, %arg1: memref<2x10240xf32, #tpu.memory_space<vmem>>, %arg2: memref<4x1x128xf32, #tpu.memory_space<vmem>>, %arg3: memref<1x10240xi32, #tpu.memory_space<vmem>>, %arg4: memref<128x64xf32, #tpu.memory_space<vmem>>, %arg5: memref<1x64xf32, #tpu.memory_space<vmem>>, %arg6: memref<64x16xf32, #tpu.memory_space<vmem>>, %arg7: memref<1x16xf32, #tpu.memory_space<vmem>>, %arg8: memref<64x16xf32, #tpu.memory_space<vmem>>) attributes {dimension_semantics = [], scalar_prefetch = 0 : i64, scratch_operands = 0 : i64, tpu.core_type = #tpu.core_type<tc>} {
    %get3A = arith.constant 0 : index
    %get3A_0 = arith.constant 0 : index
    %get3A_1 = vector.load %arg1[%get3A, %get3A_0] : memref<2x10240xf32, #tpu.memory_space<vmem>>, vector<1x10240xf32>
    %get3A_2 = vector.shape_cast %get3A_1 : vector<1x10240xf32> to vector<10240xf32>
    %get3A_3 = arith.constant 1 : index
    %get3A_4 = arith.constant 0 : index
    %get3A_5 = vector.load %arg1[%get3A_3, %get3A_4] : memref<2x10240xf32, #tpu.memory_space<vmem>>, vector<1x10240xf32>
    %get3A_6 = vector.shape_cast %get3A_5 : vector<1x10240xf32> to vector<10240xf32>
    %add3A = arith.addf %get3A_2, %get3A_6 : vector<10240xf32>
    %add3A_7 = arith.constant 1.000000e+00 : f32
    %add3A_8 = vector.broadcast %add3A_7 : f32 to vector<10240xf32>
    %add3A_9 = arith.addf %add3A, %add3A_8 : vector<10240xf32>
    %rsqrt3A = math.rsqrt %add3A_9 : vector<10240xf32>
    %broadcast_in_dim3A = vector.shape_cast %rsqrt3A : vector<10240xf32> to vector<10240x1xf32>
    %get3A_10 = arith.constant 0 : index
    %get3A_11 = arith.constant 0 : index
    %get3A_12 = arith.constant 0 : index
    %get3A_13 = vector.load %arg0[%get3A_10, %get3A_11, %get3A_12] : memref<2x10240x64xf32, #tpu.memory_space<vmem>>, vector<1x10240x64xf32>
    %get3A_14 = vector.shape_cast %get3A_13 : vector<1x10240x64xf32> to vector<10240x64xf32>
    %get3A_15 = arith.constant 1 : index
    %get3A_16 = arith.constant 0 : index
    %get3A_17 = arith.constant 0 : index
    %get3A_18 = vector.load %arg0[%get3A_15, %get3A_16, %get3A_17] : memref<2x10240x64xf32, #tpu.memory_space<vmem>>, vector<1x10240x64xf32>
    %get3A_19 = vector.shape_cast %get3A_18 : vector<1x10240x64xf32> to vector<10240x64xf32>
    %concatenate3A = tpu.concatenate %get3A_14, %get3A_19 in 1 : vector<10240x64xf32>, vector<10240x64xf32> -> vector<10240x128xf32>
    %mul3A = vector.broadcast %broadcast_in_dim3A : vector<10240x1xf32> to vector<10240x128xf32>
    %mul3A_20 = arith.mulf %concatenate3A, %mul3A : vector<10240x128xf32>
    %get3A_21 = arith.constant 0 : index
    %get3A_22 = arith.constant 0 : index
    %get3A_23 = arith.constant 0 : index
    %get3A_24 = vector.load %arg2[%get3A_21, %get3A_22, %get3A_23] : memref<4x1x128xf32, #tpu.memory_space<vmem>>, vector<1x1x128xf32>
    %get3A_25 = vector.shape_cast %get3A_24 : vector<1x1x128xf32> to vector<1x128xf32>
    %get3A_26 = arith.constant 1 : index
    %get3A_27 = arith.constant 0 : index
    %get3A_28 = arith.constant 0 : index
    %get3A_29 = vector.load %arg2[%get3A_26, %get3A_27, %get3A_28] : memref<4x1x128xf32, #tpu.memory_space<vmem>>, vector<1x1x128xf32>
    %get3A_30 = vector.shape_cast %get3A_29 : vector<1x1x128xf32> to vector<1x128xf32>
    %get3A_31 = arith.constant 2 : index
    %get3A_32 = arith.constant 0 : index
    %get3A_33 = arith.constant 0 : index
    %get3A_34 = vector.load %arg2[%get3A_31, %get3A_32, %get3A_33] : memref<4x1x128xf32, #tpu.memory_space<vmem>>, vector<1x1x128xf32>
    %get3A_35 = vector.shape_cast %get3A_34 : vector<1x1x128xf32> to vector<1x128xf32>
    %get3A_36 = arith.constant 3 : index
    %get3A_37 = arith.constant 0 : index
    %get3A_38 = arith.constant 0 : index
    %get3A_39 = vector.load %arg2[%get3A_36, %get3A_37, %get3A_38] : memref<4x1x128xf32, #tpu.memory_space<vmem>>, vector<1x1x128xf32>
    %get3A_40 = vector.shape_cast %get3A_39 : vector<1x1x128xf32> to vector<1x128xf32>
    %sub3A = vector.broadcast %get3A_35 : vector<1x128xf32> to vector<10240x128xf32>
    %sub3A_41 = arith.subf %mul3A_20, %sub3A : vector<10240x128xf32>
    %add3A_42 = arith.constant 9.99999974E-6 : f32
    %add3A_43 = vector.broadcast %add3A_42 : f32 to vector<1x128xf32>
    %add3A_44 = arith.addf %get3A_40, %add3A_43 : vector<1x128xf32>
    %rsqrt3A_45 = math.rsqrt %add3A_44 : vector<1x128xf32>
    %mul3A_46 = vector.broadcast %rsqrt3A_45 : vector<1x128xf32> to vector<10240x128xf32>
    %mul3A_47 = arith.mulf %sub3A_41, %mul3A_46 : vector<10240x128xf32>
    %mul3A_48 = vector.broadcast %get3A_25 : vector<1x128xf32> to vector<10240x128xf32>
    %mul3A_49 = arith.mulf %mul3A_47, %mul3A_48 : vector<10240x128xf32>
    %add3A_50 = vector.broadcast %get3A_30 : vector<1x128xf32> to vector<10240x128xf32>
    %add3A_51 = arith.addf %mul3A_49, %add3A_50 : vector<10240x128xf32>
    %max3A = arith.constant 0.000000e+00 : f32
    %max3A_52 = vector.broadcast %max3A : f32 to vector<10240x128xf32>
    %max3A_53 = arith.maximumf %add3A_51, %max3A_52 : vector<10240x128xf32>
    %get3A_54 = arith.constant 0 : index
    %get3A_55 = arith.constant 0 : index
    %get3A_56 = vector.load %arg3[%get3A_54, %get3A_55] : memref<1x10240xi32, #tpu.memory_space<vmem>>, vector<1x10240xi32>
    %get3A_57 = vector.shape_cast %get3A_56 : vector<1x10240xi32> to vector<10240xi32>
    %broadcast_in_dim3A_58 = vector.shape_cast %get3A_57 : vector<10240xi32> to vector<10240x1xi32>
    %iota3A = tpu.iota {dimensions = array<i32: 1>} : vector<1x64xi32>
    %eq3A = vector.broadcast %broadcast_in_dim3A_58 : vector<10240x1xi32> to vector<10240x64xi32>
    %eq3A_59 = vector.broadcast %iota3A : vector<1x64xi32> to vector<10240x64xi32>
    %eq3A_60 = arith.cmpi eq, %eq3A, %eq3A_59 : vector<10240x64xi32>
    %convert_element_type3A = arith.extui %eq3A_60 : vector<10240x64xi1> to vector<10240x64xi32>
    %convert_element_type3A_61 = arith.sitofp %convert_element_type3A : vector<10240x64xi32> to vector<10240x64xf32>
    %dot_general3A = arith.constant dense<0.000000e+00> : vector<64x128xf32>
    %dot_general3A_62 = tpu.matmul %convert_element_type3A_61, %max3A_53, %dot_general3A {dimension_numbers = #tpu.dot_dimension_numbers<[0], [0], [1], [1], [0, 1, 1, 1], [], []>, transpose_lhs_hint = false} : vector<10240x64xf32>, vector<10240x128xf32>, vector<64x128xf32> -> vector<64x128xf32>
    %reduce_sum3A = arith.constant dense<0.000000e+00> : vector<64xf32>
    %reduce_sum3A_63 = vector.multi_reduction <add>, %convert_element_type3A_61, %reduce_sum3A [0] : vector<10240x64xf32> to vector<64xf32>
    %max3A_64 = arith.constant 1.000000e+00 : f32
    %max3A_65 = vector.broadcast %max3A_64 : f32 to vector<64xf32>
    %max3A_66 = arith.maximumf %reduce_sum3A_63, %max3A_65 : vector<64xf32>
    %broadcast_in_dim3A_67 = vector.shape_cast %max3A_66 : vector<64xf32> to vector<64x1xf32>
    %div3A = vector.broadcast %broadcast_in_dim3A_67 : vector<64x1xf32> to vector<64x128xf32>
    %div3A_68 = arith.divf %dot_general3A_62, %div3A : vector<64x128xf32>
    %get3A_69 = arith.constant 0 : index
    %get3A_70 = arith.constant 0 : index
    %get3A_71 = vector.load %arg4[%get3A_69, %get3A_70] : memref<128x64xf32, #tpu.memory_space<vmem>>, vector<128x64xf32>
    %dot_general3A_72 = arith.constant dense<0.000000e+00> : vector<64x64xf32>
    %dot_general3A_73 = tpu.matmul %div3A_68, %get3A_71, %dot_general3A_72 {dimension_numbers = #tpu.dot_dimension_numbers<[1], [0], [0], [1], [0, 0, 1, 1], [], []>, transpose_lhs_hint = false} : vector<64x128xf32>, vector<128x64xf32>, vector<64x64xf32> -> vector<64x64xf32>
    %get3A_74 = arith.constant 0 : index
    %get3A_75 = arith.constant 0 : index
    %get3A_76 = vector.load %arg5[%get3A_74, %get3A_75] : memref<1x64xf32, #tpu.memory_space<vmem>>, vector<1x64xf32>
    %add3A_77 = vector.broadcast %get3A_76 : vector<1x64xf32> to vector<64x64xf32>
    %add3A_78 = arith.addf %dot_general3A_73, %add3A_77 : vector<64x64xf32>
    %max3A_79 = arith.constant 0.000000e+00 : f32
    %max3A_80 = vector.broadcast %max3A_79 : f32 to vector<64x64xf32>
    %max3A_81 = arith.maximumf %add3A_78, %max3A_80 : vector<64x64xf32>
    %get3A_82 = arith.constant 0 : index
    %get3A_83 = arith.constant 0 : index
    %get3A_84 = vector.load %arg6[%get3A_82, %get3A_83] : memref<64x16xf32, #tpu.memory_space<vmem>>, vector<64x16xf32>
    %dot_general3A_85 = arith.constant dense<0.000000e+00> : vector<64x16xf32>
    %dot_general3A_86 = tpu.matmul %max3A_81, %get3A_84, %dot_general3A_85 {dimension_numbers = #tpu.dot_dimension_numbers<[1], [0], [0], [1], [0, 0, 1, 1], [], []>, transpose_lhs_hint = false} : vector<64x64xf32>, vector<64x16xf32>, vector<64x16xf32> -> vector<64x16xf32>
    %get3A_87 = arith.constant 0 : index
    %get3A_88 = arith.constant 0 : index
    %get3A_89 = vector.load %arg7[%get3A_87, %get3A_88] : memref<1x16xf32, #tpu.memory_space<vmem>>, vector<1x16xf32>
    %add3A_90 = vector.broadcast %get3A_89 : vector<1x16xf32> to vector<64x16xf32>
    %add3A_91 = arith.addf %dot_general3A_86, %add3A_90 : vector<64x16xf32>
    %swap3A = arith.constant 0 : index
    %swap3A_92 = arith.constant 0 : index
    %swap3A_93 = vector.load %arg8[%swap3A, %swap3A_92] : memref<64x16xf32, #tpu.memory_space<vmem>>, vector<64x16xf32>
    tpu.vector_store %arg8[%swap3A, %swap3A_92], %add3A_91 {strides = array<i32>} : memref<64x16xf32, #tpu.memory_space<vmem>>, vector<64x16xf32>,
    return
  }
}

</mosaic_0001>

<sc_bundles>
// kernel: kernel.11.cloned.1.call-start
scs
__scs_entry_jumppad:
0x0: {  	(pc) =	sbr.rel $0x88, $3  }
0x1: {  	(tag) =	ssettag $0x0;
	lr =	simm.s32 $0x1  }
0x2: {  	[smem:$0x3F8E] =	sst lr;
	_ =	strace $0xD0000000  }
0x3: {  	_ = 	snop  }
0x4: {  	_ = 	snop  }
0x5: {  	_ = 	snop  }
0x6: {  	_ = 	snop  }
0x7: {  	_ = 	snop  }
__scs_overlays_trampoline_lowered:
0x8: {  	[smem:$0x3F9D] =	sst s0  }
0x9: {  	[smem:$0x3F9E] =	sst s1  }
0xa: {  	[smem:$0x3F9F] =	sst s2  }
0xb: {  	[smem:$0x3FA0] =	sst s3  }
0xc: {  	[smem:$0x3FA1] =	sst s4  }
0xd: {  	[smem:$0x3FA2] =	sst s5  }
0xe: {  	[smem:$0x3FA3] =	sst s6  }
0xf: {  	[smem:$0x3FA4] =	sst s7  }
0x10: {  	[smem:$0x3FA5] =	sst s8  }
0x11: {  	[smem:$0x3FA6] =	sst s9;
	s0 =	simm.s32 @!p0 $0x0  }
0x12: {  	s1 =	sld [smem:$0x3F8C];
	s0 =	simm.s32 @p0 $0x1  }
0x13: {  	[smem:$0x3FA7] =	sst s0;
	s0 =	simm.s32 @!p1 $0x0  }
0x14: {  	s2 =	sld [smem:$0x3F8B];
	s0 =	simm.s32 @p1 $0x1  }
0x15: {  	[smem:$0x3FA8] =	sst s0;
	s0 =	simm.s32 @!p2 $0x0  }
0x16: {  	s3 =	sld [smem:$0x3FDB];
	s0 =	simm.s32 @p2 $0x1  }
0x17: {  	s4 =	simm.s32 $0x1BF5;
	[smem:$0x3FAA] =	sst s0  }
0x18: {  	s0 =	sld [smem:$0x3F8D];
	_ =	swait.ge [sflag:s4], $0x0  }
0x19: {  	s7 =	sld [smem:$0x3F8E]  }
0x1a: {  	s8 =	sadd.s32 $0xFFFFE003, lr  }
0x1b: {  	s9 =	sadd.s32 $0xFFFFFEF7, lr;
	s5 =	simm.s32 $0xFFFFFFFF;
	p2 =	slt.u32 s8, $0xFFFFF086  }
0x1c: {  	p1 =	slt.u32 s9, $0xF7A;
	s5 =	simm.s32 @!p2 $0x0  }
0x1d: {  	s5 =	simm.s32 @p1 $0x1;
	p0 =	seq.s32 s7, s2  }
0x1e: {  	s7 =	smul.u32 @!p0 $0xF7A, s2;
	p2 =	seq.s32 @!p0 s5, $0x0  }
0x1f: {  	s9 =	smul.u32 $0xF7A, s1;
	s8 =	simm.s32 @!p0 $0x1BF5;
	p2 =	por !p2, p0  }
0x20: {  	[sflag:s8] =	ssyncset.s32 @!p0 $0xFFFFF086;
	s6 =	sadd.s32 @!p0 s3, s7;
	s7 =	simm.s32 @!p0 $0x108  }
0x21: {  	s3 =	sadd.s32 s3, s9;
	s6 =	sadd.s32 @!p0 $0x88, s6;
	s7 =	simm.s32 @p2 $0x1082  }
0x22: {  	[simem:s7], [sflag:s8] =	dma.local @!p0 [hbm:s6], $0xF7A  }
0x23: {  	s9 =	sor.u32 $0xD0000000, s2;
	s6 =	simm.s32 $0x108;
	_ =	swait.ge @!p0 [sflag:s8], $0x0  }
0x24: {  	s3 =	sadd.s32 $0x88, s3;
	s6 =	simm.s32 @!p1 $0x1082;
	[sflag:s4] =	ssyncset.s32 $0xFFFFF086  }
0x25: {  	[simem:s6], [sflag:s4] =	dma.local [hbm:s3], $0xF7A  }
0x26: {  	[smem:$0x3F8E] =	sst s1;
	(tag) =	ssettag s2;
	_ =	strace s9  }
0x27: {  	s1 =	sld [smem:$0x3F9E]  }
0x28: {  	s2 =	sld [smem:$0x3F9F]  }
0x29: {  	s4 =	sld [smem:$0x3FA1]  }
0x2a: {  	p0 =	seq.s32 s5, $0x0;
	s5 =	sld [smem:$0x3FA2]  }
0x2b: {  	s6 =	sld [smem:$0x3FA3]  }
0x2c: {  	s7 =	sld [smem:$0x3FA4]  }
0x2d: {  	s3 =	simm.s32 $0x108;
	s8 =	sld [smem:$0x3FA5]  }
0x2e: {  	s3 =	simm.s32 @!p0 $0x1082;
	s9 =	sld [smem:$0x3FA6]  }
0x2f: {  	lr =	sadd.s32 s0, s3;
	s0 =	sld [smem:$0x3F9D]  }
0x30: {  	s3 =	sld [smem:$0x3FA0]  }
0x31: {  	[smem:$0x3FA9] =	sst s10  }
0x32: {  	s10 =	sld [smem:$0x3FA7];
	_ =	sdelay $0x3  }
0x33: {  	p0 =	seq.s32 s10, $0x1;
	s10 =	sld [smem:$0x3FA9];
	_ =	sdelay $0x3  }
0x34: {  	[smem:$0x3FA9] =	sst s10  }
0x35: {  	s10 =	sld [smem:$0x3FA8];
	_ =	sdelay $0x3  }
0x36: {  	p1 =	seq.s32 s10, $0x1;
	s10 =	sld [smem:$0x3FA9];
	_ =	sdelay $0x3  }
0x37: {  	[smem:$0x3FA9] =	sst s10  }
0x38: {  	s10 =	sld [smem:$0x3FAA]  }
0x39: {  	_ = 	snop;
	(pc) =	sbr.ind lr, $3  }
0x3a: {  	_ = 	snop  }
0x3b: {  	_ = 	snop  }
0x3c: {  	p2 =	seq.s32 s10, $0x1;
	s10 =	sld [smem:$0x3FA9]  }
0x3d: {  	_ =	shalt  }
0x3e: {  	_ =	shalt  }
0x3f: {  	_ =	shalt  }
0x40: {  	_ =	shalt  }
0x41: {  	_ =	shalt  }
0x42: {  	_ =	shalt  }
0x43: {  	_ =	shalt  }
0x44: {  	_ =	shalt  }
0x45: {  	_ =	shalt  }
0x46: {  	_ =	shalt  }
0x47: {  	_ =	shalt  }
0x48: {  	_ =	shalt  }
0x49: {  	_ =	shalt  }
0x4a: {  	_ =	shalt  }
0x4b: {  	_ =	shalt  }
0x4c: {  	_ =	shalt  }
0x4d: {  	_ =	shalt  }
0x4e: {  	_ =	shalt  }
0x4f: {  	_ =	shalt  }
0x50: {  	_ =	shalt  }
0x51: {  	_ =	shalt  }
0x52: {  	_ =	shalt  }
0x53: {  	_ =	shalt  }
0x54: {  	_ =	shalt  }
0x55: {  	_ =	shalt  }
0x56: {  	_ =	shalt  }
0x57: {  	_ =	shalt  }
0x58: {  	_ =	shalt  }
0x59: {  	_ =	shalt  }
0x5a: {  	_ =	shalt  }
0x5b: {  	_ =	shalt  }
0x5c: {  	_ =	shalt  }
0x5d: {  	_ =	shalt  }
0x5e: {  	_ =	shalt  }
0x5f: {  	_ =	shalt  }
0x60: {  	_ =	shalt  }
0x61: {  	_ =	shalt  }
0x62: {  	_ =	shalt  }
0x63: {  	_ =	shalt  }
0x64: {  	_ =	shalt  }
0x65: {  	_ =	shalt  }
0x66: {  	_ =	shalt  }
0x67: {  	_ =	shalt  }
0x68: {  	_ =	shalt  }
0x69: {  	_ =	shalt  }
0x6a: {  	_ =	shalt  }
0x6b: {  	_ =	shalt  }
0x6c: {  	_ =	shalt  }
0x6d: {  	_ =	shalt  }
0x6e: {  	_ =	shalt  }
0x6f: {  	_ =	shalt  }
0x70: {  	_ =	shalt  }
0x71: {  	_ =	shalt  }
0x72: {  	_ =	shalt  }
0x73: {  	_ =	shalt  }
0x74: {  	_ =	shalt  }
0x75: {  	_ =	shalt  }
0x76: {  	_ =	shalt  }
0x77: {  	_ =	shalt  }
0x78: {  	_ =	shalt  }
0x79: {  	_ =	shalt  }
0x7a: {  	_ =	shalt  }
0x7b: {  	_ =	shalt  }
0x7c: {  	_ =	shalt  }
0x7d: {  	_ =	shalt  }
0x7e: {  	_ =	shalt  }
0x7f: {  	_ =	shalt  }
0x80: {  	_ =	shalt  }
0x81: {  	_ =	shalt  }
0x82: {  	_ =	shalt  }
0x83: {  	_ =	shalt  }
0x84: {  	_ =	shalt  }
0x85: {  	_ =	shalt  }
0x86: {  	_ =	shalt  }
0x87: {  	_ =	shalt  }
.Lfunc_end0:
.L_simem_size_0:
called_computation.1_lowered:
.L_overlay_start_0:
0x88: {  	s2 =	sld [smem:$0x3FD9]  }
0x89: {  	s3 =	sld [smem:$0x3FFE];
	_ =	sdelay $0x1  }
0x8a: {  	s1 =	srdreg.scid  }
0x8b: {  	s0 =	sand.u32 $0x1, s1  }
0x8c: {  	s16 =	sshll.u32 s0, $0xA;
	s2 =	sadd.s32 s3, s2  }
0x8d: {  	s2 =	sadd.s32 s2, s16  }
0x8e: {  	[smem:$0x3FB5] =	sst s2  }
0x8f: {  	_ = 	snop  }
0x90: {  	(tm) =	ssettm $0x1  }
0x91: {  	s17 =	sld [smem:$0x3FFB];
	_ =	sdelay $0x3  }
0x92: {  	_ =	strace s17  }
0x93: {  	s2 =	sld [smem:$0x3FFC];
	_ =	sdelay $0x3  }
0x94: {  	_ =	strace s2  }
0x95: {  	s2 =	sld [smem:$0x3FFD];
	_ =	sdelay $0x3  }
0x96: {  	_ =	strace s2  }
0x97: {  	_ =	strace $0x8FFFFFFF  }
0x98: {  	s18 =	sld [smem:$0x3FDB];
	_ =	sdelay $0x1  }
0x99: {  	s19 =	simm.s32 $_scs_section_size  }
0x9a: {  	s4 =	simm.s32 $_size__tile_overlayer_lowered;
	s5 =	simm.s32 $_tile_overlayer_lowered  }
0x9b: {  	s22 =	simm.s32 $0x1BFF;
	s21 =	sshll.u32 s5, $0x1;
	s2 =	sadd.s32 s19, s18  }
0x9c: {  	s6 =	simm.s32 $0x0;
	s20 =	sshll.u32 s4, $0x1;
	s4 =	sadd.s32 s21, s2  }
0x9d: {  	[timem:s6], [sflag:s22] =	dma.local [hbm:s4], s20  }
0x9e: {  	_ =	swait.ge [sflag:s22], s20  }
0x9f: {  	s3 =	ssub.s32 $0x0, s20;
	[sflag:s22] =	ssyncset.done $0x0  }
0xa0: {  	[sflag:s22] =	ssyncadd.s32 s3;
	_ =	sdelay $0x1  }
0xa1: {  	s23 =	simm.s32 $0x1B8B  }
0xa2: {  	_ =	swait.ge [sflag:s23], $0x1  }
0xa3: {  	[sflag:s23] =	ssyncset.done $0x0  }
0xa4: {  	s25 =	simm.s32 $0x1B8E;
	s24 =	sld [smem:$0x3FFE];
	[sflag:s23] =	ssyncadd.s32 $0xFFFFFFFF  }
0xa5: {  	s26 =	simm.s32 $execute0_lowered;
	[smem:$0x3FD2] =	sst s25  }
0xa6: {  	s4 =	sshll.u32 s26, $0x1;
	_ =	strace $0x80000049;
	[dreg:$0x1] =	wrdreg $0xFFFFFFFF  }
0xa7: {  	s28 =	simm.s32 $_size_execute0_lowered;
	s2 =	sadd.s32 s2, s4;
	[dreg:$0x0] =	wrdreg $0x0  }
0xa8: {  	s4 =	sshll.u32 s28, $0x1;
	[dreg:$0x2] =	wrdreg s2  }
0xa9: {  	[dreg:$0x3] =	wrdreg s4  }
0xaa: {  	[dreg:$0x4] =	wrdreg $0xC0  }
0xab: {  	_ =	task [dreg:s6], $0x5FFFF  }
0xac: {  	[dreg:$0x1] =	wrdreg $0xFFFFFFFF  }
0xad: {  	[dreg:$0x0] =	wrdreg $0x60  }
0xae: {  	[dreg:$0x2] =	wrdreg s24  }
0xaf: {  	[dreg:$0x3] =	wrdreg $0x140000  }
0xb0: {  	[dreg:$0x4] =	wrdreg $0x9  }
0xb1: {  	_ =	task.clear_ibuf [dreg:s6], $0x5FFFF;
	_ =	strace $0x90000049  }
0xb2: {  	s29 =	simm.s32 $0x9;
	_ =	strace $0x8000004B  }
0xb3: {  	_ =	swait.ge [sflag:s29], $0x1  }
0xb4: {  	[sflag:s29] =	ssyncadd.s32 $0xFFFFFFFF  }
0xb5: {  	_ =	strace $0x9000004B  }
0xb6: {  	_ =	sfence  }
0xb7: {  	s30 =	sld [smem:$0x0];
	_ =	sdelay $0x2  }
0xb8: {  	s31 =	sshll.u32 s1, $0xD;
	s1 =	sshrl.u32 s1, $0x2  }
0xb9: {  	s3 =	sand.u32 $0x4000, s31;
	s1 =	sadd.s32 s1, s30  }
0xba: {  	s0 =	sor.u32 s3, s0;
	s1 =	sshll.u32 s1, $0x11  }
0xbb: {  	s0 =	sor.u32 s1, s0  }
0xbc: {  	s0 =	sadd.s32 $0x8F2B, s0  }
0xbd: {  	[sflag:s0] =	ssyncadd.remote.s32 $0x1  }
0xbe: {  	_ =	sfence.sel $0xFFFF  }
0xbf: {  	[dreg:$0x0] =	wrdreg $0xFFFFFFFF;
	(pc) =	sbr.abs _section_cstart, $3  }
0xc0: {  	[dreg:$0x1] =	wrdreg $0xFFFFFFFF  }
0xc1: {  	_ =	task.clear_ibuf [dreg:s6], $0x2FFFF;
	_ =	strace $0x9FFFFFFF  }
0xc2: {  	(tm) =	ssettm $0x7FFFFFFF  }
0xc3: {  	_ =	shalt  }
tec
execute0_lowered:
.L_overlay_start_1:
0x0: {  	(tag) =	ssettag $0x1  }
0x1: {  	s0 =	rddreg [dreg:$0x0];
	s10 =	stileid.u32  }
0x2: {  	s1 =	srdreg.scid;
	s2 =	rddreg [dreg:$0x1];
	s3 =	simm.s32 $0x0  }
0x3: {  	s12 =	simm.s32 $0xB;
	s13 =	simm.s32 $0x5000;
	s14 =	simm.s32 $0x80  }
0x4: {  	s15 =	simm.s32 $0xA000;
	s16 =	simm.s32 $0xC000;
	s18 =	simm.s32 $0xE000  }
0x5: {  	s20 =	simm.s32 $0x10000;
	s21 =	simm.s32 $0x1;
	s23 =	simm.s32 $0x12000  }
0x6: {  	s29 =	simm.s32 $0x3;
	s31 =	simm.s32 $0x7;
	s19 =	simm.s32 $0x8  }
0x7: {  	s30 =	simm.s32 $0x9;
	s22 =	simm.s32 $0xA;
	s17 =	simm.s32 $0x0  }
0x8: {  	s1 =	sand.u32 $0x1, s1;
	s4 =	smul.u32 $0xA000, s10;
	[smem:$0x7FF] =	sst s3  }
0x9: {  	s5 =	smul.u32 $0xA00, s10;
	s8 =	sadd.s32 $0x17200, s0;
	s25 =	sshll.u32 s10, $0x6  }
0xa: {  	s6 =	smul.u32 $0xA0000, s1;
	_ =	strace $0x8000004A;
	s1 =	ssub.s32 $0x2, s1  }
0xb: {  	s9 =	sadd.s32 s5, s0;
	s24 =	sshrl.u32 s1, $0x1;
	s11 =	sadd.s32 s4, s2  }
0xc: {  	s5 =	sor.u32 $0x1C0B, s25;
	s25 =	simm.s32 $0x5;
	s7 =	sadd.s32 s4, s6  }
0xd: {  	s1 =	ssub.s32 s1, s24;
	s28 =	sshrl.u32 s6, $0x3;
	s6 =	sadd.s32 $0x3200, s9  }
0xe: {  	s11 =	sshrl.u32 s11, $0x3;
	s24 =	simm.s32 $0x2;
	s7 =	sshrl.u32 s7, $0x3  }
0xf: {  	s10 =	smax.u32 s1, $0x1;
	s0 =	sadd.s32 s7, s0;
	s26 =	sadd.s32 s8, s7  }
0x10: {  	s7 =	sadd.s32 $0xD200, s9;
	s8 =	sadd.s32 s8, s28;
	[dreg:$0x3] =	wrdreg s26  }
0x11: {  	s9 =	sadd.s32 $0x3F200, s0;
	s26 =	simm.s32 $0x6;
	s0 =	simm.s32 $0x4  }
.LBB2_1:
0x12: {  	s1 =	rddreg [dreg:$0x3]  }
0x13: {  	[spmem:s11], [sflag:s5] =	dma.local [hbm:s1], $0x1400  }
0x14: {  	_ =	swait.ge [sflag:s12], $0x1400  }
0x15: {  	[sflag:s12] =	ssyncset.done $0x0  }
0x16: {  	[sflag:s12] =	ssyncadd.s32 $0xFFFFEC00  }
0x17: {  	[tilespmem:s3], [sflag:$0xB] =	stream.linear.gather [hbm4b:s6+s3], $0x5000, $0x38;
	[tilespmem:$0x1E000] =	vst v63  }
0x18: {  	_ =	swait.ge [sflag:s12], $0x5000  }
0x19: {  	[sflag:s12] =	ssyncset.done $0x0  }
0x1a: {  	[sflag:s12] =	ssyncadd.s32 $0xFFFFB000  }
0x1b: {  	[tilespmem:s13], [sflag:$0xB] =	stream.linear.gather [hbm4b:s7+s3], $0x5000, $0x38;
	[tilespmem:$0x1E000] =	vst v63  }
0x1c: {  	_ =	swait.ge [sflag:s12], $0x5000  }
0x1d: {  	[sflag:s12] =	ssyncset.done $0x0  }
0x1e: {  	[sflag:s12] =	ssyncadd.s32 $0xFFFFB000  }
0x1f: {  	[bflag:$0x0] =	sbarrier.arrive $0xFFFF  }
0x20: {  	[tilespmem:s15], [sflag:$0x1] =	stream.indirect.gather [hbm4b:s8+s14], $0x40, s3, s14, $0xb8;
	[tilespmem:$0x1E000] =	vst v63  }
0x21: {  	_ = 	snop  }
0x22: {  	[tilespmem:s16], [sflag:$0x2] =	stream.indirect.gather [hbm4b:s8+s14], $0x40, s14, s14, $0xb8;
	[tilespmem:$0x1E000] =	vst v63  }
0x23: {  	s4 =	simm.s32 $0x100  }
0x24: {  	[tilespmem:s18], [sflag:$0x3] =	stream.indirect.gather [hbm4b:s8+s14], $0x40, s4, s14, $0xb8;
	[tilespmem:$0x1E000] =	vst v63  }
0x25: {  	s4 =	simm.s32 $0x180  }
0x26: {  	[tilespmem:s20], [sflag:$0x4] =	stream.indirect.gather [hbm4b:s8+s14], $0x40, s4, s14, $0xb8;
	[tilespmem:$0x1E000] =	vst v63  }
0x27: {  	_ =	swait.ge [sflag:s21], $0x2000  }
0x28: {  	[sflag:s21] =	ssyncset.done $0x0  }
0x29: {  	[sflag:s21] =	ssyncadd.s32 $0xFFFFE000  }
0x2a: {  	[spmem:s2] =	stream.indirect.scatter.add.f32 [tilespmem:s15], [sflag:$0x6], $0x40, s13, s14, $0xb8;
	[tilespmem:$0x1E000] =	vst v63  }
0x2b: {  	s4 =	simm.s32 $0x200  }
0x2c: {  	[tilespmem:s23], [sflag:$0x5] =	stream.indirect.gather [hbm4b:s8+s14], $0x40, s4, s14, $0xb8;
	[tilespmem:$0x1E000] =	vst v63  }
0x2d: {  	_ =	swait.ge [sflag:s24], $0x2000  }
0x2e: {  	[sflag:s24] =	ssyncset.done $0x0  }
0x2f: {  	s4 =	simm.s32 $0x5080;
	[sflag:s24] =	ssyncadd.s32 $0xFFFFE000  }
0x30: {  	[spmem:s2] =	stream.indirect.scatter.add.f32 [tilespmem:s16], [sflag:$0x7], $0x40, s4, s14, $0xb8;
	[tilespmem:$0x1E000] =	vst v63  }
0x31: {  	_ =	swait.ge [sflag:s26], $0x2000  }
0x32: {  	[sflag:s26] =	ssyncset.done $0x0  }
0x33: {  	s4 =	simm.s32 $0x280;
	[sflag:s26] =	ssyncadd.s32 $0xFFFFE000  }
0x34: {  	[tilespmem:s15], [sflag:$0x1] =	stream.indirect.gather [hbm4b:s8+s14], $0x40, s4, s14, $0xb8;
	[tilespmem:$0x1E000] =	vst v63  }
0x35: {  	_ =	swait.ge [sflag:s29], $0x2000  }
0x36: {  	[sflag:s29] =	ssyncset.done $0x0  }
0x37: {  	s4 =	simm.s32 $0x5100;
	[sflag:s29] =	ssyncadd.s32 $0xFFFFE000  }
0x38: {  	[spmem:s2] =	stream.indirect.scatter.add.f32 [tilespmem:s18], [sflag:$0x8], $0x40, s4, s14, $0xb8;
	[tilespmem:$0x1E000] =	vst v63  }
0x39: {  	_ =	swait.ge [sflag:s31], $0x2000  }
0x3a: {  	[sflag:s31] =	ssyncset.done $0x0  }
0x3b: {  	s4 =	simm.s32 $0x300;
	[sflag:s31] =	ssyncadd.s32 $0xFFFFE000  }
0x3c: {  	[tilespmem:s16], [sflag:$0x2] =	stream.indirect.gather [hbm4b:s8+s14], $0x40, s4, s14, $0xb8;
	[tilespmem:$0x1E000] =	vst v63  }
0x3d: {  	_ =	swait.ge [sflag:s0], $0x2000  }
0x3e: {  	[sflag:s0] =	ssyncset.done $0x0  }
0x3f: {  	s4 =	simm.s32 $0x5180;
	[sflag:s0] =	ssyncadd.s32 $0xFFFFE000  }
0x40: {  	[spmem:s2] =	stream.indirect.scatter.add.f32 [tilespmem:s20], [sflag:$0x9], $0x40, s4, s14, $0xb8;
	[tilespmem:$0x1E000] =	vst v63  }
0x41: {  	_ =	swait.ge [sflag:s19], $0x2000  }
0x42: {  	[sflag:s19] =	ssyncset.done $0x0  }
0x43: {  	s4 =	simm.s32 $0x380;
	[sflag:s19] =	ssyncadd.s32 $0xFFFFE000  }
0x44: {  	[tilespmem:s18], [sflag:$0x3] =	stream.indirect.gather [hbm4b:s8+s14], $0x40, s4, s14, $0xb8;
	[tilespmem:$0x1E000] =	vst v63  }
0x45: {  	_ =	swait.ge [sflag:s25], $0x2000  }
0x46: {  	[sflag:s25] =	ssyncset.done $0x0  }
0x47: {  	s4 =	simm.s32 $0x5200;
	[sflag:s25] =	ssyncadd.s32 $0xFFFFE000  }
0x48: {  	[spmem:s2] =	stream.indirect.scatter.add.f32 [tilespmem:s23], [sflag:$0xA], $0x40, s4, s14, $0xb8;
	[tilespmem:$0x1E000] =	vst v63  }
0x49: {  	_ =	swait.ge [sflag:s30], $0x2000  }
0x4a: {  	[sflag:s30] =	ssyncset.done $0x0  }
0x4b: {  	s4 =	simm.s32 $0x400;
	[sflag:s30] =	ssyncadd.s32 $0xFFFFE000  }
0x4c: {  	[tilespmem:s20], [sflag:$0x4] =	stream.indirect.gather [hbm4b:s8+s14], $0x40, s4, s14, $0xb8;
	[tilespmem:$0x1E000] =	vst v63  }
0x4d: {  	_ =	swait.ge [sflag:s21], $0x2000  }
0x4e: {  	[sflag:s21] =	ssyncset.done $0x0  }
0x4f: {  	s4 =	simm.s32 $0x5280;
	[sflag:s21] =	ssyncadd.s32 $0xFFFFE000  }
0x50: {  	[spmem:s2] =	stream.indirect.scatter.add.f32 [tilespmem:s15], [sflag:$0x6], $0x40, s4, s14, $0xb8;
	[tilespmem:$0x1E000] =	vst v63  }
0x51: {  	_ =	swait.ge [sflag:s22], $0x2000  }
0x52: {  	[sflag:s22] =	ssyncset.done $0x0  }
0x53: {  	s4 =	simm.s32 $0x480;
	[sflag:s22] =	ssyncadd.s32 $0xFFFFE000  }
0x54: {  	[tilespmem:s23], [sflag:$0x5] =	stream.indirect.gather [hbm4b:s8+s14], $0x40, s4, s14, $0xb8;
	[tilespmem:$0x1E000] =	vst v63  }
0x55: {  	_ =	swait.ge [sflag:s24], $0x2000  }
0x56: {  	[sflag:s24] =	ssyncset.done $0x0  }
0x57: {  	s4 =	simm.s32 $0x5300;
	[sflag:s24] =	ssyncadd.s32 $0xFFFFE000  }
0x58: {  	[spmem:s2] =	stream.indirect.scatter.add.f32 [tilespmem:s16], [sflag:$0x7], $0x40, s4, s14, $0xb8;
	[tilespmem:$0x1E000] =	vst v63  }
0x59: {  	_ =	swait.ge [sflag:s26], $0x2000  }
0x5a: {  	[sflag:s26] =	ssyncset.done $0x0  }
0x5b: {  	s4 =	simm.s32 $0x500;
	[sflag:s26] =	ssyncadd.s32 $0xFFFFE000  }
0x5c: {  	[tilespmem:s15], [sflag:$0x1] =	stream.indirect.gather [hbm4b:s8+s14], $0x40, s4, s14, $0xb8;
	[tilespmem:$0x1E000] =	vst v63  }
0x5d: {  	_ =	swait.ge [sflag:s29], $0x2000  }
0x5e: {  	[sflag:s29] =	ssyncset.done $0x0  }
0x5f: {  	s4 =	simm.s32 $0x5380;
	[sflag:s29] =	ssyncadd.s32 $0xFFFFE000  }
0x60: {  	[spmem:s2] =	stream.indirect.scatter.add.f32 [tilespmem:s18], [sflag:$0x8], $0x40, s4, s14, $0xb8;
	[tilespmem:$0x1E000] =	vst v63  }
0x61: {  	_ =	swait.ge [sflag:s31], $0x2000  }
0x62: {  	[sflag:s31] =	ssyncset.done $0x0  }
0x63: {  	s4 =	simm.s32 $0x580;
	[sflag:s31] =	ssyncadd.s32 $0xFFFFE000  }
0x64: {  	[tilespmem:s16], [sflag:$0x2] =	stream.indirect.gather [hbm4b:s8+s14], $0x40, s4, s14, $0xb8;
	[tilespmem:$0x1E000] =	vst v63  }
0x65: {  	_ =	swait.ge [sflag:s0], $0x2000  }
0x66: {  	[sflag:s0] =	ssyncset.done $0x0  }
0x67: {  	s4 =	simm.s32 $0x5400;
	[sflag:s0] =	ssyncadd.s32 $0xFFFFE000  }
0x68: {  	[spmem:s2] =	stream.indirect.scatter.add.f32 [tilespmem:s20], [sflag:$0x9], $0x40, s4, s14, $0xb8;
	[tilespmem:$0x1E000] =	vst v63  }
0x69: {  	_ =	swait.ge [sflag:s19], $0x2000  }
0x6a: {  	[sflag:s19] =	ssyncset.done $0x0  }
0x6b: {  	s4 =	simm.s32 $0x600;
	[sflag:s19] =	ssyncadd.s32 $0xFFFFE000  }
0x6c: {  	[tilespmem:s18], [sflag:$0x3] =	stream.indirect.gather [hbm4b:s8+s14], $0x40, s4, s14, $0xb8;
	[tilespmem:$0x1E000] =	vst v63  }
0x6d: {  	_ =	swait.ge [sflag:s25], $0x2000  }
0x6e: {  	[sflag:s25] =	ssyncset.done $0x0  }
0x6f: {  	s4 =	simm.s32 $0x5480;
	[sflag:s25] =	ssyncadd.s32 $0xFFFFE000  }
0x70: {  	[spmem:s2] =	stream.indirect.scatter.add.f32 [tilespmem:s23], [sflag:$0xA], $0x40, s4, s14, $0xb8;
	[tilespmem:$0x1E000] =	vst v63  }
0x71: {  	_ =	swait.ge [sflag:s30], $0x2000  }
0x72: {  	[sflag:s30] =	ssyncset.done $0x0  }
0x73: {  	s4 =	simm.s32 $0x680;
	[sflag:s30] =	ssyncadd.s32 $0xFFFFE000  }
0x74: {  	[tilespmem:s20], [sflag:$0x4] =	stream.indirect.gather [hbm4b:s8+s14], $0x40, s4, s14, $0xb8;
	[tilespmem:$0x1E000] =	vst v63  }
0x75: {  	_ =	swait.ge [sflag:s21], $0x2000  }
0x76: {  	[sflag:s21] =	ssyncset.done $0x0  }
0x77: {  	s4 =	simm.s32 $0x5500;
	[sflag:s21] =	ssyncadd.s32 $0xFFFFE000  }
0x78: {  	[spmem:s2] =	stream.indirect.scatter.add.f32 [tilespmem:s15], [sflag:$0x6], $0x40, s4, s14, $0xb8;
	[tilespmem:$0x1E000] =	vst v63  }
0x79: {  	_ =	swait.ge [sflag:s22], $0x2000  }
0x7a: {  	[sflag:s22] =	ssyncset.done $0x0  }
0x7b: {  	s4 =	simm.s32 $0x700;
	[sflag:s22] =	ssyncadd.s32 $0xFFFFE000  }
0x7c: {  	[tilespmem:s23], [sflag:$0x5] =	stream.indirect.gather [hbm4b:s8+s14], $0x40, s4, s14, $0xb8;
	[tilespmem:$0x1E000] =	vst v63  }
0x7d: {  	_ =	swait.ge [sflag:s24], $0x2000  }
0x7e: {  	[sflag:s24] =	ssyncset.done $0x0  }
0x7f: {  	s28 =	simm.s32 $0xA00;
	s1 =	simm.s32 $0x5580;
	[sflag:s24] =	ssyncadd.s32 $0xFFFFE000  }
.LBB2_2:
0x80: {  	[spmem:s2] =	stream.indirect.scatter.add.f32 [tilespmem:s16], [sflag:$0x7], $0x40, s1, s14, $0xb8;
	[tilespmem:$0x1E000] =	vst v63  }
0x81: {  	s1 =	smov.u32 s28;
	s28 =	sadd.s32 $0xA00, s28;
	_ =	swait.ge [sflag:s26], $0x2000  }
0x82: {  	s1 =	sshra.s32 s1, $0x2;
	p0 =	sne.s32 s28, $0x12C00;
	[sflag:s26] =	ssyncset.done $0x0  }
0x83: {  	s4 =	sadd.s32 $0x500, s1;
	[sflag:s26] =	ssyncadd.s32 $0xFFFFE000  }
0x84: {  	[tilespmem:s15], [sflag:$0x1] =	stream.indirect.gather [hbm4b:s8+s14], $0x40, s4, s14, $0xb8;
	[tilespmem:$0x1E000] =	vst v63  }
0x85: {  	_ =	swait.ge [sflag:s29], $0x2000  }
0x86: {  	[sflag:s29] =	ssyncset.done $0x0  }
0x87: {  	s4 =	sadd.s32 $0x5380, s1;
	[sflag:s29] =	ssyncadd.s32 $0xFFFFE000  }
0x88: {  	[spmem:s2] =	stream.indirect.scatter.add.f32 [tilespmem:s18], [sflag:$0x8], $0x40, s4, s14, $0xb8;
	[tilespmem:$0x1E000] =	vst v63  }
0x89: {  	_ =	swait.ge [sflag:s31], $0x2000  }
0x8a: {  	[sflag:s31] =	ssyncset.done $0x0  }
0x8b: {  	s4 =	sadd.s32 $0x580, s1;
	[sflag:s31] =	ssyncadd.s32 $0xFFFFE000  }
0x8c: {  	[tilespmem:s16], [sflag:$0x2] =	stream.indirect.gather [hbm4b:s8+s14], $0x40, s4, s14, $0xb8;
	[tilespmem:$0x1E000] =	vst v63  }
0x8d: {  	_ =	swait.ge [sflag:s0], $0x2000  }
0x8e: {  	[sflag:s0] =	ssyncset.done $0x0  }
0x8f: {  	s4 =	sadd.s32 $0x5400, s1;
	[sflag:s0] =	ssyncadd.s32 $0xFFFFE000  }
0x90: {  	[spmem:s2] =	stream.indirect.scatter.add.f32 [tilespmem:s20], [sflag:$0x9], $0x40, s4, s14, $0xb8;
	[tilespmem:$0x1E000] =	vst v63  }
0x91: {  	_ =	swait.ge [sflag:s19], $0x2000  }
0x92: {  	[sflag:s19] =	ssyncset.done $0x0  }
0x93: {  	s4 =	sadd.s32 $0x600, s1;
	[sflag:s19] =	ssyncadd.s32 $0xFFFFE000  }
0x94: {  	[tilespmem:s18], [sflag:$0x3] =	stream.indirect.gather [hbm4b:s8+s14], $0x40, s4, s14, $0xb8;
	[tilespmem:$0x1E000] =	vst v63  }
0x95: {  	_ =	swait.ge [sflag:s25], $0x2000  }
0x96: {  	[sflag:s25] =	ssyncset.done $0x0  }
0x97: {  	s4 =	sadd.s32 $0x5480, s1;
	[sflag:s25] =	ssyncadd.s32 $0xFFFFE000  }
0x98: {  	[spmem:s2] =	stream.indirect.scatter.add.f32 [tilespmem:s23], [sflag:$0xA], $0x40, s4, s14, $0xb8;
	[tilespmem:$0x1E000] =	vst v63  }
0x99: {  	_ =	swait.ge [sflag:s30], $0x2000  }
0x9a: {  	[sflag:s30] =	ssyncset.done $0x0  }
0x9b: {  	s4 =	sadd.s32 $0x680, s1;
	[sflag:s30] =	ssyncadd.s32 $0xFFFFE000  }
0x9c: {  	[tilespmem:s20], [sflag:$0x4] =	stream.indirect.gather [hbm4b:s8+s14], $0x40, s4, s14, $0xb8;
	[tilespmem:$0x1E000] =	vst v63  }
0x9d: {  	_ =	swait.ge [sflag:s21], $0x2000  }
0x9e: {  	[sflag:s21] =	ssyncset.done $0x0  }
0x9f: {  	s4 =	sadd.s32 $0x5500, s1;
	[sflag:s21] =	ssyncadd.s32 $0xFFFFE000  }
0xa0: {  	[spmem:s2] =	stream.indirect.scatter.add.f32 [tilespmem:s15], [sflag:$0x6], $0x40, s4, s14, $0xb8;
	[tilespmem:$0x1E000] =	vst v63  }
0xa1: {  	_ =	swait.ge [sflag:s22], $0x2000  }
0xa2: {  	[sflag:s22] =	ssyncset.done $0x0  }
.Ltmp0:
0xa3: {  	s4 =	sadd.s32 $0x700, s1;
	[sflag:s22] =	ssyncadd.s32 $0xFFFFE000;
	(pc) =	sbr.rel @p0 .LBB2_2-.Ltmp0, $4  }
0xa4: {  	[tilespmem:s23], [sflag:$0x5] =	stream.indirect.gather [hbm4b:s8+s14], $0x40, s4, s14, $0xb8;
	[tilespmem:$0x1E000] =	vst v63  }
0xa5: {  	_ =	swait.ge [sflag:s24], $0x2000  }
0xa6: {  	[sflag:s24] =	ssyncset.done $0x0  }
0xa7: {  	s1 =	sadd.s32 $0x5580, s1;
	[sflag:s24] =	ssyncadd.s32 $0xFFFFE000  }
0xa8: {  	[spmem:s2] =	stream.indirect.scatter.add.f32 [tilespmem:s16], [sflag:$0x7], $0x40, s1, s14, $0xb8;
	[tilespmem:$0x1E000] =	vst v63  }
0xa9: {  	_ =	swait.ge [sflag:s29], $0x2000  }
0xaa: {  	s1 =	sshra.s32 s28, $0x2;
	[sflag:s29] =	ssyncset.done $0x0  }
0xab: {  	s4 =	sadd.s32 $0x5380, s1;
	[sflag:s29] =	ssyncadd.s32 $0xFFFFE000  }
0xac: {  	[spmem:s2] =	stream.indirect.scatter.add.f32 [tilespmem:s18], [sflag:$0x8], $0x40, s4, s14, $0xb8;
	[tilespmem:$0x1E000] =	vst v63  }
0xad: {  	_ =	swait.ge [sflag:s0], $0x2000  }
0xae: {  	[sflag:s0] =	ssyncset.done $0x0  }
0xaf: {  	s28 =	sadd.s32 $0x5400, s1;
	[sflag:s0] =	ssyncadd.s32 $0xFFFFE000  }
0xb0: {  	[spmem:s2] =	stream.indirect.scatter.add.f32 [tilespmem:s20], [sflag:$0x9], $0x40, s28, s14, $0xb8;
	[tilespmem:$0x1E000] =	vst v63  }
0xb1: {  	_ =	swait.ge [sflag:s25], $0x2000  }
0xb2: {  	[sflag:s25] =	ssyncset.done $0x0  }
0xb3: {  	s1 =	sadd.s32 $0x5480, s1;
	[sflag:s25] =	ssyncadd.s32 $0xFFFFE000  }
0xb4: {  	[spmem:s2] =	stream.indirect.scatter.add.f32 [tilespmem:s23], [sflag:$0xA], $0x40, s1, s14, $0xb8;
	[tilespmem:$0x1E000] =	vst v63  }
0xb5: {  	_ =	swait.ge [sflag:s26], $0x2000  }
0xb6: {  	[sflag:s26] =	ssyncset.done $0x0  }
0xb7: {  	[sflag:s26] =	ssyncadd.s32 $0xFFFFE000  }
0xb8: {  	_ =	swait.ge [sflag:s31], $0x2000  }
0xb9: {  	[sflag:s31] =	ssyncset.done $0x0  }
0xba: {  	[sflag:s31] =	ssyncadd.s32 $0xFFFFE000  }
0xbb: {  	_ =	swait.ge [sflag:s19], $0x2000  }
0xbc: {  	[sflag:s19] =	ssyncset.done $0x0  }
0xbd: {  	[sflag:s19] =	ssyncadd.s32 $0xFFFFE000  }
0xbe: {  	_ =	swait.ge [sflag:s30], $0x2000  }
0xbf: {  	[sflag:s30] =	ssyncset.done $0x0  }
0xc0: {  	[sflag:s30] =	ssyncadd.s32 $0xFFFFE000  }
0xc1: {  	_ =	swait.ge [sflag:s22], $0x2000  }
0xc2: {  	s17 =	sadd.s32 $0x1, s17;
	[sflag:s22] =	ssyncset.done $0x0  }
0xc3: {  	p0 =	sne.s32 s17, s10;
	[sflag:s22] =	ssyncadd.s32 $0xFFFFE000  }
.Ltmp1:
0xc4: {  	[bflag:$0x0] =	sbarrier.arrive $0xFFFF;
	(pc) =	sbr.rel @p0 .LBB2_1-.Ltmp1, $4  }
0xc5: {  	[hbm:s9], [sflag:s5] =	dma.local [spmem:s11], $0x1400  }
0xc6: {  	_ =	swait.ge [sflag:s12], $0x1400  }
0xc7: {  	[sflag:s12] =	ssyncset.done $0x0  }
0xc8: {  	[sflag:s12] =	ssyncadd.s32 $0xFFFFEC00  }
0xc9: {  	_ =	sfence.sel $0x180000  }
0xca: {  	[bflag:$0x0] =	sbarrier.arrive $0xFFFF  }
0xcb: {  	_ =	strace $0x9000004A  }
0xcc: {  	s0 =	stileid.u32;
	[bflag:$0x2] =	sbarrier.arrive $0xFFFF  }
0xcd: {  	p0 =	sne.s32 s0, $0x0;
	s0 =	rddreg [dreg:$0x2]  }
0xce: {  	s0 =	sadd.s32 @!p0 $0x100000, s0  }
0xcf: {  	[sflag:s0] =	ssyncadd.tile.s32 @!p0 $0x1;
	_ =	shalt  }
.Lfunc_end2:
_tile_overlayer_lowered:
.L_overlay_start_2:
0xd0: {  	(tag) =	ssettag $0x2  }
0xd1: {  	s0 =	rddreg [dreg:$0x0];
	s2 =	stileid.u32  }
0xd2: {  	s1 =	rddreg [dreg:$0x1];
	p0 =	sne.s32 s2, $0x0  }
0xd3: {  	s3 =	rddreg [dreg:$0x2];
	[bflag:$0x3] =	sbarrier.arrive $0xFFFF;
	s2 =	simm.s32 @!p0 $0x1C0B  }
0xd4: {  	[timem:s3], [sflag:s2] =	dma.local @!p0 [hbm:s0], s1  }
0xd5: {  	s0 =	simm.s32 @!p0 $0xB  }
0xd6: {  	_ =	swait.ge @!p0 [sflag:s0], s1  }
0xd7: {  	s1 =	ssub.s32 @!p0 $0x0, s1;
	[sflag:s0] =	ssyncset.done @!p0 $0x0  }
0xd8: {  	[sflag:s0] =	ssyncadd.s32 @!p0 s1  }
0xd9: {  	[bflag:$0x3] =	sbarrier.arrive $0xFFFF  }
0xda: {  	_ =	shalt  }

// kernel: kernel.14.cloned.1.call-start
scs
__scs_entry_jumppad:
0x0: {  	(pc) =	sbr.rel $0x88, $3  }
0x1: {  	(tag) =	ssettag $0x0;
	lr =	simm.s32 $0x1  }
0x2: {  	[smem:$0x3F8E] =	sst lr;
	_ =	strace $0xD0000000  }
0x3: {  	_ = 	snop  }
0x4: {  	_ = 	snop  }
0x5: {  	_ = 	snop  }
0x6: {  	_ = 	snop  }
0x7: {  	_ = 	snop  }
__scs_overlays_trampoline_lowered:
0x8: {  	[smem:$0x3F9D] =	sst s0  }
0x9: {  	[smem:$0x3F9E] =	sst s1  }
0xa: {  	[smem:$0x3F9F] =	sst s2  }
0xb: {  	[smem:$0x3FA0] =	sst s3  }
0xc: {  	[smem:$0x3FA1] =	sst s4  }
0xd: {  	[smem:$0x3FA2] =	sst s5  }
0xe: {  	[smem:$0x3FA3] =	sst s6  }
0xf: {  	[smem:$0x3FA4] =	sst s7  }
0x10: {  	[smem:$0x3FA5] =	sst s8  }
0x11: {  	[smem:$0x3FA6] =	sst s9;
	s0 =	simm.s32 @!p0 $0x0  }
0x12: {  	s1 =	sld [smem:$0x3F8C];
	s0 =	simm.s32 @p0 $0x1  }
0x13: {  	[smem:$0x3FA7] =	sst s0;
	s0 =	simm.s32 @!p1 $0x0  }
0x14: {  	s2 =	sld [smem:$0x3F8B];
	s0 =	simm.s32 @p1 $0x1  }
0x15: {  	[smem:$0x3FA8] =	sst s0;
	s0 =	simm.s32 @!p2 $0x0  }
0x16: {  	s3 =	sld [smem:$0x3FDB];
	s0 =	simm.s32 @p2 $0x1  }
0x17: {  	s4 =	simm.s32 $0x1BF5;
	[smem:$0x3FAA] =	sst s0  }
0x18: {  	s0 =	sld [smem:$0x3F8D];
	_ =	swait.ge [sflag:s4], $0x0  }
0x19: {  	s7 =	sld [smem:$0x3F8E]  }
0x1a: {  	s8 =	sadd.s32 $0xFFFFE003, lr  }
0x1b: {  	s9 =	sadd.s32 $0xFFFFFEF7, lr;
	s5 =	simm.s32 $0xFFFFFFFF;
	p2 =	slt.u32 s8, $0xFFFFF086  }
0x1c: {  	p1 =	slt.u32 s9, $0xF7A;
	s5 =	simm.s32 @!p2 $0x0  }
0x1d: {  	s5 =	simm.s32 @p1 $0x1;
	p0 =	seq.s32 s7, s2  }
0x1e: {  	s7 =	smul.u32 @!p0 $0xF7A, s2;
	p2 =	seq.s32 @!p0 s5, $0x0  }
0x1f: {  	s9 =	smul.u32 $0xF7A, s1;
	s8 =	simm.s32 @!p0 $0x1BF5;
	p2 =	por !p2, p0  }
0x20: {  	[sflag:s8] =	ssyncset.s32 @!p0 $0xFFFFF086;
	s6 =	sadd.s32 @!p0 s3, s7;
	s7 =	simm.s32 @!p0 $0x108  }
0x21: {  	s3 =	sadd.s32 s3, s9;
	s6 =	sadd.s32 @!p0 $0x88, s6;
	s7 =	simm.s32 @p2 $0x1082  }
0x22: {  	[simem:s7], [sflag:s8] =	dma.local @!p0 [hbm:s6], $0xF7A  }
0x23: {  	s9 =	sor.u32 $0xD0000000, s2;
	s6 =	simm.s32 $0x108;
	_ =	swait.ge @!p0 [sflag:s8], $0x0  }
0x24: {  	s3 =	sadd.s32 $0x88, s3;
	s6 =	simm.s32 @!p1 $0x1082;
	[sflag:s4] =	ssyncset.s32 $0xFFFFF086  }
0x25: {  	[simem:s6], [sflag:s4] =	dma.local [hbm:s3], $0xF7A  }
0x26: {  	[smem:$0x3F8E] =	sst s1;
	(tag) =	ssettag s2;
	_ =	strace s9  }
0x27: {  	s1 =	sld [smem:$0x3F9E]  }
0x28: {  	s2 =	sld [smem:$0x3F9F]  }
0x29: {  	s4 =	sld [smem:$0x3FA1]  }
0x2a: {  	p0 =	seq.s32 s5, $0x0;
	s5 =	sld [smem:$0x3FA2]  }
0x2b: {  	s6 =	sld [smem:$0x3FA3]  }
0x2c: {  	s7 =	sld [smem:$0x3FA4]  }
0x2d: {  	s3 =	simm.s32 $0x108;
	s8 =	sld [smem:$0x3FA5]  }
0x2e: {  	s3 =	simm.s32 @!p0 $0x1082;
	s9 =	sld [smem:$0x3FA6]  }
0x2f: {  	lr =	sadd.s32 s0, s3;
	s0 =	sld [smem:$0x3F9D]  }
0x30: {  	s3 =	sld [smem:$0x3FA0]  }
0x31: {  	[smem:$0x3FA9] =	sst s10  }
0x32: {  	s10 =	sld [smem:$0x3FA7];
	_ =	sdelay $0x3  }
0x33: {  	p0 =	seq.s32 s10, $0x1;
	s10 =	sld [smem:$0x3FA9];
	_ =	sdelay $0x3  }
0x34: {  	[smem:$0x3FA9] =	sst s10  }
0x35: {  	s10 =	sld [smem:$0x3FA8];
	_ =	sdelay $0x3  }
0x36: {  	p1 =	seq.s32 s10, $0x1;
	s10 =	sld [smem:$0x3FA9];
	_ =	sdelay $0x3  }
0x37: {  	[smem:$0x3FA9] =	sst s10  }
0x38: {  	s10 =	sld [smem:$0x3FAA]  }
0x39: {  	_ = 	snop;
	(pc) =	sbr.ind lr, $3  }
0x3a: {  	_ = 	snop  }
0x3b: {  	_ = 	snop  }
0x3c: {  	p2 =	seq.s32 s10, $0x1;
	s10 =	sld [smem:$0x3FA9]  }
0x3d: {  	_ =	shalt  }
0x3e: {  	_ =	shalt  }
0x3f: {  	_ =	shalt  }
0x40: {  	_ =	shalt  }
0x41: {  	_ =	shalt  }
0x42: {  	_ =	shalt  }
0x43: {  	_ =	shalt  }
0x44: {  	_ =	shalt  }
0x45: {  	_ =	shalt  }
0x46: {  	_ =	shalt  }
0x47: {  	_ =	shalt  }
0x48: {  	_ =	shalt  }
0x49: {  	_ =	shalt  }
0x4a: {  	_ =	shalt  }
0x4b: {  	_ =	shalt  }
0x4c: {  	_ =	shalt  }
0x4d: {  	_ =	shalt  }
0x4e: {  	_ =	shalt  }
0x4f: {  	_ =	shalt  }
0x50: {  	_ =	shalt  }
0x51: {  	_ =	shalt  }
0x52: {  	_ =	shalt  }
0x53: {  	_ =	shalt  }
0x54: {  	_ =	shalt  }
0x55: {  	_ =	shalt  }
0x56: {  	_ =	shalt  }
0x57: {  	_ =	shalt  }
0x58: {  	_ =	shalt  }
0x59: {  	_ =	shalt  }
0x5a: {  	_ =	shalt  }
0x5b: {  	_ =	shalt  }
0x5c: {  	_ =	shalt  }
0x5d: {  	_ =	shalt  }
0x5e: {  	_ =	shalt  }
0x5f: {  	_ =	shalt  }
0x60: {  	_ =	shalt  }
0x61: {  	_ =	shalt  }
0x62: {  	_ =	shalt  }
0x63: {  	_ =	shalt  }
0x64: {  	_ =	shalt  }
0x65: {  	_ =	shalt  }
0x66: {  	_ =	shalt  }
0x67: {  	_ =	shalt  }
0x68: {  	_ =	shalt  }
0x69: {  	_ =	shalt  }
0x6a: {  	_ =	shalt  }
0x6b: {  	_ =	shalt  }
0x6c: {  	_ =	shalt  }
0x6d: {  	_ =	shalt  }
0x6e: {  	_ =	shalt  }
0x6f: {  	_ =	shalt  }
0x70: {  	_ =	shalt  }
0x71: {  	_ =	shalt  }
0x72: {  	_ =	shalt  }
0x73: {  	_ =	shalt  }
0x74: {  	_ =	shalt  }
0x75: {  	_ =	shalt  }
0x76: {  	_ =	shalt  }
0x77: {  	_ =	shalt  }
0x78: {  	_ =	shalt  }
0x79: {  	_ =	shalt  }
0x7a: {  	_ =	shalt  }
0x7b: {  	_ =	shalt  }
0x7c: {  	_ =	shalt  }
0x7d: {  	_ =	shalt  }
0x7e: {  	_ =	shalt  }
0x7f: {  	_ =	shalt  }
0x80: {  	_ =	shalt  }
0x81: {  	_ =	shalt  }
0x82: {  	_ =	shalt  }
0x83: {  	_ =	shalt  }
0x84: {  	_ =	shalt  }
0x85: {  	_ =	shalt  }
0x86: {  	_ =	shalt  }
0x87: {  	_ =	shalt  }
.Lfunc_end0:
.L_simem_size_0:
called_computation.2_lowered:
.L_overlay_start_0:
0x88: {  	s2 =	sld [smem:$0x3FD9]  }
0x89: {  	s3 =	sld [smem:$0x3FFE];
	_ =	sdelay $0x1  }
0x8a: {  	s1 =	srdreg.scid  }
0x8b: {  	s0 =	sand.u32 $0x1, s1  }
0x8c: {  	s16 =	sshll.u32 s0, $0xA;
	s2 =	sadd.s32 s3, s2  }
0x8d: {  	s2 =	sadd.s32 s2, s16  }
0x8e: {  	[smem:$0x3FB5] =	sst s2  }
0x8f: {  	_ = 	snop  }
0x90: {  	(tm) =	ssettm $0x1  }
0x91: {  	s17 =	sld [smem:$0x3FFB];
	_ =	sdelay $0x3  }
0x92: {  	_ =	strace s17  }
0x93: {  	s2 =	sld [smem:$0x3FFC];
	_ =	sdelay $0x3  }
0x94: {  	_ =	strace s2  }
0x95: {  	s2 =	sld [smem:$0x3FFD];
	_ =	sdelay $0x3  }
0x96: {  	_ =	strace s2  }
0x97: {  	_ =	strace $0x8FFFFFFF  }
0x98: {  	s18 =	sld [smem:$0x3FDB];
	_ =	sdelay $0x1  }
0x99: {  	s19 =	simm.s32 $_scs_section_size  }
0x9a: {  	s4 =	simm.s32 $_size__tile_overlayer_lowered;
	s5 =	simm.s32 $_tile_overlayer_lowered  }
0x9b: {  	s22 =	simm.s32 $0x1BFF;
	s21 =	sshll.u32 s5, $0x1;
	s2 =	sadd.s32 s19, s18  }
0x9c: {  	s6 =	simm.s32 $0x0;
	s20 =	sshll.u32 s4, $0x1;
	s4 =	sadd.s32 s21, s2  }
0x9d: {  	[timem:s6], [sflag:s22] =	dma.local [hbm:s4], s20  }
0x9e: {  	_ =	swait.ge [sflag:s22], s20  }
0x9f: {  	s3 =	ssub.s32 $0x0, s20;
	[sflag:s22] =	ssyncset.done $0x0  }
0xa0: {  	[sflag:s22] =	ssyncadd.s32 s3;
	_ =	sdelay $0x1  }
0xa1: {  	s23 =	simm.s32 $0x1B8B  }
0xa2: {  	_ =	swait.ge [sflag:s23], $0x1  }
0xa3: {  	[sflag:s23] =	ssyncset.done $0x0  }
0xa4: {  	s25 =	simm.s32 $0x1B8E;
	s24 =	sld [smem:$0x3FFE];
	[sflag:s23] =	ssyncadd.s32 $0xFFFFFFFF  }
0xa5: {  	s26 =	simm.s32 $execute0_lowered;
	[smem:$0x3FD2] =	sst s25  }
0xa6: {  	s4 =	sshll.u32 s26, $0x1;
	_ =	strace $0x8000004C;
	[dreg:$0x1] =	wrdreg $0xFFFFFFFF  }
0xa7: {  	s28 =	simm.s32 $_size_execute0_lowered;
	s2 =	sadd.s32 s2, s4;
	[dreg:$0x0] =	wrdreg $0x0  }
0xa8: {  	s4 =	sshll.u32 s28, $0x1;
	[dreg:$0x2] =	wrdreg s2  }
0xa9: {  	[dreg:$0x3] =	wrdreg s4  }
0xaa: {  	[dreg:$0x4] =	wrdreg $0xC0  }
0xab: {  	_ =	task [dreg:s6], $0x5FFFF  }
0xac: {  	[dreg:$0x1] =	wrdreg $0xFFFFFFFF  }
0xad: {  	[dreg:$0x0] =	wrdreg $0x60  }
0xae: {  	[dreg:$0x2] =	wrdreg s24  }
0xaf: {  	[dreg:$0x3] =	wrdreg $0x140000  }
0xb0: {  	[dreg:$0x4] =	wrdreg $0x9  }
0xb1: {  	_ =	task.clear_ibuf [dreg:s6], $0x5FFFF;
	_ =	strace $0x9000004C  }
0xb2: {  	s29 =	simm.s32 $0x9;
	_ =	strace $0x8000004E  }
0xb3: {  	_ =	swait.ge [sflag:s29], $0x1  }
0xb4: {  	[sflag:s29] =	ssyncadd.s32 $0xFFFFFFFF  }
0xb5: {  	_ =	strace $0x9000004E  }
0xb6: {  	_ =	sfence  }
0xb7: {  	s30 =	sld [smem:$0x0];
	_ =	sdelay $0x2  }
0xb8: {  	s31 =	sshll.u32 s1, $0xD;
	s1 =	sshrl.u32 s1, $0x2  }
0xb9: {  	s3 =	sand.u32 $0x4000, s31;
	s1 =	sadd.s32 s1, s30  }
0xba: {  	s0 =	sor.u32 s3, s0;
	s1 =	sshll.u32 s1, $0x11  }
0xbb: {  	s0 =	sor.u32 s1, s0  }
0xbc: {  	s0 =	sadd.s32 $0x8F2B, s0  }
0xbd: {  	[sflag:s0] =	ssyncadd.remote.s32 $0x1  }
0xbe: {  	_ =	sfence.sel $0xFFFF  }
0xbf: {  	[dreg:$0x0] =	wrdreg $0xFFFFFFFF;
	(pc) =	sbr.abs _section_cstart, $3  }
0xc0: {  	[dreg:$0x1] =	wrdreg $0xFFFFFFFF  }
0xc1: {  	_ =	task.clear_ibuf [dreg:s6], $0x2FFFF;
	_ =	strace $0x9FFFFFFF  }
0xc2: {  	(tm) =	ssettm $0x7FFFFFFF  }
0xc3: {  	_ =	shalt  }
tec
execute0_lowered:
.L_overlay_start_1:
0x0: {  	(tag) =	ssettag $0x1  }
0x1: {  	s0 =	rddreg [dreg:$0x0];
	s10 =	stileid.u32  }
0x2: {  	s1 =	srdreg.scid;
	s2 =	rddreg [dreg:$0x1];
	s3 =	simm.s32 $0x0  }
0x3: {  	s12 =	simm.s32 $0xB;
	s13 =	simm.s32 $0x5000;
	s14 =	simm.s32 $0x80  }
0x4: {  	s15 =	simm.s32 $0xA000;
	s16 =	simm.s32 $0xC000;
	s18 =	simm.s32 $0xE000  }
0x5: {  	s20 =	simm.s32 $0x10000;
	s21 =	simm.s32 $0x1;
	s23 =	simm.s32 $0x12000  }
0x6: {  	s29 =	simm.s32 $0x3;
	s31 =	simm.s32 $0x7;
	s19 =	simm.s32 $0x8  }
0x7: {  	s30 =	simm.s32 $0x9;
	s22 =	simm.s32 $0xA;
	s17 =	simm.s32 $0x0  }
0x8: {  	s1 =	sand.u32 $0x1, s1;
	s4 =	smul.u32 $0xA000, s10;
	[smem:$0x7FF] =	sst s3  }
0x9: {  	s5 =	smul.u32 $0xA00, s10;
	s8 =	sadd.s32 $0x17200, s0;
	s25 =	sshll.u32 s10, $0x6  }
0xa: {  	s6 =	smul.u32 $0xA0000, s1;
	_ =	strace $0x8000004D;
	s1 =	ssub.s32 $0x2, s1  }
0xb: {  	s9 =	sadd.s32 s5, s0;
	s24 =	sshrl.u32 s1, $0x1;
	s11 =	sadd.s32 s4, s2  }
0xc: {  	s5 =	sor.u32 $0x1C0B, s25;
	s25 =	simm.s32 $0x5;
	s7 =	sadd.s32 s4, s6  }
0xd: {  	s1 =	ssub.s32 s1, s24;
	s28 =	sshrl.u32 s6, $0x3;
	s6 =	sadd.s32 $0x3200, s9  }
0xe: {  	s11 =	sshrl.u32 s11, $0x3;
	s24 =	simm.s32 $0x2;
	s7 =	sshrl.u32 s7, $0x3  }
0xf: {  	s10 =	smax.u32 s1, $0x1;
	s0 =	sadd.s32 s7, s0;
	s26 =	sadd.s32 s8, s7  }
0x10: {  	s7 =	sadd.s32 $0xD200, s9;
	s8 =	sadd.s32 s8, s28;
	[dreg:$0x3] =	wrdreg s26  }
0x11: {  	s9 =	sadd.s32 $0x3F200, s0;
	s26 =	simm.s32 $0x6;
	s0 =	simm.s32 $0x4  }
.LBB2_1:
0x12: {  	s1 =	rddreg [dreg:$0x3]  }
0x13: {  	[spmem:s11], [sflag:s5] =	dma.local [hbm:s1], $0x1400  }
0x14: {  	_ =	swait.ge [sflag:s12], $0x1400  }
0x15: {  	[sflag:s12] =	ssyncset.done $0x0  }
0x16: {  	[sflag:s12] =	ssyncadd.s32 $0xFFFFEC00  }
0x17: {  	[tilespmem:s3], [sflag:$0xB] =	stream.linear.gather [hbm4b:s6+s3], $0x5000, $0x38;
	[tilespmem:$0x1E000] =	vst v63  }
0x18: {  	_ =	swait.ge [sflag:s12], $0x5000  }
0x19: {  	[sflag:s12] =	ssyncset.done $0x0  }
0x1a: {  	[sflag:s12] =	ssyncadd.s32 $0xFFFFB000  }
0x1b: {  	[tilespmem:s13], [sflag:$0xB] =	stream.linear.gather [hbm4b:s7+s3], $0x5000, $0x38;
	[tilespmem:$0x1E000] =	vst v63  }
0x1c: {  	_ =	swait.ge [sflag:s12], $0x5000  }
0x1d: {  	[sflag:s12] =	ssyncset.done $0x0  }
0x1e: {  	[sflag:s12] =	ssyncadd.s32 $0xFFFFB000  }
0x1f: {  	[bflag:$0x0] =	sbarrier.arrive $0xFFFF  }
0x20: {  	[tilespmem:s15], [sflag:$0x1] =	stream.indirect.gather [hbm4b:s8+s14], $0x40, s3, s14, $0xb8;
	[tilespmem:$0x1E000] =	vst v63  }
0x21: {  	_ = 	snop  }
0x22: {  	[tilespmem:s16], [sflag:$0x2] =	stream.indirect.gather [hbm4b:s8+s14], $0x40, s14, s14, $0xb8;
	[tilespmem:$0x1E000] =	vst v63  }
0x23: {  	s4 =	simm.s32 $0x100  }
0x24: {  	[tilespmem:s18], [sflag:$0x3] =	stream.indirect.gather [hbm4b:s8+s14], $0x40, s4, s14, $0xb8;
	[tilespmem:$0x1E000] =	vst v63  }
0x25: {  	s4 =	simm.s32 $0x180  }
0x26: {  	[tilespmem:s20], [sflag:$0x4] =	stream.indirect.gather [hbm4b:s8+s14], $0x40, s4, s14, $0xb8;
	[tilespmem:$0x1E000] =	vst v63  }
0x27: {  	_ =	swait.ge [sflag:s21], $0x2000  }
0x28: {  	[sflag:s21] =	ssyncset.done $0x0  }
0x29: {  	[sflag:s21] =	ssyncadd.s32 $0xFFFFE000  }
0x2a: {  	[spmem:s2] =	stream.indirect.scatter.add.f32 [tilespmem:s15], [sflag:$0x6], $0x40, s13, s14, $0xb8;
	[tilespmem:$0x1E000] =	vst v63  }
0x2b: {  	s4 =	simm.s32 $0x200  }
0x2c: {  	[tilespmem:s23], [sflag:$0x5] =	stream.indirect.gather [hbm4b:s8+s14], $0x40, s4, s14, $0xb8;
	[tilespmem:$0x1E000] =	vst v63  }
0x2d: {  	_ =	swait.ge [sflag:s24], $0x2000  }
0x2e: {  	[sflag:s24] =	ssyncset.done $0x0  }
0x2f: {  	s4 =	simm.s32 $0x5080;
	[sflag:s24] =	ssyncadd.s32 $0xFFFFE000  }
0x30: {  	[spmem:s2] =	stream.indirect.scatter.add.f32 [tilespmem:s16], [sflag:$0x7], $0x40, s4, s14, $0xb8;
	[tilespmem:$0x1E000] =	vst v63  }
0x31: {  	_ =	swait.ge [sflag:s26], $0x2000  }
0x32: {  	[sflag:s26] =	ssyncset.done $0x0  }
0x33: {  	s4 =	simm.s32 $0x280;
	[sflag:s26] =	ssyncadd.s32 $0xFFFFE000  }
0x34: {  	[tilespmem:s15], [sflag:$0x1] =	stream.indirect.gather [hbm4b:s8+s14], $0x40, s4, s14, $0xb8;
	[tilespmem:$0x1E000] =	vst v63  }
0x35: {  	_ =	swait.ge [sflag:s29], $0x2000  }
0x36: {  	[sflag:s29] =	ssyncset.done $0x0  }
0x37: {  	s4 =	simm.s32 $0x5100;
	[sflag:s29] =	ssyncadd.s32 $0xFFFFE000  }
0x38: {  	[spmem:s2] =	stream.indirect.scatter.add.f32 [tilespmem:s18], [sflag:$0x8], $0x40, s4, s14, $0xb8;
	[tilespmem:$0x1E000] =	vst v63  }
0x39: {  	_ =	swait.ge [sflag:s31], $0x2000  }
0x3a: {  	[sflag:s31] =	ssyncset.done $0x0  }
0x3b: {  	s4 =	simm.s32 $0x300;
	[sflag:s31] =	ssyncadd.s32 $0xFFFFE000  }
0x3c: {  	[tilespmem:s16], [sflag:$0x2] =	stream.indirect.gather [hbm4b:s8+s14], $0x40, s4, s14, $0xb8;
	[tilespmem:$0x1E000] =	vst v63  }
0x3d: {  	_ =	swait.ge [sflag:s0], $0x2000  }
0x3e: {  	[sflag:s0] =	ssyncset.done $0x0  }
0x3f: {  	s4 =	simm.s32 $0x5180;
	[sflag:s0] =	ssyncadd.s32 $0xFFFFE000  }
0x40: {  	[spmem:s2] =	stream.indirect.scatter.add.f32 [tilespmem:s20], [sflag:$0x9], $0x40, s4, s14, $0xb8;
	[tilespmem:$0x1E000] =	vst v63  }
0x41: {  	_ =	swait.ge [sflag:s19], $0x2000  }
0x42: {  	[sflag:s19] =	ssyncset.done $0x0  }
0x43: {  	s4 =	simm.s32 $0x380;
	[sflag:s19] =	ssyncadd.s32 $0xFFFFE000  }
0x44: {  	[tilespmem:s18], [sflag:$0x3] =	stream.indirect.gather [hbm4b:s8+s14], $0x40, s4, s14, $0xb8;
	[tilespmem:$0x1E000] =	vst v63  }
0x45: {  	_ =	swait.ge [sflag:s25], $0x2000  }
0x46: {  	[sflag:s25] =	ssyncset.done $0x0  }
0x47: {  	s4 =	simm.s32 $0x5200;
	[sflag:s25] =	ssyncadd.s32 $0xFFFFE000  }
0x48: {  	[spmem:s2] =	stream.indirect.scatter.add.f32 [tilespmem:s23], [sflag:$0xA], $0x40, s4, s14, $0xb8;
	[tilespmem:$0x1E000] =	vst v63  }
0x49: {  	_ =	swait.ge [sflag:s30], $0x2000  }
0x4a: {  	[sflag:s30] =	ssyncset.done $0x0  }
0x4b: {  	s4 =	simm.s32 $0x400;
	[sflag:s30] =	ssyncadd.s32 $0xFFFFE000  }
0x4c: {  	[tilespmem:s20], [sflag:$0x4] =	stream.indirect.gather [hbm4b:s8+s14], $0x40, s4, s14, $0xb8;
	[tilespmem:$0x1E000] =	vst v63  }
0x4d: {  	_ =	swait.ge [sflag:s21], $0x2000  }
0x4e: {  	[sflag:s21] =	ssyncset.done $0x0  }
0x4f: {  	s4 =	simm.s32 $0x5280;
	[sflag:s21] =	ssyncadd.s32 $0xFFFFE000  }
0x50: {  	[spmem:s2] =	stream.indirect.scatter.add.f32 [tilespmem:s15], [sflag:$0x6], $0x40, s4, s14, $0xb8;
	[tilespmem:$0x1E000] =	vst v63  }
0x51: {  	_ =	swait.ge [sflag:s22], $0x2000  }
0x52: {  	[sflag:s22] =	ssyncset.done $0x0  }
0x53: {  	s4 =	simm.s32 $0x480;
	[sflag:s22] =	ssyncadd.s32 $0xFFFFE000  }
0x54: {  	[tilespmem:s23], [sflag:$0x5] =	stream.indirect.gather [hbm4b:s8+s14], $0x40, s4, s14, $0xb8;
	[tilespmem:$0x1E000] =	vst v63  }
0x55: {  	_ =	swait.ge [sflag:s24], $0x2000  }
0x56: {  	[sflag:s24] =	ssyncset.done $0x0  }
0x57: {  	s4 =	simm.s32 $0x5300;
	[sflag:s24] =	ssyncadd.s32 $0xFFFFE000  }
0x58: {  	[spmem:s2] =	stream.indirect.scatter.add.f32 [tilespmem:s16], [sflag:$0x7], $0x40, s4, s14, $0xb8;
	[tilespmem:$0x1E000] =	vst v63  }
0x59: {  	_ =	swait.ge [sflag:s26], $0x2000  }
0x5a: {  	[sflag:s26] =	ssyncset.done $0x0  }
0x5b: {  	s4 =	simm.s32 $0x500;
	[sflag:s26] =	ssyncadd.s32 $0xFFFFE000  }
0x5c: {  	[tilespmem:s15], [sflag:$0x1] =	stream.indirect.gather [hbm4b:s8+s14], $0x40, s4, s14, $0xb8;
	[tilespmem:$0x1E000] =	vst v63  }
0x5d: {  	_ =	swait.ge [sflag:s29], $0x2000  }
0x5e: {  	[sflag:s29] =	ssyncset.done $0x0  }
0x5f: {  	s4 =	simm.s32 $0x5380;
	[sflag:s29] =	ssyncadd.s32 $0xFFFFE000  }
0x60: {  	[spmem:s2] =	stream.indirect.scatter.add.f32 [tilespmem:s18], [sflag:$0x8], $0x40, s4, s14, $0xb8;
	[tilespmem:$0x1E000] =	vst v63  }
0x61: {  	_ =	swait.ge [sflag:s31], $0x2000  }
0x62: {  	[sflag:s31] =	ssyncset.done $0x0  }
0x63: {  	s4 =	simm.s32 $0x580;
	[sflag:s31] =	ssyncadd.s32 $0xFFFFE000  }
0x64: {  	[tilespmem:s16], [sflag:$0x2] =	stream.indirect.gather [hbm4b:s8+s14], $0x40, s4, s14, $0xb8;
	[tilespmem:$0x1E000] =	vst v63  }
0x65: {  	_ =	swait.ge [sflag:s0], $0x2000  }
0x66: {  	[sflag:s0] =	ssyncset.done $0x0  }
0x67: {  	s4 =	simm.s32 $0x5400;
	[sflag:s0] =	ssyncadd.s32 $0xFFFFE000  }
0x68: {  	[spmem:s2] =	stream.indirect.scatter.add.f32 [tilespmem:s20], [sflag:$0x9], $0x40, s4, s14, $0xb8;
	[tilespmem:$0x1E000] =	vst v63  }
0x69: {  	_ =	swait.ge [sflag:s19], $0x2000  }
0x6a: {  	[sflag:s19] =	ssyncset.done $0x0  }
0x6b: {  	s4 =	simm.s32 $0x600;
	[sflag:s19] =	ssyncadd.s32 $0xFFFFE000  }
0x6c: {  	[tilespmem:s18], [sflag:$0x3] =	stream.indirect.gather [hbm4b:s8+s14], $0x40, s4, s14, $0xb8;
	[tilespmem:$0x1E000] =	vst v63  }
0x6d: {  	_ =	swait.ge [sflag:s25], $0x2000  }
0x6e: {  	[sflag:s25] =	ssyncset.done $0x0  }
0x6f: {  	s4 =	simm.s32 $0x5480;
	[sflag:s25] =	ssyncadd.s32 $0xFFFFE000  }
0x70: {  	[spmem:s2] =	stream.indirect.scatter.add.f32 [tilespmem:s23], [sflag:$0xA], $0x40, s4, s14, $0xb8;
	[tilespmem:$0x1E000] =	vst v63  }
0x71: {  	_ =	swait.ge [sflag:s30], $0x2000  }
0x72: {  	[sflag:s30] =	ssyncset.done $0x0  }
0x73: {  	s4 =	simm.s32 $0x680;
	[sflag:s30] =	ssyncadd.s32 $0xFFFFE000  }
0x74: {  	[tilespmem:s20], [sflag:$0x4] =	stream.indirect.gather [hbm4b:s8+s14], $0x40, s4, s14, $0xb8;
	[tilespmem:$0x1E000] =	vst v63  }
0x75: {  	_ =	swait.ge [sflag:s21], $0x2000  }
0x76: {  	[sflag:s21] =	ssyncset.done $0x0  }
0x77: {  	s4 =	simm.s32 $0x5500;
	[sflag:s21] =	ssyncadd.s32 $0xFFFFE000  }
0x78: {  	[spmem:s2] =	stream.indirect.scatter.add.f32 [tilespmem:s15], [sflag:$0x6], $0x40, s4, s14, $0xb8;
	[tilespmem:$0x1E000] =	vst v63  }
0x79: {  	_ =	swait.ge [sflag:s22], $0x2000  }
0x7a: {  	[sflag:s22] =	ssyncset.done $0x0  }
0x7b: {  	s4 =	simm.s32 $0x700;
	[sflag:s22] =	ssyncadd.s32 $0xFFFFE000  }
0x7c: {  	[tilespmem:s23], [sflag:$0x5] =	stream.indirect.gather [hbm4b:s8+s14], $0x40, s4, s14, $0xb8;
	[tilespmem:$0x1E000] =	vst v63  }
0x7d: {  	_ =	swait.ge [sflag:s24], $0x2000  }
0x7e: {  	[sflag:s24] =	ssyncset.done $0x0  }
0x7f: {  	s28 =	simm.s32 $0xA00;
	s1 =	simm.s32 $0x5580;
	[sflag:s24] =	ssyncadd.s32 $0xFFFFE000  }
.LBB2_2:
0x80: {  	[spmem:s2] =	stream.indirect.scatter.add.f32 [tilespmem:s16], [sflag:$0x7], $0x40, s1, s14, $0xb8;
	[tilespmem:$0x1E000] =	vst v63  }
0x81: {  	s1 =	smov.u32 s28;
	s28 =	sadd.s32 $0xA00, s28;
	_ =	swait.ge [sflag:s26], $0x2000  }
0x82: {  	s1 =	sshra.s32 s1, $0x2;
	p0 =	sne.s32 s28, $0x12C00;
	[sflag:s26] =	ssyncset.done $0x0  }
0x83: {  	s4 =	sadd.s32 $0x500, s1;
	[sflag:s26] =	ssyncadd.s32 $0xFFFFE000  }
0x84: {  	[tilespmem:s15], [sflag:$0x1] =	stream.indirect.gather [hbm4b:s8+s14], $0x40, s4, s14, $0xb8;
	[tilespmem:$0x1E000] =	vst v63  }
0x85: {  	_ =	swait.ge [sflag:s29], $0x2000  }
0x86: {  	[sflag:s29] =	ssyncset.done $0x0  }
0x87: {  	s4 =	sadd.s32 $0x5380, s1;
	[sflag:s29] =	ssyncadd.s32 $0xFFFFE000  }
0x88: {  	[spmem:s2] =	stream.indirect.scatter.add.f32 [tilespmem:s18], [sflag:$0x8], $0x40, s4, s14, $0xb8;
	[tilespmem:$0x1E000] =	vst v63  }
0x89: {  	_ =	swait.ge [sflag:s31], $0x2000  }
0x8a: {  	[sflag:s31] =	ssyncset.done $0x0  }
0x8b: {  	s4 =	sadd.s32 $0x580, s1;
	[sflag:s31] =	ssyncadd.s32 $0xFFFFE000  }
0x8c: {  	[tilespmem:s16], [sflag:$0x2] =	stream.indirect.gather [hbm4b:s8+s14], $0x40, s4, s14, $0xb8;
	[tilespmem:$0x1E000] =	vst v63  }
0x8d: {  	_ =	swait.ge [sflag:s0], $0x2000  }
0x8e: {  	[sflag:s0] =	ssyncset.done $0x0  }
0x8f: {  	s4 =	sadd.s32 $0x5400, s1;
	[sflag:s0] =	ssyncadd.s32 $0xFFFFE000  }
0x90: {  	[spmem:s2] =	stream.indirect.scatter.add.f32 [tilespmem:s20], [sflag:$0x9], $0x40, s4, s14, $0xb8;
	[tilespmem:$0x1E000] =	vst v63  }
0x91: {  	_ =	swait.ge [sflag:s19], $0x2000  }
0x92: {  	[sflag:s19] =	ssyncset.done $0x0  }
0x93: {  	s4 =	sadd.s32 $0x600, s1;
	[sflag:s19] =	ssyncadd.s32 $0xFFFFE000  }
0x94: {  	[tilespmem:s18], [sflag:$0x3] =	stream.indirect.gather [hbm4b:s8+s14], $0x40, s4, s14, $0xb8;
	[tilespmem:$0x1E000] =	vst v63  }
0x95: {  	_ =	swait.ge [sflag:s25], $0x2000  }
0x96: {  	[sflag:s25] =	ssyncset.done $0x0  }
0x97: {  	s4 =	sadd.s32 $0x5480, s1;
	[sflag:s25] =	ssyncadd.s32 $0xFFFFE000  }
0x98: {  	[spmem:s2] =	stream.indirect.scatter.add.f32 [tilespmem:s23], [sflag:$0xA], $0x40, s4, s14, $0xb8;
	[tilespmem:$0x1E000] =	vst v63  }
0x99: {  	_ =	swait.ge [sflag:s30], $0x2000  }
0x9a: {  	[sflag:s30] =	ssyncset.done $0x0  }
0x9b: {  	s4 =	sadd.s32 $0x680, s1;
	[sflag:s30] =	ssyncadd.s32 $0xFFFFE000  }
0x9c: {  	[tilespmem:s20], [sflag:$0x4] =	stream.indirect.gather [hbm4b:s8+s14], $0x40, s4, s14, $0xb8;
	[tilespmem:$0x1E000] =	vst v63  }
0x9d: {  	_ =	swait.ge [sflag:s21], $0x2000  }
0x9e: {  	[sflag:s21] =	ssyncset.done $0x0  }
0x9f: {  	s4 =	sadd.s32 $0x5500, s1;
	[sflag:s21] =	ssyncadd.s32 $0xFFFFE000  }
0xa0: {  	[spmem:s2] =	stream.indirect.scatter.add.f32 [tilespmem:s15], [sflag:$0x6], $0x40, s4, s14, $0xb8;
	[tilespmem:$0x1E000] =	vst v63  }
0xa1: {  	_ =	swait.ge [sflag:s22], $0x2000  }
0xa2: {  	[sflag:s22] =	ssyncset.done $0x0  }
.Ltmp0:
0xa3: {  	s4 =	sadd.s32 $0x700, s1;
	[sflag:s22] =	ssyncadd.s32 $0xFFFFE000;
	(pc) =	sbr.rel @p0 .LBB2_2-.Ltmp0, $4  }
0xa4: {  	[tilespmem:s23], [sflag:$0x5] =	stream.indirect.gather [hbm4b:s8+s14], $0x40, s4, s14, $0xb8;
	[tilespmem:$0x1E000] =	vst v63  }
0xa5: {  	_ =	swait.ge [sflag:s24], $0x2000  }
0xa6: {  	[sflag:s24] =	ssyncset.done $0x0  }
0xa7: {  	s1 =	sadd.s32 $0x5580, s1;
	[sflag:s24] =	ssyncadd.s32 $0xFFFFE000  }
0xa8: {  	[spmem:s2] =	stream.indirect.scatter.add.f32 [tilespmem:s16], [sflag:$0x7], $0x40, s1, s14, $0xb8;
	[tilespmem:$0x1E000] =	vst v63  }
0xa9: {  	_ =	swait.ge [sflag:s29], $0x2000  }
0xaa: {  	s1 =	sshra.s32 s28, $0x2;
	[sflag:s29] =	ssyncset.done $0x0  }
0xab: {  	s4 =	sadd.s32 $0x5380, s1;
	[sflag:s29] =	ssyncadd.s32 $0xFFFFE000  }
0xac: {  	[spmem:s2] =	stream.indirect.scatter.add.f32 [tilespmem:s18], [sflag:$0x8], $0x40, s4, s14, $0xb8;
	[tilespmem:$0x1E000] =	vst v63  }
0xad: {  	_ =	swait.ge [sflag:s0], $0x2000  }
0xae: {  	[sflag:s0] =	ssyncset.done $0x0  }
0xaf: {  	s28 =	sadd.s32 $0x5400, s1;
	[sflag:s0] =	ssyncadd.s32 $0xFFFFE000  }
0xb0: {  	[spmem:s2] =	stream.indirect.scatter.add.f32 [tilespmem:s20], [sflag:$0x9], $0x40, s28, s14, $0xb8;
	[tilespmem:$0x1E000] =	vst v63  }
0xb1: {  	_ =	swait.ge [sflag:s25], $0x2000  }
0xb2: {  	[sflag:s25] =	ssyncset.done $0x0  }
0xb3: {  	s1 =	sadd.s32 $0x5480, s1;
	[sflag:s25] =	ssyncadd.s32 $0xFFFFE000  }
0xb4: {  	[spmem:s2] =	stream.indirect.scatter.add.f32 [tilespmem:s23], [sflag:$0xA], $0x40, s1, s14, $0xb8;
	[tilespmem:$0x1E000] =	vst v63  }
0xb5: {  	_ =	swait.ge [sflag:s26], $0x2000  }
0xb6: {  	[sflag:s26] =	ssyncset.done $0x0  }
0xb7: {  	[sflag:s26] =	ssyncadd.s32 $0xFFFFE000  }
0xb8: {  	_ =	swait.ge [sflag:s31], $0x2000  }
0xb9: {  	[sflag:s31] =	ssyncset.done $0x0  }
0xba: {  	[sflag:s31] =	ssyncadd.s32 $0xFFFFE000  }
0xbb: {  	_ =	swait.ge [sflag:s19], $0x2000  }
0xbc: {  	[sflag:s19] =	ssyncset.done $0x0  }
0xbd: {  	[sflag:s19] =	ssyncadd.s32 $0xFFFFE000  }
0xbe: {  	_ =	swait.ge [sflag:s30], $0x2000  }
0xbf: {  	[sflag:s30] =	ssyncset.done $0x0  }
0xc0: {  	[sflag:s30] =	ssyncadd.s32 $0xFFFFE000  }
0xc1: {  	_ =	swait.ge [sflag:s22], $0x2000  }
0xc2: {  	s17 =	sadd.s32 $0x1, s17;
	[sflag:s22] =	ssyncset.done $0x0  }
0xc3: {  	p0 =	sne.s32 s17, s10;
	[sflag:s22] =	ssyncadd.s32 $0xFFFFE000  }
.Ltmp1:
0xc4: {  	[bflag:$0x0] =	sbarrier.arrive $0xFFFF;
	(pc) =	sbr.rel @p0 .LBB2_1-.Ltmp1, $4  }
0xc5: {  	[hbm:s9], [sflag:s5] =	dma.local [spmem:s11], $0x1400  }
0xc6: {  	_ =	swait.ge [sflag:s12], $0x1400  }
0xc7: {  	[sflag:s12] =	ssyncset.done $0x0  }
0xc8: {  	[sflag:s12] =	ssyncadd.s32 $0xFFFFEC00  }
0xc9: {  	_ =	sfence.sel $0x180000  }
0xca: {  	[bflag:$0x0] =	sbarrier.arrive $0xFFFF  }
0xcb: {  	_ =	strace $0x9000004D  }
0xcc: {  	s0 =	stileid.u32;
	[bflag:$0x2] =	sbarrier.arrive $0xFFFF  }
0xcd: {  	p0 =	sne.s32 s0, $0x0;
	s0 =	rddreg [dreg:$0x2]  }
0xce: {  	s0 =	sadd.s32 @!p0 $0x100000, s0  }
0xcf: {  	[sflag:s0] =	ssyncadd.tile.s32 @!p0 $0x1;
	_ =	shalt  }
.Lfunc_end2:
_tile_overlayer_lowered:
.L_overlay_start_2:
0xd0: {  	(tag) =	ssettag $0x2  }
0xd1: {  	s0 =	rddreg [dreg:$0x0];
	s2 =	stileid.u32  }
0xd2: {  	s1 =	rddreg [dreg:$0x1];
	p0 =	sne.s32 s2, $0x0  }
0xd3: {  	s3 =	rddreg [dreg:$0x2];
	[bflag:$0x3] =	sbarrier.arrive $0xFFFF;
	s2 =	simm.s32 @!p0 $0x1C0B  }
0xd4: {  	[timem:s3], [sflag:s2] =	dma.local @!p0 [hbm:s0], s1  }
0xd5: {  	s0 =	simm.s32 @!p0 $0xB  }
0xd6: {  	_ =	swait.ge @!p0 [sflag:s0], s1  }
0xd7: {  	s1 =	ssub.s32 @!p0 $0x0, s1;
	[sflag:s0] =	ssyncset.done @!p0 $0x0  }
0xd8: {  	[sflag:s0] =	ssyncadd.s32 @!p0 s1  }
0xd9: {  	[bflag:$0x3] =	sbarrier.arrive $0xFFFF  }
0xda: {  	_ =	shalt  }

// kernel: kernel.8.cloned.1.call-start
scs
__scs_entry_jumppad:
0x0: {  	(pc) =	sbr.rel $0x88, $3  }
0x1: {  	(tag) =	ssettag $0x0;
	lr =	simm.s32 $0x1  }
0x2: {  	[smem:$0x3F8E] =	sst lr;
	_ =	strace $0xD0000000  }
0x3: {  	_ = 	snop  }
0x4: {  	_ = 	snop  }
0x5: {  	_ = 	snop  }
0x6: {  	_ = 	snop  }
0x7: {  	_ = 	snop  }
__scs_overlays_trampoline_lowered:
0x8: {  	[smem:$0x3F9D] =	sst s0  }
0x9: {  	[smem:$0x3F9E] =	sst s1  }
0xa: {  	[smem:$0x3F9F] =	sst s2  }
0xb: {  	[smem:$0x3FA0] =	sst s3  }
0xc: {  	[smem:$0x3FA1] =	sst s4  }
0xd: {  	[smem:$0x3FA2] =	sst s5  }
0xe: {  	[smem:$0x3FA3] =	sst s6  }
0xf: {  	[smem:$0x3FA4] =	sst s7  }
0x10: {  	[smem:$0x3FA5] =	sst s8  }
0x11: {  	[smem:$0x3FA6] =	sst s9;
	s0 =	simm.s32 @!p0 $0x0  }
0x12: {  	s1 =	sld [smem:$0x3F8C];
	s0 =	simm.s32 @p0 $0x1  }
0x13: {  	[smem:$0x3FA7] =	sst s0;
	s0 =	simm.s32 @!p1 $0x0  }
0x14: {  	s2 =	sld [smem:$0x3F8B];
	s0 =	simm.s32 @p1 $0x1  }
0x15: {  	[smem:$0x3FA8] =	sst s0;
	s0 =	simm.s32 @!p2 $0x0  }
0x16: {  	s3 =	sld [smem:$0x3FDB];
	s0 =	simm.s32 @p2 $0x1  }
0x17: {  	s4 =	simm.s32 $0x1BF5;
	[smem:$0x3FAA] =	sst s0  }
0x18: {  	s0 =	sld [smem:$0x3F8D];
	_ =	swait.ge [sflag:s4], $0x0  }
0x19: {  	s7 =	sld [smem:$0x3F8E]  }
0x1a: {  	s8 =	sadd.s32 $0xFFFFE003, lr  }
0x1b: {  	s9 =	sadd.s32 $0xFFFFFEF7, lr;
	s5 =	simm.s32 $0xFFFFFFFF;
	p2 =	slt.u32 s8, $0xFFFFF086  }
0x1c: {  	p1 =	slt.u32 s9, $0xF7A;
	s5 =	simm.s32 @!p2 $0x0  }
0x1d: {  	s5 =	simm.s32 @p1 $0x1;
	p0 =	seq.s32 s7, s2  }
0x1e: {  	s7 =	smul.u32 @!p0 $0xF7A, s2;
	p2 =	seq.s32 @!p0 s5, $0x0  }
0x1f: {  	s9 =	smul.u32 $0xF7A, s1;
	s8 =	simm.s32 @!p0 $0x1BF5;
	p2 =	por !p2, p0  }
0x20: {  	[sflag:s8] =	ssyncset.s32 @!p0 $0xFFFFF086;
	s6 =	sadd.s32 @!p0 s3, s7;
	s7 =	simm.s32 @!p0 $0x108  }
0x21: {  	s3 =	sadd.s32 s3, s9;
	s6 =	sadd.s32 @!p0 $0x88, s6;
	s7 =	simm.s32 @p2 $0x1082  }
0x22: {  	[simem:s7], [sflag:s8] =	dma.local @!p0 [hbm:s6], $0xF7A  }
0x23: {  	s9 =	sor.u32 $0xD0000000, s2;
	s6 =	simm.s32 $0x108;
	_ =	swait.ge @!p0 [sflag:s8], $0x0  }
0x24: {  	s3 =	sadd.s32 $0x88, s3;
	s6 =	simm.s32 @!p1 $0x1082;
	[sflag:s4] =	ssyncset.s32 $0xFFFFF086  }
0x25: {  	[simem:s6], [sflag:s4] =	dma.local [hbm:s3], $0xF7A  }
0x26: {  	[smem:$0x3F8E] =	sst s1;
	(tag) =	ssettag s2;
	_ =	strace s9  }
0x27: {  	s1 =	sld [smem:$0x3F9E]  }
0x28: {  	s2 =	sld [smem:$0x3F9F]  }
0x29: {  	s4 =	sld [smem:$0x3FA1]  }
0x2a: {  	p0 =	seq.s32 s5, $0x0;
	s5 =	sld [smem:$0x3FA2]  }
0x2b: {  	s6 =	sld [smem:$0x3FA3]  }
0x2c: {  	s7 =	sld [smem:$0x3FA4]  }
0x2d: {  	s3 =	simm.s32 $0x108;
	s8 =	sld [smem:$0x3FA5]  }
0x2e: {  	s3 =	simm.s32 @!p0 $0x1082;
	s9 =	sld [smem:$0x3FA6]  }
0x2f: {  	lr =	sadd.s32 s0, s3;
	s0 =	sld [smem:$0x3F9D]  }
0x30: {  	s3 =	sld [smem:$0x3FA0]  }
0x31: {  	[smem:$0x3FA9] =	sst s10  }
0x32: {  	s10 =	sld [smem:$0x3FA7];
	_ =	sdelay $0x3  }
0x33: {  	p0 =	seq.s32 s10, $0x1;
	s10 =	sld [smem:$0x3FA9];
	_ =	sdelay $0x3  }
0x34: {  	[smem:$0x3FA9] =	sst s10  }
0x35: {  	s10 =	sld [smem:$0x3FA8];
	_ =	sdelay $0x3  }
0x36: {  	p1 =	seq.s32 s10, $0x1;
	s10 =	sld [smem:$0x3FA9];
	_ =	sdelay $0x3  }
0x37: {  	[smem:$0x3FA9] =	sst s10  }
0x38: {  	s10 =	sld [smem:$0x3FAA]  }
0x39: {  	_ = 	snop;
	(pc) =	sbr.ind lr, $3  }
0x3a: {  	_ = 	snop  }
0x3b: {  	_ = 	snop  }
0x3c: {  	p2 =	seq.s32 s10, $0x1;
	s10 =	sld [smem:$0x3FA9]  }
0x3d: {  	_ =	shalt  }
0x3e: {  	_ =	shalt  }
0x3f: {  	_ =	shalt  }
0x40: {  	_ =	shalt  }
0x41: {  	_ =	shalt  }
0x42: {  	_ =	shalt  }
0x43: {  	_ =	shalt  }
0x44: {  	_ =	shalt  }
0x45: {  	_ =	shalt  }
0x46: {  	_ =	shalt  }
0x47: {  	_ =	shalt  }
0x48: {  	_ =	shalt  }
0x49: {  	_ =	shalt  }
0x4a: {  	_ =	shalt  }
0x4b: {  	_ =	shalt  }
0x4c: {  	_ =	shalt  }
0x4d: {  	_ =	shalt  }
0x4e: {  	_ =	shalt  }
0x4f: {  	_ =	shalt  }
0x50: {  	_ =	shalt  }
0x51: {  	_ =	shalt  }
0x52: {  	_ =	shalt  }
0x53: {  	_ =	shalt  }
0x54: {  	_ =	shalt  }
0x55: {  	_ =	shalt  }
0x56: {  	_ =	shalt  }
0x57: {  	_ =	shalt  }
0x58: {  	_ =	shalt  }
0x59: {  	_ =	shalt  }
0x5a: {  	_ =	shalt  }
0x5b: {  	_ =	shalt  }
0x5c: {  	_ =	shalt  }
0x5d: {  	_ =	shalt  }
0x5e: {  	_ =	shalt  }
0x5f: {  	_ =	shalt  }
0x60: {  	_ =	shalt  }
0x61: {  	_ =	shalt  }
0x62: {  	_ =	shalt  }
0x63: {  	_ =	shalt  }
0x64: {  	_ =	shalt  }
0x65: {  	_ =	shalt  }
0x66: {  	_ =	shalt  }
0x67: {  	_ =	shalt  }
0x68: {  	_ =	shalt  }
0x69: {  	_ =	shalt  }
0x6a: {  	_ =	shalt  }
0x6b: {  	_ =	shalt  }
0x6c: {  	_ =	shalt  }
0x6d: {  	_ =	shalt  }
0x6e: {  	_ =	shalt  }
0x6f: {  	_ =	shalt  }
0x70: {  	_ =	shalt  }
0x71: {  	_ =	shalt  }
0x72: {  	_ =	shalt  }
0x73: {  	_ =	shalt  }
0x74: {  	_ =	shalt  }
0x75: {  	_ =	shalt  }
0x76: {  	_ =	shalt  }
0x77: {  	_ =	shalt  }
0x78: {  	_ =	shalt  }
0x79: {  	_ =	shalt  }
0x7a: {  	_ =	shalt  }
0x7b: {  	_ =	shalt  }
0x7c: {  	_ =	shalt  }
0x7d: {  	_ =	shalt  }
0x7e: {  	_ =	shalt  }
0x7f: {  	_ =	shalt  }
0x80: {  	_ =	shalt  }
0x81: {  	_ =	shalt  }
0x82: {  	_ =	shalt  }
0x83: {  	_ =	shalt  }
0x84: {  	_ =	shalt  }
0x85: {  	_ =	shalt  }
0x86: {  	_ =	shalt  }
0x87: {  	_ =	shalt  }
.Lfunc_end0:
.L_simem_size_0:
called_computation_lowered:
.L_overlay_start_0:
0x88: {  	s2 =	sld [smem:$0x3FD9]  }
0x89: {  	s3 =	sld [smem:$0x3FFE];
	_ =	sdelay $0x1  }
0x8a: {  	s1 =	srdreg.scid  }
0x8b: {  	s0 =	sand.u32 $0x1, s1  }
0x8c: {  	s17 =	sshll.u32 s0, $0xA;
	s2 =	sadd.s32 s3, s2  }
0x8d: {  	s2 =	sadd.s32 s2, s17  }
0x8e: {  	[smem:$0x3FB5] =	sst s2  }
0x8f: {  	_ = 	snop  }
0x90: {  	s2 =	sld [smem:$0x3FD0];
	(tm) =	ssettm $0x1  }
0x91: {  	s18 =	sld [smem:$0x3FFB];
	_ =	sdelay $0x3  }
0x92: {  	_ =	strace s18  }
0x93: {  	s3 =	sld [smem:$0x3FFC];
	_ =	sdelay $0x3  }
0x94: {  	_ =	strace s3  }
0x95: {  	s3 =	sld [smem:$0x3FFD];
	_ =	sdelay $0x3  }
0x96: {  	_ =	strace s3  }
0x97: {  	_ =	strace $0x8FFFFFFF  }
0x98: {  	s19 =	sld [smem:$0x3FDB];
	_ =	sdelay $0x1  }
0x99: {  	s4 =	simm.s32 $_scs_section_size  }
0x9a: {  	s5 =	simm.s32 $_size__tile_overlayer_lowered;
	s6 =	simm.s32 $_tile_overlayer_lowered  }
0x9b: {  	s22 =	simm.s32 $0x1BFF;
	s21 =	sshll.u32 s6, $0x1;
	s3 =	sadd.s32 s4, s19  }
0x9c: {  	s7 =	simm.s32 $0x0;
	s20 =	sshll.u32 s5, $0x1;
	s5 =	sadd.s32 s21, s3  }
0x9d: {  	[timem:s7], [sflag:s22] =	dma.local [hbm:s5], s20  }
0x9e: {  	_ =	swait.ge [sflag:s22], s20  }
0x9f: {  	s4 =	ssub.s32 $0x0, s20;
	[sflag:s22] =	ssyncset.done $0x0  }
0xa0: {  	[sflag:s22] =	ssyncadd.s32 s4;
	_ =	sdelay $0x1  }
0xa1: {  	s23 =	simm.s32 $0x1B8B  }
0xa2: {  	_ =	swait.ge [sflag:s23], $0x1  }
0xa3: {  	[sflag:s23] =	ssyncset.done $0x0  }
0xa4: {  	s25 =	simm.s32 $0x1B8E;
	s24 =	sld [smem:$0x3FFE];
	[sflag:s23] =	ssyncadd.s32 $0xFFFFFFFF  }
0xa5: {  	s26 =	simm.s32 $execute0_lowered;
	[smem:$0x3FD2] =	sst s25  }
0xa6: {  	s5 =	sshll.u32 s26, $0x1;
	_ =	strace $0x80000046;
	[dreg:$0x1] =	wrdreg $0xFFFFFFFF  }
0xa7: {  	s28 =	simm.s32 $_size_execute0_lowered;
	s3 =	sadd.s32 s3, s5;
	[dreg:$0x0] =	wrdreg $0x0  }
0xa8: {  	s5 =	sshll.u32 s28, $0x1;
	[dreg:$0x2] =	wrdreg s3  }
0xa9: {  	[dreg:$0x3] =	wrdreg s5  }
0xaa: {  	[dreg:$0x4] =	wrdreg $0xC0  }
0xab: {  	_ =	task [dreg:s7], $0x5FFFF  }
0xac: {  	[dreg:$0x1] =	wrdreg $0xFFFFFFFF  }
0xad: {  	[dreg:$0x0] =	wrdreg $0x60  }
0xae: {  	[dreg:$0x2] =	wrdreg s24  }
0xaf: {  	[dreg:$0x3] =	wrdreg s2  }
0xb0: {  	[dreg:$0x4] =	wrdreg $0x28800  }
0xb1: {  	[dreg:$0x5] =	wrdreg $0x9  }
0xb2: {  	_ =	task.clear_ibuf [dreg:s7], $0x6FFFF;
	_ =	strace $0x90000046  }
0xb3: {  	s29 =	simm.s32 $0x9;
	_ =	strace $0x80000048  }
0xb4: {  	_ =	swait.ge [sflag:s29], $0x1  }
0xb5: {  	[sflag:s29] =	ssyncadd.s32 $0xFFFFFFFF  }
0xb6: {  	_ =	strace $0x90000048  }
0xb7: {  	_ =	sfence  }
0xb8: {  	s30 =	sld [smem:$0x0];
	_ =	sdelay $0x2  }
0xb9: {  	s31 =	sshll.u32 s1, $0xD;
	s1 =	sshrl.u32 s1, $0x2  }
0xba: {  	s3 =	sand.u32 $0x4000, s31;
	s1 =	sadd.s32 s1, s30  }
0xbb: {  	s0 =	sor.u32 s3, s0;
	s1 =	sshll.u32 s1, $0x11  }
0xbc: {  	s0 =	sor.u32 s1, s0  }
0xbd: {  	s0 =	sadd.s32 $0x8F2B, s0  }
0xbe: {  	[sflag:s0] =	ssyncadd.remote.s32 $0x1  }
0xbf: {  	_ =	sfence.sel $0xFFFF  }
0xc0: {  	[dreg:$0x0] =	wrdreg $0xFFFFFFFF;
	(pc) =	sbr.abs _section_cstart, $3  }
0xc1: {  	[dreg:$0x1] =	wrdreg $0xFFFFFFFF  }
0xc2: {  	_ =	task.clear_ibuf [dreg:s7], $0x2FFFF;
	_ =	strace $0x9FFFFFFF  }
0xc3: {  	(tm) =	ssettm $0x7FFFFFFF  }
tec
execute0_lowered:
.L_overlay_start_1:
0x0: {  	(tag) =	ssettag $0x1  }
0x1: {  	s5 =	rddreg [dreg:$0x0];
	s1 =	srdreg.scid  }
0x2: {  	s0 =	stileid.u32;
	s2 =	rddreg [dreg:$0x1]  }
0x3: {  	s3 =	rddreg [dreg:$0x2];
	s4 =	simm.s32 $0x0;
	s13 =	simm.s32 $0x80  }
0x4: {  	s14 =	simm.s32 $0x1;
	s15 =	simm.s32 $0x20;
	s16 =	simm.s32 $0x10  }
0x5: {  	s17 =	simm.s32 $0x0;
	s6 =	sand.u32 $0x1, s1;
	s1 =	rddreg [dreg:$0x3]  }
0x6: {  	s29 =	sshll.u32 s0, $0x1;
	[smem:$0x7FF] =	sst s4;
	s8 =	smul.u32 $0x500, s0  }
0x7: {  	s9 =	smul.u32 $0x280, s0;
	s31 =	sshll.u32 s0, $0x6;
	s7 =	sor.u32 s6, s29  }
0x8: {  	_ =	strace $0x80000047;
	s10 =	sshll.u32 s6, $0x7;
	s6 =	ssub.s32 $0x2, s6  }
0x9: {  	s7 =	smul.u32 $0x500, s7;
	s8 =	sor.u32 s10, s8;
	s30 =	sshrl.u32 s9, $0x3  }
0xa: {  	s11 =	sshrl.u32 s6, $0x1;
	s12 =	sadd.s32 s9, s3;
	s8 =	sshrl.u32 s8, $0x3  }
0xb: {  	s10 =	sadd.s32 s30, s5;
	s11 =	ssub.s32 s6, s11;
	s6 =	sor.u32 $0x1C02, s31  }
0xc: {  	s7 =	sadd.s32 s7, s5;
	s8 =	sadd.s32 s8, s5;
	s5 =	sadd.s32 $0x17200, s10  }
0xd: {  	s9 =	smax.u32 s11, $0x1;
	s10 =	sshrl.u32 s12, $0x3;
	s11 =	simm.s32 $0x2  }
0xe: {  	s12 =	simm.s32 $0x2800;
	s7 =	sadd.s32 $0xD200, s7;
	s8 =	sadd.s32 $0x17800, s8  }
.LBB2_1:
0xf: {  	[spmem:s10], [sflag:s6] =	dma.local [hbm:s5], $0x50  }
0x10: {  	_ =	swait.ge [sflag:s11], $0x50  }
0x11: {  	[sflag:s11] =	ssyncset.done $0x0  }
0x12: {  	[sflag:s11] =	ssyncadd.s32 $0xFFFFFFB0  }
0x13: {  	[tilespmem:s12], [sflag:$0x2] =	stream.linear.gather [hbm4b:s2+s4], $0x80, $0x38;
	[tilespmem:$0x2B00] =	vst v63  }
0x14: {  	_ =	swait.ge [sflag:s11], $0x80  }
0x15: {  	[sflag:s11] =	ssyncset.done $0x0  }
0x16: {  	[sflag:s11] =	ssyncadd.s32 $0xFFFFFF80  }
0x17: {  	[tilespmem:s4], [sflag:$0x2] =	stream.linear.gather [hbm4b:s7+s4], $0x2800, $0x38;
	[tilespmem:$0x2B00] =	vst v63  }
0x18: {  	_ =	swait.ge [sflag:s11], $0x2800  }
0x19: {  	[sflag:s11] =	ssyncset.done $0x0  }
0x1a: {  	[sflag:s11] =	ssyncadd.s32 $0xFFFFD800  }
0x1b: {  	p0 =	por $0x1, $0x1;
	s18 =	simm.s32 $0x0;
	[bflag:$0x0] =	sbarrier.arrive $0xFFFF  }
.LBB2_2:
0x1c: {  	s18 =	sshra.s32 s18, $0x2  }
0x1d: {  	[spmem:s3] =	stream.indirect.scatter.add.f32 [tilespmem:s12], [sflag:$0x1], $0x1, s18, s13, $0xb8;
	[tilespmem:$0x2B00] =	vst v63  }
0x1e: {  	s19 =	sadd.s32 $0x80, s18  }
0x1f: {  	[spmem:s3] =	stream.indirect.scatter.add.f32 [tilespmem:s12], [sflag:$0x1], $0x1, s19, s13, $0xb8;
	[tilespmem:$0x2B00] =	vst v63  }
0x20: {  	s28 =	sadd.s32 $0x100, s18  }
0x21: {  	[spmem:s3] =	stream.indirect.scatter.add.f32 [tilespmem:s12], [sflag:$0x1], $0x1, s28, s13, $0xb8;
	[tilespmem:$0x2B00] =	vst v63  }
0x22: {  	s29 =	sadd.s32 $0x180, s18  }
0x23: {  	[spmem:s3] =	stream.indirect.scatter.add.f32 [tilespmem:s12], [sflag:$0x1], $0x1, s29, s13, $0xb8;
	[tilespmem:$0x2B00] =	vst v63  }
0x24: {  	s30 =	sadd.s32 $0x200, s18  }
0x25: {  	[spmem:s3] =	stream.indirect.scatter.add.f32 [tilespmem:s12], [sflag:$0x1], $0x1, s30, s13, $0xb8;
	[tilespmem:$0x2B00] =	vst v63  }
0x26: {  	s31 =	sadd.s32 $0x280, s18  }
0x27: {  	[spmem:s3] =	stream.indirect.scatter.add.f32 [tilespmem:s12], [sflag:$0x1], $0x1, s31, s13, $0xb8;
	[tilespmem:$0x2B00] =	vst v63  }
0x28: {  	s20 =	sadd.s32 $0x300, s18  }
0x29: {  	[spmem:s3] =	stream.indirect.scatter.add.f32 [tilespmem:s12], [sflag:$0x1], $0x1, s20, s13, $0xb8;
	[tilespmem:$0x2B00] =	vst v63  }
0x2a: {  	s21 =	sadd.s32 $0x380, s18  }
0x2b: {  	[spmem:s3] =	stream.indirect.scatter.add.f32 [tilespmem:s12], [sflag:$0x1], $0x1, s21, s13, $0xb8;
	[tilespmem:$0x2B00] =	vst v63  }
0x2c: {  	s22 =	sadd.s32 $0x400, s18  }
0x2d: {  	[spmem:s3] =	stream.indirect.scatter.add.f32 [tilespmem:s12], [sflag:$0x1], $0x1, s22, s13, $0xb8;
	[tilespmem:$0x2B00] =	vst v63  }
0x2e: {  	s23 =	sadd.s32 $0x480, s18  }
0x2f: {  	[spmem:s3] =	stream.indirect.scatter.add.f32 [tilespmem:s12], [sflag:$0x1], $0x1, s23, s13, $0xb8;
	[tilespmem:$0x2B00] =	vst v63  }
0x30: {  	s24 =	sadd.s32 $0x500, s18  }
0x31: {  	[spmem:s3] =	stream.indirect.scatter.add.f32 [tilespmem:s12], [sflag:$0x1], $0x1, s24, s13, $0xb8;
	[tilespmem:$0x2B00] =	vst v63  }
0x32: {  	s25 =	sadd.s32 $0x580, s18  }
0x33: {  	[spmem:s3] =	stream.indirect.scatter.add.f32 [tilespmem:s12], [sflag:$0x1], $0x1, s25, s13, $0xb8;
	[tilespmem:$0x2B00] =	vst v63  }
0x34: {  	s26 =	sadd.s32 $0x600, s18  }
0x35: {  	[spmem:s3] =	stream.indirect.scatter.add.f32 [tilespmem:s12], [sflag:$0x1], $0x1, s26, s13, $0xb8;
	[tilespmem:$0x2B00] =	vst v63  }
0x36: {  	s28 =	sadd.s32 $0x680, s18  }
0x37: {  	[spmem:s3] =	stream.indirect.scatter.add.f32 [tilespmem:s12], [sflag:$0x1], $0x1, s28, s13, $0xb8;
	[tilespmem:$0x2B00] =	vst v63  }
0x38: {  	s29 =	sadd.s32 $0x700, s18  }
0x39: {  	[spmem:s3] =	stream.indirect.scatter.add.f32 [tilespmem:s12], [sflag:$0x1], $0x1, s29, s13, $0xb8;
	[tilespmem:$0x2B00] =	vst v63  }
0x3a: {  	s30 =	sadd.s32 $0x780, s18  }
0x3b: {  	[spmem:s3] =	stream.indirect.scatter.add.f32 [tilespmem:s12], [sflag:$0x1], $0x1, s30, s13, $0xb8;
	[tilespmem:$0x2B00] =	vst v63  }
0x3c: {  	s31 =	sadd.s32 $0x800, s18  }
0x3d: {  	[spmem:s3] =	stream.indirect.scatter.add.f32 [tilespmem:s12], [sflag:$0x1], $0x1, s31, s13, $0xb8;
	[tilespmem:$0x2B00] =	vst v63  }
0x3e: {  	s20 =	sadd.s32 $0x880, s18  }
0x3f: {  	[spmem:s3] =	stream.indirect.scatter.add.f32 [tilespmem:s12], [sflag:$0x1], $0x1, s20, s13, $0xb8;
	[tilespmem:$0x2B00] =	vst v63  }
0x40: {  	s21 =	sadd.s32 $0x900, s18  }
0x41: {  	[spmem:s3] =	stream.indirect.scatter.add.f32 [tilespmem:s12], [sflag:$0x1], $0x1, s21, s13, $0xb8;
	[tilespmem:$0x2B00] =	vst v63  }
0x42: {  	s22 =	sadd.s32 $0x980, s18  }
0x43: {  	[spmem:s3] =	stream.indirect.scatter.add.f32 [tilespmem:s12], [sflag:$0x1], $0x1, s22, s13, $0xb8;
	[tilespmem:$0x2B00] =	vst v63  }
0x44: {  	s23 =	sadd.s32 $0xA00, s18  }
0x45: {  	[spmem:s3] =	stream.indirect.scatter.add.f32 [tilespmem:s12], [sflag:$0x1], $0x1, s23, s13, $0xb8;
	[tilespmem:$0x2B00] =	vst v63  }
0x46: {  	s24 =	sadd.s32 $0xA80, s18  }
0x47: {  	[spmem:s3] =	stream.indirect.scatter.add.f32 [tilespmem:s12], [sflag:$0x1], $0x1, s24, s13, $0xb8;
	[tilespmem:$0x2B00] =	vst v63  }
0x48: {  	s25 =	sadd.s32 $0xB00, s18  }
0x49: {  	[spmem:s3] =	stream.indirect.scatter.add.f32 [tilespmem:s12], [sflag:$0x1], $0x1, s25, s13, $0xb8;
	[tilespmem:$0x2B00] =	vst v63  }
0x4a: {  	s26 =	sadd.s32 $0xB80, s18  }
0x4b: {  	[spmem:s3] =	stream.indirect.scatter.add.f32 [tilespmem:s12], [sflag:$0x1], $0x1, s26, s13, $0xb8;
	[tilespmem:$0x2B00] =	vst v63  }
0x4c: {  	s28 =	sadd.s32 $0xC00, s18  }
0x4d: {  	[spmem:s3] =	stream.indirect.scatter.add.f32 [tilespmem:s12], [sflag:$0x1], $0x1, s28, s13, $0xb8;
	[tilespmem:$0x2B00] =	vst v63  }
0x4e: {  	s29 =	sadd.s32 $0xC80, s18  }
0x4f: {  	[spmem:s3] =	stream.indirect.scatter.add.f32 [tilespmem:s12], [sflag:$0x1], $0x1, s29, s13, $0xb8;
	[tilespmem:$0x2B00] =	vst v63  }
0x50: {  	s30 =	sadd.s32 $0xD00, s18  }
0x51: {  	[spmem:s3] =	stream.indirect.scatter.add.f32 [tilespmem:s12], [sflag:$0x1], $0x1, s30, s13, $0xb8;
	[tilespmem:$0x2B00] =	vst v63  }
0x52: {  	s31 =	sadd.s32 $0xD80, s18  }
0x53: {  	[spmem:s3] =	stream.indirect.scatter.add.f32 [tilespmem:s12], [sflag:$0x1], $0x1, s31, s13, $0xb8;
	[tilespmem:$0x2B00] =	vst v63  }
0x54: {  	s20 =	sadd.s32 $0xE00, s18  }
0x55: {  	[spmem:s3] =	stream.indirect.scatter.add.f32 [tilespmem:s12], [sflag:$0x1], $0x1, s20, s13, $0xb8;
	[tilespmem:$0x2B00] =	vst v63  }
0x56: {  	s21 =	sadd.s32 $0xE80, s18  }
0x57: {  	[spmem:s3] =	stream.indirect.scatter.add.f32 [tilespmem:s12], [sflag:$0x1], $0x1, s21, s13, $0xb8;
	[tilespmem:$0x2B00] =	vst v63  }
0x58: {  	s22 =	sadd.s32 $0xF00, s18  }
0x59: {  	[spmem:s3] =	stream.indirect.scatter.add.f32 [tilespmem:s12], [sflag:$0x1], $0x1, s22, s13, $0xb8;
	[tilespmem:$0x2B00] =	vst v63  }
0x5a: {  	s23 =	sadd.s32 $0xF80, s18  }
0x5b: {  	[spmem:s3] =	stream.indirect.scatter.add.f32 [tilespmem:s12], [sflag:$0x1], $0x1, s23, s13, $0xb8;
	[tilespmem:$0x2B00] =	vst v63  }
0x5c: {  	s24 =	sadd.s32 $0x1000, s18  }
0x5d: {  	[spmem:s3] =	stream.indirect.scatter.add.f32 [tilespmem:s12], [sflag:$0x1], $0x1, s24, s13, $0xb8;
	[tilespmem:$0x2B00] =	vst v63  }
0x5e: {  	s25 =	sadd.s32 $0x1080, s18  }
0x5f: {  	[spmem:s3] =	stream.indirect.scatter.add.f32 [tilespmem:s12], [sflag:$0x1], $0x1, s25, s13, $0xb8;
	[tilespmem:$0x2B00] =	vst v63  }
0x60: {  	s26 =	sadd.s32 $0x1100, s18  }
0x61: {  	[spmem:s3] =	stream.indirect.scatter.add.f32 [tilespmem:s12], [sflag:$0x1], $0x1, s26, s13, $0xb8;
	[tilespmem:$0x2B00] =	vst v63  }
0x62: {  	s28 =	sadd.s32 $0x1180, s18  }
0x63: {  	[spmem:s3] =	stream.indirect.scatter.add.f32 [tilespmem:s12], [sflag:$0x1], $0x1, s28, s13, $0xb8;
	[tilespmem:$0x2B00] =	vst v63  }
0x64: {  	s29 =	sadd.s32 $0x1200, s18  }
0x65: {  	[spmem:s3] =	stream.indirect.scatter.add.f32 [tilespmem:s12], [sflag:$0x1], $0x1, s29, s13, $0xb8;
	[tilespmem:$0x2B00] =	vst v63  }
0x66: {  	s30 =	sadd.s32 $0x1280, s18  }
0x67: {  	[spmem:s3] =	stream.indirect.scatter.add.f32 [tilespmem:s12], [sflag:$0x1], $0x1, s30, s13, $0xb8;
	[tilespmem:$0x2B00] =	vst v63  }
0x68: {  	s31 =	sadd.s32 $0x1300, s18  }
0x69: {  	[spmem:s3] =	stream.indirect.scatter.add.f32 [tilespmem:s12], [sflag:$0x1], $0x1, s31, s13, $0xb8;
	[tilespmem:$0x2B00] =	vst v63  }
0x6a: {  	s18 =	sadd.s32 $0x1380, s18  }
0x6b: {  	[spmem:s3] =	stream.indirect.scatter.add.f32 [tilespmem:s12], [sflag:$0x1], $0x1, s18, s13, $0xb8;
	[tilespmem:$0x2B00] =	vst v63  }
0x6c: {  	_ =	swait.ge [sflag:s14], $0x80  }
0x6d: {  	[sflag:s14] =	ssyncset.done $0x0  }
0x6e: {  	[sflag:s14] =	ssyncadd.s32 $0xFFFFFF80  }
0x6f: {  	_ =	swait.ge [sflag:s14], $0x80  }
0x70: {  	[sflag:s14] =	ssyncset.done $0x0  }
0x71: {  	[sflag:s14] =	ssyncadd.s32 $0xFFFFFF80  }
0x72: {  	_ =	swait.ge [sflag:s14], $0x80  }
0x73: {  	[sflag:s14] =	ssyncset.done $0x0  }
0x74: {  	[sflag:s14] =	ssyncadd.s32 $0xFFFFFF80  }
0x75: {  	_ =	swait.ge [sflag:s14], $0x80  }
0x76: {  	[sflag:s14] =	ssyncset.done $0x0  }
0x77: {  	[sflag:s14] =	ssyncadd.s32 $0xFFFFFF80  }
0x78: {  	_ =	swait.ge [sflag:s14], $0x80  }
0x79: {  	[sflag:s14] =	ssyncset.done $0x0  }
0x7a: {  	[sflag:s14] =	ssyncadd.s32 $0xFFFFFF80  }
0x7b: {  	_ =	swait.ge [sflag:s14], $0x80  }
0x7c: {  	[sflag:s14] =	ssyncset.done $0x0  }
0x7d: {  	[sflag:s14] =	ssyncadd.s32 $0xFFFFFF80  }
0x7e: {  	_ =	swait.ge [sflag:s14], $0x80  }
0x7f: {  	[sflag:s14] =	ssyncset.done $0x0  }
0x80: {  	[sflag:s14] =	ssyncadd.s32 $0xFFFFFF80  }
0x81: {  	_ =	swait.ge [sflag:s14], $0x80  }
0x82: {  	[sflag:s14] =	ssyncset.done $0x0  }
0x83: {  	[sflag:s14] =	ssyncadd.s32 $0xFFFFFF80  }
0x84: {  	_ =	swait.ge [sflag:s14], $0x80  }
0x85: {  	[sflag:s14] =	ssyncset.done $0x0  }
0x86: {  	[sflag:s14] =	ssyncadd.s32 $0xFFFFFF80  }
0x87: {  	_ =	swait.ge [sflag:s14], $0x80  }
0x88: {  	[sflag:s14] =	ssyncset.done $0x0  }
0x89: {  	[sflag:s14] =	ssyncadd.s32 $0xFFFFFF80  }
0x8a: {  	_ =	swait.ge [sflag:s14], $0x80  }
0x8b: {  	[sflag:s14] =	ssyncset.done $0x0  }
0x8c: {  	[sflag:s14] =	ssyncadd.s32 $0xFFFFFF80  }
0x8d: {  	_ =	swait.ge [sflag:s14], $0x80  }
0x8e: {  	[sflag:s14] =	ssyncset.done $0x0  }
0x8f: {  	[sflag:s14] =	ssyncadd.s32 $0xFFFFFF80  }
0x90: {  	_ =	swait.ge [sflag:s14], $0x80  }
0x91: {  	[sflag:s14] =	ssyncset.done $0x0  }
0x92: {  	[sflag:s14] =	ssyncadd.s32 $0xFFFFFF80  }
0x93: {  	_ =	swait.ge [sflag:s14], $0x80  }
0x94: {  	[sflag:s14] =	ssyncset.done $0x0  }
0x95: {  	[sflag:s14] =	ssyncadd.s32 $0xFFFFFF80  }
0x96: {  	_ =	swait.ge [sflag:s14], $0x80  }
0x97: {  	[sflag:s14] =	ssyncset.done $0x0  }
0x98: {  	[sflag:s14] =	ssyncadd.s32 $0xFFFFFF80  }
0x99: {  	_ =	swait.ge [sflag:s14], $0x80  }
0x9a: {  	[sflag:s14] =	ssyncset.done $0x0  }
0x9b: {  	[sflag:s14] =	ssyncadd.s32 $0xFFFFFF80  }
0x9c: {  	_ =	swait.ge [sflag:s14], $0x80  }
0x9d: {  	[sflag:s14] =	ssyncset.done $0x0  }
0x9e: {  	[sflag:s14] =	ssyncadd.s32 $0xFFFFFF80  }
0x9f: {  	_ =	swait.ge [sflag:s14], $0x80  }
0xa0: {  	[sflag:s14] =	ssyncset.done $0x0  }
0xa1: {  	[sflag:s14] =	ssyncadd.s32 $0xFFFFFF80  }
0xa2: {  	_ =	swait.ge [sflag:s14], $0x80  }
0xa3: {  	[sflag:s14] =	ssyncset.done $0x0  }
0xa4: {  	[sflag:s14] =	ssyncadd.s32 $0xFFFFFF80  }
0xa5: {  	_ =	swait.ge [sflag:s14], $0x80  }
0xa6: {  	[sflag:s14] =	ssyncset.done $0x0  }
0xa7: {  	[sflag:s14] =	ssyncadd.s32 $0xFFFFFF80  }
0xa8: {  	_ =	swait.ge [sflag:s14], $0x80  }
0xa9: {  	[sflag:s14] =	ssyncset.done $0x0  }
0xaa: {  	[sflag:s14] =	ssyncadd.s32 $0xFFFFFF80  }
0xab: {  	_ =	swait.ge [sflag:s14], $0x80  }
0xac: {  	[sflag:s14] =	ssyncset.done $0x0  }
0xad: {  	[sflag:s14] =	ssyncadd.s32 $0xFFFFFF80  }
0xae: {  	_ =	swait.ge [sflag:s14], $0x80  }
0xaf: {  	[sflag:s14] =	ssyncset.done $0x0  }
0xb0: {  	[sflag:s14] =	ssyncadd.s32 $0xFFFFFF80  }
0xb1: {  	_ =	swait.ge [sflag:s14], $0x80  }
0xb2: {  	[sflag:s14] =	ssyncset.done $0x0  }
0xb3: {  	[sflag:s14] =	ssyncadd.s32 $0xFFFFFF80  }
0xb4: {  	_ =	swait.ge [sflag:s14], $0x80  }
0xb5: {  	[sflag:s14] =	ssyncset.done $0x0  }
0xb6: {  	[sflag:s14] =	ssyncadd.s32 $0xFFFFFF80  }
0xb7: {  	_ =	swait.ge [sflag:s14], $0x80  }
0xb8: {  	[sflag:s14] =	ssyncset.done $0x0  }
0xb9: {  	[sflag:s14] =	ssyncadd.s32 $0xFFFFFF80  }
0xba: {  	_ =	swait.ge [sflag:s14], $0x80  }
0xbb: {  	[sflag:s14] =	ssyncset.done $0x0  }
0xbc: {  	[sflag:s14] =	ssyncadd.s32 $0xFFFFFF80  }
0xbd: {  	_ =	swait.ge [sflag:s14], $0x80  }
0xbe: {  	[sflag:s14] =	ssyncset.done $0x0  }
0xbf: {  	[sflag:s14] =	ssyncadd.s32 $0xFFFFFF80  }
0xc0: {  	_ =	swait.ge [sflag:s14], $0x80  }
0xc1: {  	[sflag:s14] =	ssyncset.done $0x0  }
0xc2: {  	[sflag:s14] =	ssyncadd.s32 $0xFFFFFF80  }
0xc3: {  	_ =	swait.ge [sflag:s14], $0x80  }
0xc4: {  	[sflag:s14] =	ssyncset.done $0x0  }
0xc5: {  	[sflag:s14] =	ssyncadd.s32 $0xFFFFFF80  }
0xc6: {  	_ =	swait.ge [sflag:s14], $0x80  }
0xc7: {  	[sflag:s14] =	ssyncset.done $0x0  }
0xc8: {  	[sflag:s14] =	ssyncadd.s32 $0xFFFFFF80  }
0xc9: {  	_ =	swait.ge [sflag:s14], $0x80  }
0xca: {  	[sflag:s14] =	ssyncset.done $0x0  }
0xcb: {  	[sflag:s14] =	ssyncadd.s32 $0xFFFFFF80  }
0xcc: {  	_ =	swait.ge [sflag:s14], $0x80  }
0xcd: {  	[sflag:s14] =	ssyncset.done $0x0  }
0xce: {  	[sflag:s14] =	ssyncadd.s32 $0xFFFFFF80  }
0xcf: {  	_ =	swait.ge [sflag:s14], $0x80  }
0xd0: {  	[sflag:s14] =	ssyncset.done $0x0  }
0xd1: {  	[sflag:s14] =	ssyncadd.s32 $0xFFFFFF80  }
0xd2: {  	_ =	swait.ge [sflag:s14], $0x80  }
0xd3: {  	[sflag:s14] =	ssyncset.done $0x0  }
0xd4: {  	[sflag:s14] =	ssyncadd.s32 $0xFFFFFF80  }
0xd5: {  	_ =	swait.ge [sflag:s14], $0x80  }
0xd6: {  	[sflag:s14] =	ssyncset.done $0x0  }
0xd7: {  	[sflag:s14] =	ssyncadd.s32 $0xFFFFFF80  }
0xd8: {  	_ =	swait.ge [sflag:s14], $0x80  }
0xd9: {  	[sflag:s14] =	ssyncset.done $0x0  }
0xda: {  	[sflag:s14] =	ssyncadd.s32 $0xFFFFFF80  }
0xdb: {  	_ =	swait.ge [sflag:s14], $0x80  }
0xdc: {  	[sflag:s14] =	ssyncset.done $0x0  }
0xdd: {  	[sflag:s14] =	ssyncadd.s32 $0xFFFFFF80  }
0xde: {  	p1 =	por p0, p0;
	_ =	swait.ge [sflag:s14], $0x80  }
.Ltmp0:
0xdf: {  	[sflag:s14] =	ssyncset.done $0x0;
	(pc) =	sbr.rel @p1 .LBB2_2-.Ltmp0, $4  }
0xe0: {  	[sflag:s14] =	ssyncadd.s32 $0xFFFFFF80  }
0xe1: {  	_ =	swait.ge [sflag:s14], $0x80  }
0xe2: {  	[sflag:s14] =	ssyncset.done $0x0  }
0xe3: {  	p0 =	por $0x0, $0x0;
	s18 =	simm.s32 $0x5000;
	[sflag:s14] =	ssyncadd.s32 $0xFFFFFF80  }
0xe4: {  	s17 =	sadd.s32 $0x1, s17  }
0xe5: {  	p0 =	sne.s32 s17, s9  }
.Ltmp1:
0xe6: {  	[bflag:$0x0] =	sbarrier.arrive $0xFFFF;
	(pc) =	sbr.rel @p0 .LBB2_1-.Ltmp1, $4  }
0xe7: {  	[hbm:s8@s15], [sflag:s6] =	dma.strided [spmem:s10@s16], $0x50, s14, $0x10   }
0xe8: {  	_ =	swait.ge [sflag:s11], $0x50  }
0xe9: {  	[sflag:s11] =	ssyncset.done $0x0  }
0xea: {  	[sflag:s11] =	ssyncadd.s32 $0xFFFFFFB0  }
0xeb: {  	_ =	sfence.sel $0x180000  }
0xec: {  	[bflag:$0x0] =	sbarrier.arrive $0xFFFF  }
0xed: {  	p0 =	sne.s32 s0, $0x0;
	_ =	strace $0x90000047  }
0xee: {  	s0 =	sadd.s32 @!p0 $0x100000, s1;
	[bflag:$0x2] =	sbarrier.arrive $0xFFFF  }
0xef: {  	[sflag:s0] =	ssyncadd.tile.s32 @!p0 $0x1;
	_ =	shalt  }
.Lfunc_end2:
_tile_overlayer_lowered:
.L_overlay_start_2:
0xf0: {  	(tag) =	ssettag $0x2  }
0xf1: {  	s0 =	rddreg [dreg:$0x0];
	s2 =	stileid.u32  }
0xf2: {  	s1 =	rddreg [dreg:$0x1];
	p0 =	sne.s32 s2, $0x0  }
0xf3: {  	s3 =	rddreg [dreg:$0x2];
	[bflag:$0x3] =	sbarrier.arrive $0xFFFF;
	s2 =	simm.s32 @!p0 $0x1C02  }
0xf4: {  	[timem:s3], [sflag:s2] =	dma.local @!p0 [hbm:s0], s1  }
0xf5: {  	s0 =	simm.s32 @!p0 $0x2  }
0xf6: {  	_ =	swait.ge @!p0 [sflag:s0], s1  }
0xf7: {  	s1 =	ssub.s32 @!p0 $0x0, s1;
	[sflag:s0] =	ssyncset.done @!p0 $0x0  }
0xf8: {  	[sflag:s0] =	ssyncadd.s32 @!p0 s1  }
0xf9: {  	[bflag:$0x3] =	sbarrier.arrive $0xFFFF  }
0xfa: {  	_ =	shalt  }

</sc_bundles>
